<compile_context>
chip_gen: v7x
topology: tpu7x:2x2x1
jax: 0.10.2.dev20260603
libtpu: 0.0.44.dev20260713+nightly
codegen_flags: <defaults>
</compile_context>

<pallas_src>
import functools

import jax
import jax.numpy as jnp
from jax import lax
from jax.experimental import pallas as pl
from jax.experimental.pallas import tpu as pltpu
from jax.experimental.pallas import tpu_sc as plsc

NC = 2
NS = 16
NW = NC * NS
L = 16
S = 8
NBUF = 2


def _wid():
    return lax.axis_index("s") * NC + lax.axis_index("c")


def _reduce_by_8(rows_v, out_v, n_nodes, d, out_base=0):
    nblk = d // L

    @plsc.parallel_loop(0, n_nodes, step=1, unroll=2)
    def _(n):
        base = n * S
        for db in range(nblk):
            sl = pl.ds(db * L, L)
            s0 = rows_v[base + 0, sl] + rows_v[base + 1, sl]
            s1 = rows_v[base + 2, sl] + rows_v[base + 3, sl]
            s2 = rows_v[base + 4, sl] + rows_v[base + 5, sl]
            s3 = rows_v[base + 6, sl] + rows_v[base + 7, sl]
            out_v[out_base + n, sl] = (s0 + s1) + (s2 + s3)


def _sage_gather_l1(n1p, b_per_w, in_dim, n_feat, feats, nidx, sidx1):
    nch = 8
    cl = nch * S
    n_chunks = b_per_w // nch
    half = b_per_w // 2
    stage = (n_feat // NS) // 8 * 8
    stage_last = n_feat - stage * (NS - 1)

    mesh = plsc.VectorSubcoreMesh(core_axis_name="c", subcore_axis_name="s")

    @functools.partial(
        pl.kernel,
        out_type=(
            jax.ShapeDtypeStruct((n1p, in_dim), jnp.float32),
            jax.ShapeDtypeStruct((n1p, in_dim), jnp.float32),
        ),
        mesh=mesh,
        scratch_types=[
            pltpu.VMEM_SHARED((n_feat, in_dim), jnp.float32),
            pltpu.VMEM((n_chunks * cl,), jnp.int32),
            pltpu.VMEM((2 * half,), jnp.int32),
            [pltpu.VMEM((cl, in_dim), jnp.float32)] * NBUF,
            pltpu.VMEM((b_per_w, in_dim), jnp.float32),
            [pltpu.SemaphoreType.DMA] * NBUF,
            [pltpu.SemaphoreType.DMA] * 2,
        ],
        compiler_params=pltpu.CompilerParams(use_tc_tiling_on_sc=True),
    )
    def k(feats_hbm, nidx_hbm, sidx1_hbm,
          sum1_hbm, self1_hbm,
          table, nidx_v, sidx_v, rows, outbuf,
          gsems, osems):
        w = _wid()
        sid = lax.axis_index("s")
        obase = w * b_per_w

        pltpu.sync_copy(
            feats_hbm.at[pl.ds(sid * stage, stage), :],
            table.at[pl.ds(sid * stage, stage), :])
        rem = stage_last - stage
        if rem > 0:
            @pl.when(sid == NS - 1)
            def _():
                pltpu.sync_copy(
                    feats_hbm.at[pl.ds(NS * stage, rem), :],
                    table.at[pl.ds(NS * stage, rem), :])

        pltpu.sync_copy(
            nidx_hbm.at[pl.ds(w * n_chunks * cl, n_chunks * cl)],
            nidx_v)
        pltpu.sync_copy(sidx1_hbm.at[pl.ds(w * 2 * half, 2 * half)], sidx_v)

        plsc.subcore_barrier()

        def start_gather(buf, chunk_start):
            off = chunk_start * cl
            if not isinstance(off, int):
                off = pl.multiple_of(off, 8)
            g = pltpu.make_async_copy(
                table.at[nidx_v.at[pl.ds(off, cl)]], rows[buf],
                gsems[buf])
            g.start()
            return g

        start_gather(0, 0)
        start_gather(1, 1)

        def pair_body(j, carry):
            c0 = j * 2
            for buf in range(2):
                c = c0 + buf
                pltpu.make_async_copy(
                    table.at[nidx_v.at[pl.ds(0, cl)]], rows[buf],
                    gsems[buf]).wait()
                _reduce_by_8(rows[buf], outbuf, nch, in_dim,
                             out_base=c * nch)

                @pl.when(c + 2 < n_chunks)
                def _():
                    start_gather(buf, c + 2)
            return carry

        lax.fori_loop(0, n_chunks // 2, pair_body, 0)

        ofl = pltpu.make_async_copy(
            outbuf, sum1_hbm.at[pl.ds(obase, b_per_w), :], osems[0])
        ofl.start()

        segs = []
        off = 0
        while off < b_per_w:
            seg = min(cl, b_per_w - off)
            segs.append((off, seg))
            off += seg
        sgs = [None] * NBUF
        for i, (off, seg) in enumerate(segs):
            buf = i % NBUF
            if sgs[buf] is not None:
                sgs[buf][0].wait()
                pltpu.sync_copy(
                    rows[buf].at[pl.ds(0, sgs[buf][2]), :],
                    self1_hbm.at[pl.ds(obase + sgs[buf][1],
                                       sgs[buf][2]), :])
            g = pltpu.make_async_copy(
                table.at[sidx_v.at[pl.ds(off, seg)]],
                rows[buf].at[pl.ds(0, seg), :], gsems[buf])
            g.start()
            sgs[buf] = (g, off, seg)
        for buf in range(NBUF):
            if sgs[buf] is not None:
                sgs[buf][0].wait()
                pltpu.sync_copy(
                    rows[buf].at[pl.ds(0, sgs[buf][2]), :],
                    self1_hbm.at[pl.ds(obase + sgs[buf][1],
                                       sgs[buf][2]), :])
        ofl.wait()

    return k(feats, nidx, sidx1)


def _sage_gather_l0(b, hid_dim, in_dim, h, nidx, sidx0, feats):
    n0 = b // NW
    n_chunks = n0 // L

    mesh = plsc.VectorSubcoreMesh(core_axis_name="c", subcore_axis_name="s")

    @functools.partial(
        pl.kernel,
        out_type=(
            jax.ShapeDtypeStruct((b, hid_dim), jnp.float32),
            jax.ShapeDtypeStruct((b, in_dim), jnp.float32),
        ),
        mesh=mesh,
        scratch_types=[
            pltpu.VMEM((n_chunks * L * S,), jnp.int32),
            pltpu.VMEM((n0,), jnp.int32),
            [pltpu.VMEM((L * S, hid_dim), jnp.float32)] * 2,
            [pltpu.VMEM((L, hid_dim), jnp.float32)] * 2,
            pltpu.VMEM((n0, in_dim), jnp.float32),
            [pltpu.SemaphoreType.DMA] * 2,
            [pltpu.SemaphoreType.DMA] * 2,
            pltpu.SemaphoreType.DMA,
        ],
    )
    def k(h_hbm, nidx_hbm, sidx0_hbm, feats_hbm, sum0_hbm, self0_hbm,
          nidx_v, s0idx_v, rows, outs, s0row_v, gsems, osems, ssem):
        w = _wid()
        obase = w * n0

        pltpu.sync_copy(
            nidx_hbm.at[pl.ds(w * n_chunks * L * S, n_chunks * L * S)],
            nidx_v)
        pltpu.sync_copy(sidx0_hbm.at[pl.ds(obase, n0)], s0idx_v)
        s0g = pltpu.make_async_copy(feats_hbm.at[s0idx_v], s0row_v, ssem)
        s0g.start()
        gathers = [None] * n_chunks
        for c in range(n_chunks):
            gathers[c] = pltpu.make_async_copy(
                h_hbm.at[nidx_v.at[pl.ds(c * L * S, L * S)]], rows[c],
                gsems[c])
            gathers[c].start()
        owaits = [None] * n_chunks
        for c in range(n_chunks):
            gathers[c].wait()
            _reduce_by_8(rows[c], outs[c], L, hid_dim)
            owaits[c] = pltpu.make_async_copy(
                outs[c], sum0_hbm.at[pl.ds(obase + c * L, L), :],
                osems[c])
            owaits[c].start()
        s0g.wait()
        pltpu.sync_copy(s0row_v, self0_hbm.at[pl.ds(obase, n0), :])
        for ow in owaits:
            ow.wait()

    return k(h, nidx, sidx0, feats)


def _agg_matmul_kernel(x_ref, m_ref, ws_ref, wn_ref, o_ref):
    o_ref[...] = jnp.maximum(
        jnp.dot(x_ref[...], ws_ref[...], preferred_element_type=jnp.float32,
                  precision=lax.Precision.DEFAULT)
        + jnp.dot(m_ref[...] * (1.0 / S), wn_ref[...],
                  preferred_element_type=jnp.float32,
                  precision=lax.Precision.DEFAULT),
        0.0).astype(o_ref.dtype)


def _tc_layer1(x, m, ws, wn, bm=512):
    n1p = x.shape[0]
    hid = ws.shape[1]
    return pl.pallas_call(
        _agg_matmul_kernel,
        grid=(n1p // bm,),
        in_specs=[
            pl.BlockSpec((bm, x.shape[1]), lambda i: (i, 0)),
            pl.BlockSpec((bm, m.shape[1]), lambda i: (i, 0)),
            pl.BlockSpec(ws.shape, lambda i: (0, 0)),
            pl.BlockSpec(wn.shape, lambda i: (0, 0)),
        ],
        out_specs=pl.BlockSpec((bm, hid), lambda i: (i, 0)),
        out_shape=jax.ShapeDtypeStruct((n1p, hid), jnp.float32),
    )(x, m, ws, wn)


def _final_kernel(x_ref, m_ref, ws_ref, wn_ref, wfc_ref, b_ref, o_ref):
    h0 = jnp.maximum(
        jnp.dot(x_ref[...], ws_ref[...], preferred_element_type=jnp.float32,
                  precision=lax.Precision.DEFAULT)
        + jnp.dot(m_ref[...] * (1.0 / S), wn_ref[...],
                  preferred_element_type=jnp.float32,
                  precision=lax.Precision.DEFAULT),
        0.0)
    o_ref[...] = (
        jnp.dot(h0, wfc_ref[...], preferred_element_type=jnp.float32,
                  precision=lax.Precision.DEFAULT)
        + b_ref[...])


def _tc_layer0(x, m, ws, wn, wfc, bfc):
    b = x.shape[0]
    out_dim = wfc.shape[1]
    return pl.pallas_call(
        _final_kernel,
        out_shape=jax.ShapeDtypeStruct((b, out_dim), jnp.float32),
    )(x, m, ws, wn, wfc, bfc.reshape(1, -1))


@jax.jit
def kernel(feats, nodes0, neig0, nodes1, neig1,
           W_self0, W_neigh0, W_self1, W_neigh1, W_fc, b_fc):
    n1 = nodes1.shape[0]
    in_dim = feats.shape[1]
    b = nodes0.shape[0]
    n1p = ((n1 + NW * L - 1) // (NW * L)) * (NW * L)
    pad = n1p - n1
    b_per_w = n1p // NW

    nidx1 = jnp.pad(neig1.astype(jnp.int32), ((0, pad), (0, 0))).reshape(-1)
    sidx1 = jnp.pad(nodes1.astype(jnp.int32), (0, pad))
    sidx0 = nodes0.astype(jnp.int32)
    nidx0 = neig0.astype(jnp.int32).reshape(-1)

    sum1, self1 = _sage_gather_l1(n1p, b_per_w, in_dim, feats.shape[0],
                                  feats, nidx1, sidx1)
    h = _tc_layer1(self1, sum1, W_self1, W_neigh1)
    sum0, self0 = _sage_gather_l0(b, h.shape[1], in_dim, h, nidx0, sidx0,
                                  feats)
    return _tc_layer0(self0, sum0, W_self0, W_neigh0, W_fc, b_fc)

# --- scband reference (transcript-rebuilt; emitter-appended) ---
"""Pipeline reference for scband-graph-sage-36490042147195 (READ-ONLY COPY).

The authoritative reference and input builder live on the scoring server;
editing this copy changes nothing except your own understanding.
"""

import jax, jax.numpy as jnp
import numpy as np

N_NODES = 10000
N_EDGES = 320000
IN_DIM = 128
HID_DIM = 256
OUT_DIM = 128
B = 1024
K = 2
NUM_SAMPLE = 8


def _sample_blocks(nodes, src, dst, k, num_sample, rng):
    # Faithful port of GraphSAGE.sample_neig_edge_graph (numpy data prep; done at setup time).
    order = np.argsort(src, kind='stable')
    src_s = src[order]
    dst_s = dst[order]
    blocks = []
    current = np.asarray(nodes, dtype=np.int64)
    for _ in range(k):
        starts = np.searchsorted(src_s, current, side='left')
        ends = np.searchsorted(src_s, current, side='right')
        neigs = np.empty((len(current), num_sample), dtype=np.int64)
        for j in range(len(current)):
            s, e = starts[j], ends[j]
            cand = dst_s[s:e] if e > s else np.array([current[j]], dtype=np.int64)
            if len(cand) >= num_sample:
                ch = rng.choice(cand, num_sample, replace=False)
            else:
                ch2 = rng.choice(cand, num_sample - len(cand), replace=True)
                ch = np.concatenate((rng.choice(cand, len(cand), replace=False), ch2))
            neigs[j] = ch
        blocks.append([current.copy(), neigs])
        current = np.unique(neigs.reshape(-1))
    for i in range(k - 1):
        main = blocks[i + 1][0]  # sorted unique, so searchsorted == equality-match remap
        blocks[i][1] = np.searchsorted(main, blocks[i][1])
    return blocks


def _xavier(k_, shape):
    fan_in, fan_out = shape
    lim = np.sqrt(6.0 / (fan_in + fan_out))
    return jax.random.uniform(k_, shape, minval=-lim, maxval=lim, dtype=jnp.float32)


def setup_inputs(seed: int = 0):
    key = jax.random.key(seed)
    ks = jax.random.split(key, 8)
    rng = np.random.default_rng(0)
    feats = jax.random.normal(ks[0], (N_NODES, IN_DIM), dtype=jnp.float32)
    nodes = rng.integers(0, N_NODES, size=(B,)).astype(np.int64)
    graph = rng.integers(0, N_NODES, size=(2, N_EDGES)).astype(np.int64)
    blocks = _sample_blocks(nodes, graph[0], graph[1], K, NUM_SAMPLE, rng)
    # layer 0: self_dim=IN_DIM, neig_dim=HID_DIM -> HID_DIM
    # layer 1 (= k-1): self_dim=IN_DIM, neig_dim=IN_DIM -> HID_DIM
    W_self0 = _xavier(ks[1], (IN_DIM, HID_DIM))
    W_neigh0 = _xavier(ks[2], (HID_DIM, HID_DIM))
    W_self1 = _xavier(ks[3], (IN_DIM, HID_DIM))
    W_neigh1 = _xavier(ks[4], (IN_DIM, HID_DIM))
    W_fc = _xavier(ks[5], (HID_DIM, OUT_DIM))
    b_fc = jnp.zeros((OUT_DIM,), dtype=jnp.float32)
    return {
        'feats': feats,
        'nodes0': jnp.asarray(blocks[0][0]), 'neig0': jnp.asarray(blocks[0][1]),
        'nodes1': jnp.asarray(blocks[1][0]), 'neig1': jnp.asarray(blocks[1][1]),
        'W_self0': W_self0, 'W_neigh0': W_neigh0,
        'W_self1': W_self1, 'W_neigh1': W_neigh1,
        'W_fc': W_fc, 'b_fc': b_fc,
    }


def _mean_agg(self_feats, neigh_feats, W_self, W_neigh):
    # MeanAggregator, concat=False, activation=True, bias=False, dropout inactive (eval)
    neigh_mean = jnp.mean(neigh_feats, axis=1)
    return jax.nn.relu(self_feats @ W_self + neigh_mean @ W_neigh)


def reference(feats, nodes0, neig0, nodes1, neig1, W_self0, W_neigh0, W_self1, W_neigh1, W_fc, b_fc):
    # layer k-1 (index 1): aggregate raw feats for the 2-hop frontier
    self1 = jnp.take(feats, nodes1, axis=0)
    nb1 = jnp.take(feats, neig1.reshape(-1), axis=0).reshape(neig1.shape[0], neig1.shape[1], -1)
    h = _mean_agg(self1, nb1, W_self1, W_neigh1)
    # layer 0: self feats from raw feats; neighbor feats from hidden h via remapped indices
    self0 = jnp.take(feats, nodes0, axis=0)
    nb0 = jnp.take(h, neig0.reshape(-1), axis=0).reshape(neig0.shape[0], neig0.shape[1], -1)
    h0 = _mean_agg(self0, nb0, W_self0, W_neigh0)
    return h0 @ W_fc + b_fc

if __name__ == "__main__":
    import jax
    _d = setup_inputs()
    print(jax.jit(kernel)(*tuple(_d.values())))

</pallas_src>

<mosaic_0001>
#map = affine_map<(d0, d1) -> (0, 0)>
#map1 = affine_map<(d0, d1) -> (0)>
module attributes {stable_mosaic.version = 14 : i64} {
  func.func @k(%arg0: i32, %arg1: i32, %arg2: memref<5632x256xf32, #tpu.memory_space<hbm>>, %arg3: memref<8192xi32, #tpu.memory_space<hbm>>, %arg4: memref<1024xi32, #tpu.memory_space<hbm>>, %arg5: memref<10000x128xf32, #tpu.memory_space<hbm>>, %arg6: memref<1024x256xf32, #tpu.memory_space<hbm>>, %arg7: memref<1024x128xf32, #tpu.memory_space<hbm>>, %arg8: memref<256xi32, #tpu.memory_space<vmem>>, %arg9: memref<32xi32, #tpu.memory_space<vmem>>, %arg10: memref<128x256xf32, #tpu.memory_space<vmem>>, %arg11: memref<128x256xf32, #tpu.memory_space<vmem>>, %arg12: memref<16x256xf32, #tpu.memory_space<vmem>>, %arg13: memref<16x256xf32, #tpu.memory_space<vmem>>, %arg14: memref<32x128xf32, #tpu.memory_space<vmem>>, %arg15: memref<!tpu.dma_semaphore, #tpu.memory_space<semaphore_mem>>, %arg16: memref<!tpu.dma_semaphore, #tpu.memory_space<semaphore_mem>>, %arg17: memref<!tpu.dma_semaphore, #tpu.memory_space<semaphore_mem>>, %arg18: memref<!tpu.dma_semaphore, #tpu.memory_space<semaphore_mem>>, %arg19: memref<!tpu.dma_semaphore, #tpu.memory_space<semaphore_mem>>) attributes {dimension_semantics = [#tpu.dimension_semantics<core_parallel>, #tpu.dimension_semantics<subcore_parallel>], iteration_bounds = array<i64: 2, 16>, scalar_prefetch = 0 : i64, scratch_operands = 12 : i64, tpu.core_type = #tpu.core_type<sc_vector_subcore>, window_params = [{transform_indices = #map}, {transform_indices = #map1}, {transform_indices = #map1}, {transform_indices = #map}, {transform_indices = #map}, {transform_indices = #map}]} {
    %mul3A = arith.constant 2 : i32
    %mul3A_0 = arith.muli %arg1, %mul3A : i32
    %add3A = arith.addi %mul3A_0, %arg0 : i32
    %mul3A_1 = arith.constant 32 : i32
    %mul3A_2 = arith.muli %add3A, %mul3A_1 : i32
    %mul3A_3 = arith.constant 2 : i32
    %mul3A_4 = arith.muli %add3A, %mul3A_3 : i32
    %mul3A_5 = arith.constant 16 : i32
    %mul3A_6 = arith.muli %mul3A_4, %mul3A_5 : i32
    %mul3A_7 = arith.constant 8 : i32
    %mul3A_8 = arith.muli %mul3A_6, %mul3A_7 : i32
    "tpu.region"() ({
      %run_scoped3A = tpu.sem_alloc : memref<!tpu.dma_semaphore, #tpu.memory_space<semaphore_mem>>
      %dma_start3A_58 = tpu.memref_slice %arg3[%mul3A_8] : memref<8192xi32, #tpu.memory_space<hbm>> -> memref<256xi32, #tpu.memory_space<hbm>>
      %dma_start3A_59 = tpu.memref_slice %arg3[%mul3A_8] : memref<8192xi32, #tpu.memory_space<hbm>> -> memref<256xi32, #tpu.memory_space<hbm>>
      tpu.enqueue_dma source(%dma_start3A_59 : memref<256xi32, #tpu.memory_space<hbm>>) target(%arg8 : memref<256xi32, #tpu.memory_space<vmem>>) target_semaphore(%run_scoped3A : memref<!tpu.dma_semaphore, #tpu.memory_space<semaphore_mem>>)
      %dma_wait3A_60 = tpu.memref_slice %arg3[%mul3A_8] : memref<8192xi32, #tpu.memory_space<hbm>> -> memref<256xi32, #tpu.memory_space<hbm>>
      %dma_wait3A_61 = tpu.memref_slice %arg3[%mul3A_8] : memref<8192xi32, #tpu.memory_space<hbm>> -> memref<256xi32, #tpu.memory_space<hbm>>
      tpu.wait_dma2 semaphore(%run_scoped3A : memref<!tpu.dma_semaphore, #tpu.memory_space<semaphore_mem>>) src(%dma_wait3A_61 : memref<256xi32, #tpu.memory_space<hbm>>) dst(%arg8 : memref<256xi32, #tpu.memory_space<vmem>>)
      tpu.yield
    }) : () -> ()
    "tpu.region"() ({
      %run_scoped3A = tpu.sem_alloc : memref<!tpu.dma_semaphore, #tpu.memory_space<semaphore_mem>>
      %dma_start3A_58 = tpu.memref_slice %arg4[%mul3A_2] : memref<1024xi32, #tpu.memory_space<hbm>> -> memref<32xi32, #tpu.memory_space<hbm>>
      %dma_start3A_59 = tpu.memref_slice %arg4[%mul3A_2] : memref<1024xi32, #tpu.memory_space<hbm>> -> memref<32xi32, #tpu.memory_space<hbm>>
      tpu.enqueue_dma source(%dma_start3A_59 : memref<32xi32, #tpu.memory_space<hbm>>) target(%arg9 : memref<32xi32, #tpu.memory_space<vmem>>) target_semaphore(%run_scoped3A : memref<!tpu.dma_semaphore, #tpu.memory_space<semaphore_mem>>)
      %dma_wait3A_60 = tpu.memref_slice %arg4[%mul3A_2] : memref<1024xi32, #tpu.memory_space<hbm>> -> memref<32xi32, #tpu.memory_space<hbm>>
      %dma_wait3A_61 = tpu.memref_slice %arg4[%mul3A_2] : memref<1024xi32, #tpu.memory_space<hbm>> -> memref<32xi32, #tpu.memory_space<hbm>>
      tpu.wait_dma2 semaphore(%run_scoped3A : memref<!tpu.dma_semaphore, #tpu.memory_space<semaphore_mem>>) src(%dma_wait3A_61 : memref<32xi32, #tpu.memory_space<hbm>>) dst(%arg9 : memref<32xi32, #tpu.memory_space<vmem>>)
      tpu.yield
    }) : () -> ()
    %dma_start3A = arith.constant 0 : i32
    %dma_start3A_9 = arith.constant 0 : i32
    %dma_start3A_10 = tpu.memref_slice %arg5[%dma_start3A, %dma_start3A_9] : memref<10000x128xf32, #tpu.memory_space<hbm>> -> memref<10000x128xf32, #tpu.memory_space<hbm>>
    tpu.enqueue_indirect_dma source(%dma_start3A_10 : memref<10000x128xf32, #tpu.memory_space<hbm>>) target(%arg14 : memref<32x128xf32, #tpu.memory_space<vmem>>) offsets(%arg9 : memref<32xi32, #tpu.memory_space<vmem>>) semaphore(%arg19 : memref<!tpu.dma_semaphore, #tpu.memory_space<semaphore_mem>>)
    %dma_start3A_11 = arith.constant 0 : i32
    %dma_start3A_12 = tpu.memref_slice %arg8[%dma_start3A_11] : memref<256xi32, #tpu.memory_space<vmem>> -> memref<128xi32, #tpu.memory_space<vmem>>
    %dma_start3A_13 = arith.constant 0 : i32
    %dma_start3A_14 = arith.constant 0 : i32
    %dma_start3A_15 = tpu.memref_slice %arg2[%dma_start3A_13, %dma_start3A_14] : memref<5632x256xf32, #tpu.memory_space<hbm>> -> memref<5632x256xf32, #tpu.memory_space<hbm>>
    tpu.enqueue_indirect_dma source(%dma_start3A_15 : memref<5632x256xf32, #tpu.memory_space<hbm>>) target(%arg10 : memref<128x256xf32, #tpu.memory_space<vmem>>) offsets(%dma_start3A_12 : memref<128xi32, #tpu.memory_space<vmem>>) semaphore(%arg15 : memref<!tpu.dma_semaphore, #tpu.memory_space<semaphore_mem>>)
    %dma_start3A_16 = arith.constant 128 : i32
    %dma_start3A_17 = tpu.memref_slice %arg8[%dma_start3A_16] : memref<256xi32, #tpu.memory_space<vmem>> -> memref<128xi32, #tpu.memory_space<vmem>>
    %dma_start3A_18 = arith.constant 0 : i32
    %dma_start3A_19 = arith.constant 0 : i32
    %dma_start3A_20 = tpu.memref_slice %arg2[%dma_start3A_18, %dma_start3A_19] : memref<5632x256xf32, #tpu.memory_space<hbm>> -> memref<5632x256xf32, #tpu.memory_space<hbm>>
    tpu.enqueue_indirect_dma source(%dma_start3A_20 : memref<5632x256xf32, #tpu.memory_space<hbm>>) target(%arg11 : memref<128x256xf32, #tpu.memory_space<vmem>>) offsets(%dma_start3A_17 : memref<128xi32, #tpu.memory_space<vmem>>) semaphore(%arg16 : memref<!tpu.dma_semaphore, #tpu.memory_space<semaphore_mem>>)
    %dma_wait3A = arith.constant 0 : i32
    %dma_wait3A_21 = tpu.memref_slice %arg8[%dma_wait3A] : memref<256xi32, #tpu.memory_space<vmem>> -> memref<128xi32, #tpu.memory_space<vmem>>
    %dma_wait3A_22 = arith.constant 0 : i32
    %dma_wait3A_23 = arith.constant 0 : i32
    %dma_wait3A_24 = tpu.memref_slice %arg2[%dma_wait3A_22, %dma_wait3A_23] : memref<5632x256xf32, #tpu.memory_space<hbm>> -> memref<5632x256xf32, #tpu.memory_space<hbm>>
    tpu.wait_indirect_dma semaphore(%arg15 : memref<!tpu.dma_semaphore, #tpu.memory_space<semaphore_mem>>) src(%dma_wait3A_24 : memref<5632x256xf32, #tpu.memory_space<hbm>>) dst(%arg10 : memref<128x256xf32, #tpu.memory_space<vmem>>)
    %parallel_loop3A = arith.constant 0 : i32
    %parallel_loop3A_25 = arith.constant 16 : i32
    %parallel_loop3A_26 = arith.constant 1 : i32
    scf.for %parallel_loop3A_58 = %parallel_loop3A to %parallel_loop3A_25 step %parallel_loop3A_26  : i32 {
      %parallel_loop3A_59 = arith.constant 8 : i32
      %parallel_loop3A_60 = arith.muli %parallel_loop3A_58, %parallel_loop3A_59 : i32
      %parallel_loop3A_61 = arith.constant 0 : i32
      %parallel_loop3A_62 = arith.addi %parallel_loop3A_60, %parallel_loop3A_61 : i32
      %parallel_loop3A_63 = arith.index_cast %parallel_loop3A_62 : i32 to index
      %parallel_loop3A_64 = arith.constant 0 : index
      %parallel_loop3A_65 = tpu.vector_load %arg10[%parallel_loop3A_63, %parallel_loop3A_64] {strides = array<i32>} : memref<128x256xf32, #tpu.memory_space<vmem>>, vector<1x16xf32>,
      %parallel_loop3A_66 = vector.shape_cast %parallel_loop3A_65 : vector<1x16xf32> to vector<16xf32>
      %parallel_loop3A_67 = arith.constant 1 : i32
      %parallel_loop3A_68 = arith.addi %parallel_loop3A_60, %parallel_loop3A_67 : i32
      %parallel_loop3A_69 = arith.index_cast %parallel_loop3A_68 : i32 to index
      %parallel_loop3A_70 = arith.constant 0 : index
      %parallel_loop3A_71 = tpu.vector_load %arg10[%parallel_loop3A_69, %parallel_loop3A_70] {strides = array<i32>} : memref<128x256xf32, #tpu.memory_space<vmem>>, vector<1x16xf32>,
      %parallel_loop3A_72 = vector.shape_cast %parallel_loop3A_71 : vector<1x16xf32> to vector<16xf32>
      %parallel_loop3A_73 = arith.addf %parallel_loop3A_66, %parallel_loop3A_72 : vector<16xf32>
      %parallel_loop3A_74 = arith.constant 2 : i32
      %parallel_loop3A_75 = arith.addi %parallel_loop3A_60, %parallel_loop3A_74 : i32
      %parallel_loop3A_76 = arith.index_cast %parallel_loop3A_75 : i32 to index
      %parallel_loop3A_77 = arith.constant 0 : index
      %parallel_loop3A_78 = tpu.vector_load %arg10[%parallel_loop3A_76, %parallel_loop3A_77] {strides = array<i32>} : memref<128x256xf32, #tpu.memory_space<vmem>>, vector<1x16xf32>,
      %parallel_loop3A_79 = vector.shape_cast %parallel_loop3A_78 : vector<1x16xf32> to vector<16xf32>
      %parallel_loop3A_80 = arith.constant 3 : i32
      %parallel_loop3A_81 = arith.addi %parallel_loop3A_60, %parallel_loop3A_80 : i32
      %parallel_loop3A_82 = arith.index_cast %parallel_loop3A_81 : i32 to index
      %parallel_loop3A_83 = arith.constant 0 : index
      %parallel_loop3A_84 = tpu.vector_load %arg10[%parallel_loop3A_82, %parallel_loop3A_83] {strides = array<i32>} : memref<128x256xf32, #tpu.memory_space<vmem>>, vector<1x16xf32>,
      %parallel_loop3A_85 = vector.shape_cast %parallel_loop3A_84 : vector<1x16xf32> to vector<16xf32>
      %parallel_loop3A_86 = arith.addf %parallel_loop3A_79, %parallel_loop3A_85 : vector<16xf32>
      %parallel_loop3A_87 = arith.constant 4 : i32
      %parallel_loop3A_88 = arith.addi %parallel_loop3A_60, %parallel_loop3A_87 : i32
      %parallel_loop3A_89 = arith.index_cast %parallel_loop3A_88 : i32 to index
      %parallel_loop3A_90 = arith.constant 0 : index
      %parallel_loop3A_91 = tpu.vector_load %arg10[%parallel_loop3A_89, %parallel_loop3A_90] {strides = array<i32>} : memref<128x256xf32, #tpu.memory_space<vmem>>, vector<1x16xf32>,
      %parallel_loop3A_92 = vector.shape_cast %parallel_loop3A_91 : vector<1x16xf32> to vector<16xf32>
      %parallel_loop3A_93 = arith.constant 5 : i32
      %parallel_loop3A_94 = arith.addi %parallel_loop3A_60, %parallel_loop3A_93 : i32
      %parallel_loop3A_95 = arith.index_cast %parallel_loop3A_94 : i32 to index
      %parallel_loop3A_96 = arith.constant 0 : index
      %parallel_loop3A_97 = tpu.vector_load %arg10[%parallel_loop3A_95, %parallel_loop3A_96] {strides = array<i32>} : memref<128x256xf32, #tpu.memory_space<vmem>>, vector<1x16xf32>,
      %parallel_loop3A_98 = vector.shape_cast %parallel_loop3A_97 : vector<1x16xf32> to vector<16xf32>
      %parallel_loop3A_99 = arith.addf %parallel_loop3A_92, %parallel_loop3A_98 : vector<16xf32>
      %parallel_loop3A_100 = arith.constant 6 : i32
      %parallel_loop3A_101 = arith.addi %parallel_loop3A_60, %parallel_loop3A_100 : i32
      %parallel_loop3A_102 = arith.index_cast %parallel_loop3A_101 : i32 to index
      %parallel_loop3A_103 = arith.constant 0 : index
      %parallel_loop3A_104 = tpu.vector_load %arg10[%parallel_loop3A_102, %parallel_loop3A_103] {strides = array<i32>} : memref<128x256xf32, #tpu.memory_space<vmem>>, vector<1x16xf32>,
      %parallel_loop3A_105 = vector.shape_cast %parallel_loop3A_104 : vector<1x16xf32> to vector<16xf32>
      %parallel_loop3A_106 = arith.constant 7 : i32
      %parallel_loop3A_107 = arith.addi %parallel_loop3A_60, %parallel_loop3A_106 : i32
      %parallel_loop3A_108 = arith.index_cast %parallel_loop3A_107 : i32 to index
      %parallel_loop3A_109 = arith.constant 0 : index
      %parallel_loop3A_110 = tpu.vector_load %arg10[%parallel_loop3A_108, %parallel_loop3A_109] {strides = array<i32>} : memref<128x256xf32, #tpu.memory_space<vmem>>, vector<1x16xf32>,
      %parallel_loop3A_111 = vector.shape_cast %parallel_loop3A_110 : vector<1x16xf32> to vector<16xf32>
      %parallel_loop3A_112 = arith.addf %parallel_loop3A_105, %parallel_loop3A_111 : vector<16xf32>
      %parallel_loop3A_113 = arith.addf %parallel_loop3A_73, %parallel_loop3A_86 : vector<16xf32>
      %parallel_loop3A_114 = arith.addf %parallel_loop3A_99, %parallel_loop3A_112 : vector<16xf32>
      %parallel_loop3A_115 = arith.addf %parallel_loop3A_113, %parallel_loop3A_114 : vector<16xf32>
      %parallel_loop3A_116 = arith.constant 0 : i32
      %parallel_loop3A_117 = arith.addi %parallel_loop3A_116, %parallel_loop3A_58 : i32
      %parallel_loop3A_118 = arith.index_cast %parallel_loop3A_117 : i32 to index
      %parallel_loop3A_119 = arith.constant 0 : index
      %parallel_loop3A_120 = tpu.vector_load %arg12[%parallel_loop3A_118, %parallel_loop3A_119] {strides = array<i32>} : memref<16x256xf32, #tpu.memory_space<vmem>>, vector<1x16xf32>,
      %parallel_loop3A_121 = vector.shape_cast %parallel_loop3A_120 : vector<1x16xf32> to vector<16xf32>
      %parallel_loop3A_122 = vector.shape_cast %parallel_loop3A_115 : vector<16xf32> to vector<1x16xf32>
      tpu.vector_store %arg12[%parallel_loop3A_118, %parallel_loop3A_119], %parallel_loop3A_122 {strides = array<i32>} : memref<16x256xf32, #tpu.memory_space<vmem>>, vector<1x16xf32>,
      %parallel_loop3A_123 = arith.constant 0 : i32
      %parallel_loop3A_124 = arith.addi %parallel_loop3A_60, %parallel_loop3A_123 : i32
      %parallel_loop3A_125 = arith.index_cast %parallel_loop3A_124 : i32 to index
      %parallel_loop3A_126 = arith.constant 16 : index
      %parallel_loop3A_127 = tpu.vector_load %arg10[%parallel_loop3A_125, %parallel_loop3A_126] {strides = array<i32>} : memref<128x256xf32, #tpu.memory_space<vmem>>, vector<1x16xf32>,
      %parallel_loop3A_128 = vector.shape_cast %parallel_loop3A_127 : vector<1x16xf32> to vector<16xf32>
      %parallel_loop3A_129 = arith.constant 1 : i32
      %parallel_loop3A_130 = arith.addi %parallel_loop3A_60, %parallel_loop3A_129 : i32
      %parallel_loop3A_131 = arith.index_cast %parallel_loop3A_130 : i32 to index
      %parallel_loop3A_132 = arith.constant 16 : index
      %parallel_loop3A_133 = tpu.vector_load %arg10[%parallel_loop3A_131, %parallel_loop3A_132] {strides = array<i32>} : memref<128x256xf32, #tpu.memory_space<vmem>>, vector<1x16xf32>,
      %parallel_loop3A_134 = vector.shape_cast %parallel_loop3A_133 : vector<1x16xf32> to vector<16xf32>
      %parallel_loop3A_135 = arith.addf %parallel_loop3A_128, %parallel_loop3A_134 : vector<16xf32>
      %parallel_loop3A_136 = arith.constant 2 : i32
      %parallel_loop3A_137 = arith.addi %parallel_loop3A_60, %parallel_loop3A_136 : i32
      %parallel_loop3A_138 = arith.index_cast %parallel_loop3A_137 : i32 to index
      %parallel_loop3A_139 = arith.constant 16 : index
      %parallel_loop3A_140 = tpu.vector_load %arg10[%parallel_loop3A_138, %parallel_loop3A_139] {strides = array<i32>} : memref<128x256xf32, #tpu.memory_space<vmem>>, vector<1x16xf32>,
      %parallel_loop3A_141 = vector.shape_cast %parallel_loop3A_140 : vector<1x16xf32> to vector<16xf32>
      %parallel_loop3A_142 = arith.constant 3 : i32
      %parallel_loop3A_143 = arith.addi %parallel_loop3A_60, %parallel_loop3A_142 : i32
      %parallel_loop3A_144 = arith.index_cast %parallel_loop3A_143 : i32 to index
      %parallel_loop3A_145 = arith.constant 16 : index
      %parallel_loop3A_146 = tpu.vector_load %arg10[%parallel_loop3A_144, %parallel_loop3A_145] {strides = array<i32>} : memref<128x256xf32, #tpu.memory_space<vmem>>, vector<1x16xf32>,
      %parallel_loop3A_147 = vector.shape_cast %parallel_loop3A_146 : vector<1x16xf32> to vector<16xf32>
      %parallel_loop3A_148 = arith.addf %parallel_loop3A_141, %parallel_loop3A_147 : vector<16xf32>
      %parallel_loop3A_149 = arith.constant 4 : i32
      %parallel_loop3A_150 = arith.addi %parallel_loop3A_60, %parallel_loop3A_149 : i32
      %parallel_loop3A_151 = arith.index_cast %parallel_loop3A_150 : i32 to index
      %parallel_loop3A_152 = arith.constant 16 : index
      %parallel_loop3A_153 = tpu.vector_load %arg10[%parallel_loop3A_151, %parallel_loop3A_152] {strides = array<i32>} : memref<128x256xf32, #tpu.memory_space<vmem>>, vector<1x16xf32>,
      %parallel_loop3A_154 = vector.shape_cast %parallel_loop3A_153 : vector<1x16xf32> to vector<16xf32>
      %parallel_loop3A_155 = arith.constant 5 : i32
      %parallel_loop3A_156 = arith.addi %parallel_loop3A_60, %parallel_loop3A_155 : i32
      %parallel_loop3A_157 = arith.index_cast %parallel_loop3A_156 : i32 to index
      %parallel_loop3A_158 = arith.constant 16 : index
      %parallel_loop3A_159 = tpu.vector_load %arg10[%parallel_loop3A_157, %parallel_loop3A_158] {strides = array<i32>} : memref<128x256xf32, #tpu.memory_space<vmem>>, vector<1x16xf32>,
      %parallel_loop3A_160 = vector.shape_cast %parallel_loop3A_159 : vector<1x16xf32> to vector<16xf32>
      %parallel_loop3A_161 = arith.addf %parallel_loop3A_154, %parallel_loop3A_160 : vector<16xf32>
      %parallel_loop3A_162 = arith.constant 6 : i32
      %parallel_loop3A_163 = arith.addi %parallel_loop3A_60, %parallel_loop3A_162 : i32
      %parallel_loop3A_164 = arith.index_cast %parallel_loop3A_163 : i32 to index
      %parallel_loop3A_165 = arith.constant 16 : index
      %parallel_loop3A_166 = tpu.vector_load %arg10[%parallel_loop3A_164, %parallel_loop3A_165] {strides = array<i32>} : memref<128x256xf32, #tpu.memory_space<vmem>>, vector<1x16xf32>,
      %parallel_loop3A_167 = vector.shape_cast %parallel_loop3A_166 : vector<1x16xf32> to vector<16xf32>
      %parallel_loop3A_168 = arith.constant 7 : i32
      %parallel_loop3A_169 = arith.addi %parallel_loop3A_60, %parallel_loop3A_168 : i32
      %parallel_loop3A_170 = arith.index_cast %parallel_loop3A_169 : i32 to index
      %parallel_loop3A_171 = arith.constant 16 : index
      %parallel_loop3A_172 = tpu.vector_load %arg10[%parallel_loop3A_170, %parallel_loop3A_171] {strides = array<i32>} : memref<128x256xf32, #tpu.memory_space<vmem>>, vector<1x16xf32>,
      %parallel_loop3A_173 = vector.shape_cast %parallel_loop3A_172 : vector<1x16xf32> to vector<16xf32>
      %parallel_loop3A_174 = arith.addf %parallel_loop3A_167, %parallel_loop3A_173 : vector<16xf32>
      %parallel_loop3A_175 = arith.addf %parallel_loop3A_135, %parallel_loop3A_148 : vector<16xf32>
      %parallel_loop3A_176 = arith.addf %parallel_loop3A_161, %parallel_loop3A_174 : vector<16xf32>
      %parallel_loop3A_177 = arith.addf %parallel_loop3A_175, %parallel_loop3A_176 : vector<16xf32>
      %parallel_loop3A_178 = arith.constant 0 : i32
      %parallel_loop3A_179 = arith.addi %parallel_loop3A_178, %parallel_loop3A_58 : i32
      %parallel_loop3A_180 = arith.index_cast %parallel_loop3A_179 : i32 to index
      %parallel_loop3A_181 = arith.constant 16 : index
      %parallel_loop3A_182 = tpu.vector_load %arg12[%parallel_loop3A_180, %parallel_loop3A_181] {strides = array<i32>} : memref<16x256xf32, #tpu.memory_space<vmem>>, vector<1x16xf32>,
      %parallel_loop3A_183 = vector.shape_cast %parallel_loop3A_182 : vector<1x16xf32> to vector<16xf32>
      %parallel_loop3A_184 = vector.shape_cast %parallel_loop3A_177 : vector<16xf32> to vector<1x16xf32>
      tpu.vector_store %arg12[%parallel_loop3A_180, %parallel_loop3A_181], %parallel_loop3A_184 {strides = array<i32>} : memref<16x256xf32, #tpu.memory_space<vmem>>, vector<1x16xf32>,
      %parallel_loop3A_185 = arith.constant 0 : i32
      %parallel_loop3A_186 = arith.addi %parallel_loop3A_60, %parallel_loop3A_185 : i32
      %parallel_loop3A_187 = arith.index_cast %parallel_loop3A_186 : i32 to index
      %parallel_loop3A_188 = arith.constant 32 : index
      %parallel_loop3A_189 = tpu.vector_load %arg10[%parallel_loop3A_187, %parallel_loop3A_188] {strides = array<i32>} : memref<128x256xf32, #tpu.memory_space<vmem>>, vector<1x16xf32>,
      %parallel_loop3A_190 = vector.shape_cast %parallel_loop3A_189 : vector<1x16xf32> to vector<16xf32>
      %parallel_loop3A_191 = arith.constant 1 : i32
      %parallel_loop3A_192 = arith.addi %parallel_loop3A_60, %parallel_loop3A_191 : i32
      %parallel_loop3A_193 = arith.index_cast %parallel_loop3A_192 : i32 to index
      %parallel_loop3A_194 = arith.constant 32 : index
      %parallel_loop3A_195 = tpu.vector_load %arg10[%parallel_loop3A_193, %parallel_loop3A_194] {strides = array<i32>} : memref<128x256xf32, #tpu.memory_space<vmem>>, vector<1x16xf32>,
      %parallel_loop3A_196 = vector.shape_cast %parallel_loop3A_195 : vector<1x16xf32> to vector<16xf32>
      %parallel_loop3A_197 = arith.addf %parallel_loop3A_190, %parallel_loop3A_196 : vector<16xf32>
      %parallel_loop3A_198 = arith.constant 2 : i32
      %parallel_loop3A_199 = arith.addi %parallel_loop3A_60, %parallel_loop3A_198 : i32
      %parallel_loop3A_200 = arith.index_cast %parallel_loop3A_199 : i32 to index
      %parallel_loop3A_201 = arith.constant 32 : index
      %parallel_loop3A_202 = tpu.vector_load %arg10[%parallel_loop3A_200, %parallel_loop3A_201] {strides = array<i32>} : memref<128x256xf32, #tpu.memory_space<vmem>>, vector<1x16xf32>,
      %parallel_loop3A_203 = vector.shape_cast %parallel_loop3A_202 : vector<1x16xf32> to vector<16xf32>
      %parallel_loop3A_204 = arith.constant 3 : i32
      %parallel_loop3A_205 = arith.addi %parallel_loop3A_60, %parallel_loop3A_204 : i32
      %parallel_loop3A_206 = arith.index_cast %parallel_loop3A_205 : i32 to index
      %parallel_loop3A_207 = arith.constant 32 : index
      %parallel_loop3A_208 = tpu.vector_load %arg10[%parallel_loop3A_206, %parallel_loop3A_207] {strides = array<i32>} : memref<128x256xf32, #tpu.memory_space<vmem>>, vector<1x16xf32>,
      %parallel_loop3A_209 = vector.shape_cast %parallel_loop3A_208 : vector<1x16xf32> to vector<16xf32>
      %parallel_loop3A_210 = arith.addf %parallel_loop3A_203, %parallel_loop3A_209 : vector<16xf32>
      %parallel_loop3A_211 = arith.constant 4 : i32
      %parallel_loop3A_212 = arith.addi %parallel_loop3A_60, %parallel_loop3A_211 : i32
      %parallel_loop3A_213 = arith.index_cast %parallel_loop3A_212 : i32 to index
      %parallel_loop3A_214 = arith.constant 32 : index
      %parallel_loop3A_215 = tpu.vector_load %arg10[%parallel_loop3A_213, %parallel_loop3A_214] {strides = array<i32>} : memref<128x256xf32, #tpu.memory_space<vmem>>, vector<1x16xf32>,
      %parallel_loop3A_216 = vector.shape_cast %parallel_loop3A_215 : vector<1x16xf32> to vector<16xf32>
      %parallel_loop3A_217 = arith.constant 5 : i32
      %parallel_loop3A_218 = arith.addi %parallel_loop3A_60, %parallel_loop3A_217 : i32
      %parallel_loop3A_219 = arith.index_cast %parallel_loop3A_218 : i32 to index
      %parallel_loop3A_220 = arith.constant 32 : index
      %parallel_loop3A_221 = tpu.vector_load %arg10[%parallel_loop3A_219, %parallel_loop3A_220] {strides = array<i32>} : memref<128x256xf32, #tpu.memory_space<vmem>>, vector<1x16xf32>,
      %parallel_loop3A_222 = vector.shape_cast %parallel_loop3A_221 : vector<1x16xf32> to vector<16xf32>
      %parallel_loop3A_223 = arith.addf %parallel_loop3A_216, %parallel_loop3A_222 : vector<16xf32>
      %parallel_loop3A_224 = arith.constant 6 : i32
      %parallel_loop3A_225 = arith.addi %parallel_loop3A_60, %parallel_loop3A_224 : i32
      %parallel_loop3A_226 = arith.index_cast %parallel_loop3A_225 : i32 to index
      %parallel_loop3A_227 = arith.constant 32 : index
      %parallel_loop3A_228 = tpu.vector_load %arg10[%parallel_loop3A_226, %parallel_loop3A_227] {strides = array<i32>} : memref<128x256xf32, #tpu.memory_space<vmem>>, vector<1x16xf32>,
      %parallel_loop3A_229 = vector.shape_cast %parallel_loop3A_228 : vector<1x16xf32> to vector<16xf32>
      %parallel_loop3A_230 = arith.constant 7 : i32
      %parallel_loop3A_231 = arith.addi %parallel_loop3A_60, %parallel_loop3A_230 : i32
      %parallel_loop3A_232 = arith.index_cast %parallel_loop3A_231 : i32 to index
      %parallel_loop3A_233 = arith.constant 32 : index
      %parallel_loop3A_234 = tpu.vector_load %arg10[%parallel_loop3A_232, %parallel_loop3A_233] {strides = array<i32>} : memref<128x256xf32, #tpu.memory_space<vmem>>, vector<1x16xf32>,
      %parallel_loop3A_235 = vector.shape_cast %parallel_loop3A_234 : vector<1x16xf32> to vector<16xf32>
      %parallel_loop3A_236 = arith.addf %parallel_loop3A_229, %parallel_loop3A_235 : vector<16xf32>
      %parallel_loop3A_237 = arith.addf %parallel_loop3A_197, %parallel_loop3A_210 : vector<16xf32>
      %parallel_loop3A_238 = arith.addf %parallel_loop3A_223, %parallel_loop3A_236 : vector<16xf32>
      %parallel_loop3A_239 = arith.addf %parallel_loop3A_237, %parallel_loop3A_238 : vector<16xf32>
      %parallel_loop3A_240 = arith.constant 0 : i32
      %parallel_loop3A_241 = arith.addi %parallel_loop3A_240, %parallel_loop3A_58 : i32
      %parallel_loop3A_242 = arith.index_cast %parallel_loop3A_241 : i32 to index
      %parallel_loop3A_243 = arith.constant 32 : index
      %parallel_loop3A_244 = tpu.vector_load %arg12[%parallel_loop3A_242, %parallel_loop3A_243] {strides = array<i32>} : memref<16x256xf32, #tpu.memory_space<vmem>>, vector<1x16xf32>,
      %parallel_loop3A_245 = vector.shape_cast %parallel_loop3A_244 : vector<1x16xf32> to vector<16xf32>
      %parallel_loop3A_246 = vector.shape_cast %parallel_loop3A_239 : vector<16xf32> to vector<1x16xf32>
      tpu.vector_store %arg12[%parallel_loop3A_242, %parallel_loop3A_243], %parallel_loop3A_246 {strides = array<i32>} : memref<16x256xf32, #tpu.memory_space<vmem>>, vector<1x16xf32>,
      %parallel_loop3A_247 = arith.constant 0 : i32
      %parallel_loop3A_248 = arith.addi %parallel_loop3A_60, %parallel_loop3A_247 : i32
      %parallel_loop3A_249 = arith.index_cast %parallel_loop3A_248 : i32 to index
      %parallel_loop3A_250 = arith.constant 48 : index
      %parallel_loop3A_251 = tpu.vector_load %arg10[%parallel_loop3A_249, %parallel_loop3A_250] {strides = array<i32>} : memref<128x256xf32, #tpu.memory_space<vmem>>, vector<1x16xf32>,
      %parallel_loop3A_252 = vector.shape_cast %parallel_loop3A_251 : vector<1x16xf32> to vector<16xf32>
      %parallel_loop3A_253 = arith.constant 1 : i32
      %parallel_loop3A_254 = arith.addi %parallel_loop3A_60, %parallel_loop3A_253 : i32
      %parallel_loop3A_255 = arith.index_cast %parallel_loop3A_254 : i32 to index
      %parallel_loop3A_256 = arith.constant 48 : index
      %parallel_loop3A_257 = tpu.vector_load %arg10[%parallel_loop3A_255, %parallel_loop3A_256] {strides = array<i32>} : memref<128x256xf32, #tpu.memory_space<vmem>>, vector<1x16xf32>,
      %parallel_loop3A_258 = vector.shape_cast %parallel_loop3A_257 : vector<1x16xf32> to vector<16xf32>
      %parallel_loop3A_259 = arith.addf %parallel_loop3A_252, %parallel_loop3A_258 : vector<16xf32>
      %parallel_loop3A_260 = arith.constant 2 : i32
      %parallel_loop3A_261 = arith.addi %parallel_loop3A_60, %parallel_loop3A_260 : i32
      %parallel_loop3A_262 = arith.index_cast %parallel_loop3A_261 : i32 to index
      %parallel_loop3A_263 = arith.constant 48 : index
      %parallel_loop3A_264 = tpu.vector_load %arg10[%parallel_loop3A_262, %parallel_loop3A_263] {strides = array<i32>} : memref<128x256xf32, #tpu.memory_space<vmem>>, vector<1x16xf32>,
      %parallel_loop3A_265 = vector.shape_cast %parallel_loop3A_264 : vector<1x16xf32> to vector<16xf32>
      %parallel_loop3A_266 = arith.constant 3 : i32
      %parallel_loop3A_267 = arith.addi %parallel_loop3A_60, %parallel_loop3A_266 : i32
      %parallel_loop3A_268 = arith.index_cast %parallel_loop3A_267 : i32 to index
      %parallel_loop3A_269 = arith.constant 48 : index
      %parallel_loop3A_270 = tpu.vector_load %arg10[%parallel_loop3A_268, %parallel_loop3A_269] {strides = array<i32>} : memref<128x256xf32, #tpu.memory_space<vmem>>, vector<1x16xf32>,
      %parallel_loop3A_271 = vector.shape_cast %parallel_loop3A_270 : vector<1x16xf32> to vector<16xf32>
      %parallel_loop3A_272 = arith.addf %parallel_loop3A_265, %parallel_loop3A_271 : vector<16xf32>
      %parallel_loop3A_273 = arith.constant 4 : i32
      %parallel_loop3A_274 = arith.addi %parallel_loop3A_60, %parallel_loop3A_273 : i32
      %parallel_loop3A_275 = arith.index_cast %parallel_loop3A_274 : i32 to index
      %parallel_loop3A_276 = arith.constant 48 : index
      %parallel_loop3A_277 = tpu.vector_load %arg10[%parallel_loop3A_275, %parallel_loop3A_276] {strides = array<i32>} : memref<128x256xf32, #tpu.memory_space<vmem>>, vector<1x16xf32>,
      %parallel_loop3A_278 = vector.shape_cast %parallel_loop3A_277 : vector<1x16xf32> to vector<16xf32>
      %parallel_loop3A_279 = arith.constant 5 : i32
      %parallel_loop3A_280 = arith.addi %parallel_loop3A_60, %parallel_loop3A_279 : i32
      %parallel_loop3A_281 = arith.index_cast %parallel_loop3A_280 : i32 to index
      %parallel_loop3A_282 = arith.constant 48 : index
      %parallel_loop3A_283 = tpu.vector_load %arg10[%parallel_loop3A_281, %parallel_loop3A_282] {strides = array<i32>} : memref<128x256xf32, #tpu.memory_space<vmem>>, vector<1x16xf32>,
      %parallel_loop3A_284 = vector.shape_cast %parallel_loop3A_283 : vector<1x16xf32> to vector<16xf32>
      %parallel_loop3A_285 = arith.addf %parallel_loop3A_278, %parallel_loop3A_284 : vector<16xf32>
      %parallel_loop3A_286 = arith.constant 6 : i32
      %parallel_loop3A_287 = arith.addi %parallel_loop3A_60, %parallel_loop3A_286 : i32
      %parallel_loop3A_288 = arith.index_cast %parallel_loop3A_287 : i32 to index
      %parallel_loop3A_289 = arith.constant 48 : index
      %parallel_loop3A_290 = tpu.vector_load %arg10[%parallel_loop3A_288, %parallel_loop3A_289] {strides = array<i32>} : memref<128x256xf32, #tpu.memory_space<vmem>>, vector<1x16xf32>,
      %parallel_loop3A_291 = vector.shape_cast %parallel_loop3A_290 : vector<1x16xf32> to vector<16xf32>
      %parallel_loop3A_292 = arith.constant 7 : i32
      %parallel_loop3A_293 = arith.addi %parallel_loop3A_60, %parallel_loop3A_292 : i32
      %parallel_loop3A_294 = arith.index_cast %parallel_loop3A_293 : i32 to index
      %parallel_loop3A_295 = arith.constant 48 : index
      %parallel_loop3A_296 = tpu.vector_load %arg10[%parallel_loop3A_294, %parallel_loop3A_295] {strides = array<i32>} : memref<128x256xf32, #tpu.memory_space<vmem>>, vector<1x16xf32>,
      %parallel_loop3A_297 = vector.shape_cast %parallel_loop3A_296 : vector<1x16xf32> to vector<16xf32>
      %parallel_loop3A_298 = arith.addf %parallel_loop3A_291, %parallel_loop3A_297 : vector<16xf32>
      %parallel_loop3A_299 = arith.addf %parallel_loop3A_259, %parallel_loop3A_272 : vector<16xf32>
      %parallel_loop3A_300 = arith.addf %parallel_loop3A_285, %parallel_loop3A_298 : vector<16xf32>
      %parallel_loop3A_301 = arith.addf %parallel_loop3A_299, %parallel_loop3A_300 : vector<16xf32>
      %parallel_loop3A_302 = arith.constant 0 : i32
      %parallel_loop3A_303 = arith.addi %parallel_loop3A_302, %parallel_loop3A_58 : i32
      %parallel_loop3A_304 = arith.index_cast %parallel_loop3A_303 : i32 to index
      %parallel_loop3A_305 = arith.constant 48 : index
      %parallel_loop3A_306 = tpu.vector_load %arg12[%parallel_loop3A_304, %parallel_loop3A_305] {strides = array<i32>} : memref<16x256xf32, #tpu.memory_space<vmem>>, vector<1x16xf32>,
      %parallel_loop3A_307 = vector.shape_cast %parallel_loop3A_306 : vector<1x16xf32> to vector<16xf32>
      %parallel_loop3A_308 = vector.shape_cast %parallel_loop3A_301 : vector<16xf32> to vector<1x16xf32>
      tpu.vector_store %arg12[%parallel_loop3A_304, %parallel_loop3A_305], %parallel_loop3A_308 {strides = array<i32>} : memref<16x256xf32, #tpu.memory_space<vmem>>, vector<1x16xf32>,
      %parallel_loop3A_309 = arith.constant 0 : i32
      %parallel_loop3A_310 = arith.addi %parallel_loop3A_60, %parallel_loop3A_309 : i32
      %parallel_loop3A_311 = arith.index_cast %parallel_loop3A_310 : i32 to index
      %parallel_loop3A_312 = arith.constant 64 : index
      %parallel_loop3A_313 = tpu.vector_load %arg10[%parallel_loop3A_311, %parallel_loop3A_312] {strides = array<i32>} : memref<128x256xf32, #tpu.memory_space<vmem>>, vector<1x16xf32>,
      %parallel_loop3A_314 = vector.shape_cast %parallel_loop3A_313 : vector<1x16xf32> to vector<16xf32>
      %parallel_loop3A_315 = arith.constant 1 : i32
      %parallel_loop3A_316 = arith.addi %parallel_loop3A_60, %parallel_loop3A_315 : i32
      %parallel_loop3A_317 = arith.index_cast %parallel_loop3A_316 : i32 to index
      %parallel_loop3A_318 = arith.constant 64 : index
      %parallel_loop3A_319 = tpu.vector_load %arg10[%parallel_loop3A_317, %parallel_loop3A_318] {strides = array<i32>} : memref<128x256xf32, #tpu.memory_space<vmem>>, vector<1x16xf32>,
      %parallel_loop3A_320 = vector.shape_cast %parallel_loop3A_319 : vector<1x16xf32> to vector<16xf32>
      %parallel_loop3A_321 = arith.addf %parallel_loop3A_314, %parallel_loop3A_320 : vector<16xf32>
      %parallel_loop3A_322 = arith.constant 2 : i32
      %parallel_loop3A_323 = arith.addi %parallel_loop3A_60, %parallel_loop3A_322 : i32
      %parallel_loop3A_324 = arith.index_cast %parallel_loop3A_323 : i32 to index
      %parallel_loop3A_325 = arith.constant 64 : index
      %parallel_loop3A_326 = tpu.vector_load %arg10[%parallel_loop3A_324, %parallel_loop3A_325] {strides = array<i32>} : memref<128x256xf32, #tpu.memory_space<vmem>>, vector<1x16xf32>,
      %parallel_loop3A_327 = vector.shape_cast %parallel_loop3A_326 : vector<1x16xf32> to vector<16xf32>
      %parallel_loop3A_328 = arith.constant 3 : i32
      %parallel_loop3A_329 = arith.addi %parallel_loop3A_60, %parallel_loop3A_328 : i32
      %parallel_loop3A_330 = arith.index_cast %parallel_loop3A_329 : i32 to index
      %parallel_loop3A_331 = arith.constant 64 : index
      %parallel_loop3A_332 = tpu.vector_load %arg10[%parallel_loop3A_330, %parallel_loop3A_331] {strides = array<i32>} : memref<128x256xf32, #tpu.memory_space<vmem>>, vector<1x16xf32>,
      %parallel_loop3A_333 = vector.shape_cast %parallel_loop3A_332 : vector<1x16xf32> to vector<16xf32>
      %parallel_loop3A_334 = arith.addf %parallel_loop3A_327, %parallel_loop3A_333 : vector<16xf32>
      %parallel_loop3A_335 = arith.constant 4 : i32
      %parallel_loop3A_336 = arith.addi %parallel_loop3A_60, %parallel_loop3A_335 : i32
      %parallel_loop3A_337 = arith.index_cast %parallel_loop3A_336 : i32 to index
      %parallel_loop3A_338 = arith.constant 64 : index
      %parallel_loop3A_339 = tpu.vector_load %arg10[%parallel_loop3A_337, %parallel_loop3A_338] {strides = array<i32>} : memref<128x256xf32, #tpu.memory_space<vmem>>, vector<1x16xf32>,
      %parallel_loop3A_340 = vector.shape_cast %parallel_loop3A_339 : vector<1x16xf32> to vector<16xf32>
      %parallel_loop3A_341 = arith.constant 5 : i32
      %parallel_loop3A_342 = arith.addi %parallel_loop3A_60, %parallel_loop3A_341 : i32
      %parallel_loop3A_343 = arith.index_cast %parallel_loop3A_342 : i32 to index
      %parallel_loop3A_344 = arith.constant 64 : index
      %parallel_loop3A_345 = tpu.vector_load %arg10[%parallel_loop3A_343, %parallel_loop3A_344] {strides = array<i32>} : memref<128x256xf32, #tpu.memory_space<vmem>>, vector<1x16xf32>,
      %parallel_loop3A_346 = vector.shape_cast %parallel_loop3A_345 : vector<1x16xf32> to vector<16xf32>
      %parallel_loop3A_347 = arith.addf %parallel_loop3A_340, %parallel_loop3A_346 : vector<16xf32>
      %parallel_loop3A_348 = arith.constant 6 : i32
      %parallel_loop3A_349 = arith.addi %parallel_loop3A_60, %parallel_loop3A_348 : i32
      %parallel_loop3A_350 = arith.index_cast %parallel_loop3A_349 : i32 to index
      %parallel_loop3A_351 = arith.constant 64 : index
      %parallel_loop3A_352 = tpu.vector_load %arg10[%parallel_loop3A_350, %parallel_loop3A_351] {strides = array<i32>} : memref<128x256xf32, #tpu.memory_space<vmem>>, vector<1x16xf32>,
      %parallel_loop3A_353 = vector.shape_cast %parallel_loop3A_352 : vector<1x16xf32> to vector<16xf32>
      %parallel_loop3A_354 = arith.constant 7 : i32
      %parallel_loop3A_355 = arith.addi %parallel_loop3A_60, %parallel_loop3A_354 : i32
      %parallel_loop3A_356 = arith.index_cast %parallel_loop3A_355 : i32 to index
      %parallel_loop3A_357 = arith.constant 64 : index
      %parallel_loop3A_358 = tpu.vector_load %arg10[%parallel_loop3A_356, %parallel_loop3A_357] {strides = array<i32>} : memref<128x256xf32, #tpu.memory_space<vmem>>, vector<1x16xf32>,
      %parallel_loop3A_359 = vector.shape_cast %parallel_loop3A_358 : vector<1x16xf32> to vector<16xf32>
      %parallel_loop3A_360 = arith.addf %parallel_loop3A_353, %parallel_loop3A_359 : vector<16xf32>
      %parallel_loop3A_361 = arith.addf %parallel_loop3A_321, %parallel_loop3A_334 : vector<16xf32>
      %parallel_loop3A_362 = arith.addf %parallel_loop3A_347, %parallel_loop3A_360 : vector<16xf32>
      %parallel_loop3A_363 = arith.addf %parallel_loop3A_361, %parallel_loop3A_362 : vector<16xf32>
      %parallel_loop3A_364 = arith.constant 0 : i32
      %parallel_loop3A_365 = arith.addi %parallel_loop3A_364, %parallel_loop3A_58 : i32
      %parallel_loop3A_366 = arith.index_cast %parallel_loop3A_365 : i32 to index
      %parallel_loop3A_367 = arith.constant 64 : index
      %parallel_loop3A_368 = tpu.vector_load %arg12[%parallel_loop3A_366, %parallel_loop3A_367] {strides = array<i32>} : memref<16x256xf32, #tpu.memory_space<vmem>>, vector<1x16xf32>,
      %parallel_loop3A_369 = vector.shape_cast %parallel_loop3A_368 : vector<1x16xf32> to vector<16xf32>
      %parallel_loop3A_370 = vector.shape_cast %parallel_loop3A_363 : vector<16xf32> to vector<1x16xf32>
      tpu.vector_store %arg12[%parallel_loop3A_366, %parallel_loop3A_367], %parallel_loop3A_370 {strides = array<i32>} : memref<16x256xf32, #tpu.memory_space<vmem>>, vector<1x16xf32>,
      %parallel_loop3A_371 = arith.constant 0 : i32
      %parallel_loop3A_372 = arith.addi %parallel_loop3A_60, %parallel_loop3A_371 : i32
      %parallel_loop3A_373 = arith.index_cast %parallel_loop3A_372 : i32 to index
      %parallel_loop3A_374 = arith.constant 80 : index
      %parallel_loop3A_375 = tpu.vector_load %arg10[%parallel_loop3A_373, %parallel_loop3A_374] {strides = array<i32>} : memref<128x256xf32, #tpu.memory_space<vmem>>, vector<1x16xf32>,
      %parallel_loop3A_376 = vector.shape_cast %parallel_loop3A_375 : vector<1x16xf32> to vector<16xf32>
      %parallel_loop3A_377 = arith.constant 1 : i32
      %parallel_loop3A_378 = arith.addi %parallel_loop3A_60, %parallel_loop3A_377 : i32
      %parallel_loop3A_379 = arith.index_cast %parallel_loop3A_378 : i32 to index
      %parallel_loop3A_380 = arith.constant 80 : index
      %parallel_loop3A_381 = tpu.vector_load %arg10[%parallel_loop3A_379, %parallel_loop3A_380] {strides = array<i32>} : memref<128x256xf32, #tpu.memory_space<vmem>>, vector<1x16xf32>,
      %parallel_loop3A_382 = vector.shape_cast %parallel_loop3A_381 : vector<1x16xf32> to vector<16xf32>
      %parallel_loop3A_383 = arith.addf %parallel_loop3A_376, %parallel_loop3A_382 : vector<16xf32>
      %parallel_loop3A_384 = arith.constant 2 : i32
      %parallel_loop3A_385 = arith.addi %parallel_loop3A_60, %parallel_loop3A_384 : i32
      %parallel_loop3A_386 = arith.index_cast %parallel_loop3A_385 : i32 to index
      %parallel_loop3A_387 = arith.constant 80 : index
      %parallel_loop3A_388 = tpu.vector_load %arg10[%parallel_loop3A_386, %parallel_loop3A_387] {strides = array<i32>} : memref<128x256xf32, #tpu.memory_space<vmem>>, vector<1x16xf32>,
      %parallel_loop3A_389 = vector.shape_cast %parallel_loop3A_388 : vector<1x16xf32> to vector<16xf32>
      %parallel_loop3A_390 = arith.constant 3 : i32
      %parallel_loop3A_391 = arith.addi %parallel_loop3A_60, %parallel_loop3A_390 : i32
      %parallel_loop3A_392 = arith.index_cast %parallel_loop3A_391 : i32 to index
      %parallel_loop3A_393 = arith.constant 80 : index
      %parallel_loop3A_394 = tpu.vector_load %arg10[%parallel_loop3A_392, %parallel_loop3A_393] {strides = array<i32>} : memref<128x256xf32, #tpu.memory_space<vmem>>, vector<1x16xf32>,
      %parallel_loop3A_395 = vector.shape_cast %parallel_loop3A_394 : vector<1x16xf32> to vector<16xf32>
      %parallel_loop3A_396 = arith.addf %parallel_loop3A_389, %parallel_loop3A_395 : vector<16xf32>
      %parallel_loop3A_397 = arith.constant 4 : i32
      %parallel_loop3A_398 = arith.addi %parallel_loop3A_60, %parallel_loop3A_397 : i32
      %parallel_loop3A_399 = arith.index_cast %parallel_loop3A_398 : i32 to index
      %parallel_loop3A_400 = arith.constant 80 : index
      %parallel_loop3A_401 = tpu.vector_load %arg10[%parallel_loop3A_399, %parallel_loop3A_400] {strides = array<i32>} : memref<128x256xf32, #tpu.memory_space<vmem>>, vector<1x16xf32>,
      %parallel_loop3A_402 = vector.shape_cast %parallel_loop3A_401 : vector<1x16xf32> to vector<16xf32>
      %parallel_loop3A_403 = arith.constant 5 : i32
      %parallel_loop3A_404 = arith.addi %parallel_loop3A_60, %parallel_loop3A_403 : i32
      %parallel_loop3A_405 = arith.index_cast %parallel_loop3A_404 : i32 to index
      %parallel_loop3A_406 = arith.constant 80 : index
      %parallel_loop3A_407 = tpu.vector_load %arg10[%parallel_loop3A_405, %parallel_loop3A_406] {strides = array<i32>} : memref<128x256xf32, #tpu.memory_space<vmem>>, vector<1x16xf32>,
      %parallel_loop3A_408 = vector.shape_cast %parallel_loop3A_407 : vector<1x16xf32> to vector<16xf32>
      %parallel_loop3A_409 = arith.addf %parallel_loop3A_402, %parallel_loop3A_408 : vector<16xf32>
      %parallel_loop3A_410 = arith.constant 6 : i32
      %parallel_loop3A_411 = arith.addi %parallel_loop3A_60, %parallel_loop3A_410 : i32
      %parallel_loop3A_412 = arith.index_cast %parallel_loop3A_411 : i32 to index
      %parallel_loop3A_413 = arith.constant 80 : index
      %parallel_loop3A_414 = tpu.vector_load %arg10[%parallel_loop3A_412, %parallel_loop3A_413] {strides = array<i32>} : memref<128x256xf32, #tpu.memory_space<vmem>>, vector<1x16xf32>,
      %parallel_loop3A_415 = vector.shape_cast %parallel_loop3A_414 : vector<1x16xf32> to vector<16xf32>
      %parallel_loop3A_416 = arith.constant 7 : i32
      %parallel_loop3A_417 = arith.addi %parallel_loop3A_60, %parallel_loop3A_416 : i32
      %parallel_loop3A_418 = arith.index_cast %parallel_loop3A_417 : i32 to index
      %parallel_loop3A_419 = arith.constant 80 : index
      %parallel_loop3A_420 = tpu.vector_load %arg10[%parallel_loop3A_418, %parallel_loop3A_419] {strides = array<i32>} : memref<128x256xf32, #tpu.memory_space<vmem>>, vector<1x16xf32>,
      %parallel_loop3A_421 = vector.shape_cast %parallel_loop3A_420 : vector<1x16xf32> to vector<16xf32>
      %parallel_loop3A_422 = arith.addf %parallel_loop3A_415, %parallel_loop3A_421 : vector<16xf32>
      %parallel_loop3A_423 = arith.addf %parallel_loop3A_383, %parallel_loop3A_396 : vector<16xf32>
      %parallel_loop3A_424 = arith.addf %parallel_loop3A_409, %parallel_loop3A_422 : vector<16xf32>
      %parallel_loop3A_425 = arith.addf %parallel_loop3A_423, %parallel_loop3A_424 : vector<16xf32>
      %parallel_loop3A_426 = arith.constant 0 : i32
      %parallel_loop3A_427 = arith.addi %parallel_loop3A_426, %parallel_loop3A_58 : i32
      %parallel_loop3A_428 = arith.index_cast %parallel_loop3A_427 : i32 to index
      %parallel_loop3A_429 = arith.constant 80 : index
      %parallel_loop3A_430 = tpu.vector_load %arg12[%parallel_loop3A_428, %parallel_loop3A_429] {strides = array<i32>} : memref<16x256xf32, #tpu.memory_space<vmem>>, vector<1x16xf32>,
      %parallel_loop3A_431 = vector.shape_cast %parallel_loop3A_430 : vector<1x16xf32> to vector<16xf32>
      %parallel_loop3A_432 = vector.shape_cast %parallel_loop3A_425 : vector<16xf32> to vector<1x16xf32>
      tpu.vector_store %arg12[%parallel_loop3A_428, %parallel_loop3A_429], %parallel_loop3A_432 {strides = array<i32>} : memref<16x256xf32, #tpu.memory_space<vmem>>, vector<1x16xf32>,
      %parallel_loop3A_433 = arith.constant 0 : i32
      %parallel_loop3A_434 = arith.addi %parallel_loop3A_60, %parallel_loop3A_433 : i32
      %parallel_loop3A_435 = arith.index_cast %parallel_loop3A_434 : i32 to index
      %parallel_loop3A_436 = arith.constant 96 : index
      %parallel_loop3A_437 = tpu.vector_load %arg10[%parallel_loop3A_435, %parallel_loop3A_436] {strides = array<i32>} : memref<128x256xf32, #tpu.memory_space<vmem>>, vector<1x16xf32>,
      %parallel_loop3A_438 = vector.shape_cast %parallel_loop3A_437 : vector<1x16xf32> to vector<16xf32>
      %parallel_loop3A_439 = arith.constant 1 : i32
      %parallel_loop3A_440 = arith.addi %parallel_loop3A_60, %parallel_loop3A_439 : i32
      %parallel_loop3A_441 = arith.index_cast %parallel_loop3A_440 : i32 to index
      %parallel_loop3A_442 = arith.constant 96 : index
      %parallel_loop3A_443 = tpu.vector_load %arg10[%parallel_loop3A_441, %parallel_loop3A_442] {strides = array<i32>} : memref<128x256xf32, #tpu.memory_space<vmem>>, vector<1x16xf32>,
      %parallel_loop3A_444 = vector.shape_cast %parallel_loop3A_443 : vector<1x16xf32> to vector<16xf32>
      %parallel_loop3A_445 = arith.addf %parallel_loop3A_438, %parallel_loop3A_444 : vector<16xf32>
      %parallel_loop3A_446 = arith.constant 2 : i32
      %parallel_loop3A_447 = arith.addi %parallel_loop3A_60, %parallel_loop3A_446 : i32
      %parallel_loop3A_448 = arith.index_cast %parallel_loop3A_447 : i32 to index
      %parallel_loop3A_449 = arith.constant 96 : index
      %parallel_loop3A_450 = tpu.vector_load %arg10[%parallel_loop3A_448, %parallel_loop3A_449] {strides = array<i32>} : memref<128x256xf32, #tpu.memory_space<vmem>>, vector<1x16xf32>,
      %parallel_loop3A_451 = vector.shape_cast %parallel_loop3A_450 : vector<1x16xf32> to vector<16xf32>
      %parallel_loop3A_452 = arith.constant 3 : i32
      %parallel_loop3A_453 = arith.addi %parallel_loop3A_60, %parallel_loop3A_452 : i32
      %parallel_loop3A_454 = arith.index_cast %parallel_loop3A_453 : i32 to index
      %parallel_loop3A_455 = arith.constant 96 : index
      %parallel_loop3A_456 = tpu.vector_load %arg10[%parallel_loop3A_454, %parallel_loop3A_455] {strides = array<i32>} : memref<128x256xf32, #tpu.memory_space<vmem>>, vector<1x16xf32>,
      %parallel_loop3A_457 = vector.shape_cast %parallel_loop3A_456 : vector<1x16xf32> to vector<16xf32>
      %parallel_loop3A_458 = arith.addf %parallel_loop3A_451, %parallel_loop3A_457 : vector<16xf32>
      %parallel_loop3A_459 = arith.constant 4 : i32
      %parallel_loop3A_460 = arith.addi %parallel_loop3A_60, %parallel_loop3A_459 : i32
      %parallel_loop3A_461 = arith.index_cast %parallel_loop3A_460 : i32 to index
      %parallel_loop3A_462 = arith.constant 96 : index
      %parallel_loop3A_463 = tpu.vector_load %arg10[%parallel_loop3A_461, %parallel_loop3A_462] {strides = array<i32>} : memref<128x256xf32, #tpu.memory_space<vmem>>, vector<1x16xf32>,
      %parallel_loop3A_464 = vector.shape_cast %parallel_loop3A_463 : vector<1x16xf32> to vector<16xf32>
      %parallel_loop3A_465 = arith.constant 5 : i32
      %parallel_loop3A_466 = arith.addi %parallel_loop3A_60, %parallel_loop3A_465 : i32
      %parallel_loop3A_467 = arith.index_cast %parallel_loop3A_466 : i32 to index
      %parallel_loop3A_468 = arith.constant 96 : index
      %parallel_loop3A_469 = tpu.vector_load %arg10[%parallel_loop3A_467, %parallel_loop3A_468] {strides = array<i32>} : memref<128x256xf32, #tpu.memory_space<vmem>>, vector<1x16xf32>,
      %parallel_loop3A_470 = vector.shape_cast %parallel_loop3A_469 : vector<1x16xf32> to vector<16xf32>
      %parallel_loop3A_471 = arith.addf %parallel_loop3A_464, %parallel_loop3A_470 : vector<16xf32>
      %parallel_loop3A_472 = arith.constant 6 : i32
      %parallel_loop3A_473 = arith.addi %parallel_loop3A_60, %parallel_loop3A_472 : i32
      %parallel_loop3A_474 = arith.index_cast %parallel_loop3A_473 : i32 to index
      %parallel_loop3A_475 = arith.constant 96 : index
      %parallel_loop3A_476 = tpu.vector_load %arg10[%parallel_loop3A_474, %parallel_loop3A_475] {strides = array<i32>} : memref<128x256xf32, #tpu.memory_space<vmem>>, vector<1x16xf32>,
      %parallel_loop3A_477 = vector.shape_cast %parallel_loop3A_476 : vector<1x16xf32> to vector<16xf32>
      %parallel_loop3A_478 = arith.constant 7 : i32
      %parallel_loop3A_479 = arith.addi %parallel_loop3A_60, %parallel_loop3A_478 : i32
      %parallel_loop3A_480 = arith.index_cast %parallel_loop3A_479 : i32 to index
      %parallel_loop3A_481 = arith.constant 96 : index
      %parallel_loop3A_482 = tpu.vector_load %arg10[%parallel_loop3A_480, %parallel_loop3A_481] {strides = array<i32>} : memref<128x256xf32, #tpu.memory_space<vmem>>, vector<1x16xf32>,
      %parallel_loop3A_483 = vector.shape_cast %parallel_loop3A_482 : vector<1x16xf32> to vector<16xf32>
      %parallel_loop3A_484 = arith.addf %parallel_loop3A_477, %parallel_loop3A_483 : vector<16xf32>
      %parallel_loop3A_485 = arith.addf %parallel_loop3A_445, %parallel_loop3A_458 : vector<16xf32>
      %parallel_loop3A_486 = arith.addf %parallel_loop3A_471, %parallel_loop3A_484 : vector<16xf32>
      %parallel_loop3A_487 = arith.addf %parallel_loop3A_485, %parallel_loop3A_486 : vector<16xf32>
      %parallel_loop3A_488 = arith.constant 0 : i32
      %parallel_loop3A_489 = arith.addi %parallel_loop3A_488, %parallel_loop3A_58 : i32
      %parallel_loop3A_490 = arith.index_cast %parallel_loop3A_489 : i32 to index
      %parallel_loop3A_491 = arith.constant 96 : index
      %parallel_loop3A_492 = tpu.vector_load %arg12[%parallel_loop3A_490, %parallel_loop3A_491] {strides = array<i32>} : memref<16x256xf32, #tpu.memory_space<vmem>>, vector<1x16xf32>,
      %parallel_loop3A_493 = vector.shape_cast %parallel_loop3A_492 : vector<1x16xf32> to vector<16xf32>
      %parallel_loop3A_494 = vector.shape_cast %parallel_loop3A_487 : vector<16xf32> to vector<1x16xf32>
      tpu.vector_store %arg12[%parallel_loop3A_490, %parallel_loop3A_491], %parallel_loop3A_494 {strides = array<i32>} : memref<16x256xf32, #tpu.memory_space<vmem>>, vector<1x16xf32>,
      %parallel_loop3A_495 = arith.constant 0 : i32
      %parallel_loop3A_496 = arith.addi %parallel_loop3A_60, %parallel_loop3A_495 : i32
      %parallel_loop3A_497 = arith.index_cast %parallel_loop3A_496 : i32 to index
      %parallel_loop3A_498 = arith.constant 112 : index
      %parallel_loop3A_499 = tpu.vector_load %arg10[%parallel_loop3A_497, %parallel_loop3A_498] {strides = array<i32>} : memref<128x256xf32, #tpu.memory_space<vmem>>, vector<1x16xf32>,
      %parallel_loop3A_500 = vector.shape_cast %parallel_loop3A_499 : vector<1x16xf32> to vector<16xf32>
      %parallel_loop3A_501 = arith.constant 1 : i32
      %parallel_loop3A_502 = arith.addi %parallel_loop3A_60, %parallel_loop3A_501 : i32
      %parallel_loop3A_503 = arith.index_cast %parallel_loop3A_502 : i32 to index
      %parallel_loop3A_504 = arith.constant 112 : index
      %parallel_loop3A_505 = tpu.vector_load %arg10[%parallel_loop3A_503, %parallel_loop3A_504] {strides = array<i32>} : memref<128x256xf32, #tpu.memory_space<vmem>>, vector<1x16xf32>,
      %parallel_loop3A_506 = vector.shape_cast %parallel_loop3A_505 : vector<1x16xf32> to vector<16xf32>
      %parallel_loop3A_507 = arith.addf %parallel_loop3A_500, %parallel_loop3A_506 : vector<16xf32>
      %parallel_loop3A_508 = arith.constant 2 : i32
      %parallel_loop3A_509 = arith.addi %parallel_loop3A_60, %parallel_loop3A_508 : i32
      %parallel_loop3A_510 = arith.index_cast %parallel_loop3A_509 : i32 to index
      %parallel_loop3A_511 = arith.constant 112 : index
      %parallel_loop3A_512 = tpu.vector_load %arg10[%parallel_loop3A_510, %parallel_loop3A_511] {strides = array<i32>} : memref<128x256xf32, #tpu.memory_space<vmem>>, vector<1x16xf32>,
      %parallel_loop3A_513 = vector.shape_cast %parallel_loop3A_512 : vector<1x16xf32> to vector<16xf32>
      %parallel_loop3A_514 = arith.constant 3 : i32
      %parallel_loop3A_515 = arith.addi %parallel_loop3A_60, %parallel_loop3A_514 : i32
      %parallel_loop3A_516 = arith.index_cast %parallel_loop3A_515 : i32 to index
      %parallel_loop3A_517 = arith.constant 112 : index
      %parallel_loop3A_518 = tpu.vector_load %arg10[%parallel_loop3A_516, %parallel_loop3A_517] {strides = array<i32>} : memref<128x256xf32, #tpu.memory_space<vmem>>, vector<1x16xf32>,
      %parallel_loop3A_519 = vector.shape_cast %parallel_loop3A_518 : vector<1x16xf32> to vector<16xf32>
      %parallel_loop3A_520 = arith.addf %parallel_loop3A_513, %parallel_loop3A_519 : vector<16xf32>
      %parallel_loop3A_521 = arith.constant 4 : i32
      %parallel_loop3A_522 = arith.addi %parallel_loop3A_60, %parallel_loop3A_521 : i32
      %parallel_loop3A_523 = arith.index_cast %parallel_loop3A_522 : i32 to index
      %parallel_loop3A_524 = arith.constant 112 : index
      %parallel_loop3A_525 = tpu.vector_load %arg10[%parallel_loop3A_523, %parallel_loop3A_524] {strides = array<i32>} : memref<128x256xf32, #tpu.memory_space<vmem>>, vector<1x16xf32>,
      %parallel_loop3A_526 = vector.shape_cast %parallel_loop3A_525 : vector<1x16xf32> to vector<16xf32>
      %parallel_loop3A_527 = arith.constant 5 : i32
      %parallel_loop3A_528 = arith.addi %parallel_loop3A_60, %parallel_loop3A_527 : i32
      %parallel_loop3A_529 = arith.index_cast %parallel_loop3A_528 : i32 to index
      %parallel_loop3A_530 = arith.constant 112 : index
      %parallel_loop3A_531 = tpu.vector_load %arg10[%parallel_loop3A_529, %parallel_loop3A_530] {strides = array<i32>} : memref<128x256xf32, #tpu.memory_space<vmem>>, vector<1x16xf32>,
      %parallel_loop3A_532 = vector.shape_cast %parallel_loop3A_531 : vector<1x16xf32> to vector<16xf32>
      %parallel_loop3A_533 = arith.addf %parallel_loop3A_526, %parallel_loop3A_532 : vector<16xf32>
      %parallel_loop3A_534 = arith.constant 6 : i32
      %parallel_loop3A_535 = arith.addi %parallel_loop3A_60, %parallel_loop3A_534 : i32
      %parallel_loop3A_536 = arith.index_cast %parallel_loop3A_535 : i32 to index
      %parallel_loop3A_537 = arith.constant 112 : index
      %parallel_loop3A_538 = tpu.vector_load %arg10[%parallel_loop3A_536, %parallel_loop3A_537] {strides = array<i32>} : memref<128x256xf32, #tpu.memory_space<vmem>>, vector<1x16xf32>,
      %parallel_loop3A_539 = vector.shape_cast %parallel_loop3A_538 : vector<1x16xf32> to vector<16xf32>
      %parallel_loop3A_540 = arith.constant 7 : i32
      %parallel_loop3A_541 = arith.addi %parallel_loop3A_60, %parallel_loop3A_540 : i32
      %parallel_loop3A_542 = arith.index_cast %parallel_loop3A_541 : i32 to index
      %parallel_loop3A_543 = arith.constant 112 : index
      %parallel_loop3A_544 = tpu.vector_load %arg10[%parallel_loop3A_542, %parallel_loop3A_543] {strides = array<i32>} : memref<128x256xf32, #tpu.memory_space<vmem>>, vector<1x16xf32>,
      %parallel_loop3A_545 = vector.shape_cast %parallel_loop3A_544 : vector<1x16xf32> to vector<16xf32>
      %parallel_loop3A_546 = arith.addf %parallel_loop3A_539, %parallel_loop3A_545 : vector<16xf32>
      %parallel_loop3A_547 = arith.addf %parallel_loop3A_507, %parallel_loop3A_520 : vector<16xf32>
      %parallel_loop3A_548 = arith.addf %parallel_loop3A_533, %parallel_loop3A_546 : vector<16xf32>
      %parallel_loop3A_549 = arith.addf %parallel_loop3A_547, %parallel_loop3A_548 : vector<16xf32>
      %parallel_loop3A_550 = arith.constant 0 : i32
      %parallel_loop3A_551 = arith.addi %parallel_loop3A_550, %parallel_loop3A_58 : i32
      %parallel_loop3A_552 = arith.index_cast %parallel_loop3A_551 : i32 to index
      %parallel_loop3A_553 = arith.constant 112 : index
      %parallel_loop3A_554 = tpu.vector_load %arg12[%parallel_loop3A_552, %parallel_loop3A_553] {strides = array<i32>} : memref<16x256xf32, #tpu.memory_space<vmem>>, vector<1x16xf32>,
      %parallel_loop3A_555 = vector.shape_cast %parallel_loop3A_554 : vector<1x16xf32> to vector<16xf32>
      %parallel_loop3A_556 = vector.shape_cast %parallel_loop3A_549 : vector<16xf32> to vector<1x16xf32>
      tpu.vector_store %arg12[%parallel_loop3A_552, %parallel_loop3A_553], %parallel_loop3A_556 {strides = array<i32>} : memref<16x256xf32, #tpu.memory_space<vmem>>, vector<1x16xf32>,
      %parallel_loop3A_557 = arith.constant 0 : i32
      %parallel_loop3A_558 = arith.addi %parallel_loop3A_60, %parallel_loop3A_557 : i32
      %parallel_loop3A_559 = arith.index_cast %parallel_loop3A_558 : i32 to index
      %parallel_loop3A_560 = arith.constant 128 : index
      %parallel_loop3A_561 = tpu.vector_load %arg10[%parallel_loop3A_559, %parallel_loop3A_560] {strides = array<i32>} : memref<128x256xf32, #tpu.memory_space<vmem>>, vector<1x16xf32>,
      %parallel_loop3A_562 = vector.shape_cast %parallel_loop3A_561 : vector<1x16xf32> to vector<16xf32>
      %parallel_loop3A_563 = arith.constant 1 : i32
      %parallel_loop3A_564 = arith.addi %parallel_loop3A_60, %parallel_loop3A_563 : i32
      %parallel_loop3A_565 = arith.index_cast %parallel_loop3A_564 : i32 to index
      %parallel_loop3A_566 = arith.constant 128 : index
      %parallel_loop3A_567 = tpu.vector_load %arg10[%parallel_loop3A_565, %parallel_loop3A_566] {strides = array<i32>} : memref<128x256xf32, #tpu.memory_space<vmem>>, vector<1x16xf32>,
      %parallel_loop3A_568 = vector.shape_cast %parallel_loop3A_567 : vector<1x16xf32> to vector<16xf32>
      %parallel_loop3A_569 = arith.addf %parallel_loop3A_562, %parallel_loop3A_568 : vector<16xf32>
      %parallel_loop3A_570 = arith.constant 2 : i32
      %parallel_loop3A_571 = arith.addi %parallel_loop3A_60, %parallel_loop3A_570 : i32
      %parallel_loop3A_572 = arith.index_cast %parallel_loop3A_571 : i32 to index
      %parallel_loop3A_573 = arith.constant 128 : index
      %parallel_loop3A_574 = tpu.vector_load %arg10[%parallel_loop3A_572, %parallel_loop3A_573] {strides = array<i32>} : memref<128x256xf32, #tpu.memory_space<vmem>>, vector<1x16xf32>,
      %parallel_loop3A_575 = vector.shape_cast %parallel_loop3A_574 : vector<1x16xf32> to vector<16xf32>
      %parallel_loop3A_576 = arith.constant 3 : i32
      %parallel_loop3A_577 = arith.addi %parallel_loop3A_60, %parallel_loop3A_576 : i32
      %parallel_loop3A_578 = arith.index_cast %parallel_loop3A_577 : i32 to index
      %parallel_loop3A_579 = arith.constant 128 : index
      %parallel_loop3A_580 = tpu.vector_load %arg10[%parallel_loop3A_578, %parallel_loop3A_579] {strides = array<i32>} : memref<128x256xf32, #tpu.memory_space<vmem>>, vector<1x16xf32>,
      %parallel_loop3A_581 = vector.shape_cast %parallel_loop3A_580 : vector<1x16xf32> to vector<16xf32>
      %parallel_loop3A_582 = arith.addf %parallel_loop3A_575, %parallel_loop3A_581 : vector<16xf32>
      %parallel_loop3A_583 = arith.constant 4 : i32
      %parallel_loop3A_584 = arith.addi %parallel_loop3A_60, %parallel_loop3A_583 : i32
      %parallel_loop3A_585 = arith.index_cast %parallel_loop3A_584 : i32 to index
      %parallel_loop3A_586 = arith.constant 128 : index
      %parallel_loop3A_587 = tpu.vector_load %arg10[%parallel_loop3A_585, %parallel_loop3A_586] {strides = array<i32>} : memref<128x256xf32, #tpu.memory_space<vmem>>, vector<1x16xf32>,
      %parallel_loop3A_588 = vector.shape_cast %parallel_loop3A_587 : vector<1x16xf32> to vector<16xf32>
      %parallel_loop3A_589 = arith.constant 5 : i32
      %parallel_loop3A_590 = arith.addi %parallel_loop3A_60, %parallel_loop3A_589 : i32
      %parallel_loop3A_591 = arith.index_cast %parallel_loop3A_590 : i32 to index
      %parallel_loop3A_592 = arith.constant 128 : index
      %parallel_loop3A_593 = tpu.vector_load %arg10[%parallel_loop3A_591, %parallel_loop3A_592] {strides = array<i32>} : memref<128x256xf32, #tpu.memory_space<vmem>>, vector<1x16xf32>,
      %parallel_loop3A_594 = vector.shape_cast %parallel_loop3A_593 : vector<1x16xf32> to vector<16xf32>
      %parallel_loop3A_595 = arith.addf %parallel_loop3A_588, %parallel_loop3A_594 : vector<16xf32>
      %parallel_loop3A_596 = arith.constant 6 : i32
      %parallel_loop3A_597 = arith.addi %parallel_loop3A_60, %parallel_loop3A_596 : i32
      %parallel_loop3A_598 = arith.index_cast %parallel_loop3A_597 : i32 to index
      %parallel_loop3A_599 = arith.constant 128 : index
      %parallel_loop3A_600 = tpu.vector_load %arg10[%parallel_loop3A_598, %parallel_loop3A_599] {strides = array<i32>} : memref<128x256xf32, #tpu.memory_space<vmem>>, vector<1x16xf32>,
      %parallel_loop3A_601 = vector.shape_cast %parallel_loop3A_600 : vector<1x16xf32> to vector<16xf32>
      %parallel_loop3A_602 = arith.constant 7 : i32
      %parallel_loop3A_603 = arith.addi %parallel_loop3A_60, %parallel_loop3A_602 : i32
      %parallel_loop3A_604 = arith.index_cast %parallel_loop3A_603 : i32 to index
      %parallel_loop3A_605 = arith.constant 128 : index
      %parallel_loop3A_606 = tpu.vector_load %arg10[%parallel_loop3A_604, %parallel_loop3A_605] {strides = array<i32>} : memref<128x256xf32, #tpu.memory_space<vmem>>, vector<1x16xf32>,
      %parallel_loop3A_607 = vector.shape_cast %parallel_loop3A_606 : vector<1x16xf32> to vector<16xf32>
      %parallel_loop3A_608 = arith.addf %parallel_loop3A_601, %parallel_loop3A_607 : vector<16xf32>
      %parallel_loop3A_609 = arith.addf %parallel_loop3A_569, %parallel_loop3A_582 : vector<16xf32>
      %parallel_loop3A_610 = arith.addf %parallel_loop3A_595, %parallel_loop3A_608 : vector<16xf32>
      %parallel_loop3A_611 = arith.addf %parallel_loop3A_609, %parallel_loop3A_610 : vector<16xf32>
      %parallel_loop3A_612 = arith.constant 0 : i32
      %parallel_loop3A_613 = arith.addi %parallel_loop3A_612, %parallel_loop3A_58 : i32
      %parallel_loop3A_614 = arith.index_cast %parallel_loop3A_613 : i32 to index
      %parallel_loop3A_615 = arith.constant 128 : index
      %parallel_loop3A_616 = tpu.vector_load %arg12[%parallel_loop3A_614, %parallel_loop3A_615] {strides = array<i32>} : memref<16x256xf32, #tpu.memory_space<vmem>>, vector<1x16xf32>,
      %parallel_loop3A_617 = vector.shape_cast %parallel_loop3A_616 : vector<1x16xf32> to vector<16xf32>
      %parallel_loop3A_618 = vector.shape_cast %parallel_loop3A_611 : vector<16xf32> to vector<1x16xf32>
      tpu.vector_store %arg12[%parallel_loop3A_614, %parallel_loop3A_615], %parallel_loop3A_618 {strides = array<i32>} : memref<16x256xf32, #tpu.memory_space<vmem>>, vector<1x16xf32>,
      %parallel_loop3A_619 = arith.constant 0 : i32
      %parallel_loop3A_620 = arith.addi %parallel_loop3A_60, %parallel_loop3A_619 : i32
      %parallel_loop3A_621 = arith.index_cast %parallel_loop3A_620 : i32 to index
      %parallel_loop3A_622 = arith.constant 144 : index
      %parallel_loop3A_623 = tpu.vector_load %arg10[%parallel_loop3A_621, %parallel_loop3A_622] {strides = array<i32>} : memref<128x256xf32, #tpu.memory_space<vmem>>, vector<1x16xf32>,
      %parallel_loop3A_624 = vector.shape_cast %parallel_loop3A_623 : vector<1x16xf32> to vector<16xf32>
      %parallel_loop3A_625 = arith.constant 1 : i32
      %parallel_loop3A_626 = arith.addi %parallel_loop3A_60, %parallel_loop3A_625 : i32
      %parallel_loop3A_627 = arith.index_cast %parallel_loop3A_626 : i32 to index
      %parallel_loop3A_628 = arith.constant 144 : index
      %parallel_loop3A_629 = tpu.vector_load %arg10[%parallel_loop3A_627, %parallel_loop3A_628] {strides = array<i32>} : memref<128x256xf32, #tpu.memory_space<vmem>>, vector<1x16xf32>,
      %parallel_loop3A_630 = vector.shape_cast %parallel_loop3A_629 : vector<1x16xf32> to vector<16xf32>
      %parallel_loop3A_631 = arith.addf %parallel_loop3A_624, %parallel_loop3A_630 : vector<16xf32>
      %parallel_loop3A_632 = arith.constant 2 : i32
      %parallel_loop3A_633 = arith.addi %parallel_loop3A_60, %parallel_loop3A_632 : i32
      %parallel_loop3A_634 = arith.index_cast %parallel_loop3A_633 : i32 to index
      %parallel_loop3A_635 = arith.constant 144 : index
      %parallel_loop3A_636 = tpu.vector_load %arg10[%parallel_loop3A_634, %parallel_loop3A_635] {strides = array<i32>} : memref<128x256xf32, #tpu.memory_space<vmem>>, vector<1x16xf32>,
      %parallel_loop3A_637 = vector.shape_cast %parallel_loop3A_636 : vector<1x16xf32> to vector<16xf32>
      %parallel_loop3A_638 = arith.constant 3 : i32
      %parallel_loop3A_639 = arith.addi %parallel_loop3A_60, %parallel_loop3A_638 : i32
      %parallel_loop3A_640 = arith.index_cast %parallel_loop3A_639 : i32 to index
      %parallel_loop3A_641 = arith.constant 144 : index
      %parallel_loop3A_642 = tpu.vector_load %arg10[%parallel_loop3A_640, %parallel_loop3A_641] {strides = array<i32>} : memref<128x256xf32, #tpu.memory_space<vmem>>, vector<1x16xf32>,
      %parallel_loop3A_643 = vector.shape_cast %parallel_loop3A_642 : vector<1x16xf32> to vector<16xf32>
      %parallel_loop3A_644 = arith.addf %parallel_loop3A_637, %parallel_loop3A_643 : vector<16xf32>
      %parallel_loop3A_645 = arith.constant 4 : i32
      %parallel_loop3A_646 = arith.addi %parallel_loop3A_60, %parallel_loop3A_645 : i32
      %parallel_loop3A_647 = arith.index_cast %parallel_loop3A_646 : i32 to index
      %parallel_loop3A_648 = arith.constant 144 : index
      %parallel_loop3A_649 = tpu.vector_load %arg10[%parallel_loop3A_647, %parallel_loop3A_648] {strides = array<i32>} : memref<128x256xf32, #tpu.memory_space<vmem>>, vector<1x16xf32>,
      %parallel_loop3A_650 = vector.shape_cast %parallel_loop3A_649 : vector<1x16xf32> to vector<16xf32>
      %parallel_loop3A_651 = arith.constant 5 : i32
      %parallel_loop3A_652 = arith.addi %parallel_loop3A_60, %parallel_loop3A_651 : i32
      %parallel_loop3A_653 = arith.index_cast %parallel_loop3A_652 : i32 to index
      %parallel_loop3A_654 = arith.constant 144 : index
      %parallel_loop3A_655 = tpu.vector_load %arg10[%parallel_loop3A_653, %parallel_loop3A_654] {strides = array<i32>} : memref<128x256xf32, #tpu.memory_space<vmem>>, vector<1x16xf32>,
      %parallel_loop3A_656 = vector.shape_cast %parallel_loop3A_655 : vector<1x16xf32> to vector<16xf32>
      %parallel_loop3A_657 = arith.addf %parallel_loop3A_650, %parallel_loop3A_656 : vector<16xf32>
      %parallel_loop3A_658 = arith.constant 6 : i32
      %parallel_loop3A_659 = arith.addi %parallel_loop3A_60, %parallel_loop3A_658 : i32
      %parallel_loop3A_660 = arith.index_cast %parallel_loop3A_659 : i32 to index
      %parallel_loop3A_661 = arith.constant 144 : index
      %parallel_loop3A_662 = tpu.vector_load %arg10[%parallel_loop3A_660, %parallel_loop3A_661] {strides = array<i32>} : memref<128x256xf32, #tpu.memory_space<vmem>>, vector<1x16xf32>,
      %parallel_loop3A_663 = vector.shape_cast %parallel_loop3A_662 : vector<1x16xf32> to vector<16xf32>
      %parallel_loop3A_664 = arith.constant 7 : i32
      %parallel_loop3A_665 = arith.addi %parallel_loop3A_60, %parallel_loop3A_664 : i32
      %parallel_loop3A_666 = arith.index_cast %parallel_loop3A_665 : i32 to index
      %parallel_loop3A_667 = arith.constant 144 : index
      %parallel_loop3A_668 = tpu.vector_load %arg10[%parallel_loop3A_666, %parallel_loop3A_667] {strides = array<i32>} : memref<128x256xf32, #tpu.memory_space<vmem>>, vector<1x16xf32>,
      %parallel_loop3A_669 = vector.shape_cast %parallel_loop3A_668 : vector<1x16xf32> to vector<16xf32>
      %parallel_loop3A_670 = arith.addf %parallel_loop3A_663, %parallel_loop3A_669 : vector<16xf32>
      %parallel_loop3A_671 = arith.addf %parallel_loop3A_631, %parallel_loop3A_644 : vector<16xf32>
      %parallel_loop3A_672 = arith.addf %parallel_loop3A_657, %parallel_loop3A_670 : vector<16xf32>
      %parallel_loop3A_673 = arith.addf %parallel_loop3A_671, %parallel_loop3A_672 : vector<16xf32>
      %parallel_loop3A_674 = arith.constant 0 : i32
      %parallel_loop3A_675 = arith.addi %parallel_loop3A_674, %parallel_loop3A_58 : i32
      %parallel_loop3A_676 = arith.index_cast %parallel_loop3A_675 : i32 to index
      %parallel_loop3A_677 = arith.constant 144 : index
      %parallel_loop3A_678 = tpu.vector_load %arg12[%parallel_loop3A_676, %parallel_loop3A_677] {strides = array<i32>} : memref<16x256xf32, #tpu.memory_space<vmem>>, vector<1x16xf32>,
      %parallel_loop3A_679 = vector.shape_cast %parallel_loop3A_678 : vector<1x16xf32> to vector<16xf32>
      %parallel_loop3A_680 = vector.shape_cast %parallel_loop3A_673 : vector<16xf32> to vector<1x16xf32>
      tpu.vector_store %arg12[%parallel_loop3A_676, %parallel_loop3A_677], %parallel_loop3A_680 {strides = array<i32>} : memref<16x256xf32, #tpu.memory_space<vmem>>, vector<1x16xf32>,
      %parallel_loop3A_681 = arith.constant 0 : i32
      %parallel_loop3A_682 = arith.addi %parallel_loop3A_60, %parallel_loop3A_681 : i32
      %parallel_loop3A_683 = arith.index_cast %parallel_loop3A_682 : i32 to index
      %parallel_loop3A_684 = arith.constant 160 : index
      %parallel_loop3A_685 = tpu.vector_load %arg10[%parallel_loop3A_683, %parallel_loop3A_684] {strides = array<i32>} : memref<128x256xf32, #tpu.memory_space<vmem>>, vector<1x16xf32>,
      %parallel_loop3A_686 = vector.shape_cast %parallel_loop3A_685 : vector<1x16xf32> to vector<16xf32>
      %parallel_loop3A_687 = arith.constant 1 : i32
      %parallel_loop3A_688 = arith.addi %parallel_loop3A_60, %parallel_loop3A_687 : i32
      %parallel_loop3A_689 = arith.index_cast %parallel_loop3A_688 : i32 to index
      %parallel_loop3A_690 = arith.constant 160 : index
      %parallel_loop3A_691 = tpu.vector_load %arg10[%parallel_loop3A_689, %parallel_loop3A_690] {strides = array<i32>} : memref<128x256xf32, #tpu.memory_space<vmem>>, vector<1x16xf32>,
      %parallel_loop3A_692 = vector.shape_cast %parallel_loop3A_691 : vector<1x16xf32> to vector<16xf32>
      %parallel_loop3A_693 = arith.addf %parallel_loop3A_686, %parallel_loop3A_692 : vector<16xf32>
      %parallel_loop3A_694 = arith.constant 2 : i32
      %parallel_loop3A_695 = arith.addi %parallel_loop3A_60, %parallel_loop3A_694 : i32
      %parallel_loop3A_696 = arith.index_cast %parallel_loop3A_695 : i32 to index
      %parallel_loop3A_697 = arith.constant 160 : index
      %parallel_loop3A_698 = tpu.vector_load %arg10[%parallel_loop3A_696, %parallel_loop3A_697] {strides = array<i32>} : memref<128x256xf32, #tpu.memory_space<vmem>>, vector<1x16xf32>,
      %parallel_loop3A_699 = vector.shape_cast %parallel_loop3A_698 : vector<1x16xf32> to vector<16xf32>
      %parallel_loop3A_700 = arith.constant 3 : i32
      %parallel_loop3A_701 = arith.addi %parallel_loop3A_60, %parallel_loop3A_700 : i32
      %parallel_loop3A_702 = arith.index_cast %parallel_loop3A_701 : i32 to index
      %parallel_loop3A_703 = arith.constant 160 : index
      %parallel_loop3A_704 = tpu.vector_load %arg10[%parallel_loop3A_702, %parallel_loop3A_703] {strides = array<i32>} : memref<128x256xf32, #tpu.memory_space<vmem>>, vector<1x16xf32>,
      %parallel_loop3A_705 = vector.shape_cast %parallel_loop3A_704 : vector<1x16xf32> to vector<16xf32>
      %parallel_loop3A_706 = arith.addf %parallel_loop3A_699, %parallel_loop3A_705 : vector<16xf32>
      %parallel_loop3A_707 = arith.constant 4 : i32
      %parallel_loop3A_708 = arith.addi %parallel_loop3A_60, %parallel_loop3A_707 : i32
      %parallel_loop3A_709 = arith.index_cast %parallel_loop3A_708 : i32 to index
      %parallel_loop3A_710 = arith.constant 160 : index
      %parallel_loop3A_711 = tpu.vector_load %arg10[%parallel_loop3A_709, %parallel_loop3A_710] {strides = array<i32>} : memref<128x256xf32, #tpu.memory_space<vmem>>, vector<1x16xf32>,
      %parallel_loop3A_712 = vector.shape_cast %parallel_loop3A_711 : vector<1x16xf32> to vector<16xf32>
      %parallel_loop3A_713 = arith.constant 5 : i32
      %parallel_loop3A_714 = arith.addi %parallel_loop3A_60, %parallel_loop3A_713 : i32
      %parallel_loop3A_715 = arith.index_cast %parallel_loop3A_714 : i32 to index
      %parallel_loop3A_716 = arith.constant 160 : index
      %parallel_loop3A_717 = tpu.vector_load %arg10[%parallel_loop3A_715, %parallel_loop3A_716] {strides = array<i32>} : memref<128x256xf32, #tpu.memory_space<vmem>>, vector<1x16xf32>,
      %parallel_loop3A_718 = vector.shape_cast %parallel_loop3A_717 : vector<1x16xf32> to vector<16xf32>
      %parallel_loop3A_719 = arith.addf %parallel_loop3A_712, %parallel_loop3A_718 : vector<16xf32>
      %parallel_loop3A_720 = arith.constant 6 : i32
      %parallel_loop3A_721 = arith.addi %parallel_loop3A_60, %parallel_loop3A_720 : i32
      %parallel_loop3A_722 = arith.index_cast %parallel_loop3A_721 : i32 to index
      %parallel_loop3A_723 = arith.constant 160 : index
      %parallel_loop3A_724 = tpu.vector_load %arg10[%parallel_loop3A_722, %parallel_loop3A_723] {strides = array<i32>} : memref<128x256xf32, #tpu.memory_space<vmem>>, vector<1x16xf32>,
      %parallel_loop3A_725 = vector.shape_cast %parallel_loop3A_724 : vector<1x16xf32> to vector<16xf32>
      %parallel_loop3A_726 = arith.constant 7 : i32
      %parallel_loop3A_727 = arith.addi %parallel_loop3A_60, %parallel_loop3A_726 : i32
      %parallel_loop3A_728 = arith.index_cast %parallel_loop3A_727 : i32 to index
      %parallel_loop3A_729 = arith.constant 160 : index
      %parallel_loop3A_730 = tpu.vector_load %arg10[%parallel_loop3A_728, %parallel_loop3A_729] {strides = array<i32>} : memref<128x256xf32, #tpu.memory_space<vmem>>, vector<1x16xf32>,
      %parallel_loop3A_731 = vector.shape_cast %parallel_loop3A_730 : vector<1x16xf32> to vector<16xf32>
      %parallel_loop3A_732 = arith.addf %parallel_loop3A_725, %parallel_loop3A_731 : vector<16xf32>
      %parallel_loop3A_733 = arith.addf %parallel_loop3A_693, %parallel_loop3A_706 : vector<16xf32>
      %parallel_loop3A_734 = arith.addf %parallel_loop3A_719, %parallel_loop3A_732 : vector<16xf32>
      %parallel_loop3A_735 = arith.addf %parallel_loop3A_733, %parallel_loop3A_734 : vector<16xf32>
      %parallel_loop3A_736 = arith.constant 0 : i32
      %parallel_loop3A_737 = arith.addi %parallel_loop3A_736, %parallel_loop3A_58 : i32
      %parallel_loop3A_738 = arith.index_cast %parallel_loop3A_737 : i32 to index
      %parallel_loop3A_739 = arith.constant 160 : index
      %parallel_loop3A_740 = tpu.vector_load %arg12[%parallel_loop3A_738, %parallel_loop3A_739] {strides = array<i32>} : memref<16x256xf32, #tpu.memory_space<vmem>>, vector<1x16xf32>,
      %parallel_loop3A_741 = vector.shape_cast %parallel_loop3A_740 : vector<1x16xf32> to vector<16xf32>
      %parallel_loop3A_742 = vector.shape_cast %parallel_loop3A_735 : vector<16xf32> to vector<1x16xf32>
      tpu.vector_store %arg12[%parallel_loop3A_738, %parallel_loop3A_739], %parallel_loop3A_742 {strides = array<i32>} : memref<16x256xf32, #tpu.memory_space<vmem>>, vector<1x16xf32>,
      %parallel_loop3A_743 = arith.constant 0 : i32
      %parallel_loop3A_744 = arith.addi %parallel_loop3A_60, %parallel_loop3A_743 : i32
      %parallel_loop3A_745 = arith.index_cast %parallel_loop3A_744 : i32 to index
      %parallel_loop3A_746 = arith.constant 176 : index
      %parallel_loop3A_747 = tpu.vector_load %arg10[%parallel_loop3A_745, %parallel_loop3A_746] {strides = array<i32>} : memref<128x256xf32, #tpu.memory_space<vmem>>, vector<1x16xf32>,
      %parallel_loop3A_748 = vector.shape_cast %parallel_loop3A_747 : vector<1x16xf32> to vector<16xf32>
      %parallel_loop3A_749 = arith.constant 1 : i32
      %parallel_loop3A_750 = arith.addi %parallel_loop3A_60, %parallel_loop3A_749 : i32
      %parallel_loop3A_751 = arith.index_cast %parallel_loop3A_750 : i32 to index
      %parallel_loop3A_752 = arith.constant 176 : index
      %parallel_loop3A_753 = tpu.vector_load %arg10[%parallel_loop3A_751, %parallel_loop3A_752] {strides = array<i32>} : memref<128x256xf32, #tpu.memory_space<vmem>>, vector<1x16xf32>,
      %parallel_loop3A_754 = vector.shape_cast %parallel_loop3A_753 : vector<1x16xf32> to vector<16xf32>
      %parallel_loop3A_755 = arith.addf %parallel_loop3A_748, %parallel_loop3A_754 : vector<16xf32>
      %parallel_loop3A_756 = arith.constant 2 : i32
      %parallel_loop3A_757 = arith.addi %parallel_loop3A_60, %parallel_loop3A_756 : i32
      %parallel_loop3A_758 = arith.index_cast %parallel_loop3A_757 : i32 to index
      %parallel_loop3A_759 = arith.constant 176 : index
      %parallel_loop3A_760 = tpu.vector_load %arg10[%parallel_loop3A_758, %parallel_loop3A_759] {strides = array<i32>} : memref<128x256xf32, #tpu.memory_space<vmem>>, vector<1x16xf32>,
      %parallel_loop3A_761 = vector.shape_cast %parallel_loop3A_760 : vector<1x16xf32> to vector<16xf32>
      %parallel_loop3A_762 = arith.constant 3 : i32
      %parallel_loop3A_763 = arith.addi %parallel_loop3A_60, %parallel_loop3A_762 : i32
      %parallel_loop3A_764 = arith.index_cast %parallel_loop3A_763 : i32 to index
      %parallel_loop3A_765 = arith.constant 176 : index
      %parallel_loop3A_766 = tpu.vector_load %arg10[%parallel_loop3A_764, %parallel_loop3A_765] {strides = array<i32>} : memref<128x256xf32, #tpu.memory_space<vmem>>, vector<1x16xf32>,
      %parallel_loop3A_767 = vector.shape_cast %parallel_loop3A_766 : vector<1x16xf32> to vector<16xf32>
      %parallel_loop3A_768 = arith.addf %parallel_loop3A_761, %parallel_loop3A_767 : vector<16xf32>
      %parallel_loop3A_769 = arith.constant 4 : i32
      %parallel_loop3A_770 = arith.addi %parallel_loop3A_60, %parallel_loop3A_769 : i32
      %parallel_loop3A_771 = arith.index_cast %parallel_loop3A_770 : i32 to index
      %parallel_loop3A_772 = arith.constant 176 : index
      %parallel_loop3A_773 = tpu.vector_load %arg10[%parallel_loop3A_771, %parallel_loop3A_772] {strides = array<i32>} : memref<128x256xf32, #tpu.memory_space<vmem>>, vector<1x16xf32>,
      %parallel_loop3A_774 = vector.shape_cast %parallel_loop3A_773 : vector<1x16xf32> to vector<16xf32>
      %parallel_loop3A_775 = arith.constant 5 : i32
      %parallel_loop3A_776 = arith.addi %parallel_loop3A_60, %parallel_loop3A_775 : i32
      %parallel_loop3A_777 = arith.index_cast %parallel_loop3A_776 : i32 to index
      %parallel_loop3A_778 = arith.constant 176 : index
      %parallel_loop3A_779 = tpu.vector_load %arg10[%parallel_loop3A_777, %parallel_loop3A_778] {strides = array<i32>} : memref<128x256xf32, #tpu.memory_space<vmem>>, vector<1x16xf32>,
      %parallel_loop3A_780 = vector.shape_cast %parallel_loop3A_779 : vector<1x16xf32> to vector<16xf32>
      %parallel_loop3A_781 = arith.addf %parallel_loop3A_774, %parallel_loop3A_780 : vector<16xf32>
      %parallel_loop3A_782 = arith.constant 6 : i32
      %parallel_loop3A_783 = arith.addi %parallel_loop3A_60, %parallel_loop3A_782 : i32
      %parallel_loop3A_784 = arith.index_cast %parallel_loop3A_783 : i32 to index
      %parallel_loop3A_785 = arith.constant 176 : index
      %parallel_loop3A_786 = tpu.vector_load %arg10[%parallel_loop3A_784, %parallel_loop3A_785] {strides = array<i32>} : memref<128x256xf32, #tpu.memory_space<vmem>>, vector<1x16xf32>,
      %parallel_loop3A_787 = vector.shape_cast %parallel_loop3A_786 : vector<1x16xf32> to vector<16xf32>
      %parallel_loop3A_788 = arith.constant 7 : i32
      %parallel_loop3A_789 = arith.addi %parallel_loop3A_60, %parallel_loop3A_788 : i32
      %parallel_loop3A_790 = arith.index_cast %parallel_loop3A_789 : i32 to index
      %parallel_loop3A_791 = arith.constant 176 : index
      %parallel_loop3A_792 = tpu.vector_load %arg10[%parallel_loop3A_790, %parallel_loop3A_791] {strides = array<i32>} : memref<128x256xf32, #tpu.memory_space<vmem>>, vector<1x16xf32>,
      %parallel_loop3A_793 = vector.shape_cast %parallel_loop3A_792 : vector<1x16xf32> to vector<16xf32>
      %parallel_loop3A_794 = arith.addf %parallel_loop3A_787, %parallel_loop3A_793 : vector<16xf32>
      %parallel_loop3A_795 = arith.addf %parallel_loop3A_755, %parallel_loop3A_768 : vector<16xf32>
      %parallel_loop3A_796 = arith.addf %parallel_loop3A_781, %parallel_loop3A_794 : vector<16xf32>
      %parallel_loop3A_797 = arith.addf %parallel_loop3A_795, %parallel_loop3A_796 : vector<16xf32>
      %parallel_loop3A_798 = arith.constant 0 : i32
      %parallel_loop3A_799 = arith.addi %parallel_loop3A_798, %parallel_loop3A_58 : i32
      %parallel_loop3A_800 = arith.index_cast %parallel_loop3A_799 : i32 to index
      %parallel_loop3A_801 = arith.constant 176 : index
      %parallel_loop3A_802 = tpu.vector_load %arg12[%parallel_loop3A_800, %parallel_loop3A_801] {strides = array<i32>} : memref<16x256xf32, #tpu.memory_space<vmem>>, vector<1x16xf32>,
      %parallel_loop3A_803 = vector.shape_cast %parallel_loop3A_802 : vector<1x16xf32> to vector<16xf32>
      %parallel_loop3A_804 = vector.shape_cast %parallel_loop3A_797 : vector<16xf32> to vector<1x16xf32>
      tpu.vector_store %arg12[%parallel_loop3A_800, %parallel_loop3A_801], %parallel_loop3A_804 {strides = array<i32>} : memref<16x256xf32, #tpu.memory_space<vmem>>, vector<1x16xf32>,
      %parallel_loop3A_805 = arith.constant 0 : i32
      %parallel_loop3A_806 = arith.addi %parallel_loop3A_60, %parallel_loop3A_805 : i32
      %parallel_loop3A_807 = arith.index_cast %parallel_loop3A_806 : i32 to index
      %parallel_loop3A_808 = arith.constant 192 : index
      %parallel_loop3A_809 = tpu.vector_load %arg10[%parallel_loop3A_807, %parallel_loop3A_808] {strides = array<i32>} : memref<128x256xf32, #tpu.memory_space<vmem>>, vector<1x16xf32>,
      %parallel_loop3A_810 = vector.shape_cast %parallel_loop3A_809 : vector<1x16xf32> to vector<16xf32>
      %parallel_loop3A_811 = arith.constant 1 : i32
      %parallel_loop3A_812 = arith.addi %parallel_loop3A_60, %parallel_loop3A_811 : i32
      %parallel_loop3A_813 = arith.index_cast %parallel_loop3A_812 : i32 to index
      %parallel_loop3A_814 = arith.constant 192 : index
      %parallel_loop3A_815 = tpu.vector_load %arg10[%parallel_loop3A_813, %parallel_loop3A_814] {strides = array<i32>} : memref<128x256xf32, #tpu.memory_space<vmem>>, vector<1x16xf32>,
      %parallel_loop3A_816 = vector.shape_cast %parallel_loop3A_815 : vector<1x16xf32> to vector<16xf32>
      %parallel_loop3A_817 = arith.addf %parallel_loop3A_810, %parallel_loop3A_816 : vector<16xf32>
      %parallel_loop3A_818 = arith.constant 2 : i32
      %parallel_loop3A_819 = arith.addi %parallel_loop3A_60, %parallel_loop3A_818 : i32
      %parallel_loop3A_820 = arith.index_cast %parallel_loop3A_819 : i32 to index
      %parallel_loop3A_821 = arith.constant 192 : index
      %parallel_loop3A_822 = tpu.vector_load %arg10[%parallel_loop3A_820, %parallel_loop3A_821] {strides = array<i32>} : memref<128x256xf32, #tpu.memory_space<vmem>>, vector<1x16xf32>,
      %parallel_loop3A_823 = vector.shape_cast %parallel_loop3A_822 : vector<1x16xf32> to vector<16xf32>
      %parallel_loop3A_824 = arith.constant 3 : i32
      %parallel_loop3A_825 = arith.addi %parallel_loop3A_60, %parallel_loop3A_824 : i32
      %parallel_loop3A_826 = arith.index_cast %parallel_loop3A_825 : i32 to index
      %parallel_loop3A_827 = arith.constant 192 : index
      %parallel_loop3A_828 = tpu.vector_load %arg10[%parallel_loop3A_826, %parallel_loop3A_827] {strides = array<i32>} : memref<128x256xf32, #tpu.memory_space<vmem>>, vector<1x16xf32>,
      %parallel_loop3A_829 = vector.shape_cast %parallel_loop3A_828 : vector<1x16xf32> to vector<16xf32>
      %parallel_loop3A_830 = arith.addf %parallel_loop3A_823, %parallel_loop3A_829 : vector<16xf32>
      %parallel_loop3A_831 = arith.constant 4 : i32
      %parallel_loop3A_832 = arith.addi %parallel_loop3A_60, %parallel_loop3A_831 : i32
      %parallel_loop3A_833 = arith.index_cast %parallel_loop3A_832 : i32 to index
      %parallel_loop3A_834 = arith.constant 192 : index
      %parallel_loop3A_835 = tpu.vector_load %arg10[%parallel_loop3A_833, %parallel_loop3A_834] {strides = array<i32>} : memref<128x256xf32, #tpu.memory_space<vmem>>, vector<1x16xf32>,
      %parallel_loop3A_836 = vector.shape_cast %parallel_loop3A_835 : vector<1x16xf32> to vector<16xf32>
      %parallel_loop3A_837 = arith.constant 5 : i32
      %parallel_loop3A_838 = arith.addi %parallel_loop3A_60, %parallel_loop3A_837 : i32
      %parallel_loop3A_839 = arith.index_cast %parallel_loop3A_838 : i32 to index
      %parallel_loop3A_840 = arith.constant 192 : index
      %parallel_loop3A_841 = tpu.vector_load %arg10[%parallel_loop3A_839, %parallel_loop3A_840] {strides = array<i32>} : memref<128x256xf32, #tpu.memory_space<vmem>>, vector<1x16xf32>,
      %parallel_loop3A_842 = vector.shape_cast %parallel_loop3A_841 : vector<1x16xf32> to vector<16xf32>
      %parallel_loop3A_843 = arith.addf %parallel_loop3A_836, %parallel_loop3A_842 : vector<16xf32>
      %parallel_loop3A_844 = arith.constant 6 : i32
      %parallel_loop3A_845 = arith.addi %parallel_loop3A_60, %parallel_loop3A_844 : i32
      %parallel_loop3A_846 = arith.index_cast %parallel_loop3A_845 : i32 to index
      %parallel_loop3A_847 = arith.constant 192 : index
      %parallel_loop3A_848 = tpu.vector_load %arg10[%parallel_loop3A_846, %parallel_loop3A_847] {strides = array<i32>} : memref<128x256xf32, #tpu.memory_space<vmem>>, vector<1x16xf32>,
      %parallel_loop3A_849 = vector.shape_cast %parallel_loop3A_848 : vector<1x16xf32> to vector<16xf32>
      %parallel_loop3A_850 = arith.constant 7 : i32
      %parallel_loop3A_851 = arith.addi %parallel_loop3A_60, %parallel_loop3A_850 : i32
      %parallel_loop3A_852 = arith.index_cast %parallel_loop3A_851 : i32 to index
      %parallel_loop3A_853 = arith.constant 192 : index
      %parallel_loop3A_854 = tpu.vector_load %arg10[%parallel_loop3A_852, %parallel_loop3A_853] {strides = array<i32>} : memref<128x256xf32, #tpu.memory_space<vmem>>, vector<1x16xf32>,
      %parallel_loop3A_855 = vector.shape_cast %parallel_loop3A_854 : vector<1x16xf32> to vector<16xf32>
      %parallel_loop3A_856 = arith.addf %parallel_loop3A_849, %parallel_loop3A_855 : vector<16xf32>
      %parallel_loop3A_857 = arith.addf %parallel_loop3A_817, %parallel_loop3A_830 : vector<16xf32>
      %parallel_loop3A_858 = arith.addf %parallel_loop3A_843, %parallel_loop3A_856 : vector<16xf32>
      %parallel_loop3A_859 = arith.addf %parallel_loop3A_857, %parallel_loop3A_858 : vector<16xf32>
      %parallel_loop3A_860 = arith.constant 0 : i32
      %parallel_loop3A_861 = arith.addi %parallel_loop3A_860, %parallel_loop3A_58 : i32
      %parallel_loop3A_862 = arith.index_cast %parallel_loop3A_861 : i32 to index
      %parallel_loop3A_863 = arith.constant 192 : index
      %parallel_loop3A_864 = tpu.vector_load %arg12[%parallel_loop3A_862, %parallel_loop3A_863] {strides = array<i32>} : memref<16x256xf32, #tpu.memory_space<vmem>>, vector<1x16xf32>,
      %parallel_loop3A_865 = vector.shape_cast %parallel_loop3A_864 : vector<1x16xf32> to vector<16xf32>
      %parallel_loop3A_866 = vector.shape_cast %parallel_loop3A_859 : vector<16xf32> to vector<1x16xf32>
      tpu.vector_store %arg12[%parallel_loop3A_862, %parallel_loop3A_863], %parallel_loop3A_866 {strides = array<i32>} : memref<16x256xf32, #tpu.memory_space<vmem>>, vector<1x16xf32>,
      %parallel_loop3A_867 = arith.constant 0 : i32
      %parallel_loop3A_868 = arith.addi %parallel_loop3A_60, %parallel_loop3A_867 : i32
      %parallel_loop3A_869 = arith.index_cast %parallel_loop3A_868 : i32 to index
      %parallel_loop3A_870 = arith.constant 208 : index
      %parallel_loop3A_871 = tpu.vector_load %arg10[%parallel_loop3A_869, %parallel_loop3A_870] {strides = array<i32>} : memref<128x256xf32, #tpu.memory_space<vmem>>, vector<1x16xf32>,
      %parallel_loop3A_872 = vector.shape_cast %parallel_loop3A_871 : vector<1x16xf32> to vector<16xf32>
      %parallel_loop3A_873 = arith.constant 1 : i32
      %parallel_loop3A_874 = arith.addi %parallel_loop3A_60, %parallel_loop3A_873 : i32
      %parallel_loop3A_875 = arith.index_cast %parallel_loop3A_874 : i32 to index
      %parallel_loop3A_876 = arith.constant 208 : index
      %parallel_loop3A_877 = tpu.vector_load %arg10[%parallel_loop3A_875, %parallel_loop3A_876] {strides = array<i32>} : memref<128x256xf32, #tpu.memory_space<vmem>>, vector<1x16xf32>,
      %parallel_loop3A_878 = vector.shape_cast %parallel_loop3A_877 : vector<1x16xf32> to vector<16xf32>
      %parallel_loop3A_879 = arith.addf %parallel_loop3A_872, %parallel_loop3A_878 : vector<16xf32>
      %parallel_loop3A_880 = arith.constant 2 : i32
      %parallel_loop3A_881 = arith.addi %parallel_loop3A_60, %parallel_loop3A_880 : i32
      %parallel_loop3A_882 = arith.index_cast %parallel_loop3A_881 : i32 to index
      %parallel_loop3A_883 = arith.constant 208 : index
      %parallel_loop3A_884 = tpu.vector_load %arg10[%parallel_loop3A_882, %parallel_loop3A_883] {strides = array<i32>} : memref<128x256xf32, #tpu.memory_space<vmem>>, vector<1x16xf32>,
      %parallel_loop3A_885 = vector.shape_cast %parallel_loop3A_884 : vector<1x16xf32> to vector<16xf32>
      %parallel_loop3A_886 = arith.constant 3 : i32
      %parallel_loop3A_887 = arith.addi %parallel_loop3A_60, %parallel_loop3A_886 : i32
      %parallel_loop3A_888 = arith.index_cast %parallel_loop3A_887 : i32 to index
      %parallel_loop3A_889 = arith.constant 208 : index
      %parallel_loop3A_890 = tpu.vector_load %arg10[%parallel_loop3A_888, %parallel_loop3A_889] {strides = array<i32>} : memref<128x256xf32, #tpu.memory_space<vmem>>, vector<1x16xf32>,
      %parallel_loop3A_891 = vector.shape_cast %parallel_loop3A_890 : vector<1x16xf32> to vector<16xf32>
      %parallel_loop3A_892 = arith.addf %parallel_loop3A_885, %parallel_loop3A_891 : vector<16xf32>
      %parallel_loop3A_893 = arith.constant 4 : i32
      %parallel_loop3A_894 = arith.addi %parallel_loop3A_60, %parallel_loop3A_893 : i32
      %parallel_loop3A_895 = arith.index_cast %parallel_loop3A_894 : i32 to index
      %parallel_loop3A_896 = arith.constant 208 : index
      %parallel_loop3A_897 = tpu.vector_load %arg10[%parallel_loop3A_895, %parallel_loop3A_896] {strides = array<i32>} : memref<128x256xf32, #tpu.memory_space<vmem>>, vector<1x16xf32>,
      %parallel_loop3A_898 = vector.shape_cast %parallel_loop3A_897 : vector<1x16xf32> to vector<16xf32>
      %parallel_loop3A_899 = arith.constant 5 : i32
      %parallel_loop3A_900 = arith.addi %parallel_loop3A_60, %parallel_loop3A_899 : i32
      %parallel_loop3A_901 = arith.index_cast %parallel_loop3A_900 : i32 to index
      %parallel_loop3A_902 = arith.constant 208 : index
      %parallel_loop3A_903 = tpu.vector_load %arg10[%parallel_loop3A_901, %parallel_loop3A_902] {strides = array<i32>} : memref<128x256xf32, #tpu.memory_space<vmem>>, vector<1x16xf32>,
      %parallel_loop3A_904 = vector.shape_cast %parallel_loop3A_903 : vector<1x16xf32> to vector<16xf32>
      %parallel_loop3A_905 = arith.addf %parallel_loop3A_898, %parallel_loop3A_904 : vector<16xf32>
      %parallel_loop3A_906 = arith.constant 6 : i32
      %parallel_loop3A_907 = arith.addi %parallel_loop3A_60, %parallel_loop3A_906 : i32
      %parallel_loop3A_908 = arith.index_cast %parallel_loop3A_907 : i32 to index
      %parallel_loop3A_909 = arith.constant 208 : index
      %parallel_loop3A_910 = tpu.vector_load %arg10[%parallel_loop3A_908, %parallel_loop3A_909] {strides = array<i32>} : memref<128x256xf32, #tpu.memory_space<vmem>>, vector<1x16xf32>,
      %parallel_loop3A_911 = vector.shape_cast %parallel_loop3A_910 : vector<1x16xf32> to vector<16xf32>
      %parallel_loop3A_912 = arith.constant 7 : i32
      %parallel_loop3A_913 = arith.addi %parallel_loop3A_60, %parallel_loop3A_912 : i32
      %parallel_loop3A_914 = arith.index_cast %parallel_loop3A_913 : i32 to index
      %parallel_loop3A_915 = arith.constant 208 : index
      %parallel_loop3A_916 = tpu.vector_load %arg10[%parallel_loop3A_914, %parallel_loop3A_915] {strides = array<i32>} : memref<128x256xf32, #tpu.memory_space<vmem>>, vector<1x16xf32>,
      %parallel_loop3A_917 = vector.shape_cast %parallel_loop3A_916 : vector<1x16xf32> to vector<16xf32>
      %parallel_loop3A_918 = arith.addf %parallel_loop3A_911, %parallel_loop3A_917 : vector<16xf32>
      %parallel_loop3A_919 = arith.addf %parallel_loop3A_879, %parallel_loop3A_892 : vector<16xf32>
      %parallel_loop3A_920 = arith.addf %parallel_loop3A_905, %parallel_loop3A_918 : vector<16xf32>
      %parallel_loop3A_921 = arith.addf %parallel_loop3A_919, %parallel_loop3A_920 : vector<16xf32>
      %parallel_loop3A_922 = arith.constant 0 : i32
      %parallel_loop3A_923 = arith.addi %parallel_loop3A_922, %parallel_loop3A_58 : i32
      %parallel_loop3A_924 = arith.index_cast %parallel_loop3A_923 : i32 to index
      %parallel_loop3A_925 = arith.constant 208 : index
      %parallel_loop3A_926 = tpu.vector_load %arg12[%parallel_loop3A_924, %parallel_loop3A_925] {strides = array<i32>} : memref<16x256xf32, #tpu.memory_space<vmem>>, vector<1x16xf32>,
      %parallel_loop3A_927 = vector.shape_cast %parallel_loop3A_926 : vector<1x16xf32> to vector<16xf32>
      %parallel_loop3A_928 = vector.shape_cast %parallel_loop3A_921 : vector<16xf32> to vector<1x16xf32>
      tpu.vector_store %arg12[%parallel_loop3A_924, %parallel_loop3A_925], %parallel_loop3A_928 {strides = array<i32>} : memref<16x256xf32, #tpu.memory_space<vmem>>, vector<1x16xf32>,
      %parallel_loop3A_929 = arith.constant 0 : i32
      %parallel_loop3A_930 = arith.addi %parallel_loop3A_60, %parallel_loop3A_929 : i32
      %parallel_loop3A_931 = arith.index_cast %parallel_loop3A_930 : i32 to index
      %parallel_loop3A_932 = arith.constant 224 : index
      %parallel_loop3A_933 = tpu.vector_load %arg10[%parallel_loop3A_931, %parallel_loop3A_932] {strides = array<i32>} : memref<128x256xf32, #tpu.memory_space<vmem>>, vector<1x16xf32>,
      %parallel_loop3A_934 = vector.shape_cast %parallel_loop3A_933 : vector<1x16xf32> to vector<16xf32>
      %parallel_loop3A_935 = arith.constant 1 : i32
      %parallel_loop3A_936 = arith.addi %parallel_loop3A_60, %parallel_loop3A_935 : i32
      %parallel_loop3A_937 = arith.index_cast %parallel_loop3A_936 : i32 to index
      %parallel_loop3A_938 = arith.constant 224 : index
      %parallel_loop3A_939 = tpu.vector_load %arg10[%parallel_loop3A_937, %parallel_loop3A_938] {strides = array<i32>} : memref<128x256xf32, #tpu.memory_space<vmem>>, vector<1x16xf32>,
      %parallel_loop3A_940 = vector.shape_cast %parallel_loop3A_939 : vector<1x16xf32> to vector<16xf32>
      %parallel_loop3A_941 = arith.addf %parallel_loop3A_934, %parallel_loop3A_940 : vector<16xf32>
      %parallel_loop3A_942 = arith.constant 2 : i32
      %parallel_loop3A_943 = arith.addi %parallel_loop3A_60, %parallel_loop3A_942 : i32
      %parallel_loop3A_944 = arith.index_cast %parallel_loop3A_943 : i32 to index
      %parallel_loop3A_945 = arith.constant 224 : index
      %parallel_loop3A_946 = tpu.vector_load %arg10[%parallel_loop3A_944, %parallel_loop3A_945] {strides = array<i32>} : memref<128x256xf32, #tpu.memory_space<vmem>>, vector<1x16xf32>,
      %parallel_loop3A_947 = vector.shape_cast %parallel_loop3A_946 : vector<1x16xf32> to vector<16xf32>
      %parallel_loop3A_948 = arith.constant 3 : i32
      %parallel_loop3A_949 = arith.addi %parallel_loop3A_60, %parallel_loop3A_948 : i32
      %parallel_loop3A_950 = arith.index_cast %parallel_loop3A_949 : i32 to index
      %parallel_loop3A_951 = arith.constant 224 : index
      %parallel_loop3A_952 = tpu.vector_load %arg10[%parallel_loop3A_950, %parallel_loop3A_951] {strides = array<i32>} : memref<128x256xf32, #tpu.memory_space<vmem>>, vector<1x16xf32>,
      %parallel_loop3A_953 = vector.shape_cast %parallel_loop3A_952 : vector<1x16xf32> to vector<16xf32>
      %parallel_loop3A_954 = arith.addf %parallel_loop3A_947, %parallel_loop3A_953 : vector<16xf32>
      %parallel_loop3A_955 = arith.constant 4 : i32
      %parallel_loop3A_956 = arith.addi %parallel_loop3A_60, %parallel_loop3A_955 : i32
      %parallel_loop3A_957 = arith.index_cast %parallel_loop3A_956 : i32 to index
      %parallel_loop3A_958 = arith.constant 224 : index
      %parallel_loop3A_959 = tpu.vector_load %arg10[%parallel_loop3A_957, %parallel_loop3A_958] {strides = array<i32>} : memref<128x256xf32, #tpu.memory_space<vmem>>, vector<1x16xf32>,
      %parallel_loop3A_960 = vector.shape_cast %parallel_loop3A_959 : vector<1x16xf32> to vector<16xf32>
      %parallel_loop3A_961 = arith.constant 5 : i32
      %parallel_loop3A_962 = arith.addi %parallel_loop3A_60, %parallel_loop3A_961 : i32
      %parallel_loop3A_963 = arith.index_cast %parallel_loop3A_962 : i32 to index
      %parallel_loop3A_964 = arith.constant 224 : index
      %parallel_loop3A_965 = tpu.vector_load %arg10[%parallel_loop3A_963, %parallel_loop3A_964] {strides = array<i32>} : memref<128x256xf32, #tpu.memory_space<vmem>>, vector<1x16xf32>,
      %parallel_loop3A_966 = vector.shape_cast %parallel_loop3A_965 : vector<1x16xf32> to vector<16xf32>
      %parallel_loop3A_967 = arith.addf %parallel_loop3A_960, %parallel_loop3A_966 : vector<16xf32>
      %parallel_loop3A_968 = arith.constant 6 : i32
      %parallel_loop3A_969 = arith.addi %parallel_loop3A_60, %parallel_loop3A_968 : i32
      %parallel_loop3A_970 = arith.index_cast %parallel_loop3A_969 : i32 to index
      %parallel_loop3A_971 = arith.constant 224 : index
      %parallel_loop3A_972 = tpu.vector_load %arg10[%parallel_loop3A_970, %parallel_loop3A_971] {strides = array<i32>} : memref<128x256xf32, #tpu.memory_space<vmem>>, vector<1x16xf32>,
      %parallel_loop3A_973 = vector.shape_cast %parallel_loop3A_972 : vector<1x16xf32> to vector<16xf32>
      %parallel_loop3A_974 = arith.constant 7 : i32
      %parallel_loop3A_975 = arith.addi %parallel_loop3A_60, %parallel_loop3A_974 : i32
      %parallel_loop3A_976 = arith.index_cast %parallel_loop3A_975 : i32 to index
      %parallel_loop3A_977 = arith.constant 224 : index
      %parallel_loop3A_978 = tpu.vector_load %arg10[%parallel_loop3A_976, %parallel_loop3A_977] {strides = array<i32>} : memref<128x256xf32, #tpu.memory_space<vmem>>, vector<1x16xf32>,
      %parallel_loop3A_979 = vector.shape_cast %parallel_loop3A_978 : vector<1x16xf32> to vector<16xf32>
      %parallel_loop3A_980 = arith.addf %parallel_loop3A_973, %parallel_loop3A_979 : vector<16xf32>
      %parallel_loop3A_981 = arith.addf %parallel_loop3A_941, %parallel_loop3A_954 : vector<16xf32>
      %parallel_loop3A_982 = arith.addf %parallel_loop3A_967, %parallel_loop3A_980 : vector<16xf32>
      %parallel_loop3A_983 = arith.addf %parallel_loop3A_981, %parallel_loop3A_982 : vector<16xf32>
      %parallel_loop3A_984 = arith.constant 0 : i32
      %parallel_loop3A_985 = arith.addi %parallel_loop3A_984, %parallel_loop3A_58 : i32
      %parallel_loop3A_986 = arith.index_cast %parallel_loop3A_985 : i32 to index
      %parallel_loop3A_987 = arith.constant 224 : index
      %parallel_loop3A_988 = tpu.vector_load %arg12[%parallel_loop3A_986, %parallel_loop3A_987] {strides = array<i32>} : memref<16x256xf32, #tpu.memory_space<vmem>>, vector<1x16xf32>,
      %parallel_loop3A_989 = vector.shape_cast %parallel_loop3A_988 : vector<1x16xf32> to vector<16xf32>
      %parallel_loop3A_990 = vector.shape_cast %parallel_loop3A_983 : vector<16xf32> to vector<1x16xf32>
      tpu.vector_store %arg12[%parallel_loop3A_986, %parallel_loop3A_987], %parallel_loop3A_990 {strides = array<i32>} : memref<16x256xf32, #tpu.memory_space<vmem>>, vector<1x16xf32>,
      %parallel_loop3A_991 = arith.constant 0 : i32
      %parallel_loop3A_992 = arith.addi %parallel_loop3A_60, %parallel_loop3A_991 : i32
      %parallel_loop3A_993 = arith.index_cast %parallel_loop3A_992 : i32 to index
      %parallel_loop3A_994 = arith.constant 240 : index
      %parallel_loop3A_995 = tpu.vector_load %arg10[%parallel_loop3A_993, %parallel_loop3A_994] {strides = array<i32>} : memref<128x256xf32, #tpu.memory_space<vmem>>, vector<1x16xf32>,
      %parallel_loop3A_996 = vector.shape_cast %parallel_loop3A_995 : vector<1x16xf32> to vector<16xf32>
      %parallel_loop3A_997 = arith.constant 1 : i32
      %parallel_loop3A_998 = arith.addi %parallel_loop3A_60, %parallel_loop3A_997 : i32
      %parallel_loop3A_999 = arith.index_cast %parallel_loop3A_998 : i32 to index
      %parallel_loop3A_1000 = arith.constant 240 : index
      %parallel_loop3A_1001 = tpu.vector_load %arg10[%parallel_loop3A_999, %parallel_loop3A_1000] {strides = array<i32>} : memref<128x256xf32, #tpu.memory_space<vmem>>, vector<1x16xf32>,
      %parallel_loop3A_1002 = vector.shape_cast %parallel_loop3A_1001 : vector<1x16xf32> to vector<16xf32>
      %parallel_loop3A_1003 = arith.addf %parallel_loop3A_996, %parallel_loop3A_1002 : vector<16xf32>
      %parallel_loop3A_1004 = arith.constant 2 : i32
      %parallel_loop3A_1005 = arith.addi %parallel_loop3A_60, %parallel_loop3A_1004 : i32
      %parallel_loop3A_1006 = arith.index_cast %parallel_loop3A_1005 : i32 to index
      %parallel_loop3A_1007 = arith.constant 240 : index
      %parallel_loop3A_1008 = tpu.vector_load %arg10[%parallel_loop3A_1006, %parallel_loop3A_1007] {strides = array<i32>} : memref<128x256xf32, #tpu.memory_space<vmem>>, vector<1x16xf32>,
      %parallel_loop3A_1009 = vector.shape_cast %parallel_loop3A_1008 : vector<1x16xf32> to vector<16xf32>
      %parallel_loop3A_1010 = arith.constant 3 : i32
      %parallel_loop3A_1011 = arith.addi %parallel_loop3A_60, %parallel_loop3A_1010 : i32
      %parallel_loop3A_1012 = arith.index_cast %parallel_loop3A_1011 : i32 to index
      %parallel_loop3A_1013 = arith.constant 240 : index
      %parallel_loop3A_1014 = tpu.vector_load %arg10[%parallel_loop3A_1012, %parallel_loop3A_1013] {strides = array<i32>} : memref<128x256xf32, #tpu.memory_space<vmem>>, vector<1x16xf32>,
      %parallel_loop3A_1015 = vector.shape_cast %parallel_loop3A_1014 : vector<1x16xf32> to vector<16xf32>
      %parallel_loop3A_1016 = arith.addf %parallel_loop3A_1009, %parallel_loop3A_1015 : vector<16xf32>
      %parallel_loop3A_1017 = arith.constant 4 : i32
      %parallel_loop3A_1018 = arith.addi %parallel_loop3A_60, %parallel_loop3A_1017 : i32
      %parallel_loop3A_1019 = arith.index_cast %parallel_loop3A_1018 : i32 to index
      %parallel_loop3A_1020 = arith.constant 240 : index
      %parallel_loop3A_1021 = tpu.vector_load %arg10[%parallel_loop3A_1019, %parallel_loop3A_1020] {strides = array<i32>} : memref<128x256xf32, #tpu.memory_space<vmem>>, vector<1x16xf32>,
      %parallel_loop3A_1022 = vector.shape_cast %parallel_loop3A_1021 : vector<1x16xf32> to vector<16xf32>
      %parallel_loop3A_1023 = arith.constant 5 : i32
      %parallel_loop3A_1024 = arith.addi %parallel_loop3A_60, %parallel_loop3A_1023 : i32
      %parallel_loop3A_1025 = arith.index_cast %parallel_loop3A_1024 : i32 to index
      %parallel_loop3A_1026 = arith.constant 240 : index
      %parallel_loop3A_1027 = tpu.vector_load %arg10[%parallel_loop3A_1025, %parallel_loop3A_1026] {strides = array<i32>} : memref<128x256xf32, #tpu.memory_space<vmem>>, vector<1x16xf32>,
      %parallel_loop3A_1028 = vector.shape_cast %parallel_loop3A_1027 : vector<1x16xf32> to vector<16xf32>
      %parallel_loop3A_1029 = arith.addf %parallel_loop3A_1022, %parallel_loop3A_1028 : vector<16xf32>
      %parallel_loop3A_1030 = arith.constant 6 : i32
      %parallel_loop3A_1031 = arith.addi %parallel_loop3A_60, %parallel_loop3A_1030 : i32
      %parallel_loop3A_1032 = arith.index_cast %parallel_loop3A_1031 : i32 to index
      %parallel_loop3A_1033 = arith.constant 240 : index
      %parallel_loop3A_1034 = tpu.vector_load %arg10[%parallel_loop3A_1032, %parallel_loop3A_1033] {strides = array<i32>} : memref<128x256xf32, #tpu.memory_space<vmem>>, vector<1x16xf32>,
      %parallel_loop3A_1035 = vector.shape_cast %parallel_loop3A_1034 : vector<1x16xf32> to vector<16xf32>
      %parallel_loop3A_1036 = arith.constant 7 : i32
      %parallel_loop3A_1037 = arith.addi %parallel_loop3A_60, %parallel_loop3A_1036 : i32
      %parallel_loop3A_1038 = arith.index_cast %parallel_loop3A_1037 : i32 to index
      %parallel_loop3A_1039 = arith.constant 240 : index
      %parallel_loop3A_1040 = tpu.vector_load %arg10[%parallel_loop3A_1038, %parallel_loop3A_1039] {strides = array<i32>} : memref<128x256xf32, #tpu.memory_space<vmem>>, vector<1x16xf32>,
      %parallel_loop3A_1041 = vector.shape_cast %parallel_loop3A_1040 : vector<1x16xf32> to vector<16xf32>
      %parallel_loop3A_1042 = arith.addf %parallel_loop3A_1035, %parallel_loop3A_1041 : vector<16xf32>
      %parallel_loop3A_1043 = arith.addf %parallel_loop3A_1003, %parallel_loop3A_1016 : vector<16xf32>
      %parallel_loop3A_1044 = arith.addf %parallel_loop3A_1029, %parallel_loop3A_1042 : vector<16xf32>
      %parallel_loop3A_1045 = arith.addf %parallel_loop3A_1043, %parallel_loop3A_1044 : vector<16xf32>
      %parallel_loop3A_1046 = arith.constant 0 : i32
      %parallel_loop3A_1047 = arith.addi %parallel_loop3A_1046, %parallel_loop3A_58 : i32
      %parallel_loop3A_1048 = arith.index_cast %parallel_loop3A_1047 : i32 to index
      %parallel_loop3A_1049 = arith.constant 240 : index
      %parallel_loop3A_1050 = tpu.vector_load %arg12[%parallel_loop3A_1048, %parallel_loop3A_1049] {strides = array<i32>} : memref<16x256xf32, #tpu.memory_space<vmem>>, vector<1x16xf32>,
      %parallel_loop3A_1051 = vector.shape_cast %parallel_loop3A_1050 : vector<1x16xf32> to vector<16xf32>
      %parallel_loop3A_1052 = vector.shape_cast %parallel_loop3A_1045 : vector<16xf32> to vector<1x16xf32>
      tpu.vector_store %arg12[%parallel_loop3A_1048, %parallel_loop3A_1049], %parallel_loop3A_1052 {strides = array<i32>} : memref<16x256xf32, #tpu.memory_space<vmem>>, vector<1x16xf32>,
    } {sc.loop_unroll_factor = 2 : i64, sc.parallel_access}
    %add3A_27 = arith.constant 0 : i32
    %add3A_28 = arith.addi %mul3A_2, %add3A_27 : i32
    %dma_start3A_29 = arith.constant 0 : i32
    %dma_start3A_30 = tpu.memref_slice %arg6[%add3A_28, %dma_start3A_29] : memref<1024x256xf32, #tpu.memory_space<hbm>> -> memref<16x256xf32, #tpu.memory_space<hbm>>
    %dma_start3A_31 = arith.constant 0 : i32
    %dma_start3A_32 = tpu.memref_slice %arg6[%add3A_28, %dma_start3A_31] : memref<1024x256xf32, #tpu.memory_space<hbm>> -> memref<16x256xf32, #tpu.memory_space<hbm>>
    tpu.enqueue_dma source(%arg12 : memref<16x256xf32, #tpu.memory_space<vmem>>) target(%dma_start3A_32 : memref<16x256xf32, #tpu.memory_space<hbm>>) target_semaphore(%arg17 : memref<!tpu.dma_semaphore, #tpu.memory_space<semaphore_mem>>)
    %dma_wait3A_33 = arith.constant 128 : i32
    %dma_wait3A_34 = tpu.memref_slice %arg8[%dma_wait3A_33] : memref<256xi32, #tpu.memory_space<vmem>> -> memref<128xi32, #tpu.memory_space<vmem>>
    %dma_wait3A_35 = arith.constant 0 : i32
    %dma_wait3A_36 = arith.constant 0 : i32
    %dma_wait3A_37 = tpu.memref_slice %arg2[%dma_wait3A_35, %dma_wait3A_36] : memref<5632x256xf32, #tpu.memory_space<hbm>> -> memref<5632x256xf32, #tpu.memory_space<hbm>>
    tpu.wait_indirect_dma semaphore(%arg16 : memref<!tpu.dma_semaphore, #tpu.memory_space<semaphore_mem>>) src(%dma_wait3A_37 : memref<5632x256xf32, #tpu.memory_space<hbm>>) dst(%arg11 : memref<128x256xf32, #tpu.memory_space<vmem>>)
    %parallel_loop3A_38 = arith.constant 0 : i32
    %parallel_loop3A_39 = arith.constant 16 : i32
    %parallel_loop3A_40 = arith.constant 1 : i32
    scf.for %parallel_loop3A_58 = %parallel_loop3A_38 to %parallel_loop3A_39 step %parallel_loop3A_40  : i32 {
      %parallel_loop3A_59 = arith.constant 8 : i32
      %parallel_loop3A_60 = arith.muli %parallel_loop3A_58, %parallel_loop3A_59 : i32
      %parallel_loop3A_61 = arith.constant 0 : i32
      %parallel_loop3A_62 = arith.addi %parallel_loop3A_60, %parallel_loop3A_61 : i32
      %parallel_loop3A_63 = arith.index_cast %parallel_loop3A_62 : i32 to index
      %parallel_loop3A_64 = arith.constant 0 : index
      %parallel_loop3A_65 = tpu.vector_load %arg11[%parallel_loop3A_63, %parallel_loop3A_64] {strides = array<i32>} : memref<128x256xf32, #tpu.memory_space<vmem>>, vector<1x16xf32>,
      %parallel_loop3A_66 = vector.shape_cast %parallel_loop3A_65 : vector<1x16xf32> to vector<16xf32>
      %parallel_loop3A_67 = arith.constant 1 : i32
      %parallel_loop3A_68 = arith.addi %parallel_loop3A_60, %parallel_loop3A_67 : i32
      %parallel_loop3A_69 = arith.index_cast %parallel_loop3A_68 : i32 to index
      %parallel_loop3A_70 = arith.constant 0 : index
      %parallel_loop3A_71 = tpu.vector_load %arg11[%parallel_loop3A_69, %parallel_loop3A_70] {strides = array<i32>} : memref<128x256xf32, #tpu.memory_space<vmem>>, vector<1x16xf32>,
      %parallel_loop3A_72 = vector.shape_cast %parallel_loop3A_71 : vector<1x16xf32> to vector<16xf32>
      %parallel_loop3A_73 = arith.addf %parallel_loop3A_66, %parallel_loop3A_72 : vector<16xf32>
      %parallel_loop3A_74 = arith.constant 2 : i32
      %parallel_loop3A_75 = arith.addi %parallel_loop3A_60, %parallel_loop3A_74 : i32
      %parallel_loop3A_76 = arith.index_cast %parallel_loop3A_75 : i32 to index
      %parallel_loop3A_77 = arith.constant 0 : index
      %parallel_loop3A_78 = tpu.vector_load %arg11[%parallel_loop3A_76, %parallel_loop3A_77] {strides = array<i32>} : memref<128x256xf32, #tpu.memory_space<vmem>>, vector<1x16xf32>,
      %parallel_loop3A_79 = vector.shape_cast %parallel_loop3A_78 : vector<1x16xf32> to vector<16xf32>
      %parallel_loop3A_80 = arith.constant 3 : i32
      %parallel_loop3A_81 = arith.addi %parallel_loop3A_60, %parallel_loop3A_80 : i32
      %parallel_loop3A_82 = arith.index_cast %parallel_loop3A_81 : i32 to index
      %parallel_loop3A_83 = arith.constant 0 : index
      %parallel_loop3A_84 = tpu.vector_load %arg11[%parallel_loop3A_82, %parallel_loop3A_83] {strides = array<i32>} : memref<128x256xf32, #tpu.memory_space<vmem>>, vector<1x16xf32>,
      %parallel_loop3A_85 = vector.shape_cast %parallel_loop3A_84 : vector<1x16xf32> to vector<16xf32>
      %parallel_loop3A_86 = arith.addf %parallel_loop3A_79, %parallel_loop3A_85 : vector<16xf32>
      %parallel_loop3A_87 = arith.constant 4 : i32
      %parallel_loop3A_88 = arith.addi %parallel_loop3A_60, %parallel_loop3A_87 : i32
      %parallel_loop3A_89 = arith.index_cast %parallel_loop3A_88 : i32 to index
      %parallel_loop3A_90 = arith.constant 0 : index
      %parallel_loop3A_91 = tpu.vector_load %arg11[%parallel_loop3A_89, %parallel_loop3A_90] {strides = array<i32>} : memref<128x256xf32, #tpu.memory_space<vmem>>, vector<1x16xf32>,
      %parallel_loop3A_92 = vector.shape_cast %parallel_loop3A_91 : vector<1x16xf32> to vector<16xf32>
      %parallel_loop3A_93 = arith.constant 5 : i32
      %parallel_loop3A_94 = arith.addi %parallel_loop3A_60, %parallel_loop3A_93 : i32
      %parallel_loop3A_95 = arith.index_cast %parallel_loop3A_94 : i32 to index
      %parallel_loop3A_96 = arith.constant 0 : index
      %parallel_loop3A_97 = tpu.vector_load %arg11[%parallel_loop3A_95, %parallel_loop3A_96] {strides = array<i32>} : memref<128x256xf32, #tpu.memory_space<vmem>>, vector<1x16xf32>,
      %parallel_loop3A_98 = vector.shape_cast %parallel_loop3A_97 : vector<1x16xf32> to vector<16xf32>
      %parallel_loop3A_99 = arith.addf %parallel_loop3A_92, %parallel_loop3A_98 : vector<16xf32>
      %parallel_loop3A_100 = arith.constant 6 : i32
      %parallel_loop3A_101 = arith.addi %parallel_loop3A_60, %parallel_loop3A_100 : i32
      %parallel_loop3A_102 = arith.index_cast %parallel_loop3A_101 : i32 to index
      %parallel_loop3A_103 = arith.constant 0 : index
      %parallel_loop3A_104 = tpu.vector_load %arg11[%parallel_loop3A_102, %parallel_loop3A_103] {strides = array<i32>} : memref<128x256xf32, #tpu.memory_space<vmem>>, vector<1x16xf32>,
      %parallel_loop3A_105 = vector.shape_cast %parallel_loop3A_104 : vector<1x16xf32> to vector<16xf32>
      %parallel_loop3A_106 = arith.constant 7 : i32
      %parallel_loop3A_107 = arith.addi %parallel_loop3A_60, %parallel_loop3A_106 : i32
      %parallel_loop3A_108 = arith.index_cast %parallel_loop3A_107 : i32 to index
      %parallel_loop3A_109 = arith.constant 0 : index
      %parallel_loop3A_110 = tpu.vector_load %arg11[%parallel_loop3A_108, %parallel_loop3A_109] {strides = array<i32>} : memref<128x256xf32, #tpu.memory_space<vmem>>, vector<1x16xf32>,
      %parallel_loop3A_111 = vector.shape_cast %parallel_loop3A_110 : vector<1x16xf32> to vector<16xf32>
      %parallel_loop3A_112 = arith.addf %parallel_loop3A_105, %parallel_loop3A_111 : vector<16xf32>
      %parallel_loop3A_113 = arith.addf %parallel_loop3A_73, %parallel_loop3A_86 : vector<16xf32>
      %parallel_loop3A_114 = arith.addf %parallel_loop3A_99, %parallel_loop3A_112 : vector<16xf32>
      %parallel_loop3A_115 = arith.addf %parallel_loop3A_113, %parallel_loop3A_114 : vector<16xf32>
      %parallel_loop3A_116 = arith.constant 0 : i32
      %parallel_loop3A_117 = arith.addi %parallel_loop3A_116, %parallel_loop3A_58 : i32
      %parallel_loop3A_118 = arith.index_cast %parallel_loop3A_117 : i32 to index
      %parallel_loop3A_119 = arith.constant 0 : index
      %parallel_loop3A_120 = tpu.vector_load %arg13[%parallel_loop3A_118, %parallel_loop3A_119] {strides = array<i32>} : memref<16x256xf32, #tpu.memory_space<vmem>>, vector<1x16xf32>,
      %parallel_loop3A_121 = vector.shape_cast %parallel_loop3A_120 : vector<1x16xf32> to vector<16xf32>
      %parallel_loop3A_122 = vector.shape_cast %parallel_loop3A_115 : vector<16xf32> to vector<1x16xf32>
      tpu.vector_store %arg13[%parallel_loop3A_118, %parallel_loop3A_119], %parallel_loop3A_122 {strides = array<i32>} : memref<16x256xf32, #tpu.memory_space<vmem>>, vector<1x16xf32>,
      %parallel_loop3A_123 = arith.constant 0 : i32
      %parallel_loop3A_124 = arith.addi %parallel_loop3A_60, %parallel_loop3A_123 : i32
      %parallel_loop3A_125 = arith.index_cast %parallel_loop3A_124 : i32 to index
      %parallel_loop3A_126 = arith.constant 16 : index
      %parallel_loop3A_127 = tpu.vector_load %arg11[%parallel_loop3A_125, %parallel_loop3A_126] {strides = array<i32>} : memref<128x256xf32, #tpu.memory_space<vmem>>, vector<1x16xf32>,
      %parallel_loop3A_128 = vector.shape_cast %parallel_loop3A_127 : vector<1x16xf32> to vector<16xf32>
      %parallel_loop3A_129 = arith.constant 1 : i32
      %parallel_loop3A_130 = arith.addi %parallel_loop3A_60, %parallel_loop3A_129 : i32
      %parallel_loop3A_131 = arith.index_cast %parallel_loop3A_130 : i32 to index
      %parallel_loop3A_132 = arith.constant 16 : index
      %parallel_loop3A_133 = tpu.vector_load %arg11[%parallel_loop3A_131, %parallel_loop3A_132] {strides = array<i32>} : memref<128x256xf32, #tpu.memory_space<vmem>>, vector<1x16xf32>,
      %parallel_loop3A_134 = vector.shape_cast %parallel_loop3A_133 : vector<1x16xf32> to vector<16xf32>
      %parallel_loop3A_135 = arith.addf %parallel_loop3A_128, %parallel_loop3A_134 : vector<16xf32>
      %parallel_loop3A_136 = arith.constant 2 : i32
      %parallel_loop3A_137 = arith.addi %parallel_loop3A_60, %parallel_loop3A_136 : i32
      %parallel_loop3A_138 = arith.index_cast %parallel_loop3A_137 : i32 to index
      %parallel_loop3A_139 = arith.constant 16 : index
      %parallel_loop3A_140 = tpu.vector_load %arg11[%parallel_loop3A_138, %parallel_loop3A_139] {strides = array<i32>} : memref<128x256xf32, #tpu.memory_space<vmem>>, vector<1x16xf32>,
      %parallel_loop3A_141 = vector.shape_cast %parallel_loop3A_140 : vector<1x16xf32> to vector<16xf32>
      %parallel_loop3A_142 = arith.constant 3 : i32
      %parallel_loop3A_143 = arith.addi %parallel_loop3A_60, %parallel_loop3A_142 : i32
      %parallel_loop3A_144 = arith.index_cast %parallel_loop3A_143 : i32 to index
      %parallel_loop3A_145 = arith.constant 16 : index
      %parallel_loop3A_146 = tpu.vector_load %arg11[%parallel_loop3A_144, %parallel_loop3A_145] {strides = array<i32>} : memref<128x256xf32, #tpu.memory_space<vmem>>, vector<1x16xf32>,
      %parallel_loop3A_147 = vector.shape_cast %parallel_loop3A_146 : vector<1x16xf32> to vector<16xf32>
      %parallel_loop3A_148 = arith.addf %parallel_loop3A_141, %parallel_loop3A_147 : vector<16xf32>
      %parallel_loop3A_149 = arith.constant 4 : i32
      %parallel_loop3A_150 = arith.addi %parallel_loop3A_60, %parallel_loop3A_149 : i32
      %parallel_loop3A_151 = arith.index_cast %parallel_loop3A_150 : i32 to index
      %parallel_loop3A_152 = arith.constant 16 : index
      %parallel_loop3A_153 = tpu.vector_load %arg11[%parallel_loop3A_151, %parallel_loop3A_152] {strides = array<i32>} : memref<128x256xf32, #tpu.memory_space<vmem>>, vector<1x16xf32>,
      %parallel_loop3A_154 = vector.shape_cast %parallel_loop3A_153 : vector<1x16xf32> to vector<16xf32>
      %parallel_loop3A_155 = arith.constant 5 : i32
      %parallel_loop3A_156 = arith.addi %parallel_loop3A_60, %parallel_loop3A_155 : i32
      %parallel_loop3A_157 = arith.index_cast %parallel_loop3A_156 : i32 to index
      %parallel_loop3A_158 = arith.constant 16 : index
      %parallel_loop3A_159 = tpu.vector_load %arg11[%parallel_loop3A_157, %parallel_loop3A_158] {strides = array<i32>} : memref<128x256xf32, #tpu.memory_space<vmem>>, vector<1x16xf32>,
      %parallel_loop3A_160 = vector.shape_cast %parallel_loop3A_159 : vector<1x16xf32> to vector<16xf32>
      %parallel_loop3A_161 = arith.addf %parallel_loop3A_154, %parallel_loop3A_160 : vector<16xf32>
      %parallel_loop3A_162 = arith.constant 6 : i32
      %parallel_loop3A_163 = arith.addi %parallel_loop3A_60, %parallel_loop3A_162 : i32
      %parallel_loop3A_164 = arith.index_cast %parallel_loop3A_163 : i32 to index
      %parallel_loop3A_165 = arith.constant 16 : index
      %parallel_loop3A_166 = tpu.vector_load %arg11[%parallel_loop3A_164, %parallel_loop3A_165] {strides = array<i32>} : memref<128x256xf32, #tpu.memory_space<vmem>>, vector<1x16xf32>,
      %parallel_loop3A_167 = vector.shape_cast %parallel_loop3A_166 : vector<1x16xf32> to vector<16xf32>
      %parallel_loop3A_168 = arith.constant 7 : i32
      %parallel_loop3A_169 = arith.addi %parallel_loop3A_60, %parallel_loop3A_168 : i32
      %parallel_loop3A_170 = arith.index_cast %parallel_loop3A_169 : i32 to index
      %parallel_loop3A_171 = arith.constant 16 : index
      %parallel_loop3A_172 = tpu.vector_load %arg11[%parallel_loop3A_170, %parallel_loop3A_171] {strides = array<i32>} : memref<128x256xf32, #tpu.memory_space<vmem>>, vector<1x16xf32>,
      %parallel_loop3A_173 = vector.shape_cast %parallel_loop3A_172 : vector<1x16xf32> to vector<16xf32>
      %parallel_loop3A_174 = arith.addf %parallel_loop3A_167, %parallel_loop3A_173 : vector<16xf32>
      %parallel_loop3A_175 = arith.addf %parallel_loop3A_135, %parallel_loop3A_148 : vector<16xf32>
      %parallel_loop3A_176 = arith.addf %parallel_loop3A_161, %parallel_loop3A_174 : vector<16xf32>
      %parallel_loop3A_177 = arith.addf %parallel_loop3A_175, %parallel_loop3A_176 : vector<16xf32>
      %parallel_loop3A_178 = arith.constant 0 : i32
      %parallel_loop3A_179 = arith.addi %parallel_loop3A_178, %parallel_loop3A_58 : i32
      %parallel_loop3A_180 = arith.index_cast %parallel_loop3A_179 : i32 to index
      %parallel_loop3A_181 = arith.constant 16 : index
      %parallel_loop3A_182 = tpu.vector_load %arg13[%parallel_loop3A_180, %parallel_loop3A_181] {strides = array<i32>} : memref<16x256xf32, #tpu.memory_space<vmem>>, vector<1x16xf32>,
      %parallel_loop3A_183 = vector.shape_cast %parallel_loop3A_182 : vector<1x16xf32> to vector<16xf32>
      %parallel_loop3A_184 = vector.shape_cast %parallel_loop3A_177 : vector<16xf32> to vector<1x16xf32>
      tpu.vector_store %arg13[%parallel_loop3A_180, %parallel_loop3A_181], %parallel_loop3A_184 {strides = array<i32>} : memref<16x256xf32, #tpu.memory_space<vmem>>, vector<1x16xf32>,
      %parallel_loop3A_185 = arith.constant 0 : i32
      %parallel_loop3A_186 = arith.addi %parallel_loop3A_60, %parallel_loop3A_185 : i32
      %parallel_loop3A_187 = arith.index_cast %parallel_loop3A_186 : i32 to index
      %parallel_loop3A_188 = arith.constant 32 : index
      %parallel_loop3A_189 = tpu.vector_load %arg11[%parallel_loop3A_187, %parallel_loop3A_188] {strides = array<i32>} : memref<128x256xf32, #tpu.memory_space<vmem>>, vector<1x16xf32>,
      %parallel_loop3A_190 = vector.shape_cast %parallel_loop3A_189 : vector<1x16xf32> to vector<16xf32>
      %parallel_loop3A_191 = arith.constant 1 : i32
      %parallel_loop3A_192 = arith.addi %parallel_loop3A_60, %parallel_loop3A_191 : i32
      %parallel_loop3A_193 = arith.index_cast %parallel_loop3A_192 : i32 to index
      %parallel_loop3A_194 = arith.constant 32 : index
      %parallel_loop3A_195 = tpu.vector_load %arg11[%parallel_loop3A_193, %parallel_loop3A_194] {strides = array<i32>} : memref<128x256xf32, #tpu.memory_space<vmem>>, vector<1x16xf32>,
      %parallel_loop3A_196 = vector.shape_cast %parallel_loop3A_195 : vector<1x16xf32> to vector<16xf32>
      %parallel_loop3A_197 = arith.addf %parallel_loop3A_190, %parallel_loop3A_196 : vector<16xf32>
      %parallel_loop3A_198 = arith.constant 2 : i32
      %parallel_loop3A_199 = arith.addi %parallel_loop3A_60, %parallel_loop3A_198 : i32
      %parallel_loop3A_200 = arith.index_cast %parallel_loop3A_199 : i32 to index
      %parallel_loop3A_201 = arith.constant 32 : index
      %parallel_loop3A_202 = tpu.vector_load %arg11[%parallel_loop3A_200, %parallel_loop3A_201] {strides = array<i32>} : memref<128x256xf32, #tpu.memory_space<vmem>>, vector<1x16xf32>,
      %parallel_loop3A_203 = vector.shape_cast %parallel_loop3A_202 : vector<1x16xf32> to vector<16xf32>
      %parallel_loop3A_204 = arith.constant 3 : i32
      %parallel_loop3A_205 = arith.addi %parallel_loop3A_60, %parallel_loop3A_204 : i32
      %parallel_loop3A_206 = arith.index_cast %parallel_loop3A_205 : i32 to index
      %parallel_loop3A_207 = arith.constant 32 : index
      %parallel_loop3A_208 = tpu.vector_load %arg11[%parallel_loop3A_206, %parallel_loop3A_207] {strides = array<i32>} : memref<128x256xf32, #tpu.memory_space<vmem>>, vector<1x16xf32>,
      %parallel_loop3A_209 = vector.shape_cast %parallel_loop3A_208 : vector<1x16xf32> to vector<16xf32>
      %parallel_loop3A_210 = arith.addf %parallel_loop3A_203, %parallel_loop3A_209 : vector<16xf32>
      %parallel_loop3A_211 = arith.constant 4 : i32
      %parallel_loop3A_212 = arith.addi %parallel_loop3A_60, %parallel_loop3A_211 : i32
      %parallel_loop3A_213 = arith.index_cast %parallel_loop3A_212 : i32 to index
      %parallel_loop3A_214 = arith.constant 32 : index
      %parallel_loop3A_215 = tpu.vector_load %arg11[%parallel_loop3A_213, %parallel_loop3A_214] {strides = array<i32>} : memref<128x256xf32, #tpu.memory_space<vmem>>, vector<1x16xf32>,
      %parallel_loop3A_216 = vector.shape_cast %parallel_loop3A_215 : vector<1x16xf32> to vector<16xf32>
      %parallel_loop3A_217 = arith.constant 5 : i32
      %parallel_loop3A_218 = arith.addi %parallel_loop3A_60, %parallel_loop3A_217 : i32
      %parallel_loop3A_219 = arith.index_cast %parallel_loop3A_218 : i32 to index
      %parallel_loop3A_220 = arith.constant 32 : index
      %parallel_loop3A_221 = tpu.vector_load %arg11[%parallel_loop3A_219, %parallel_loop3A_220] {strides = array<i32>} : memref<128x256xf32, #tpu.memory_space<vmem>>, vector<1x16xf32>,
      %parallel_loop3A_222 = vector.shape_cast %parallel_loop3A_221 : vector<1x16xf32> to vector<16xf32>
      %parallel_loop3A_223 = arith.addf %parallel_loop3A_216, %parallel_loop3A_222 : vector<16xf32>
      %parallel_loop3A_224 = arith.constant 6 : i32
      %parallel_loop3A_225 = arith.addi %parallel_loop3A_60, %parallel_loop3A_224 : i32
      %parallel_loop3A_226 = arith.index_cast %parallel_loop3A_225 : i32 to index
      %parallel_loop3A_227 = arith.constant 32 : index
      %parallel_loop3A_228 = tpu.vector_load %arg11[%parallel_loop3A_226, %parallel_loop3A_227] {strides = array<i32>} : memref<128x256xf32, #tpu.memory_space<vmem>>, vector<1x16xf32>,
      %parallel_loop3A_229 = vector.shape_cast %parallel_loop3A_228 : vector<1x16xf32> to vector<16xf32>
      %parallel_loop3A_230 = arith.constant 7 : i32
      %parallel_loop3A_231 = arith.addi %parallel_loop3A_60, %parallel_loop3A_230 : i32
      %parallel_loop3A_232 = arith.index_cast %parallel_loop3A_231 : i32 to index
      %parallel_loop3A_233 = arith.constant 32 : index
      %parallel_loop3A_234 = tpu.vector_load %arg11[%parallel_loop3A_232, %parallel_loop3A_233] {strides = array<i32>} : memref<128x256xf32, #tpu.memory_space<vmem>>, vector<1x16xf32>,
      %parallel_loop3A_235 = vector.shape_cast %parallel_loop3A_234 : vector<1x16xf32> to vector<16xf32>
      %parallel_loop3A_236 = arith.addf %parallel_loop3A_229, %parallel_loop3A_235 : vector<16xf32>
      %parallel_loop3A_237 = arith.addf %parallel_loop3A_197, %parallel_loop3A_210 : vector<16xf32>
      %parallel_loop3A_238 = arith.addf %parallel_loop3A_223, %parallel_loop3A_236 : vector<16xf32>
      %parallel_loop3A_239 = arith.addf %parallel_loop3A_237, %parallel_loop3A_238 : vector<16xf32>
      %parallel_loop3A_240 = arith.constant 0 : i32
      %parallel_loop3A_241 = arith.addi %parallel_loop3A_240, %parallel_loop3A_58 : i32
      %parallel_loop3A_242 = arith.index_cast %parallel_loop3A_241 : i32 to index
      %parallel_loop3A_243 = arith.constant 32 : index
      %parallel_loop3A_244 = tpu.vector_load %arg13[%parallel_loop3A_242, %parallel_loop3A_243] {strides = array<i32>} : memref<16x256xf32, #tpu.memory_space<vmem>>, vector<1x16xf32>,
      %parallel_loop3A_245 = vector.shape_cast %parallel_loop3A_244 : vector<1x16xf32> to vector<16xf32>
      %parallel_loop3A_246 = vector.shape_cast %parallel_loop3A_239 : vector<16xf32> to vector<1x16xf32>
      tpu.vector_store %arg13[%parallel_loop3A_242, %parallel_loop3A_243], %parallel_loop3A_246 {strides = array<i32>} : memref<16x256xf32, #tpu.memory_space<vmem>>, vector<1x16xf32>,
      %parallel_loop3A_247 = arith.constant 0 : i32
      %parallel_loop3A_248 = arith.addi %parallel_loop3A_60, %parallel_loop3A_247 : i32
      %parallel_loop3A_249 = arith.index_cast %parallel_loop3A_248 : i32 to index
      %parallel_loop3A_250 = arith.constant 48 : index
      %parallel_loop3A_251 = tpu.vector_load %arg11[%parallel_loop3A_249, %parallel_loop3A_250] {strides = array<i32>} : memref<128x256xf32, #tpu.memory_space<vmem>>, vector<1x16xf32>,
      %parallel_loop3A_252 = vector.shape_cast %parallel_loop3A_251 : vector<1x16xf32> to vector<16xf32>
      %parallel_loop3A_253 = arith.constant 1 : i32
      %parallel_loop3A_254 = arith.addi %parallel_loop3A_60, %parallel_loop3A_253 : i32
      %parallel_loop3A_255 = arith.index_cast %parallel_loop3A_254 : i32 to index
      %parallel_loop3A_256 = arith.constant 48 : index
      %parallel_loop3A_257 = tpu.vector_load %arg11[%parallel_loop3A_255, %parallel_loop3A_256] {strides = array<i32>} : memref<128x256xf32, #tpu.memory_space<vmem>>, vector<1x16xf32>,
      %parallel_loop3A_258 = vector.shape_cast %parallel_loop3A_257 : vector<1x16xf32> to vector<16xf32>
      %parallel_loop3A_259 = arith.addf %parallel_loop3A_252, %parallel_loop3A_258 : vector<16xf32>
      %parallel_loop3A_260 = arith.constant 2 : i32
      %parallel_loop3A_261 = arith.addi %parallel_loop3A_60, %parallel_loop3A_260 : i32
      %parallel_loop3A_262 = arith.index_cast %parallel_loop3A_261 : i32 to index
      %parallel_loop3A_263 = arith.constant 48 : index
      %parallel_loop3A_264 = tpu.vector_load %arg11[%parallel_loop3A_262, %parallel_loop3A_263] {strides = array<i32>} : memref<128x256xf32, #tpu.memory_space<vmem>>, vector<1x16xf32>,
      %parallel_loop3A_265 = vector.shape_cast %parallel_loop3A_264 : vector<1x16xf32> to vector<16xf32>
      %parallel_loop3A_266 = arith.constant 3 : i32
      %parallel_loop3A_267 = arith.addi %parallel_loop3A_60, %parallel_loop3A_266 : i32
      %parallel_loop3A_268 = arith.index_cast %parallel_loop3A_267 : i32 to index
      %parallel_loop3A_269 = arith.constant 48 : index
      %parallel_loop3A_270 = tpu.vector_load %arg11[%parallel_loop3A_268, %parallel_loop3A_269] {strides = array<i32>} : memref<128x256xf32, #tpu.memory_space<vmem>>, vector<1x16xf32>,
      %parallel_loop3A_271 = vector.shape_cast %parallel_loop3A_270 : vector<1x16xf32> to vector<16xf32>
      %parallel_loop3A_272 = arith.addf %parallel_loop3A_265, %parallel_loop3A_271 : vector<16xf32>
      %parallel_loop3A_273 = arith.constant 4 : i32
      %parallel_loop3A_274 = arith.addi %parallel_loop3A_60, %parallel_loop3A_273 : i32
      %parallel_loop3A_275 = arith.index_cast %parallel_loop3A_274 : i32 to index
      %parallel_loop3A_276 = arith.constant 48 : index
      %parallel_loop3A_277 = tpu.vector_load %arg11[%parallel_loop3A_275, %parallel_loop3A_276] {strides = array<i32>} : memref<128x256xf32, #tpu.memory_space<vmem>>, vector<1x16xf32>,
      %parallel_loop3A_278 = vector.shape_cast %parallel_loop3A_277 : vector<1x16xf32> to vector<16xf32>
      %parallel_loop3A_279 = arith.constant 5 : i32
      %parallel_loop3A_280 = arith.addi %parallel_loop3A_60, %parallel_loop3A_279 : i32
      %parallel_loop3A_281 = arith.index_cast %parallel_loop3A_280 : i32 to index
      %parallel_loop3A_282 = arith.constant 48 : index
      %parallel_loop3A_283 = tpu.vector_load %arg11[%parallel_loop3A_281, %parallel_loop3A_282] {strides = array<i32>} : memref<128x256xf32, #tpu.memory_space<vmem>>, vector<1x16xf32>,
      %parallel_loop3A_284 = vector.shape_cast %parallel_loop3A_283 : vector<1x16xf32> to vector<16xf32>
      %parallel_loop3A_285 = arith.addf %parallel_loop3A_278, %parallel_loop3A_284 : vector<16xf32>
      %parallel_loop3A_286 = arith.constant 6 : i32
      %parallel_loop3A_287 = arith.addi %parallel_loop3A_60, %parallel_loop3A_286 : i32
      %parallel_loop3A_288 = arith.index_cast %parallel_loop3A_287 : i32 to index
      %parallel_loop3A_289 = arith.constant 48 : index
      %parallel_loop3A_290 = tpu.vector_load %arg11[%parallel_loop3A_288, %parallel_loop3A_289] {strides = array<i32>} : memref<128x256xf32, #tpu.memory_space<vmem>>, vector<1x16xf32>,
      %parallel_loop3A_291 = vector.shape_cast %parallel_loop3A_290 : vector<1x16xf32> to vector<16xf32>
      %parallel_loop3A_292 = arith.constant 7 : i32
      %parallel_loop3A_293 = arith.addi %parallel_loop3A_60, %parallel_loop3A_292 : i32
      %parallel_loop3A_294 = arith.index_cast %parallel_loop3A_293 : i32 to index
      %parallel_loop3A_295 = arith.constant 48 : index
      %parallel_loop3A_296 = tpu.vector_load %arg11[%parallel_loop3A_294, %parallel_loop3A_295] {strides = array<i32>} : memref<128x256xf32, #tpu.memory_space<vmem>>, vector<1x16xf32>,
      %parallel_loop3A_297 = vector.shape_cast %parallel_loop3A_296 : vector<1x16xf32> to vector<16xf32>
      %parallel_loop3A_298 = arith.addf %parallel_loop3A_291, %parallel_loop3A_297 : vector<16xf32>
      %parallel_loop3A_299 = arith.addf %parallel_loop3A_259, %parallel_loop3A_272 : vector<16xf32>
      %parallel_loop3A_300 = arith.addf %parallel_loop3A_285, %parallel_loop3A_298 : vector<16xf32>
      %parallel_loop3A_301 = arith.addf %parallel_loop3A_299, %parallel_loop3A_300 : vector<16xf32>
      %parallel_loop3A_302 = arith.constant 0 : i32
      %parallel_loop3A_303 = arith.addi %parallel_loop3A_302, %parallel_loop3A_58 : i32
      %parallel_loop3A_304 = arith.index_cast %parallel_loop3A_303 : i32 to index
      %parallel_loop3A_305 = arith.constant 48 : index
      %parallel_loop3A_306 = tpu.vector_load %arg13[%parallel_loop3A_304, %parallel_loop3A_305] {strides = array<i32>} : memref<16x256xf32, #tpu.memory_space<vmem>>, vector<1x16xf32>,
      %parallel_loop3A_307 = vector.shape_cast %parallel_loop3A_306 : vector<1x16xf32> to vector<16xf32>
      %parallel_loop3A_308 = vector.shape_cast %parallel_loop3A_301 : vector<16xf32> to vector<1x16xf32>
      tpu.vector_store %arg13[%parallel_loop3A_304, %parallel_loop3A_305], %parallel_loop3A_308 {strides = array<i32>} : memref<16x256xf32, #tpu.memory_space<vmem>>, vector<1x16xf32>,
      %parallel_loop3A_309 = arith.constant 0 : i32
      %parallel_loop3A_310 = arith.addi %parallel_loop3A_60, %parallel_loop3A_309 : i32
      %parallel_loop3A_311 = arith.index_cast %parallel_loop3A_310 : i32 to index
      %parallel_loop3A_312 = arith.constant 64 : index
      %parallel_loop3A_313 = tpu.vector_load %arg11[%parallel_loop3A_311, %parallel_loop3A_312] {strides = array<i32>} : memref<128x256xf32, #tpu.memory_space<vmem>>, vector<1x16xf32>,
      %parallel_loop3A_314 = vector.shape_cast %parallel_loop3A_313 : vector<1x16xf32> to vector<16xf32>
      %parallel_loop3A_315 = arith.constant 1 : i32
      %parallel_loop3A_316 = arith.addi %parallel_loop3A_60, %parallel_loop3A_315 : i32
      %parallel_loop3A_317 = arith.index_cast %parallel_loop3A_316 : i32 to index
      %parallel_loop3A_318 = arith.constant 64 : index
      %parallel_loop3A_319 = tpu.vector_load %arg11[%parallel_loop3A_317, %parallel_loop3A_318] {strides = array<i32>} : memref<128x256xf32, #tpu.memory_space<vmem>>, vector<1x16xf32>,
      %parallel_loop3A_320 = vector.shape_cast %parallel_loop3A_319 : vector<1x16xf32> to vector<16xf32>
      %parallel_loop3A_321 = arith.addf %parallel_loop3A_314, %parallel_loop3A_320 : vector<16xf32>
      %parallel_loop3A_322 = arith.constant 2 : i32
      %parallel_loop3A_323 = arith.addi %parallel_loop3A_60, %parallel_loop3A_322 : i32
      %parallel_loop3A_324 = arith.index_cast %parallel_loop3A_323 : i32 to index
      %parallel_loop3A_325 = arith.constant 64 : index
      %parallel_loop3A_326 = tpu.vector_load %arg11[%parallel_loop3A_324, %parallel_loop3A_325] {strides = array<i32>} : memref<128x256xf32, #tpu.memory_space<vmem>>, vector<1x16xf32>,
      %parallel_loop3A_327 = vector.shape_cast %parallel_loop3A_326 : vector<1x16xf32> to vector<16xf32>
      %parallel_loop3A_328 = arith.constant 3 : i32
      %parallel_loop3A_329 = arith.addi %parallel_loop3A_60, %parallel_loop3A_328 : i32
      %parallel_loop3A_330 = arith.index_cast %parallel_loop3A_329 : i32 to index
      %parallel_loop3A_331 = arith.constant 64 : index
      %parallel_loop3A_332 = tpu.vector_load %arg11[%parallel_loop3A_330, %parallel_loop3A_331] {strides = array<i32>} : memref<128x256xf32, #tpu.memory_space<vmem>>, vector<1x16xf32>,
      %parallel_loop3A_333 = vector.shape_cast %parallel_loop3A_332 : vector<1x16xf32> to vector<16xf32>
      %parallel_loop3A_334 = arith.addf %parallel_loop3A_327, %parallel_loop3A_333 : vector<16xf32>
      %parallel_loop3A_335 = arith.constant 4 : i32
      %parallel_loop3A_336 = arith.addi %parallel_loop3A_60, %parallel_loop3A_335 : i32
      %parallel_loop3A_337 = arith.index_cast %parallel_loop3A_336 : i32 to index
      %parallel_loop3A_338 = arith.constant 64 : index
      %parallel_loop3A_339 = tpu.vector_load %arg11[%parallel_loop3A_337, %parallel_loop3A_338] {strides = array<i32>} : memref<128x256xf32, #tpu.memory_space<vmem>>, vector<1x16xf32>,
      %parallel_loop3A_340 = vector.shape_cast %parallel_loop3A_339 : vector<1x16xf32> to vector<16xf32>
      %parallel_loop3A_341 = arith.constant 5 : i32
      %parallel_loop3A_342 = arith.addi %parallel_loop3A_60, %parallel_loop3A_341 : i32
      %parallel_loop3A_343 = arith.index_cast %parallel_loop3A_342 : i32 to index
      %parallel_loop3A_344 = arith.constant 64 : index
      %parallel_loop3A_345 = tpu.vector_load %arg11[%parallel_loop3A_343, %parallel_loop3A_344] {strides = array<i32>} : memref<128x256xf32, #tpu.memory_space<vmem>>, vector<1x16xf32>,
      %parallel_loop3A_346 = vector.shape_cast %parallel_loop3A_345 : vector<1x16xf32> to vector<16xf32>
      %parallel_loop3A_347 = arith.addf %parallel_loop3A_340, %parallel_loop3A_346 : vector<16xf32>
      %parallel_loop3A_348 = arith.constant 6 : i32
      %parallel_loop3A_349 = arith.addi %parallel_loop3A_60, %parallel_loop3A_348 : i32
      %parallel_loop3A_350 = arith.index_cast %parallel_loop3A_349 : i32 to index
      %parallel_loop3A_351 = arith.constant 64 : index
      %parallel_loop3A_352 = tpu.vector_load %arg11[%parallel_loop3A_350, %parallel_loop3A_351] {strides = array<i32>} : memref<128x256xf32, #tpu.memory_space<vmem>>, vector<1x16xf32>,
      %parallel_loop3A_353 = vector.shape_cast %parallel_loop3A_352 : vector<1x16xf32> to vector<16xf32>
      %parallel_loop3A_354 = arith.constant 7 : i32
      %parallel_loop3A_355 = arith.addi %parallel_loop3A_60, %parallel_loop3A_354 : i32
      %parallel_loop3A_356 = arith.index_cast %parallel_loop3A_355 : i32 to index
      %parallel_loop3A_357 = arith.constant 64 : index
      %parallel_loop3A_358 = tpu.vector_load %arg11[%parallel_loop3A_356, %parallel_loop3A_357] {strides = array<i32>} : memref<128x256xf32, #tpu.memory_space<vmem>>, vector<1x16xf32>,
      %parallel_loop3A_359 = vector.shape_cast %parallel_loop3A_358 : vector<1x16xf32> to vector<16xf32>
      %parallel_loop3A_360 = arith.addf %parallel_loop3A_353, %parallel_loop3A_359 : vector<16xf32>
      %parallel_loop3A_361 = arith.addf %parallel_loop3A_321, %parallel_loop3A_334 : vector<16xf32>
      %parallel_loop3A_362 = arith.addf %parallel_loop3A_347, %parallel_loop3A_360 : vector<16xf32>
      %parallel_loop3A_363 = arith.addf %parallel_loop3A_361, %parallel_loop3A_362 : vector<16xf32>
      %parallel_loop3A_364 = arith.constant 0 : i32
      %parallel_loop3A_365 = arith.addi %parallel_loop3A_364, %parallel_loop3A_58 : i32
      %parallel_loop3A_366 = arith.index_cast %parallel_loop3A_365 : i32 to index
      %parallel_loop3A_367 = arith.constant 64 : index
      %parallel_loop3A_368 = tpu.vector_load %arg13[%parallel_loop3A_366, %parallel_loop3A_367] {strides = array<i32>} : memref<16x256xf32, #tpu.memory_space<vmem>>, vector<1x16xf32>,
      %parallel_loop3A_369 = vector.shape_cast %parallel_loop3A_368 : vector<1x16xf32> to vector<16xf32>
      %parallel_loop3A_370 = vector.shape_cast %parallel_loop3A_363 : vector<16xf32> to vector<1x16xf32>
      tpu.vector_store %arg13[%parallel_loop3A_366, %parallel_loop3A_367], %parallel_loop3A_370 {strides = array<i32>} : memref<16x256xf32, #tpu.memory_space<vmem>>, vector<1x16xf32>,
      %parallel_loop3A_371 = arith.constant 0 : i32
      %parallel_loop3A_372 = arith.addi %parallel_loop3A_60, %parallel_loop3A_371 : i32
      %parallel_loop3A_373 = arith.index_cast %parallel_loop3A_372 : i32 to index
      %parallel_loop3A_374 = arith.constant 80 : index
      %parallel_loop3A_375 = tpu.vector_load %arg11[%parallel_loop3A_373, %parallel_loop3A_374] {strides = array<i32>} : memref<128x256xf32, #tpu.memory_space<vmem>>, vector<1x16xf32>,
      %parallel_loop3A_376 = vector.shape_cast %parallel_loop3A_375 : vector<1x16xf32> to vector<16xf32>
      %parallel_loop3A_377 = arith.constant 1 : i32
      %parallel_loop3A_378 = arith.addi %parallel_loop3A_60, %parallel_loop3A_377 : i32
      %parallel_loop3A_379 = arith.index_cast %parallel_loop3A_378 : i32 to index
      %parallel_loop3A_380 = arith.constant 80 : index
      %parallel_loop3A_381 = tpu.vector_load %arg11[%parallel_loop3A_379, %parallel_loop3A_380] {strides = array<i32>} : memref<128x256xf32, #tpu.memory_space<vmem>>, vector<1x16xf32>,
      %parallel_loop3A_382 = vector.shape_cast %parallel_loop3A_381 : vector<1x16xf32> to vector<16xf32>
      %parallel_loop3A_383 = arith.addf %parallel_loop3A_376, %parallel_loop3A_382 : vector<16xf32>
      %parallel_loop3A_384 = arith.constant 2 : i32
      %parallel_loop3A_385 = arith.addi %parallel_loop3A_60, %parallel_loop3A_384 : i32
      %parallel_loop3A_386 = arith.index_cast %parallel_loop3A_385 : i32 to index
      %parallel_loop3A_387 = arith.constant 80 : index
      %parallel_loop3A_388 = tpu.vector_load %arg11[%parallel_loop3A_386, %parallel_loop3A_387] {strides = array<i32>} : memref<128x256xf32, #tpu.memory_space<vmem>>, vector<1x16xf32>,
      %parallel_loop3A_389 = vector.shape_cast %parallel_loop3A_388 : vector<1x16xf32> to vector<16xf32>
      %parallel_loop3A_390 = arith.constant 3 : i32
      %parallel_loop3A_391 = arith.addi %parallel_loop3A_60, %parallel_loop3A_390 : i32
      %parallel_loop3A_392 = arith.index_cast %parallel_loop3A_391 : i32 to index
      %parallel_loop3A_393 = arith.constant 80 : index
      %parallel_loop3A_394 = tpu.vector_load %arg11[%parallel_loop3A_392, %parallel_loop3A_393] {strides = array<i32>} : memref<128x256xf32, #tpu.memory_space<vmem>>, vector<1x16xf32>,
      %parallel_loop3A_395 = vector.shape_cast %parallel_loop3A_394 : vector<1x16xf32> to vector<16xf32>
      %parallel_loop3A_396 = arith.addf %parallel_loop3A_389, %parallel_loop3A_395 : vector<16xf32>
      %parallel_loop3A_397 = arith.constant 4 : i32
      %parallel_loop3A_398 = arith.addi %parallel_loop3A_60, %parallel_loop3A_397 : i32
      %parallel_loop3A_399 = arith.index_cast %parallel_loop3A_398 : i32 to index
      %parallel_loop3A_400 = arith.constant 80 : index
      %parallel_loop3A_401 = tpu.vector_load %arg11[%parallel_loop3A_399, %parallel_loop3A_400] {strides = array<i32>} : memref<128x256xf32, #tpu.memory_space<vmem>>, vector<1x16xf32>,
      %parallel_loop3A_402 = vector.shape_cast %parallel_loop3A_401 : vector<1x16xf32> to vector<16xf32>
      %parallel_loop3A_403 = arith.constant 5 : i32
      %parallel_loop3A_404 = arith.addi %parallel_loop3A_60, %parallel_loop3A_403 : i32
      %parallel_loop3A_405 = arith.index_cast %parallel_loop3A_404 : i32 to index
      %parallel_loop3A_406 = arith.constant 80 : index
      %parallel_loop3A_407 = tpu.vector_load %arg11[%parallel_loop3A_405, %parallel_loop3A_406] {strides = array<i32>} : memref<128x256xf32, #tpu.memory_space<vmem>>, vector<1x16xf32>,
      %parallel_loop3A_408 = vector.shape_cast %parallel_loop3A_407 : vector<1x16xf32> to vector<16xf32>
      %parallel_loop3A_409 = arith.addf %parallel_loop3A_402, %parallel_loop3A_408 : vector<16xf32>
      %parallel_loop3A_410 = arith.constant 6 : i32
      %parallel_loop3A_411 = arith.addi %parallel_loop3A_60, %parallel_loop3A_410 : i32
      %parallel_loop3A_412 = arith.index_cast %parallel_loop3A_411 : i32 to index
      %parallel_loop3A_413 = arith.constant 80 : index
      %parallel_loop3A_414 = tpu.vector_load %arg11[%parallel_loop3A_412, %parallel_loop3A_413] {strides = array<i32>} : memref<128x256xf32, #tpu.memory_space<vmem>>, vector<1x16xf32>,
      %parallel_loop3A_415 = vector.shape_cast %parallel_loop3A_414 : vector<1x16xf32> to vector<16xf32>
      %parallel_loop3A_416 = arith.constant 7 : i32
      %parallel_loop3A_417 = arith.addi %parallel_loop3A_60, %parallel_loop3A_416 : i32
      %parallel_loop3A_418 = arith.index_cast %parallel_loop3A_417 : i32 to index
      %parallel_loop3A_419 = arith.constant 80 : index
      %parallel_loop3A_420 = tpu.vector_load %arg11[%parallel_loop3A_418, %parallel_loop3A_419] {strides = array<i32>} : memref<128x256xf32, #tpu.memory_space<vmem>>, vector<1x16xf32>,
      %parallel_loop3A_421 = vector.shape_cast %parallel_loop3A_420 : vector<1x16xf32> to vector<16xf32>
      %parallel_loop3A_422 = arith.addf %parallel_loop3A_415, %parallel_loop3A_421 : vector<16xf32>
      %parallel_loop3A_423 = arith.addf %parallel_loop3A_383, %parallel_loop3A_396 : vector<16xf32>
      %parallel_loop3A_424 = arith.addf %parallel_loop3A_409, %parallel_loop3A_422 : vector<16xf32>
      %parallel_loop3A_425 = arith.addf %parallel_loop3A_423, %parallel_loop3A_424 : vector<16xf32>
      %parallel_loop3A_426 = arith.constant 0 : i32
      %parallel_loop3A_427 = arith.addi %parallel_loop3A_426, %parallel_loop3A_58 : i32
      %parallel_loop3A_428 = arith.index_cast %parallel_loop3A_427 : i32 to index
      %parallel_loop3A_429 = arith.constant 80 : index
      %parallel_loop3A_430 = tpu.vector_load %arg13[%parallel_loop3A_428, %parallel_loop3A_429] {strides = array<i32>} : memref<16x256xf32, #tpu.memory_space<vmem>>, vector<1x16xf32>,
      %parallel_loop3A_431 = vector.shape_cast %parallel_loop3A_430 : vector<1x16xf32> to vector<16xf32>
      %parallel_loop3A_432 = vector.shape_cast %parallel_loop3A_425 : vector<16xf32> to vector<1x16xf32>
      tpu.vector_store %arg13[%parallel_loop3A_428, %parallel_loop3A_429], %parallel_loop3A_432 {strides = array<i32>} : memref<16x256xf32, #tpu.memory_space<vmem>>, vector<1x16xf32>,
      %parallel_loop3A_433 = arith.constant 0 : i32
      %parallel_loop3A_434 = arith.addi %parallel_loop3A_60, %parallel_loop3A_433 : i32
      %parallel_loop3A_435 = arith.index_cast %parallel_loop3A_434 : i32 to index
      %parallel_loop3A_436 = arith.constant 96 : index
      %parallel_loop3A_437 = tpu.vector_load %arg11[%parallel_loop3A_435, %parallel_loop3A_436] {strides = array<i32>} : memref<128x256xf32, #tpu.memory_space<vmem>>, vector<1x16xf32>,
      %parallel_loop3A_438 = vector.shape_cast %parallel_loop3A_437 : vector<1x16xf32> to vector<16xf32>
      %parallel_loop3A_439 = arith.constant 1 : i32
      %parallel_loop3A_440 = arith.addi %parallel_loop3A_60, %parallel_loop3A_439 : i32
      %parallel_loop3A_441 = arith.index_cast %parallel_loop3A_440 : i32 to index
      %parallel_loop3A_442 = arith.constant 96 : index
      %parallel_loop3A_443 = tpu.vector_load %arg11[%parallel_loop3A_441, %parallel_loop3A_442] {strides = array<i32>} : memref<128x256xf32, #tpu.memory_space<vmem>>, vector<1x16xf32>,
      %parallel_loop3A_444 = vector.shape_cast %parallel_loop3A_443 : vector<1x16xf32> to vector<16xf32>
      %parallel_loop3A_445 = arith.addf %parallel_loop3A_438, %parallel_loop3A_444 : vector<16xf32>
      %parallel_loop3A_446 = arith.constant 2 : i32
      %parallel_loop3A_447 = arith.addi %parallel_loop3A_60, %parallel_loop3A_446 : i32
      %parallel_loop3A_448 = arith.index_cast %parallel_loop3A_447 : i32 to index
      %parallel_loop3A_449 = arith.constant 96 : index
      %parallel_loop3A_450 = tpu.vector_load %arg11[%parallel_loop3A_448, %parallel_loop3A_449] {strides = array<i32>} : memref<128x256xf32, #tpu.memory_space<vmem>>, vector<1x16xf32>,
      %parallel_loop3A_451 = vector.shape_cast %parallel_loop3A_450 : vector<1x16xf32> to vector<16xf32>
      %parallel_loop3A_452 = arith.constant 3 : i32
      %parallel_loop3A_453 = arith.addi %parallel_loop3A_60, %parallel_loop3A_452 : i32
      %parallel_loop3A_454 = arith.index_cast %parallel_loop3A_453 : i32 to index
      %parallel_loop3A_455 = arith.constant 96 : index
      %parallel_loop3A_456 = tpu.vector_load %arg11[%parallel_loop3A_454, %parallel_loop3A_455] {strides = array<i32>} : memref<128x256xf32, #tpu.memory_space<vmem>>, vector<1x16xf32>,
      %parallel_loop3A_457 = vector.shape_cast %parallel_loop3A_456 : vector<1x16xf32> to vector<16xf32>
      %parallel_loop3A_458 = arith.addf %parallel_loop3A_451, %parallel_loop3A_457 : vector<16xf32>
      %parallel_loop3A_459 = arith.constant 4 : i32
      %parallel_loop3A_460 = arith.addi %parallel_loop3A_60, %parallel_loop3A_459 : i32
      %parallel_loop3A_461 = arith.index_cast %parallel_loop3A_460 : i32 to index
      %parallel_loop3A_462 = arith.constant 96 : index
      %parallel_loop3A_463 = tpu.vector_load %arg11[%parallel_loop3A_461, %parallel_loop3A_462] {strides = array<i32>} : memref<128x256xf32, #tpu.memory_space<vmem>>, vector<1x16xf32>,
      %parallel_loop3A_464 = vector.shape_cast %parallel_loop3A_463 : vector<1x16xf32> to vector<16xf32>
      %parallel_loop3A_465 = arith.constant 5 : i32
      %parallel_loop3A_466 = arith.addi %parallel_loop3A_60, %parallel_loop3A_465 : i32
      %parallel_loop3A_467 = arith.index_cast %parallel_loop3A_466 : i32 to index
      %parallel_loop3A_468 = arith.constant 96 : index
      %parallel_loop3A_469 = tpu.vector_load %arg11[%parallel_loop3A_467, %parallel_loop3A_468] {strides = array<i32>} : memref<128x256xf32, #tpu.memory_space<vmem>>, vector<1x16xf32>,
      %parallel_loop3A_470 = vector.shape_cast %parallel_loop3A_469 : vector<1x16xf32> to vector<16xf32>
      %parallel_loop3A_471 = arith.addf %parallel_loop3A_464, %parallel_loop3A_470 : vector<16xf32>
      %parallel_loop3A_472 = arith.constant 6 : i32
      %parallel_loop3A_473 = arith.addi %parallel_loop3A_60, %parallel_loop3A_472 : i32
      %parallel_loop3A_474 = arith.index_cast %parallel_loop3A_473 : i32 to index
      %parallel_loop3A_475 = arith.constant 96 : index
      %parallel_loop3A_476 = tpu.vector_load %arg11[%parallel_loop3A_474, %parallel_loop3A_475] {strides = array<i32>} : memref<128x256xf32, #tpu.memory_space<vmem>>, vector<1x16xf32>,
      %parallel_loop3A_477 = vector.shape_cast %parallel_loop3A_476 : vector<1x16xf32> to vector<16xf32>
      %parallel_loop3A_478 = arith.constant 7 : i32
      %parallel_loop3A_479 = arith.addi %parallel_loop3A_60, %parallel_loop3A_478 : i32
      %parallel_loop3A_480 = arith.index_cast %parallel_loop3A_479 : i32 to index
      %parallel_loop3A_481 = arith.constant 96 : index
      %parallel_loop3A_482 = tpu.vector_load %arg11[%parallel_loop3A_480, %parallel_loop3A_481] {strides = array<i32>} : memref<128x256xf32, #tpu.memory_space<vmem>>, vector<1x16xf32>,
      %parallel_loop3A_483 = vector.shape_cast %parallel_loop3A_482 : vector<1x16xf32> to vector<16xf32>
      %parallel_loop3A_484 = arith.addf %parallel_loop3A_477, %parallel_loop3A_483 : vector<16xf32>
      %parallel_loop3A_485 = arith.addf %parallel_loop3A_445, %parallel_loop3A_458 : vector<16xf32>
      %parallel_loop3A_486 = arith.addf %parallel_loop3A_471, %parallel_loop3A_484 : vector<16xf32>
      %parallel_loop3A_487 = arith.addf %parallel_loop3A_485, %parallel_loop3A_486 : vector<16xf32>
      %parallel_loop3A_488 = arith.constant 0 : i32
      %parallel_loop3A_489 = arith.addi %parallel_loop3A_488, %parallel_loop3A_58 : i32
      %parallel_loop3A_490 = arith.index_cast %parallel_loop3A_489 : i32 to index
      %parallel_loop3A_491 = arith.constant 96 : index
      %parallel_loop3A_492 = tpu.vector_load %arg13[%parallel_loop3A_490, %parallel_loop3A_491] {strides = array<i32>} : memref<16x256xf32, #tpu.memory_space<vmem>>, vector<1x16xf32>,
      %parallel_loop3A_493 = vector.shape_cast %parallel_loop3A_492 : vector<1x16xf32> to vector<16xf32>
      %parallel_loop3A_494 = vector.shape_cast %parallel_loop3A_487 : vector<16xf32> to vector<1x16xf32>
      tpu.vector_store %arg13[%parallel_loop3A_490, %parallel_loop3A_491], %parallel_loop3A_494 {strides = array<i32>} : memref<16x256xf32, #tpu.memory_space<vmem>>, vector<1x16xf32>,
      %parallel_loop3A_495 = arith.constant 0 : i32
      %parallel_loop3A_496 = arith.addi %parallel_loop3A_60, %parallel_loop3A_495 : i32
      %parallel_loop3A_497 = arith.index_cast %parallel_loop3A_496 : i32 to index
      %parallel_loop3A_498 = arith.constant 112 : index
      %parallel_loop3A_499 = tpu.vector_load %arg11[%parallel_loop3A_497, %parallel_loop3A_498] {strides = array<i32>} : memref<128x256xf32, #tpu.memory_space<vmem>>, vector<1x16xf32>,
      %parallel_loop3A_500 = vector.shape_cast %parallel_loop3A_499 : vector<1x16xf32> to vector<16xf32>
      %parallel_loop3A_501 = arith.constant 1 : i32
      %parallel_loop3A_502 = arith.addi %parallel_loop3A_60, %parallel_loop3A_501 : i32
      %parallel_loop3A_503 = arith.index_cast %parallel_loop3A_502 : i32 to index
      %parallel_loop3A_504 = arith.constant 112 : index
      %parallel_loop3A_505 = tpu.vector_load %arg11[%parallel_loop3A_503, %parallel_loop3A_504] {strides = array<i32>} : memref<128x256xf32, #tpu.memory_space<vmem>>, vector<1x16xf32>,
      %parallel_loop3A_506 = vector.shape_cast %parallel_loop3A_505 : vector<1x16xf32> to vector<16xf32>
      %parallel_loop3A_507 = arith.addf %parallel_loop3A_500, %parallel_loop3A_506 : vector<16xf32>
      %parallel_loop3A_508 = arith.constant 2 : i32
      %parallel_loop3A_509 = arith.addi %parallel_loop3A_60, %parallel_loop3A_508 : i32
      %parallel_loop3A_510 = arith.index_cast %parallel_loop3A_509 : i32 to index
      %parallel_loop3A_511 = arith.constant 112 : index
      %parallel_loop3A_512 = tpu.vector_load %arg11[%parallel_loop3A_510, %parallel_loop3A_511] {strides = array<i32>} : memref<128x256xf32, #tpu.memory_space<vmem>>, vector<1x16xf32>,
      %parallel_loop3A_513 = vector.shape_cast %parallel_loop3A_512 : vector<1x16xf32> to vector<16xf32>
      %parallel_loop3A_514 = arith.constant 3 : i32
      %parallel_loop3A_515 = arith.addi %parallel_loop3A_60, %parallel_loop3A_514 : i32
      %parallel_loop3A_516 = arith.index_cast %parallel_loop3A_515 : i32 to index
      %parallel_loop3A_517 = arith.constant 112 : index
      %parallel_loop3A_518 = tpu.vector_load %arg11[%parallel_loop3A_516, %parallel_loop3A_517] {strides = array<i32>} : memref<128x256xf32, #tpu.memory_space<vmem>>, vector<1x16xf32>,
      %parallel_loop3A_519 = vector.shape_cast %parallel_loop3A_518 : vector<1x16xf32> to vector<16xf32>
      %parallel_loop3A_520 = arith.addf %parallel_loop3A_513, %parallel_loop3A_519 : vector<16xf32>
      %parallel_loop3A_521 = arith.constant 4 : i32
      %parallel_loop3A_522 = arith.addi %parallel_loop3A_60, %parallel_loop3A_521 : i32
      %parallel_loop3A_523 = arith.index_cast %parallel_loop3A_522 : i32 to index
      %parallel_loop3A_524 = arith.constant 112 : index
      %parallel_loop3A_525 = tpu.vector_load %arg11[%parallel_loop3A_523, %parallel_loop3A_524] {strides = array<i32>} : memref<128x256xf32, #tpu.memory_space<vmem>>, vector<1x16xf32>,
      %parallel_loop3A_526 = vector.shape_cast %parallel_loop3A_525 : vector<1x16xf32> to vector<16xf32>
      %parallel_loop3A_527 = arith.constant 5 : i32
      %parallel_loop3A_528 = arith.addi %parallel_loop3A_60, %parallel_loop3A_527 : i32
      %parallel_loop3A_529 = arith.index_cast %parallel_loop3A_528 : i32 to index
      %parallel_loop3A_530 = arith.constant 112 : index
      %parallel_loop3A_531 = tpu.vector_load %arg11[%parallel_loop3A_529, %parallel_loop3A_530] {strides = array<i32>} : memref<128x256xf32, #tpu.memory_space<vmem>>, vector<1x16xf32>,
      %parallel_loop3A_532 = vector.shape_cast %parallel_loop3A_531 : vector<1x16xf32> to vector<16xf32>
      %parallel_loop3A_533 = arith.addf %parallel_loop3A_526, %parallel_loop3A_532 : vector<16xf32>
      %parallel_loop3A_534 = arith.constant 6 : i32
      %parallel_loop3A_535 = arith.addi %parallel_loop3A_60, %parallel_loop3A_534 : i32
      %parallel_loop3A_536 = arith.index_cast %parallel_loop3A_535 : i32 to index
      %parallel_loop3A_537 = arith.constant 112 : index
      %parallel_loop3A_538 = tpu.vector_load %arg11[%parallel_loop3A_536, %parallel_loop3A_537] {strides = array<i32>} : memref<128x256xf32, #tpu.memory_space<vmem>>, vector<1x16xf32>,
      %parallel_loop3A_539 = vector.shape_cast %parallel_loop3A_538 : vector<1x16xf32> to vector<16xf32>
      %parallel_loop3A_540 = arith.constant 7 : i32
      %parallel_loop3A_541 = arith.addi %parallel_loop3A_60, %parallel_loop3A_540 : i32
      %parallel_loop3A_542 = arith.index_cast %parallel_loop3A_541 : i32 to index
      %parallel_loop3A_543 = arith.constant 112 : index
      %parallel_loop3A_544 = tpu.vector_load %arg11[%parallel_loop3A_542, %parallel_loop3A_543] {strides = array<i32>} : memref<128x256xf32, #tpu.memory_space<vmem>>, vector<1x16xf32>,
      %parallel_loop3A_545 = vector.shape_cast %parallel_loop3A_544 : vector<1x16xf32> to vector<16xf32>
      %parallel_loop3A_546 = arith.addf %parallel_loop3A_539, %parallel_loop3A_545 : vector<16xf32>
      %parallel_loop3A_547 = arith.addf %parallel_loop3A_507, %parallel_loop3A_520 : vector<16xf32>
      %parallel_loop3A_548 = arith.addf %parallel_loop3A_533, %parallel_loop3A_546 : vector<16xf32>
      %parallel_loop3A_549 = arith.addf %parallel_loop3A_547, %parallel_loop3A_548 : vector<16xf32>
      %parallel_loop3A_550 = arith.constant 0 : i32
      %parallel_loop3A_551 = arith.addi %parallel_loop3A_550, %parallel_loop3A_58 : i32
      %parallel_loop3A_552 = arith.index_cast %parallel_loop3A_551 : i32 to index
      %parallel_loop3A_553 = arith.constant 112 : index
      %parallel_loop3A_554 = tpu.vector_load %arg13[%parallel_loop3A_552, %parallel_loop3A_553] {strides = array<i32>} : memref<16x256xf32, #tpu.memory_space<vmem>>, vector<1x16xf32>,
      %parallel_loop3A_555 = vector.shape_cast %parallel_loop3A_554 : vector<1x16xf32> to vector<16xf32>
      %parallel_loop3A_556 = vector.shape_cast %parallel_loop3A_549 : vector<16xf32> to vector<1x16xf32>
      tpu.vector_store %arg13[%parallel_loop3A_552, %parallel_loop3A_553], %parallel_loop3A_556 {strides = array<i32>} : memref<16x256xf32, #tpu.memory_space<vmem>>, vector<1x16xf32>,
      %parallel_loop3A_557 = arith.constant 0 : i32
      %parallel_loop3A_558 = arith.addi %parallel_loop3A_60, %parallel_loop3A_557 : i32
      %parallel_loop3A_559 = arith.index_cast %parallel_loop3A_558 : i32 to index
      %parallel_loop3A_560 = arith.constant 128 : index
      %parallel_loop3A_561 = tpu.vector_load %arg11[%parallel_loop3A_559, %parallel_loop3A_560] {strides = array<i32>} : memref<128x256xf32, #tpu.memory_space<vmem>>, vector<1x16xf32>,
      %parallel_loop3A_562 = vector.shape_cast %parallel_loop3A_561 : vector<1x16xf32> to vector<16xf32>
      %parallel_loop3A_563 = arith.constant 1 : i32
      %parallel_loop3A_564 = arith.addi %parallel_loop3A_60, %parallel_loop3A_563 : i32
      %parallel_loop3A_565 = arith.index_cast %parallel_loop3A_564 : i32 to index
      %parallel_loop3A_566 = arith.constant 128 : index
      %parallel_loop3A_567 = tpu.vector_load %arg11[%parallel_loop3A_565, %parallel_loop3A_566] {strides = array<i32>} : memref<128x256xf32, #tpu.memory_space<vmem>>, vector<1x16xf32>,
      %parallel_loop3A_568 = vector.shape_cast %parallel_loop3A_567 : vector<1x16xf32> to vector<16xf32>
      %parallel_loop3A_569 = arith.addf %parallel_loop3A_562, %parallel_loop3A_568 : vector<16xf32>
      %parallel_loop3A_570 = arith.constant 2 : i32
      %parallel_loop3A_571 = arith.addi %parallel_loop3A_60, %parallel_loop3A_570 : i32
      %parallel_loop3A_572 = arith.index_cast %parallel_loop3A_571 : i32 to index
      %parallel_loop3A_573 = arith.constant 128 : index
      %parallel_loop3A_574 = tpu.vector_load %arg11[%parallel_loop3A_572, %parallel_loop3A_573] {strides = array<i32>} : memref<128x256xf32, #tpu.memory_space<vmem>>, vector<1x16xf32>,
      %parallel_loop3A_575 = vector.shape_cast %parallel_loop3A_574 : vector<1x16xf32> to vector<16xf32>
      %parallel_loop3A_576 = arith.constant 3 : i32
      %parallel_loop3A_577 = arith.addi %parallel_loop3A_60, %parallel_loop3A_576 : i32
      %parallel_loop3A_578 = arith.index_cast %parallel_loop3A_577 : i32 to index
      %parallel_loop3A_579 = arith.constant 128 : index
      %parallel_loop3A_580 = tpu.vector_load %arg11[%parallel_loop3A_578, %parallel_loop3A_579] {strides = array<i32>} : memref<128x256xf32, #tpu.memory_space<vmem>>, vector<1x16xf32>,
      %parallel_loop3A_581 = vector.shape_cast %parallel_loop3A_580 : vector<1x16xf32> to vector<16xf32>
      %parallel_loop3A_582 = arith.addf %parallel_loop3A_575, %parallel_loop3A_581 : vector<16xf32>
      %parallel_loop3A_583 = arith.constant 4 : i32
      %parallel_loop3A_584 = arith.addi %parallel_loop3A_60, %parallel_loop3A_583 : i32
      %parallel_loop3A_585 = arith.index_cast %parallel_loop3A_584 : i32 to index
      %parallel_loop3A_586 = arith.constant 128 : index
      %parallel_loop3A_587 = tpu.vector_load %arg11[%parallel_loop3A_585, %parallel_loop3A_586] {strides = array<i32>} : memref<128x256xf32, #tpu.memory_space<vmem>>, vector<1x16xf32>,
      %parallel_loop3A_588 = vector.shape_cast %parallel_loop3A_587 : vector<1x16xf32> to vector<16xf32>
      %parallel_loop3A_589 = arith.constant 5 : i32
      %parallel_loop3A_590 = arith.addi %parallel_loop3A_60, %parallel_loop3A_589 : i32
      %parallel_loop3A_591 = arith.index_cast %parallel_loop3A_590 : i32 to index
      %parallel_loop3A_592 = arith.constant 128 : index
      %parallel_loop3A_593 = tpu.vector_load %arg11[%parallel_loop3A_591, %parallel_loop3A_592] {strides = array<i32>} : memref<128x256xf32, #tpu.memory_space<vmem>>, vector<1x16xf32>,
      %parallel_loop3A_594 = vector.shape_cast %parallel_loop3A_593 : vector<1x16xf32> to vector<16xf32>
      %parallel_loop3A_595 = arith.addf %parallel_loop3A_588, %parallel_loop3A_594 : vector<16xf32>
      %parallel_loop3A_596 = arith.constant 6 : i32
      %parallel_loop3A_597 = arith.addi %parallel_loop3A_60, %parallel_loop3A_596 : i32
      %parallel_loop3A_598 = arith.index_cast %parallel_loop3A_597 : i32 to index
      %parallel_loop3A_599 = arith.constant 128 : index
      %parallel_loop3A_600 = tpu.vector_load %arg11[%parallel_loop3A_598, %parallel_loop3A_599] {strides = array<i32>} : memref<128x256xf32, #tpu.memory_space<vmem>>, vector<1x16xf32>,
      %parallel_loop3A_601 = vector.shape_cast %parallel_loop3A_600 : vector<1x16xf32> to vector<16xf32>
      %parallel_loop3A_602 = arith.constant 7 : i32
      %parallel_loop3A_603 = arith.addi %parallel_loop3A_60, %parallel_loop3A_602 : i32
      %parallel_loop3A_604 = arith.index_cast %parallel_loop3A_603 : i32 to index
      %parallel_loop3A_605 = arith.constant 128 : index
      %parallel_loop3A_606 = tpu.vector_load %arg11[%parallel_loop3A_604, %parallel_loop3A_605] {strides = array<i32>} : memref<128x256xf32, #tpu.memory_space<vmem>>, vector<1x16xf32>,
      %parallel_loop3A_607 = vector.shape_cast %parallel_loop3A_606 : vector<1x16xf32> to vector<16xf32>
      %parallel_loop3A_608 = arith.addf %parallel_loop3A_601, %parallel_loop3A_607 : vector<16xf32>
      %parallel_loop3A_609 = arith.addf %parallel_loop3A_569, %parallel_loop3A_582 : vector<16xf32>
      %parallel_loop3A_610 = arith.addf %parallel_loop3A_595, %parallel_loop3A_608 : vector<16xf32>
      %parallel_loop3A_611 = arith.addf %parallel_loop3A_609, %parallel_loop3A_610 : vector<16xf32>
      %parallel_loop3A_612 = arith.constant 0 : i32
      %parallel_loop3A_613 = arith.addi %parallel_loop3A_612, %parallel_loop3A_58 : i32
      %parallel_loop3A_614 = arith.index_cast %parallel_loop3A_613 : i32 to index
      %parallel_loop3A_615 = arith.constant 128 : index
      %parallel_loop3A_616 = tpu.vector_load %arg13[%parallel_loop3A_614, %parallel_loop3A_615] {strides = array<i32>} : memref<16x256xf32, #tpu.memory_space<vmem>>, vector<1x16xf32>,
      %parallel_loop3A_617 = vector.shape_cast %parallel_loop3A_616 : vector<1x16xf32> to vector<16xf32>
      %parallel_loop3A_618 = vector.shape_cast %parallel_loop3A_611 : vector<16xf32> to vector<1x16xf32>
      tpu.vector_store %arg13[%parallel_loop3A_614, %parallel_loop3A_615], %parallel_loop3A_618 {strides = array<i32>} : memref<16x256xf32, #tpu.memory_space<vmem>>, vector<1x16xf32>,
      %parallel_loop3A_619 = arith.constant 0 : i32
      %parallel_loop3A_620 = arith.addi %parallel_loop3A_60, %parallel_loop3A_619 : i32
      %parallel_loop3A_621 = arith.index_cast %parallel_loop3A_620 : i32 to index
      %parallel_loop3A_622 = arith.constant 144 : index
      %parallel_loop3A_623 = tpu.vector_load %arg11[%parallel_loop3A_621, %parallel_loop3A_622] {strides = array<i32>} : memref<128x256xf32, #tpu.memory_space<vmem>>, vector<1x16xf32>,
      %parallel_loop3A_624 = vector.shape_cast %parallel_loop3A_623 : vector<1x16xf32> to vector<16xf32>
      %parallel_loop3A_625 = arith.constant 1 : i32
      %parallel_loop3A_626 = arith.addi %parallel_loop3A_60, %parallel_loop3A_625 : i32
      %parallel_loop3A_627 = arith.index_cast %parallel_loop3A_626 : i32 to index
      %parallel_loop3A_628 = arith.constant 144 : index
      %parallel_loop3A_629 = tpu.vector_load %arg11[%parallel_loop3A_627, %parallel_loop3A_628] {strides = array<i32>} : memref<128x256xf32, #tpu.memory_space<vmem>>, vector<1x16xf32>,
      %parallel_loop3A_630 = vector.shape_cast %parallel_loop3A_629 : vector<1x16xf32> to vector<16xf32>
      %parallel_loop3A_631 = arith.addf %parallel_loop3A_624, %parallel_loop3A_630 : vector<16xf32>
      %parallel_loop3A_632 = arith.constant 2 : i32
      %parallel_loop3A_633 = arith.addi %parallel_loop3A_60, %parallel_loop3A_632 : i32
      %parallel_loop3A_634 = arith.index_cast %parallel_loop3A_633 : i32 to index
      %parallel_loop3A_635 = arith.constant 144 : index
      %parallel_loop3A_636 = tpu.vector_load %arg11[%parallel_loop3A_634, %parallel_loop3A_635] {strides = array<i32>} : memref<128x256xf32, #tpu.memory_space<vmem>>, vector<1x16xf32>,
      %parallel_loop3A_637 = vector.shape_cast %parallel_loop3A_636 : vector<1x16xf32> to vector<16xf32>
      %parallel_loop3A_638 = arith.constant 3 : i32
      %parallel_loop3A_639 = arith.addi %parallel_loop3A_60, %parallel_loop3A_638 : i32
      %parallel_loop3A_640 = arith.index_cast %parallel_loop3A_639 : i32 to index
      %parallel_loop3A_641 = arith.constant 144 : index
      %parallel_loop3A_642 = tpu.vector_load %arg11[%parallel_loop3A_640, %parallel_loop3A_641] {strides = array<i32>} : memref<128x256xf32, #tpu.memory_space<vmem>>, vector<1x16xf32>,
      %parallel_loop3A_643 = vector.shape_cast %parallel_loop3A_642 : vector<1x16xf32> to vector<16xf32>
      %parallel_loop3A_644 = arith.addf %parallel_loop3A_637, %parallel_loop3A_643 : vector<16xf32>
      %parallel_loop3A_645 = arith.constant 4 : i32
      %parallel_loop3A_646 = arith.addi %parallel_loop3A_60, %parallel_loop3A_645 : i32
      %parallel_loop3A_647 = arith.index_cast %parallel_loop3A_646 : i32 to index
      %parallel_loop3A_648 = arith.constant 144 : index
      %parallel_loop3A_649 = tpu.vector_load %arg11[%parallel_loop3A_647, %parallel_loop3A_648] {strides = array<i32>} : memref<128x256xf32, #tpu.memory_space<vmem>>, vector<1x16xf32>,
      %parallel_loop3A_650 = vector.shape_cast %parallel_loop3A_649 : vector<1x16xf32> to vector<16xf32>
      %parallel_loop3A_651 = arith.constant 5 : i32
      %parallel_loop3A_652 = arith.addi %parallel_loop3A_60, %parallel_loop3A_651 : i32
      %parallel_loop3A_653 = arith.index_cast %parallel_loop3A_652 : i32 to index
      %parallel_loop3A_654 = arith.constant 144 : index
      %parallel_loop3A_655 = tpu.vector_load %arg11[%parallel_loop3A_653, %parallel_loop3A_654] {strides = array<i32>} : memref<128x256xf32, #tpu.memory_space<vmem>>, vector<1x16xf32>,
      %parallel_loop3A_656 = vector.shape_cast %parallel_loop3A_655 : vector<1x16xf32> to vector<16xf32>
      %parallel_loop3A_657 = arith.addf %parallel_loop3A_650, %parallel_loop3A_656 : vector<16xf32>
      %parallel_loop3A_658 = arith.constant 6 : i32
      %parallel_loop3A_659 = arith.addi %parallel_loop3A_60, %parallel_loop3A_658 : i32
      %parallel_loop3A_660 = arith.index_cast %parallel_loop3A_659 : i32 to index
      %parallel_loop3A_661 = arith.constant 144 : index
      %parallel_loop3A_662 = tpu.vector_load %arg11[%parallel_loop3A_660, %parallel_loop3A_661] {strides = array<i32>} : memref<128x256xf32, #tpu.memory_space<vmem>>, vector<1x16xf32>,
      %parallel_loop3A_663 = vector.shape_cast %parallel_loop3A_662 : vector<1x16xf32> to vector<16xf32>
      %parallel_loop3A_664 = arith.constant 7 : i32
      %parallel_loop3A_665 = arith.addi %parallel_loop3A_60, %parallel_loop3A_664 : i32
      %parallel_loop3A_666 = arith.index_cast %parallel_loop3A_665 : i32 to index
      %parallel_loop3A_667 = arith.constant 144 : index
      %parallel_loop3A_668 = tpu.vector_load %arg11[%parallel_loop3A_666, %parallel_loop3A_667] {strides = array<i32>} : memref<128x256xf32, #tpu.memory_space<vmem>>, vector<1x16xf32>,
      %parallel_loop3A_669 = vector.shape_cast %parallel_loop3A_668 : vector<1x16xf32> to vector<16xf32>
      %parallel_loop3A_670 = arith.addf %parallel_loop3A_663, %parallel_loop3A_669 : vector<16xf32>
      %parallel_loop3A_671 = arith.addf %parallel_loop3A_631, %parallel_loop3A_644 : vector<16xf32>
      %parallel_loop3A_672 = arith.addf %parallel_loop3A_657, %parallel_loop3A_670 : vector<16xf32>
      %parallel_loop3A_673 = arith.addf %parallel_loop3A_671, %parallel_loop3A_672 : vector<16xf32>
      %parallel_loop3A_674 = arith.constant 0 : i32
      %parallel_loop3A_675 = arith.addi %parallel_loop3A_674, %parallel_loop3A_58 : i32
      %parallel_loop3A_676 = arith.index_cast %parallel_loop3A_675 : i32 to index
      %parallel_loop3A_677 = arith.constant 144 : index
      %parallel_loop3A_678 = tpu.vector_load %arg13[%parallel_loop3A_676, %parallel_loop3A_677] {strides = array<i32>} : memref<16x256xf32, #tpu.memory_space<vmem>>, vector<1x16xf32>,
      %parallel_loop3A_679 = vector.shape_cast %parallel_loop3A_678 : vector<1x16xf32> to vector<16xf32>
      %parallel_loop3A_680 = vector.shape_cast %parallel_loop3A_673 : vector<16xf32> to vector<1x16xf32>
      tpu.vector_store %arg13[%parallel_loop3A_676, %parallel_loop3A_677], %parallel_loop3A_680 {strides = array<i32>} : memref<16x256xf32, #tpu.memory_space<vmem>>, vector<1x16xf32>,
      %parallel_loop3A_681 = arith.constant 0 : i32
      %parallel_loop3A_682 = arith.addi %parallel_loop3A_60, %parallel_loop3A_681 : i32
      %parallel_loop3A_683 = arith.index_cast %parallel_loop3A_682 : i32 to index
      %parallel_loop3A_684 = arith.constant 160 : index
      %parallel_loop3A_685 = tpu.vector_load %arg11[%parallel_loop3A_683, %parallel_loop3A_684] {strides = array<i32>} : memref<128x256xf32, #tpu.memory_space<vmem>>, vector<1x16xf32>,
      %parallel_loop3A_686 = vector.shape_cast %parallel_loop3A_685 : vector<1x16xf32> to vector<16xf32>
      %parallel_loop3A_687 = arith.constant 1 : i32
      %parallel_loop3A_688 = arith.addi %parallel_loop3A_60, %parallel_loop3A_687 : i32
      %parallel_loop3A_689 = arith.index_cast %parallel_loop3A_688 : i32 to index
      %parallel_loop3A_690 = arith.constant 160 : index
      %parallel_loop3A_691 = tpu.vector_load %arg11[%parallel_loop3A_689, %parallel_loop3A_690] {strides = array<i32>} : memref<128x256xf32, #tpu.memory_space<vmem>>, vector<1x16xf32>,
      %parallel_loop3A_692 = vector.shape_cast %parallel_loop3A_691 : vector<1x16xf32> to vector<16xf32>
      %parallel_loop3A_693 = arith.addf %parallel_loop3A_686, %parallel_loop3A_692 : vector<16xf32>
      %parallel_loop3A_694 = arith.constant 2 : i32
      %parallel_loop3A_695 = arith.addi %parallel_loop3A_60, %parallel_loop3A_694 : i32
      %parallel_loop3A_696 = arith.index_cast %parallel_loop3A_695 : i32 to index
      %parallel_loop3A_697 = arith.constant 160 : index
      %parallel_loop3A_698 = tpu.vector_load %arg11[%parallel_loop3A_696, %parallel_loop3A_697] {strides = array<i32>} : memref<128x256xf32, #tpu.memory_space<vmem>>, vector<1x16xf32>,
      %parallel_loop3A_699 = vector.shape_cast %parallel_loop3A_698 : vector<1x16xf32> to vector<16xf32>
      %parallel_loop3A_700 = arith.constant 3 : i32
      %parallel_loop3A_701 = arith.addi %parallel_loop3A_60, %parallel_loop3A_700 : i32
      %parallel_loop3A_702 = arith.index_cast %parallel_loop3A_701 : i32 to index
      %parallel_loop3A_703 = arith.constant 160 : index
      %parallel_loop3A_704 = tpu.vector_load %arg11[%parallel_loop3A_702, %parallel_loop3A_703] {strides = array<i32>} : memref<128x256xf32, #tpu.memory_space<vmem>>, vector<1x16xf32>,
      %parallel_loop3A_705 = vector.shape_cast %parallel_loop3A_704 : vector<1x16xf32> to vector<16xf32>
      %parallel_loop3A_706 = arith.addf %parallel_loop3A_699, %parallel_loop3A_705 : vector<16xf32>
      %parallel_loop3A_707 = arith.constant 4 : i32
      %parallel_loop3A_708 = arith.addi %parallel_loop3A_60, %parallel_loop3A_707 : i32
      %parallel_loop3A_709 = arith.index_cast %parallel_loop3A_708 : i32 to index
      %parallel_loop3A_710 = arith.constant 160 : index
      %parallel_loop3A_711 = tpu.vector_load %arg11[%parallel_loop3A_709, %parallel_loop3A_710] {strides = array<i32>} : memref<128x256xf32, #tpu.memory_space<vmem>>, vector<1x16xf32>,
      %parallel_loop3A_712 = vector.shape_cast %parallel_loop3A_711 : vector<1x16xf32> to vector<16xf32>
      %parallel_loop3A_713 = arith.constant 5 : i32
      %parallel_loop3A_714 = arith.addi %parallel_loop3A_60, %parallel_loop3A_713 : i32
      %parallel_loop3A_715 = arith.index_cast %parallel_loop3A_714 : i32 to index
      %parallel_loop3A_716 = arith.constant 160 : index
      %parallel_loop3A_717 = tpu.vector_load %arg11[%parallel_loop3A_715, %parallel_loop3A_716] {strides = array<i32>} : memref<128x256xf32, #tpu.memory_space<vmem>>, vector<1x16xf32>,
      %parallel_loop3A_718 = vector.shape_cast %parallel_loop3A_717 : vector<1x16xf32> to vector<16xf32>
      %parallel_loop3A_719 = arith.addf %parallel_loop3A_712, %parallel_loop3A_718 : vector<16xf32>
      %parallel_loop3A_720 = arith.constant 6 : i32
      %parallel_loop3A_721 = arith.addi %parallel_loop3A_60, %parallel_loop3A_720 : i32
      %parallel_loop3A_722 = arith.index_cast %parallel_loop3A_721 : i32 to index
      %parallel_loop3A_723 = arith.constant 160 : index
      %parallel_loop3A_724 = tpu.vector_load %arg11[%parallel_loop3A_722, %parallel_loop3A_723] {strides = array<i32>} : memref<128x256xf32, #tpu.memory_space<vmem>>, vector<1x16xf32>,
      %parallel_loop3A_725 = vector.shape_cast %parallel_loop3A_724 : vector<1x16xf32> to vector<16xf32>
      %parallel_loop3A_726 = arith.constant 7 : i32
      %parallel_loop3A_727 = arith.addi %parallel_loop3A_60, %parallel_loop3A_726 : i32
      %parallel_loop3A_728 = arith.index_cast %parallel_loop3A_727 : i32 to index
      %parallel_loop3A_729 = arith.constant 160 : index
      %parallel_loop3A_730 = tpu.vector_load %arg11[%parallel_loop3A_728, %parallel_loop3A_729] {strides = array<i32>} : memref<128x256xf32, #tpu.memory_space<vmem>>, vector<1x16xf32>,
      %parallel_loop3A_731 = vector.shape_cast %parallel_loop3A_730 : vector<1x16xf32> to vector<16xf32>
      %parallel_loop3A_732 = arith.addf %parallel_loop3A_725, %parallel_loop3A_731 : vector<16xf32>
      %parallel_loop3A_733 = arith.addf %parallel_loop3A_693, %parallel_loop3A_706 : vector<16xf32>
      %parallel_loop3A_734 = arith.addf %parallel_loop3A_719, %parallel_loop3A_732 : vector<16xf32>
      %parallel_loop3A_735 = arith.addf %parallel_loop3A_733, %parallel_loop3A_734 : vector<16xf32>
      %parallel_loop3A_736 = arith.constant 0 : i32
      %parallel_loop3A_737 = arith.addi %parallel_loop3A_736, %parallel_loop3A_58 : i32
      %parallel_loop3A_738 = arith.index_cast %parallel_loop3A_737 : i32 to index
      %parallel_loop3A_739 = arith.constant 160 : index
      %parallel_loop3A_740 = tpu.vector_load %arg13[%parallel_loop3A_738, %parallel_loop3A_739] {strides = array<i32>} : memref<16x256xf32, #tpu.memory_space<vmem>>, vector<1x16xf32>,
      %parallel_loop3A_741 = vector.shape_cast %parallel_loop3A_740 : vector<1x16xf32> to vector<16xf32>
      %parallel_loop3A_742 = vector.shape_cast %parallel_loop3A_735 : vector<16xf32> to vector<1x16xf32>
      tpu.vector_store %arg13[%parallel_loop3A_738, %parallel_loop3A_739], %parallel_loop3A_742 {strides = array<i32>} : memref<16x256xf32, #tpu.memory_space<vmem>>, vector<1x16xf32>,
      %parallel_loop3A_743 = arith.constant 0 : i32
      %parallel_loop3A_744 = arith.addi %parallel_loop3A_60, %parallel_loop3A_743 : i32
      %parallel_loop3A_745 = arith.index_cast %parallel_loop3A_744 : i32 to index
      %parallel_loop3A_746 = arith.constant 176 : index
      %parallel_loop3A_747 = tpu.vector_load %arg11[%parallel_loop3A_745, %parallel_loop3A_746] {strides = array<i32>} : memref<128x256xf32, #tpu.memory_space<vmem>>, vector<1x16xf32>,
      %parallel_loop3A_748 = vector.shape_cast %parallel_loop3A_747 : vector<1x16xf32> to vector<16xf32>
      %parallel_loop3A_749 = arith.constant 1 : i32
      %parallel_loop3A_750 = arith.addi %parallel_loop3A_60, %parallel_loop3A_749 : i32
      %parallel_loop3A_751 = arith.index_cast %parallel_loop3A_750 : i32 to index
      %parallel_loop3A_752 = arith.constant 176 : index
      %parallel_loop3A_753 = tpu.vector_load %arg11[%parallel_loop3A_751, %parallel_loop3A_752] {strides = array<i32>} : memref<128x256xf32, #tpu.memory_space<vmem>>, vector<1x16xf32>,
      %parallel_loop3A_754 = vector.shape_cast %parallel_loop3A_753 : vector<1x16xf32> to vector<16xf32>
      %parallel_loop3A_755 = arith.addf %parallel_loop3A_748, %parallel_loop3A_754 : vector<16xf32>
      %parallel_loop3A_756 = arith.constant 2 : i32
      %parallel_loop3A_757 = arith.addi %parallel_loop3A_60, %parallel_loop3A_756 : i32
      %parallel_loop3A_758 = arith.index_cast %parallel_loop3A_757 : i32 to index
      %parallel_loop3A_759 = arith.constant 176 : index
      %parallel_loop3A_760 = tpu.vector_load %arg11[%parallel_loop3A_758, %parallel_loop3A_759] {strides = array<i32>} : memref<128x256xf32, #tpu.memory_space<vmem>>, vector<1x16xf32>,
      %parallel_loop3A_761 = vector.shape_cast %parallel_loop3A_760 : vector<1x16xf32> to vector<16xf32>
      %parallel_loop3A_762 = arith.constant 3 : i32
      %parallel_loop3A_763 = arith.addi %parallel_loop3A_60, %parallel_loop3A_762 : i32
      %parallel_loop3A_764 = arith.index_cast %parallel_loop3A_763 : i32 to index
      %parallel_loop3A_765 = arith.constant 176 : index
      %parallel_loop3A_766 = tpu.vector_load %arg11[%parallel_loop3A_764, %parallel_loop3A_765] {strides = array<i32>} : memref<128x256xf32, #tpu.memory_space<vmem>>, vector<1x16xf32>,
      %parallel_loop3A_767 = vector.shape_cast %parallel_loop3A_766 : vector<1x16xf32> to vector<16xf32>
      %parallel_loop3A_768 = arith.addf %parallel_loop3A_761, %parallel_loop3A_767 : vector<16xf32>
      %parallel_loop3A_769 = arith.constant 4 : i32
      %parallel_loop3A_770 = arith.addi %parallel_loop3A_60, %parallel_loop3A_769 : i32
      %parallel_loop3A_771 = arith.index_cast %parallel_loop3A_770 : i32 to index
      %parallel_loop3A_772 = arith.constant 176 : index
      %parallel_loop3A_773 = tpu.vector_load %arg11[%parallel_loop3A_771, %parallel_loop3A_772] {strides = array<i32>} : memref<128x256xf32, #tpu.memory_space<vmem>>, vector<1x16xf32>,
      %parallel_loop3A_774 = vector.shape_cast %parallel_loop3A_773 : vector<1x16xf32> to vector<16xf32>
      %parallel_loop3A_775 = arith.constant 5 : i32
      %parallel_loop3A_776 = arith.addi %parallel_loop3A_60, %parallel_loop3A_775 : i32
      %parallel_loop3A_777 = arith.index_cast %parallel_loop3A_776 : i32 to index
      %parallel_loop3A_778 = arith.constant 176 : index
      %parallel_loop3A_779 = tpu.vector_load %arg11[%parallel_loop3A_777, %parallel_loop3A_778] {strides = array<i32>} : memref<128x256xf32, #tpu.memory_space<vmem>>, vector<1x16xf32>,
      %parallel_loop3A_780 = vector.shape_cast %parallel_loop3A_779 : vector<1x16xf32> to vector<16xf32>
      %parallel_loop3A_781 = arith.addf %parallel_loop3A_774, %parallel_loop3A_780 : vector<16xf32>
      %parallel_loop3A_782 = arith.constant 6 : i32
      %parallel_loop3A_783 = arith.addi %parallel_loop3A_60, %parallel_loop3A_782 : i32
      %parallel_loop3A_784 = arith.index_cast %parallel_loop3A_783 : i32 to index
      %parallel_loop3A_785 = arith.constant 176 : index
      %parallel_loop3A_786 = tpu.vector_load %arg11[%parallel_loop3A_784, %parallel_loop3A_785] {strides = array<i32>} : memref<128x256xf32, #tpu.memory_space<vmem>>, vector<1x16xf32>,
      %parallel_loop3A_787 = vector.shape_cast %parallel_loop3A_786 : vector<1x16xf32> to vector<16xf32>
      %parallel_loop3A_788 = arith.constant 7 : i32
      %parallel_loop3A_789 = arith.addi %parallel_loop3A_60, %parallel_loop3A_788 : i32
      %parallel_loop3A_790 = arith.index_cast %parallel_loop3A_789 : i32 to index
      %parallel_loop3A_791 = arith.constant 176 : index
      %parallel_loop3A_792 = tpu.vector_load %arg11[%parallel_loop3A_790, %parallel_loop3A_791] {strides = array<i32>} : memref<128x256xf32, #tpu.memory_space<vmem>>, vector<1x16xf32>,
      %parallel_loop3A_793 = vector.shape_cast %parallel_loop3A_792 : vector<1x16xf32> to vector<16xf32>
      %parallel_loop3A_794 = arith.addf %parallel_loop3A_787, %parallel_loop3A_793 : vector<16xf32>
      %parallel_loop3A_795 = arith.addf %parallel_loop3A_755, %parallel_loop3A_768 : vector<16xf32>
      %parallel_loop3A_796 = arith.addf %parallel_loop3A_781, %parallel_loop3A_794 : vector<16xf32>
      %parallel_loop3A_797 = arith.addf %parallel_loop3A_795, %parallel_loop3A_796 : vector<16xf32>
      %parallel_loop3A_798 = arith.constant 0 : i32
      %parallel_loop3A_799 = arith.addi %parallel_loop3A_798, %parallel_loop3A_58 : i32
      %parallel_loop3A_800 = arith.index_cast %parallel_loop3A_799 : i32 to index
      %parallel_loop3A_801 = arith.constant 176 : index
      %parallel_loop3A_802 = tpu.vector_load %arg13[%parallel_loop3A_800, %parallel_loop3A_801] {strides = array<i32>} : memref<16x256xf32, #tpu.memory_space<vmem>>, vector<1x16xf32>,
      %parallel_loop3A_803 = vector.shape_cast %parallel_loop3A_802 : vector<1x16xf32> to vector<16xf32>
      %parallel_loop3A_804 = vector.shape_cast %parallel_loop3A_797 : vector<16xf32> to vector<1x16xf32>
      tpu.vector_store %arg13[%parallel_loop3A_800, %parallel_loop3A_801], %parallel_loop3A_804 {strides = array<i32>} : memref<16x256xf32, #tpu.memory_space<vmem>>, vector<1x16xf32>,
      %parallel_loop3A_805 = arith.constant 0 : i32
      %parallel_loop3A_806 = arith.addi %parallel_loop3A_60, %parallel_loop3A_805 : i32
      %parallel_loop3A_807 = arith.index_cast %parallel_loop3A_806 : i32 to index
      %parallel_loop3A_808 = arith.constant 192 : index
      %parallel_loop3A_809 = tpu.vector_load %arg11[%parallel_loop3A_807, %parallel_loop3A_808] {strides = array<i32>} : memref<128x256xf32, #tpu.memory_space<vmem>>, vector<1x16xf32>,
      %parallel_loop3A_810 = vector.shape_cast %parallel_loop3A_809 : vector<1x16xf32> to vector<16xf32>
      %parallel_loop3A_811 = arith.constant 1 : i32
      %parallel_loop3A_812 = arith.addi %parallel_loop3A_60, %parallel_loop3A_811 : i32
      %parallel_loop3A_813 = arith.index_cast %parallel_loop3A_812 : i32 to index
      %parallel_loop3A_814 = arith.constant 192 : index
      %parallel_loop3A_815 = tpu.vector_load %arg11[%parallel_loop3A_813, %parallel_loop3A_814] {strides = array<i32>} : memref<128x256xf32, #tpu.memory_space<vmem>>, vector<1x16xf32>,
      %parallel_loop3A_816 = vector.shape_cast %parallel_loop3A_815 : vector<1x16xf32> to vector<16xf32>
      %parallel_loop3A_817 = arith.addf %parallel_loop3A_810, %parallel_loop3A_816 : vector<16xf32>
      %parallel_loop3A_818 = arith.constant 2 : i32
      %parallel_loop3A_819 = arith.addi %parallel_loop3A_60, %parallel_loop3A_818 : i32
      %parallel_loop3A_820 = arith.index_cast %parallel_loop3A_819 : i32 to index
      %parallel_loop3A_821 = arith.constant 192 : index
      %parallel_loop3A_822 = tpu.vector_load %arg11[%parallel_loop3A_820, %parallel_loop3A_821] {strides = array<i32>} : memref<128x256xf32, #tpu.memory_space<vmem>>, vector<1x16xf32>,
      %parallel_loop3A_823 = vector.shape_cast %parallel_loop3A_822 : vector<1x16xf32> to vector<16xf32>
      %parallel_loop3A_824 = arith.constant 3 : i32
      %parallel_loop3A_825 = arith.addi %parallel_loop3A_60, %parallel_loop3A_824 : i32
      %parallel_loop3A_826 = arith.index_cast %parallel_loop3A_825 : i32 to index
      %parallel_loop3A_827 = arith.constant 192 : index
      %parallel_loop3A_828 = tpu.vector_load %arg11[%parallel_loop3A_826, %parallel_loop3A_827] {strides = array<i32>} : memref<128x256xf32, #tpu.memory_space<vmem>>, vector<1x16xf32>,
      %parallel_loop3A_829 = vector.shape_cast %parallel_loop3A_828 : vector<1x16xf32> to vector<16xf32>
      %parallel_loop3A_830 = arith.addf %parallel_loop3A_823, %parallel_loop3A_829 : vector<16xf32>
      %parallel_loop3A_831 = arith.constant 4 : i32
      %parallel_loop3A_832 = arith.addi %parallel_loop3A_60, %parallel_loop3A_831 : i32
      %parallel_loop3A_833 = arith.index_cast %parallel_loop3A_832 : i32 to index
      %parallel_loop3A_834 = arith.constant 192 : index
      %parallel_loop3A_835 = tpu.vector_load %arg11[%parallel_loop3A_833, %parallel_loop3A_834] {strides = array<i32>} : memref<128x256xf32, #tpu.memory_space<vmem>>, vector<1x16xf32>,
      %parallel_loop3A_836 = vector.shape_cast %parallel_loop3A_835 : vector<1x16xf32> to vector<16xf32>
      %parallel_loop3A_837 = arith.constant 5 : i32
      %parallel_loop3A_838 = arith.addi %parallel_loop3A_60, %parallel_loop3A_837 : i32
      %parallel_loop3A_839 = arith.index_cast %parallel_loop3A_838 : i32 to index
      %parallel_loop3A_840 = arith.constant 192 : index
      %parallel_loop3A_841 = tpu.vector_load %arg11[%parallel_loop3A_839, %parallel_loop3A_840] {strides = array<i32>} : memref<128x256xf32, #tpu.memory_space<vmem>>, vector<1x16xf32>,
      %parallel_loop3A_842 = vector.shape_cast %parallel_loop3A_841 : vector<1x16xf32> to vector<16xf32>
      %parallel_loop3A_843 = arith.addf %parallel_loop3A_836, %parallel_loop3A_842 : vector<16xf32>
      %parallel_loop3A_844 = arith.constant 6 : i32
      %parallel_loop3A_845 = arith.addi %parallel_loop3A_60, %parallel_loop3A_844 : i32
      %parallel_loop3A_846 = arith.index_cast %parallel_loop3A_845 : i32 to index
      %parallel_loop3A_847 = arith.constant 192 : index
      %parallel_loop3A_848 = tpu.vector_load %arg11[%parallel_loop3A_846, %parallel_loop3A_847] {strides = array<i32>} : memref<128x256xf32, #tpu.memory_space<vmem>>, vector<1x16xf32>,
      %parallel_loop3A_849 = vector.shape_cast %parallel_loop3A_848 : vector<1x16xf32> to vector<16xf32>
      %parallel_loop3A_850 = arith.constant 7 : i32
      %parallel_loop3A_851 = arith.addi %parallel_loop3A_60, %parallel_loop3A_850 : i32
      %parallel_loop3A_852 = arith.index_cast %parallel_loop3A_851 : i32 to index
      %parallel_loop3A_853 = arith.constant 192 : index
      %parallel_loop3A_854 = tpu.vector_load %arg11[%parallel_loop3A_852, %parallel_loop3A_853] {strides = array<i32>} : memref<128x256xf32, #tpu.memory_space<vmem>>, vector<1x16xf32>,
      %parallel_loop3A_855 = vector.shape_cast %parallel_loop3A_854 : vector<1x16xf32> to vector<16xf32>
      %parallel_loop3A_856 = arith.addf %parallel_loop3A_849, %parallel_loop3A_855 : vector<16xf32>
      %parallel_loop3A_857 = arith.addf %parallel_loop3A_817, %parallel_loop3A_830 : vector<16xf32>
      %parallel_loop3A_858 = arith.addf %parallel_loop3A_843, %parallel_loop3A_856 : vector<16xf32>
      %parallel_loop3A_859 = arith.addf %parallel_loop3A_857, %parallel_loop3A_858 : vector<16xf32>
      %parallel_loop3A_860 = arith.constant 0 : i32
      %parallel_loop3A_861 = arith.addi %parallel_loop3A_860, %parallel_loop3A_58 : i32
      %parallel_loop3A_862 = arith.index_cast %parallel_loop3A_861 : i32 to index
      %parallel_loop3A_863 = arith.constant 192 : index
      %parallel_loop3A_864 = tpu.vector_load %arg13[%parallel_loop3A_862, %parallel_loop3A_863] {strides = array<i32>} : memref<16x256xf32, #tpu.memory_space<vmem>>, vector<1x16xf32>,
      %parallel_loop3A_865 = vector.shape_cast %parallel_loop3A_864 : vector<1x16xf32> to vector<16xf32>
      %parallel_loop3A_866 = vector.shape_cast %parallel_loop3A_859 : vector<16xf32> to vector<1x16xf32>
      tpu.vector_store %arg13[%parallel_loop3A_862, %parallel_loop3A_863], %parallel_loop3A_866 {strides = array<i32>} : memref<16x256xf32, #tpu.memory_space<vmem>>, vector<1x16xf32>,
      %parallel_loop3A_867 = arith.constant 0 : i32
      %parallel_loop3A_868 = arith.addi %parallel_loop3A_60, %parallel_loop3A_867 : i32
      %parallel_loop3A_869 = arith.index_cast %parallel_loop3A_868 : i32 to index
      %parallel_loop3A_870 = arith.constant 208 : index
      %parallel_loop3A_871 = tpu.vector_load %arg11[%parallel_loop3A_869, %parallel_loop3A_870] {strides = array<i32>} : memref<128x256xf32, #tpu.memory_space<vmem>>, vector<1x16xf32>,
      %parallel_loop3A_872 = vector.shape_cast %parallel_loop3A_871 : vector<1x16xf32> to vector<16xf32>
      %parallel_loop3A_873 = arith.constant 1 : i32
      %parallel_loop3A_874 = arith.addi %parallel_loop3A_60, %parallel_loop3A_873 : i32
      %parallel_loop3A_875 = arith.index_cast %parallel_loop3A_874 : i32 to index
      %parallel_loop3A_876 = arith.constant 208 : index
      %parallel_loop3A_877 = tpu.vector_load %arg11[%parallel_loop3A_875, %parallel_loop3A_876] {strides = array<i32>} : memref<128x256xf32, #tpu.memory_space<vmem>>, vector<1x16xf32>,
      %parallel_loop3A_878 = vector.shape_cast %parallel_loop3A_877 : vector<1x16xf32> to vector<16xf32>
      %parallel_loop3A_879 = arith.addf %parallel_loop3A_872, %parallel_loop3A_878 : vector<16xf32>
      %parallel_loop3A_880 = arith.constant 2 : i32
      %parallel_loop3A_881 = arith.addi %parallel_loop3A_60, %parallel_loop3A_880 : i32
      %parallel_loop3A_882 = arith.index_cast %parallel_loop3A_881 : i32 to index
      %parallel_loop3A_883 = arith.constant 208 : index
      %parallel_loop3A_884 = tpu.vector_load %arg11[%parallel_loop3A_882, %parallel_loop3A_883] {strides = array<i32>} : memref<128x256xf32, #tpu.memory_space<vmem>>, vector<1x16xf32>,
      %parallel_loop3A_885 = vector.shape_cast %parallel_loop3A_884 : vector<1x16xf32> to vector<16xf32>
      %parallel_loop3A_886 = arith.constant 3 : i32
      %parallel_loop3A_887 = arith.addi %parallel_loop3A_60, %parallel_loop3A_886 : i32
      %parallel_loop3A_888 = arith.index_cast %parallel_loop3A_887 : i32 to index
      %parallel_loop3A_889 = arith.constant 208 : index
      %parallel_loop3A_890 = tpu.vector_load %arg11[%parallel_loop3A_888, %parallel_loop3A_889] {strides = array<i32>} : memref<128x256xf32, #tpu.memory_space<vmem>>, vector<1x16xf32>,
      %parallel_loop3A_891 = vector.shape_cast %parallel_loop3A_890 : vector<1x16xf32> to vector<16xf32>
      %parallel_loop3A_892 = arith.addf %parallel_loop3A_885, %parallel_loop3A_891 : vector<16xf32>
      %parallel_loop3A_893 = arith.constant 4 : i32
      %parallel_loop3A_894 = arith.addi %parallel_loop3A_60, %parallel_loop3A_893 : i32
      %parallel_loop3A_895 = arith.index_cast %parallel_loop3A_894 : i32 to index
      %parallel_loop3A_896 = arith.constant 208 : index
      %parallel_loop3A_897 = tpu.vector_load %arg11[%parallel_loop3A_895, %parallel_loop3A_896] {strides = array<i32>} : memref<128x256xf32, #tpu.memory_space<vmem>>, vector<1x16xf32>,
      %parallel_loop3A_898 = vector.shape_cast %parallel_loop3A_897 : vector<1x16xf32> to vector<16xf32>
      %parallel_loop3A_899 = arith.constant 5 : i32
      %parallel_loop3A_900 = arith.addi %parallel_loop3A_60, %parallel_loop3A_899 : i32
      %parallel_loop3A_901 = arith.index_cast %parallel_loop3A_900 : i32 to index
      %parallel_loop3A_902 = arith.constant 208 : index
      %parallel_loop3A_903 = tpu.vector_load %arg11[%parallel_loop3A_901, %parallel_loop3A_902] {strides = array<i32>} : memref<128x256xf32, #tpu.memory_space<vmem>>, vector<1x16xf32>,
      %parallel_loop3A_904 = vector.shape_cast %parallel_loop3A_903 : vector<1x16xf32> to vector<16xf32>
      %parallel_loop3A_905 = arith.addf %parallel_loop3A_898, %parallel_loop3A_904 : vector<16xf32>
      %parallel_loop3A_906 = arith.constant 6 : i32
      %parallel_loop3A_907 = arith.addi %parallel_loop3A_60, %parallel_loop3A_906 : i32
      %parallel_loop3A_908 = arith.index_cast %parallel_loop3A_907 : i32 to index
      %parallel_loop3A_909 = arith.constant 208 : index
      %parallel_loop3A_910 = tpu.vector_load %arg11[%parallel_loop3A_908, %parallel_loop3A_909] {strides = array<i32>} : memref<128x256xf32, #tpu.memory_space<vmem>>, vector<1x16xf32>,
      %parallel_loop3A_911 = vector.shape_cast %parallel_loop3A_910 : vector<1x16xf32> to vector<16xf32>
      %parallel_loop3A_912 = arith.constant 7 : i32
      %parallel_loop3A_913 = arith.addi %parallel_loop3A_60, %parallel_loop3A_912 : i32
      %parallel_loop3A_914 = arith.index_cast %parallel_loop3A_913 : i32 to index
      %parallel_loop3A_915 = arith.constant 208 : index
      %parallel_loop3A_916 = tpu.vector_load %arg11[%parallel_loop3A_914, %parallel_loop3A_915] {strides = array<i32>} : memref<128x256xf32, #tpu.memory_space<vmem>>, vector<1x16xf32>,
      %parallel_loop3A_917 = vector.shape_cast %parallel_loop3A_916 : vector<1x16xf32> to vector<16xf32>
      %parallel_loop3A_918 = arith.addf %parallel_loop3A_911, %parallel_loop3A_917 : vector<16xf32>
      %parallel_loop3A_919 = arith.addf %parallel_loop3A_879, %parallel_loop3A_892 : vector<16xf32>
      %parallel_loop3A_920 = arith.addf %parallel_loop3A_905, %parallel_loop3A_918 : vector<16xf32>
      %parallel_loop3A_921 = arith.addf %parallel_loop3A_919, %parallel_loop3A_920 : vector<16xf32>
      %parallel_loop3A_922 = arith.constant 0 : i32
      %parallel_loop3A_923 = arith.addi %parallel_loop3A_922, %parallel_loop3A_58 : i32
      %parallel_loop3A_924 = arith.index_cast %parallel_loop3A_923 : i32 to index
      %parallel_loop3A_925 = arith.constant 208 : index
      %parallel_loop3A_926 = tpu.vector_load %arg13[%parallel_loop3A_924, %parallel_loop3A_925] {strides = array<i32>} : memref<16x256xf32, #tpu.memory_space<vmem>>, vector<1x16xf32>,
      %parallel_loop3A_927 = vector.shape_cast %parallel_loop3A_926 : vector<1x16xf32> to vector<16xf32>
      %parallel_loop3A_928 = vector.shape_cast %parallel_loop3A_921 : vector<16xf32> to vector<1x16xf32>
      tpu.vector_store %arg13[%parallel_loop3A_924, %parallel_loop3A_925], %parallel_loop3A_928 {strides = array<i32>} : memref<16x256xf32, #tpu.memory_space<vmem>>, vector<1x16xf32>,
      %parallel_loop3A_929 = arith.constant 0 : i32
      %parallel_loop3A_930 = arith.addi %parallel_loop3A_60, %parallel_loop3A_929 : i32
      %parallel_loop3A_931 = arith.index_cast %parallel_loop3A_930 : i32 to index
      %parallel_loop3A_932 = arith.constant 224 : index
      %parallel_loop3A_933 = tpu.vector_load %arg11[%parallel_loop3A_931, %parallel_loop3A_932] {strides = array<i32>} : memref<128x256xf32, #tpu.memory_space<vmem>>, vector<1x16xf32>,
      %parallel_loop3A_934 = vector.shape_cast %parallel_loop3A_933 : vector<1x16xf32> to vector<16xf32>
      %parallel_loop3A_935 = arith.constant 1 : i32
      %parallel_loop3A_936 = arith.addi %parallel_loop3A_60, %parallel_loop3A_935 : i32
      %parallel_loop3A_937 = arith.index_cast %parallel_loop3A_936 : i32 to index
      %parallel_loop3A_938 = arith.constant 224 : index
      %parallel_loop3A_939 = tpu.vector_load %arg11[%parallel_loop3A_937, %parallel_loop3A_938] {strides = array<i32>} : memref<128x256xf32, #tpu.memory_space<vmem>>, vector<1x16xf32>,
      %parallel_loop3A_940 = vector.shape_cast %parallel_loop3A_939 : vector<1x16xf32> to vector<16xf32>
      %parallel_loop3A_941 = arith.addf %parallel_loop3A_934, %parallel_loop3A_940 : vector<16xf32>
      %parallel_loop3A_942 = arith.constant 2 : i32
      %parallel_loop3A_943 = arith.addi %parallel_loop3A_60, %parallel_loop3A_942 : i32
      %parallel_loop3A_944 = arith.index_cast %parallel_loop3A_943 : i32 to index
      %parallel_loop3A_945 = arith.constant 224 : index
      %parallel_loop3A_946 = tpu.vector_load %arg11[%parallel_loop3A_944, %parallel_loop3A_945] {strides = array<i32>} : memref<128x256xf32, #tpu.memory_space<vmem>>, vector<1x16xf32>,
      %parallel_loop3A_947 = vector.shape_cast %parallel_loop3A_946 : vector<1x16xf32> to vector<16xf32>
      %parallel_loop3A_948 = arith.constant 3 : i32
      %parallel_loop3A_949 = arith.addi %parallel_loop3A_60, %parallel_loop3A_948 : i32
      %parallel_loop3A_950 = arith.index_cast %parallel_loop3A_949 : i32 to index
      %parallel_loop3A_951 = arith.constant 224 : index
      %parallel_loop3A_952 = tpu.vector_load %arg11[%parallel_loop3A_950, %parallel_loop3A_951] {strides = array<i32>} : memref<128x256xf32, #tpu.memory_space<vmem>>, vector<1x16xf32>,
      %parallel_loop3A_953 = vector.shape_cast %parallel_loop3A_952 : vector<1x16xf32> to vector<16xf32>
      %parallel_loop3A_954 = arith.addf %parallel_loop3A_947, %parallel_loop3A_953 : vector<16xf32>
      %parallel_loop3A_955 = arith.constant 4 : i32
      %parallel_loop3A_956 = arith.addi %parallel_loop3A_60, %parallel_loop3A_955 : i32
      %parallel_loop3A_957 = arith.index_cast %parallel_loop3A_956 : i32 to index
      %parallel_loop3A_958 = arith.constant 224 : index
      %parallel_loop3A_959 = tpu.vector_load %arg11[%parallel_loop3A_957, %parallel_loop3A_958] {strides = array<i32>} : memref<128x256xf32, #tpu.memory_space<vmem>>, vector<1x16xf32>,
      %parallel_loop3A_960 = vector.shape_cast %parallel_loop3A_959 : vector<1x16xf32> to vector<16xf32>
      %parallel_loop3A_961 = arith.constant 5 : i32
      %parallel_loop3A_962 = arith.addi %parallel_loop3A_60, %parallel_loop3A_961 : i32
      %parallel_loop3A_963 = arith.index_cast %parallel_loop3A_962 : i32 to index
      %parallel_loop3A_964 = arith.constant 224 : index
      %parallel_loop3A_965 = tpu.vector_load %arg11[%parallel_loop3A_963, %parallel_loop3A_964] {strides = array<i32>} : memref<128x256xf32, #tpu.memory_space<vmem>>, vector<1x16xf32>,
      %parallel_loop3A_966 = vector.shape_cast %parallel_loop3A_965 : vector<1x16xf32> to vector<16xf32>
      %parallel_loop3A_967 = arith.addf %parallel_loop3A_960, %parallel_loop3A_966 : vector<16xf32>
      %parallel_loop3A_968 = arith.constant 6 : i32
      %parallel_loop3A_969 = arith.addi %parallel_loop3A_60, %parallel_loop3A_968 : i32
      %parallel_loop3A_970 = arith.index_cast %parallel_loop3A_969 : i32 to index
      %parallel_loop3A_971 = arith.constant 224 : index
      %parallel_loop3A_972 = tpu.vector_load %arg11[%parallel_loop3A_970, %parallel_loop3A_971] {strides = array<i32>} : memref<128x256xf32, #tpu.memory_space<vmem>>, vector<1x16xf32>,
      %parallel_loop3A_973 = vector.shape_cast %parallel_loop3A_972 : vector<1x16xf32> to vector<16xf32>
      %parallel_loop3A_974 = arith.constant 7 : i32
      %parallel_loop3A_975 = arith.addi %parallel_loop3A_60, %parallel_loop3A_974 : i32
      %parallel_loop3A_976 = arith.index_cast %parallel_loop3A_975 : i32 to index
      %parallel_loop3A_977 = arith.constant 224 : index
      %parallel_loop3A_978 = tpu.vector_load %arg11[%parallel_loop3A_976, %parallel_loop3A_977] {strides = array<i32>} : memref<128x256xf32, #tpu.memory_space<vmem>>, vector<1x16xf32>,
      %parallel_loop3A_979 = vector.shape_cast %parallel_loop3A_978 : vector<1x16xf32> to vector<16xf32>
      %parallel_loop3A_980 = arith.addf %parallel_loop3A_973, %parallel_loop3A_979 : vector<16xf32>
      %parallel_loop3A_981 = arith.addf %parallel_loop3A_941, %parallel_loop3A_954 : vector<16xf32>
      %parallel_loop3A_982 = arith.addf %parallel_loop3A_967, %parallel_loop3A_980 : vector<16xf32>
      %parallel_loop3A_983 = arith.addf %parallel_loop3A_981, %parallel_loop3A_982 : vector<16xf32>
      %parallel_loop3A_984 = arith.constant 0 : i32
      %parallel_loop3A_985 = arith.addi %parallel_loop3A_984, %parallel_loop3A_58 : i32
      %parallel_loop3A_986 = arith.index_cast %parallel_loop3A_985 : i32 to index
      %parallel_loop3A_987 = arith.constant 224 : index
      %parallel_loop3A_988 = tpu.vector_load %arg13[%parallel_loop3A_986, %parallel_loop3A_987] {strides = array<i32>} : memref<16x256xf32, #tpu.memory_space<vmem>>, vector<1x16xf32>,
      %parallel_loop3A_989 = vector.shape_cast %parallel_loop3A_988 : vector<1x16xf32> to vector<16xf32>
      %parallel_loop3A_990 = vector.shape_cast %parallel_loop3A_983 : vector<16xf32> to vector<1x16xf32>
      tpu.vector_store %arg13[%parallel_loop3A_986, %parallel_loop3A_987], %parallel_loop3A_990 {strides = array<i32>} : memref<16x256xf32, #tpu.memory_space<vmem>>, vector<1x16xf32>,
      %parallel_loop3A_991 = arith.constant 0 : i32
      %parallel_loop3A_992 = arith.addi %parallel_loop3A_60, %parallel_loop3A_991 : i32
      %parallel_loop3A_993 = arith.index_cast %parallel_loop3A_992 : i32 to index
      %parallel_loop3A_994 = arith.constant 240 : index
      %parallel_loop3A_995 = tpu.vector_load %arg11[%parallel_loop3A_993, %parallel_loop3A_994] {strides = array<i32>} : memref<128x256xf32, #tpu.memory_space<vmem>>, vector<1x16xf32>,
      %parallel_loop3A_996 = vector.shape_cast %parallel_loop3A_995 : vector<1x16xf32> to vector<16xf32>
      %parallel_loop3A_997 = arith.constant 1 : i32
      %parallel_loop3A_998 = arith.addi %parallel_loop3A_60, %parallel_loop3A_997 : i32
      %parallel_loop3A_999 = arith.index_cast %parallel_loop3A_998 : i32 to index
      %parallel_loop3A_1000 = arith.constant 240 : index
      %parallel_loop3A_1001 = tpu.vector_load %arg11[%parallel_loop3A_999, %parallel_loop3A_1000] {strides = array<i32>} : memref<128x256xf32, #tpu.memory_space<vmem>>, vector<1x16xf32>,
      %parallel_loop3A_1002 = vector.shape_cast %parallel_loop3A_1001 : vector<1x16xf32> to vector<16xf32>
      %parallel_loop3A_1003 = arith.addf %parallel_loop3A_996, %parallel_loop3A_1002 : vector<16xf32>
      %parallel_loop3A_1004 = arith.constant 2 : i32
      %parallel_loop3A_1005 = arith.addi %parallel_loop3A_60, %parallel_loop3A_1004 : i32
      %parallel_loop3A_1006 = arith.index_cast %parallel_loop3A_1005 : i32 to index
      %parallel_loop3A_1007 = arith.constant 240 : index
      %parallel_loop3A_1008 = tpu.vector_load %arg11[%parallel_loop3A_1006, %parallel_loop3A_1007] {strides = array<i32>} : memref<128x256xf32, #tpu.memory_space<vmem>>, vector<1x16xf32>,
      %parallel_loop3A_1009 = vector.shape_cast %parallel_loop3A_1008 : vector<1x16xf32> to vector<16xf32>
      %parallel_loop3A_1010 = arith.constant 3 : i32
      %parallel_loop3A_1011 = arith.addi %parallel_loop3A_60, %parallel_loop3A_1010 : i32
      %parallel_loop3A_1012 = arith.index_cast %parallel_loop3A_1011 : i32 to index
      %parallel_loop3A_1013 = arith.constant 240 : index
      %parallel_loop3A_1014 = tpu.vector_load %arg11[%parallel_loop3A_1012, %parallel_loop3A_1013] {strides = array<i32>} : memref<128x256xf32, #tpu.memory_space<vmem>>, vector<1x16xf32>,
      %parallel_loop3A_1015 = vector.shape_cast %parallel_loop3A_1014 : vector<1x16xf32> to vector<16xf32>
      %parallel_loop3A_1016 = arith.addf %parallel_loop3A_1009, %parallel_loop3A_1015 : vector<16xf32>
      %parallel_loop3A_1017 = arith.constant 4 : i32
      %parallel_loop3A_1018 = arith.addi %parallel_loop3A_60, %parallel_loop3A_1017 : i32
      %parallel_loop3A_1019 = arith.index_cast %parallel_loop3A_1018 : i32 to index
      %parallel_loop3A_1020 = arith.constant 240 : index
      %parallel_loop3A_1021 = tpu.vector_load %arg11[%parallel_loop3A_1019, %parallel_loop3A_1020] {strides = array<i32>} : memref<128x256xf32, #tpu.memory_space<vmem>>, vector<1x16xf32>,
      %parallel_loop3A_1022 = vector.shape_cast %parallel_loop3A_1021 : vector<1x16xf32> to vector<16xf32>
      %parallel_loop3A_1023 = arith.constant 5 : i32
      %parallel_loop3A_1024 = arith.addi %parallel_loop3A_60, %parallel_loop3A_1023 : i32
      %parallel_loop3A_1025 = arith.index_cast %parallel_loop3A_1024 : i32 to index
      %parallel_loop3A_1026 = arith.constant 240 : index
      %parallel_loop3A_1027 = tpu.vector_load %arg11[%parallel_loop3A_1025, %parallel_loop3A_1026] {strides = array<i32>} : memref<128x256xf32, #tpu.memory_space<vmem>>, vector<1x16xf32>,
      %parallel_loop3A_1028 = vector.shape_cast %parallel_loop3A_1027 : vector<1x16xf32> to vector<16xf32>
      %parallel_loop3A_1029 = arith.addf %parallel_loop3A_1022, %parallel_loop3A_1028 : vector<16xf32>
      %parallel_loop3A_1030 = arith.constant 6 : i32
      %parallel_loop3A_1031 = arith.addi %parallel_loop3A_60, %parallel_loop3A_1030 : i32
      %parallel_loop3A_1032 = arith.index_cast %parallel_loop3A_1031 : i32 to index
      %parallel_loop3A_1033 = arith.constant 240 : index
      %parallel_loop3A_1034 = tpu.vector_load %arg11[%parallel_loop3A_1032, %parallel_loop3A_1033] {strides = array<i32>} : memref<128x256xf32, #tpu.memory_space<vmem>>, vector<1x16xf32>,
      %parallel_loop3A_1035 = vector.shape_cast %parallel_loop3A_1034 : vector<1x16xf32> to vector<16xf32>
      %parallel_loop3A_1036 = arith.constant 7 : i32
      %parallel_loop3A_1037 = arith.addi %parallel_loop3A_60, %parallel_loop3A_1036 : i32
      %parallel_loop3A_1038 = arith.index_cast %parallel_loop3A_1037 : i32 to index
      %parallel_loop3A_1039 = arith.constant 240 : index
      %parallel_loop3A_1040 = tpu.vector_load %arg11[%parallel_loop3A_1038, %parallel_loop3A_1039] {strides = array<i32>} : memref<128x256xf32, #tpu.memory_space<vmem>>, vector<1x16xf32>,
      %parallel_loop3A_1041 = vector.shape_cast %parallel_loop3A_1040 : vector<1x16xf32> to vector<16xf32>
      %parallel_loop3A_1042 = arith.addf %parallel_loop3A_1035, %parallel_loop3A_1041 : vector<16xf32>
      %parallel_loop3A_1043 = arith.addf %parallel_loop3A_1003, %parallel_loop3A_1016 : vector<16xf32>
      %parallel_loop3A_1044 = arith.addf %parallel_loop3A_1029, %parallel_loop3A_1042 : vector<16xf32>
      %parallel_loop3A_1045 = arith.addf %parallel_loop3A_1043, %parallel_loop3A_1044 : vector<16xf32>
      %parallel_loop3A_1046 = arith.constant 0 : i32
      %parallel_loop3A_1047 = arith.addi %parallel_loop3A_1046, %parallel_loop3A_58 : i32
      %parallel_loop3A_1048 = arith.index_cast %parallel_loop3A_1047 : i32 to index
      %parallel_loop3A_1049 = arith.constant 240 : index
      %parallel_loop3A_1050 = tpu.vector_load %arg13[%parallel_loop3A_1048, %parallel_loop3A_1049] {strides = array<i32>} : memref<16x256xf32, #tpu.memory_space<vmem>>, vector<1x16xf32>,
      %parallel_loop3A_1051 = vector.shape_cast %parallel_loop3A_1050 : vector<1x16xf32> to vector<16xf32>
      %parallel_loop3A_1052 = vector.shape_cast %parallel_loop3A_1045 : vector<16xf32> to vector<1x16xf32>
      tpu.vector_store %arg13[%parallel_loop3A_1048, %parallel_loop3A_1049], %parallel_loop3A_1052 {strides = array<i32>} : memref<16x256xf32, #tpu.memory_space<vmem>>, vector<1x16xf32>,
    } {sc.loop_unroll_factor = 2 : i64, sc.parallel_access}
    %add3A_41 = arith.constant 16 : i32
    %add3A_42 = arith.addi %mul3A_2, %add3A_41 : i32
    %dma_start3A_43 = arith.constant 0 : i32
    %dma_start3A_44 = tpu.memref_slice %arg6[%add3A_42, %dma_start3A_43] : memref<1024x256xf32, #tpu.memory_space<hbm>> -> memref<16x256xf32, #tpu.memory_space<hbm>>
    %dma_start3A_45 = arith.constant 0 : i32
    %dma_start3A_46 = tpu.memref_slice %arg6[%add3A_42, %dma_start3A_45] : memref<1024x256xf32, #tpu.memory_space<hbm>> -> memref<16x256xf32, #tpu.memory_space<hbm>>
    tpu.enqueue_dma source(%arg13 : memref<16x256xf32, #tpu.memory_space<vmem>>) target(%dma_start3A_46 : memref<16x256xf32, #tpu.memory_space<hbm>>) target_semaphore(%arg18 : memref<!tpu.dma_semaphore, #tpu.memory_space<semaphore_mem>>)
    %dma_wait3A_47 = arith.constant 0 : i32
    %dma_wait3A_48 = arith.constant 0 : i32
    %dma_wait3A_49 = tpu.memref_slice %arg5[%dma_wait3A_47, %dma_wait3A_48] : memref<10000x128xf32, #tpu.memory_space<hbm>> -> memref<10000x128xf32, #tpu.memory_space<hbm>>
    tpu.wait_indirect_dma semaphore(%arg19 : memref<!tpu.dma_semaphore, #tpu.memory_space<semaphore_mem>>) src(%dma_wait3A_49 : memref<10000x128xf32, #tpu.memory_space<hbm>>) dst(%arg14 : memref<32x128xf32, #tpu.memory_space<vmem>>)
    "tpu.region"() ({
      %run_scoped3A = tpu.sem_alloc : memref<!tpu.dma_semaphore, #tpu.memory_space<semaphore_mem>>
      %dma_start3A_58 = arith.constant 0 : i32
      %dma_start3A_59 = tpu.memref_slice %arg7[%mul3A_2, %dma_start3A_58] : memref<1024x128xf32, #tpu.memory_space<hbm>> -> memref<32x128xf32, #tpu.memory_space<hbm>>
      %dma_start3A_60 = arith.constant 0 : i32
      %dma_start3A_61 = tpu.memref_slice %arg7[%mul3A_2, %dma_start3A_60] : memref<1024x128xf32, #tpu.memory_space<hbm>> -> memref<32x128xf32, #tpu.memory_space<hbm>>
      tpu.enqueue_dma source(%arg14 : memref<32x128xf32, #tpu.memory_space<vmem>>) target(%dma_start3A_61 : memref<32x128xf32, #tpu.memory_space<hbm>>) target_semaphore(%run_scoped3A : memref<!tpu.dma_semaphore, #tpu.memory_space<semaphore_mem>>)
      %dma_wait3A_62 = arith.constant 0 : i32
      %dma_wait3A_63 = tpu.memref_slice %arg7[%mul3A_2, %dma_wait3A_62] : memref<1024x128xf32, #tpu.memory_space<hbm>> -> memref<32x128xf32, #tpu.memory_space<hbm>>
      %dma_wait3A_64 = arith.constant 0 : i32
      %dma_wait3A_65 = tpu.memref_slice %arg7[%mul3A_2, %dma_wait3A_64] : memref<1024x128xf32, #tpu.memory_space<hbm>> -> memref<32x128xf32, #tpu.memory_space<hbm>>
      tpu.wait_dma2 semaphore(%run_scoped3A : memref<!tpu.dma_semaphore, #tpu.memory_space<semaphore_mem>>) src(%arg14 : memref<32x128xf32, #tpu.memory_space<vmem>>) dst(%dma_wait3A_65 : memref<32x128xf32, #tpu.memory_space<hbm>>)
      tpu.yield
    }) : () -> ()
    %dma_wait3A_50 = arith.constant 0 : i32
    %dma_wait3A_51 = tpu.memref_slice %arg6[%add3A_28, %dma_wait3A_50] : memref<1024x256xf32, #tpu.memory_space<hbm>> -> memref<16x256xf32, #tpu.memory_space<hbm>>
    %dma_wait3A_52 = arith.constant 0 : i32
    %dma_wait3A_53 = tpu.memref_slice %arg6[%add3A_28, %dma_wait3A_52] : memref<1024x256xf32, #tpu.memory_space<hbm>> -> memref<16x256xf32, #tpu.memory_space<hbm>>
    tpu.wait_dma2 semaphore(%arg17 : memref<!tpu.dma_semaphore, #tpu.memory_space<semaphore_mem>>) src(%arg12 : memref<16x256xf32, #tpu.memory_space<vmem>>) dst(%dma_wait3A_53 : memref<16x256xf32, #tpu.memory_space<hbm>>)
    %dma_wait3A_54 = arith.constant 0 : i32
    %dma_wait3A_55 = tpu.memref_slice %arg6[%add3A_42, %dma_wait3A_54] : memref<1024x256xf32, #tpu.memory_space<hbm>> -> memref<16x256xf32, #tpu.memory_space<hbm>>
    %dma_wait3A_56 = arith.constant 0 : i32
    %dma_wait3A_57 = tpu.memref_slice %arg6[%add3A_42, %dma_wait3A_56] : memref<1024x256xf32, #tpu.memory_space<hbm>> -> memref<16x256xf32, #tpu.memory_space<hbm>>
    tpu.wait_dma2 semaphore(%arg18 : memref<!tpu.dma_semaphore, #tpu.memory_space<semaphore_mem>>) src(%arg13 : memref<16x256xf32, #tpu.memory_space<vmem>>) dst(%dma_wait3A_57 : memref<16x256xf32, #tpu.memory_space<hbm>>)
    return
  }
}

#map = affine_map<(d0, d1) -> (0, 0)>
#map1 = affine_map<(d0, d1) -> (0)>
module attributes {stable_mosaic.version = 14 : i64} {
  func.func @k(%arg0: i32, %arg1: i32, %arg2: memref<10000x128xf32, #tpu.memory_space<hbm>>, %arg3: memref<45056xi32, #tpu.memory_space<hbm>>, %arg4: memref<5632xi32, #tpu.memory_space<hbm>>, %arg5: memref<5632x128xf32, #tpu.memory_space<hbm>>, %arg6: memref<5632x128xf32, #tpu.memory_space<hbm>>, %arg7: memref<10000x128xf32, #tpu.memory_space<vmem_shared>>, %arg8: memref<1408xi32, #tpu.memory_space<vmem>>, %arg9: memref<176xi32, #tpu.memory_space<vmem>>, %arg10: memref<64x128xf32, #tpu.memory_space<vmem>>, %arg11: memref<64x128xf32, #tpu.memory_space<vmem>>, %arg12: memref<176x128xf32, #tpu.memory_space<vmem>>, %arg13: memref<!tpu.dma_semaphore, #tpu.memory_space<semaphore_mem>>, %arg14: memref<!tpu.dma_semaphore, #tpu.memory_space<semaphore_mem>>, %arg15: memref<!tpu.dma_semaphore, #tpu.memory_space<semaphore_mem>>, %arg16: memref<!tpu.dma_semaphore, #tpu.memory_space<semaphore_mem>>) attributes {dimension_semantics = [#tpu.dimension_semantics<core_parallel>, #tpu.dimension_semantics<subcore_parallel>], iteration_bounds = array<i64: 2, 16>, scalar_prefetch = 0 : i64, scratch_operands = 10 : i64, tpu.core_type = #tpu.core_type<sc_vector_subcore>, window_params = [{transform_indices = #map}, {transform_indices = #map1}, {transform_indices = #map1}, {transform_indices = #map}, {transform_indices = #map}]} {
    %mul3A = arith.constant 2 : i32
    %mul3A_0 = arith.muli %arg1, %mul3A : i32
    %add3A = arith.addi %mul3A_0, %arg0 : i32
    %mul3A_1 = arith.constant 176 : i32
    %mul3A_2 = arith.muli %add3A, %mul3A_1 : i32
    %mul3A_3 = arith.constant 624 : i32
    %mul3A_4 = arith.muli %arg1, %mul3A_3 : i32
    %mul3A_5 = arith.constant 624 : i32
    %mul3A_6 = arith.muli %arg1, %mul3A_5 : i32
    "tpu.region"() ({
      %run_scoped3A = tpu.sem_alloc : memref<!tpu.dma_semaphore, #tpu.memory_space<semaphore_mem>>
      %dma_start3A_92 = arith.constant 0 : i32
      %dma_start3A_93 = tpu.memref_slice %arg7[%mul3A_6, %dma_start3A_92] : memref<10000x128xf32, #tpu.memory_space<vmem_shared>> -> memref<624x128xf32, #tpu.memory_space<vmem_shared>>
      %dma_start3A_94 = arith.constant 0 : i32
      %dma_start3A_95 = tpu.memref_slice %arg2[%mul3A_4, %dma_start3A_94] : memref<10000x128xf32, #tpu.memory_space<hbm>> -> memref<624x128xf32, #tpu.memory_space<hbm>>
      tpu.enqueue_dma source(%dma_start3A_95 : memref<624x128xf32, #tpu.memory_space<hbm>>) target(%dma_start3A_93 : memref<624x128xf32, #tpu.memory_space<vmem_shared>>) target_semaphore(%run_scoped3A : memref<!tpu.dma_semaphore, #tpu.memory_space<semaphore_mem>>)
      %dma_wait3A_96 = arith.constant 0 : i32
      %dma_wait3A_97 = tpu.memref_slice %arg7[%mul3A_6, %dma_wait3A_96] : memref<10000x128xf32, #tpu.memory_space<vmem_shared>> -> memref<624x128xf32, #tpu.memory_space<vmem_shared>>
      %dma_wait3A_98 = arith.constant 0 : i32
      %dma_wait3A_99 = tpu.memref_slice %arg2[%mul3A_4, %dma_wait3A_98] : memref<10000x128xf32, #tpu.memory_space<hbm>> -> memref<624x128xf32, #tpu.memory_space<hbm>>
      tpu.wait_dma2 semaphore(%run_scoped3A : memref<!tpu.dma_semaphore, #tpu.memory_space<semaphore_mem>>) src(%dma_wait3A_99 : memref<624x128xf32, #tpu.memory_space<hbm>>) dst(%dma_wait3A_97 : memref<624x128xf32, #tpu.memory_space<vmem_shared>>)
      tpu.yield
    }) : () -> ()
    %eq3A = arith.constant 15 : i32
    %eq3A_7 = arith.cmpi eq, %arg1, %eq3A : i32
    %convert_element_type3A = arith.extui %eq3A_7 : i1 to i32
    %cond3A = arith.constant 0 : i32
    %cond3A_8 = arith.cmpi ne, %convert_element_type3A, %cond3A : i32
    scf.if %cond3A_8 {
      "tpu.region"() ({
        %run_scoped3A = tpu.sem_alloc : memref<!tpu.dma_semaphore, #tpu.memory_space<semaphore_mem>>
        %dma_start3A_92 = arith.constant 9984 : i32
        %dma_start3A_93 = arith.constant 0 : i32
        %dma_start3A_94 = tpu.memref_slice %arg7[%dma_start3A_92, %dma_start3A_93] : memref<10000x128xf32, #tpu.memory_space<vmem_shared>> -> memref<16x128xf32, #tpu.memory_space<vmem_shared>>
        %dma_start3A_95 = arith.constant 9984 : i32
        %dma_start3A_96 = arith.constant 0 : i32
        %dma_start3A_97 = tpu.memref_slice %arg2[%dma_start3A_95, %dma_start3A_96] : memref<10000x128xf32, #tpu.memory_space<hbm>> -> memref<16x128xf32, #tpu.memory_space<hbm>>
        tpu.enqueue_dma source(%dma_start3A_97 : memref<16x128xf32, #tpu.memory_space<hbm>>) target(%dma_start3A_94 : memref<16x128xf32, #tpu.memory_space<vmem_shared>>) target_semaphore(%run_scoped3A : memref<!tpu.dma_semaphore, #tpu.memory_space<semaphore_mem>>)
        %dma_wait3A_98 = arith.constant 9984 : i32
        %dma_wait3A_99 = arith.constant 0 : i32
        %dma_wait3A_100 = tpu.memref_slice %arg7[%dma_wait3A_98, %dma_wait3A_99] : memref<10000x128xf32, #tpu.memory_space<vmem_shared>> -> memref<16x128xf32, #tpu.memory_space<vmem_shared>>
        %dma_wait3A_101 = arith.constant 9984 : i32
        %dma_wait3A_102 = arith.constant 0 : i32
        %dma_wait3A_103 = tpu.memref_slice %arg2[%dma_wait3A_101, %dma_wait3A_102] : memref<10000x128xf32, #tpu.memory_space<hbm>> -> memref<16x128xf32, #tpu.memory_space<hbm>>
        tpu.wait_dma2 semaphore(%run_scoped3A : memref<!tpu.dma_semaphore, #tpu.memory_space<semaphore_mem>>) src(%dma_wait3A_103 : memref<16x128xf32, #tpu.memory_space<hbm>>) dst(%dma_wait3A_100 : memref<16x128xf32, #tpu.memory_space<vmem_shared>>)
        tpu.yield
      }) : () -> ()
    } else {
    }
    %mul3A_9 = arith.constant 22 : i32
    %mul3A_10 = arith.muli %add3A, %mul3A_9 : i32
    %mul3A_11 = arith.constant 64 : i32
    %mul3A_12 = arith.muli %mul3A_10, %mul3A_11 : i32
    "tpu.region"() ({
      %run_scoped3A = tpu.sem_alloc : memref<!tpu.dma_semaphore, #tpu.memory_space<semaphore_mem>>
      %dma_start3A_92 = tpu.memref_slice %arg3[%mul3A_12] : memref<45056xi32, #tpu.memory_space<hbm>> -> memref<1408xi32, #tpu.memory_space<hbm>>
      %dma_start3A_93 = tpu.memref_slice %arg3[%mul3A_12] : memref<45056xi32, #tpu.memory_space<hbm>> -> memref<1408xi32, #tpu.memory_space<hbm>>
      tpu.enqueue_dma source(%dma_start3A_93 : memref<1408xi32, #tpu.memory_space<hbm>>) target(%arg8 : memref<1408xi32, #tpu.memory_space<vmem>>) target_semaphore(%run_scoped3A : memref<!tpu.dma_semaphore, #tpu.memory_space<semaphore_mem>>)
      %dma_wait3A_94 = tpu.memref_slice %arg3[%mul3A_12] : memref<45056xi32, #tpu.memory_space<hbm>> -> memref<1408xi32, #tpu.memory_space<hbm>>
      %dma_wait3A_95 = tpu.memref_slice %arg3[%mul3A_12] : memref<45056xi32, #tpu.memory_space<hbm>> -> memref<1408xi32, #tpu.memory_space<hbm>>
      tpu.wait_dma2 semaphore(%run_scoped3A : memref<!tpu.dma_semaphore, #tpu.memory_space<semaphore_mem>>) src(%dma_wait3A_95 : memref<1408xi32, #tpu.memory_space<hbm>>) dst(%arg8 : memref<1408xi32, #tpu.memory_space<vmem>>)
      tpu.yield
    }) : () -> ()
    %mul3A_13 = arith.constant 2 : i32
    %mul3A_14 = arith.muli %add3A, %mul3A_13 : i32
    %mul3A_15 = arith.constant 88 : i32
    %mul3A_16 = arith.muli %mul3A_14, %mul3A_15 : i32
    "tpu.region"() ({
      %run_scoped3A = tpu.sem_alloc : memref<!tpu.dma_semaphore, #tpu.memory_space<semaphore_mem>>
      %dma_start3A_92 = tpu.memref_slice %arg4[%mul3A_16] : memref<5632xi32, #tpu.memory_space<hbm>> -> memref<176xi32, #tpu.memory_space<hbm>>
      %dma_start3A_93 = tpu.memref_slice %arg4[%mul3A_16] : memref<5632xi32, #tpu.memory_space<hbm>> -> memref<176xi32, #tpu.memory_space<hbm>>
      tpu.enqueue_dma source(%dma_start3A_93 : memref<176xi32, #tpu.memory_space<hbm>>) target(%arg9 : memref<176xi32, #tpu.memory_space<vmem>>) target_semaphore(%run_scoped3A : memref<!tpu.dma_semaphore, #tpu.memory_space<semaphore_mem>>)
      %dma_wait3A_94 = tpu.memref_slice %arg4[%mul3A_16] : memref<5632xi32, #tpu.memory_space<hbm>> -> memref<176xi32, #tpu.memory_space<hbm>>
      %dma_wait3A_95 = tpu.memref_slice %arg4[%mul3A_16] : memref<5632xi32, #tpu.memory_space<hbm>> -> memref<176xi32, #tpu.memory_space<hbm>>
      tpu.wait_dma2 semaphore(%run_scoped3A : memref<!tpu.dma_semaphore, #tpu.memory_space<semaphore_mem>>) src(%dma_wait3A_95 : memref<176xi32, #tpu.memory_space<hbm>>) dst(%arg9 : memref<176xi32, #tpu.memory_space<vmem>>)
      tpu.yield
    }) : () -> ()
    %barrier3A = arith.constant 0 : index
    tpu.barrier barrier_id(%barrier3A)
    %dma_start3A = arith.constant 0 : i32
    %dma_start3A_17 = tpu.memref_slice %arg8[%dma_start3A] : memref<1408xi32, #tpu.memory_space<vmem>> -> memref<64xi32, #tpu.memory_space<vmem>>
    %dma_start3A_18 = arith.constant 0 : i32
    %dma_start3A_19 = arith.constant 0 : i32
    %dma_start3A_20 = tpu.memref_slice %arg7[%dma_start3A_18, %dma_start3A_19] : memref<10000x128xf32, #tpu.memory_space<vmem_shared>> -> memref<10000x128xf32, #tpu.memory_space<vmem_shared>>
    tpu.enqueue_indirect_dma source(%dma_start3A_20 : memref<10000x128xf32, #tpu.memory_space<vmem_shared>>) target(%arg10 : memref<64x128xf32, #tpu.memory_space<vmem>>) offsets(%dma_start3A_17 : memref<64xi32, #tpu.memory_space<vmem>>) semaphore(%arg13 : memref<!tpu.dma_semaphore, #tpu.memory_space<semaphore_mem>>)
    %dma_start3A_21 = arith.constant 64 : i32
    %dma_start3A_22 = tpu.memref_slice %arg8[%dma_start3A_21] : memref<1408xi32, #tpu.memory_space<vmem>> -> memref<64xi32, #tpu.memory_space<vmem>>
    %dma_start3A_23 = arith.constant 0 : i32
    %dma_start3A_24 = arith.constant 0 : i32
    %dma_start3A_25 = tpu.memref_slice %arg7[%dma_start3A_23, %dma_start3A_24] : memref<10000x128xf32, #tpu.memory_space<vmem_shared>> -> memref<10000x128xf32, #tpu.memory_space<vmem_shared>>
    tpu.enqueue_indirect_dma source(%dma_start3A_25 : memref<10000x128xf32, #tpu.memory_space<vmem_shared>>) target(%arg11 : memref<64x128xf32, #tpu.memory_space<vmem>>) offsets(%dma_start3A_22 : memref<64xi32, #tpu.memory_space<vmem>>) semaphore(%arg14 : memref<!tpu.dma_semaphore, #tpu.memory_space<semaphore_mem>>)
    %scan3A = arith.constant 0 : i32
    %scan3A_26 = arith.constant 0 : i32
    %scan3A_27 = arith.constant 11 : i32
    %scan3A_28 = arith.addi %scan3A_26, %scan3A_27 : i32
    %scan3A_29 = arith.constant 1 : i32
    scf.for %scan3A_92 = %scan3A_26 to %scan3A_28 step %scan3A_29  : i32 {
      %mul3A_93 = arith.constant 2 : i32
      %mul3A_94 = arith.muli %scan3A_92, %mul3A_93 : i32
      %add3A_95 = arith.constant 0 : i32
      %add3A_96 = arith.addi %mul3A_94, %add3A_95 : i32
      %dma_wait3A_97 = arith.constant 0 : i32
      %dma_wait3A_98 = tpu.memref_slice %arg8[%dma_wait3A_97] : memref<1408xi32, #tpu.memory_space<vmem>> -> memref<64xi32, #tpu.memory_space<vmem>>
      %dma_wait3A_99 = arith.constant 0 : i32
      %dma_wait3A_100 = arith.constant 0 : i32
      %dma_wait3A_101 = tpu.memref_slice %arg7[%dma_wait3A_99, %dma_wait3A_100] : memref<10000x128xf32, #tpu.memory_space<vmem_shared>> -> memref<10000x128xf32, #tpu.memory_space<vmem_shared>>
      tpu.wait_indirect_dma semaphore(%arg13 : memref<!tpu.dma_semaphore, #tpu.memory_space<semaphore_mem>>) src(%dma_wait3A_101 : memref<10000x128xf32, #tpu.memory_space<vmem_shared>>) dst(%arg10 : memref<64x128xf32, #tpu.memory_space<vmem>>)
      %mul3A_102 = arith.constant 8 : i32
      %mul3A_103 = arith.muli %add3A_96, %mul3A_102 : i32
      %parallel_loop3A = arith.constant 0 : i32
      %parallel_loop3A_104 = arith.constant 8 : i32
      %parallel_loop3A_105 = arith.constant 1 : i32
      scf.for %parallel_loop3A_131 = %parallel_loop3A to %parallel_loop3A_104 step %parallel_loop3A_105  : i32 {
        %parallel_loop3A_132 = arith.constant 8 : i32
        %parallel_loop3A_133 = arith.muli %parallel_loop3A_131, %parallel_loop3A_132 : i32
        %parallel_loop3A_134 = arith.constant 0 : i32
        %parallel_loop3A_135 = arith.addi %parallel_loop3A_133, %parallel_loop3A_134 : i32
        %parallel_loop3A_136 = arith.index_cast %parallel_loop3A_135 : i32 to index
        %parallel_loop3A_137 = arith.constant 0 : index
        %parallel_loop3A_138 = tpu.vector_load %arg10[%parallel_loop3A_136, %parallel_loop3A_137] {strides = array<i32>} : memref<64x128xf32, #tpu.memory_space<vmem>>, vector<1x16xf32>,
        %parallel_loop3A_139 = vector.shape_cast %parallel_loop3A_138 : vector<1x16xf32> to vector<16xf32>
        %parallel_loop3A_140 = arith.constant 1 : i32
        %parallel_loop3A_141 = arith.addi %parallel_loop3A_133, %parallel_loop3A_140 : i32
        %parallel_loop3A_142 = arith.index_cast %parallel_loop3A_141 : i32 to index
        %parallel_loop3A_143 = arith.constant 0 : index
        %parallel_loop3A_144 = tpu.vector_load %arg10[%parallel_loop3A_142, %parallel_loop3A_143] {strides = array<i32>} : memref<64x128xf32, #tpu.memory_space<vmem>>, vector<1x16xf32>,
        %parallel_loop3A_145 = vector.shape_cast %parallel_loop3A_144 : vector<1x16xf32> to vector<16xf32>
        %parallel_loop3A_146 = arith.addf %parallel_loop3A_139, %parallel_loop3A_145 : vector<16xf32>
        %parallel_loop3A_147 = arith.constant 2 : i32
        %parallel_loop3A_148 = arith.addi %parallel_loop3A_133, %parallel_loop3A_147 : i32
        %parallel_loop3A_149 = arith.index_cast %parallel_loop3A_148 : i32 to index
        %parallel_loop3A_150 = arith.constant 0 : index
        %parallel_loop3A_151 = tpu.vector_load %arg10[%parallel_loop3A_149, %parallel_loop3A_150] {strides = array<i32>} : memref<64x128xf32, #tpu.memory_space<vmem>>, vector<1x16xf32>,
        %parallel_loop3A_152 = vector.shape_cast %parallel_loop3A_151 : vector<1x16xf32> to vector<16xf32>
        %parallel_loop3A_153 = arith.constant 3 : i32
        %parallel_loop3A_154 = arith.addi %parallel_loop3A_133, %parallel_loop3A_153 : i32
        %parallel_loop3A_155 = arith.index_cast %parallel_loop3A_154 : i32 to index
        %parallel_loop3A_156 = arith.constant 0 : index
        %parallel_loop3A_157 = tpu.vector_load %arg10[%parallel_loop3A_155, %parallel_loop3A_156] {strides = array<i32>} : memref<64x128xf32, #tpu.memory_space<vmem>>, vector<1x16xf32>,
        %parallel_loop3A_158 = vector.shape_cast %parallel_loop3A_157 : vector<1x16xf32> to vector<16xf32>
        %parallel_loop3A_159 = arith.addf %parallel_loop3A_152, %parallel_loop3A_158 : vector<16xf32>
        %parallel_loop3A_160 = arith.constant 4 : i32
        %parallel_loop3A_161 = arith.addi %parallel_loop3A_133, %parallel_loop3A_160 : i32
        %parallel_loop3A_162 = arith.index_cast %parallel_loop3A_161 : i32 to index
        %parallel_loop3A_163 = arith.constant 0 : index
        %parallel_loop3A_164 = tpu.vector_load %arg10[%parallel_loop3A_162, %parallel_loop3A_163] {strides = array<i32>} : memref<64x128xf32, #tpu.memory_space<vmem>>, vector<1x16xf32>,
        %parallel_loop3A_165 = vector.shape_cast %parallel_loop3A_164 : vector<1x16xf32> to vector<16xf32>
        %parallel_loop3A_166 = arith.constant 5 : i32
        %parallel_loop3A_167 = arith.addi %parallel_loop3A_133, %parallel_loop3A_166 : i32
        %parallel_loop3A_168 = arith.index_cast %parallel_loop3A_167 : i32 to index
        %parallel_loop3A_169 = arith.constant 0 : index
        %parallel_loop3A_170 = tpu.vector_load %arg10[%parallel_loop3A_168, %parallel_loop3A_169] {strides = array<i32>} : memref<64x128xf32, #tpu.memory_space<vmem>>, vector<1x16xf32>,
        %parallel_loop3A_171 = vector.shape_cast %parallel_loop3A_170 : vector<1x16xf32> to vector<16xf32>
        %parallel_loop3A_172 = arith.addf %parallel_loop3A_165, %parallel_loop3A_171 : vector<16xf32>
        %parallel_loop3A_173 = arith.constant 6 : i32
        %parallel_loop3A_174 = arith.addi %parallel_loop3A_133, %parallel_loop3A_173 : i32
        %parallel_loop3A_175 = arith.index_cast %parallel_loop3A_174 : i32 to index
        %parallel_loop3A_176 = arith.constant 0 : index
        %parallel_loop3A_177 = tpu.vector_load %arg10[%parallel_loop3A_175, %parallel_loop3A_176] {strides = array<i32>} : memref<64x128xf32, #tpu.memory_space<vmem>>, vector<1x16xf32>,
        %parallel_loop3A_178 = vector.shape_cast %parallel_loop3A_177 : vector<1x16xf32> to vector<16xf32>
        %parallel_loop3A_179 = arith.constant 7 : i32
        %parallel_loop3A_180 = arith.addi %parallel_loop3A_133, %parallel_loop3A_179 : i32
        %parallel_loop3A_181 = arith.index_cast %parallel_loop3A_180 : i32 to index
        %parallel_loop3A_182 = arith.constant 0 : index
        %parallel_loop3A_183 = tpu.vector_load %arg10[%parallel_loop3A_181, %parallel_loop3A_182] {strides = array<i32>} : memref<64x128xf32, #tpu.memory_space<vmem>>, vector<1x16xf32>,
        %parallel_loop3A_184 = vector.shape_cast %parallel_loop3A_183 : vector<1x16xf32> to vector<16xf32>
        %parallel_loop3A_185 = arith.addf %parallel_loop3A_178, %parallel_loop3A_184 : vector<16xf32>
        %parallel_loop3A_186 = arith.addf %parallel_loop3A_146, %parallel_loop3A_159 : vector<16xf32>
        %parallel_loop3A_187 = arith.addf %parallel_loop3A_172, %parallel_loop3A_185 : vector<16xf32>
        %parallel_loop3A_188 = arith.addf %parallel_loop3A_186, %parallel_loop3A_187 : vector<16xf32>
        %parallel_loop3A_189 = arith.addi %mul3A_103, %parallel_loop3A_131 : i32
        %parallel_loop3A_190 = arith.index_cast %parallel_loop3A_189 : i32 to index
        %parallel_loop3A_191 = arith.constant 0 : index
        %parallel_loop3A_192 = tpu.vector_load %arg12[%parallel_loop3A_190, %parallel_loop3A_191] {strides = array<i32>} : memref<176x128xf32, #tpu.memory_space<vmem>>, vector<1x16xf32>,
        %parallel_loop3A_193 = vector.shape_cast %parallel_loop3A_192 : vector<1x16xf32> to vector<16xf32>
        %parallel_loop3A_194 = vector.shape_cast %parallel_loop3A_188 : vector<16xf32> to vector<1x16xf32>
        tpu.vector_store %arg12[%parallel_loop3A_190, %parallel_loop3A_191], %parallel_loop3A_194 {strides = array<i32>} : memref<176x128xf32, #tpu.memory_space<vmem>>, vector<1x16xf32>,
        %parallel_loop3A_195 = arith.constant 0 : i32
        %parallel_loop3A_196 = arith.addi %parallel_loop3A_133, %parallel_loop3A_195 : i32
        %parallel_loop3A_197 = arith.index_cast %parallel_loop3A_196 : i32 to index
        %parallel_loop3A_198 = arith.constant 16 : index
        %parallel_loop3A_199 = tpu.vector_load %arg10[%parallel_loop3A_197, %parallel_loop3A_198] {strides = array<i32>} : memref<64x128xf32, #tpu.memory_space<vmem>>, vector<1x16xf32>,
        %parallel_loop3A_200 = vector.shape_cast %parallel_loop3A_199 : vector<1x16xf32> to vector<16xf32>
        %parallel_loop3A_201 = arith.constant 1 : i32
        %parallel_loop3A_202 = arith.addi %parallel_loop3A_133, %parallel_loop3A_201 : i32
        %parallel_loop3A_203 = arith.index_cast %parallel_loop3A_202 : i32 to index
        %parallel_loop3A_204 = arith.constant 16 : index
        %parallel_loop3A_205 = tpu.vector_load %arg10[%parallel_loop3A_203, %parallel_loop3A_204] {strides = array<i32>} : memref<64x128xf32, #tpu.memory_space<vmem>>, vector<1x16xf32>,
        %parallel_loop3A_206 = vector.shape_cast %parallel_loop3A_205 : vector<1x16xf32> to vector<16xf32>
        %parallel_loop3A_207 = arith.addf %parallel_loop3A_200, %parallel_loop3A_206 : vector<16xf32>
        %parallel_loop3A_208 = arith.constant 2 : i32
        %parallel_loop3A_209 = arith.addi %parallel_loop3A_133, %parallel_loop3A_208 : i32
        %parallel_loop3A_210 = arith.index_cast %parallel_loop3A_209 : i32 to index
        %parallel_loop3A_211 = arith.constant 16 : index
        %parallel_loop3A_212 = tpu.vector_load %arg10[%parallel_loop3A_210, %parallel_loop3A_211] {strides = array<i32>} : memref<64x128xf32, #tpu.memory_space<vmem>>, vector<1x16xf32>,
        %parallel_loop3A_213 = vector.shape_cast %parallel_loop3A_212 : vector<1x16xf32> to vector<16xf32>
        %parallel_loop3A_214 = arith.constant 3 : i32
        %parallel_loop3A_215 = arith.addi %parallel_loop3A_133, %parallel_loop3A_214 : i32
        %parallel_loop3A_216 = arith.index_cast %parallel_loop3A_215 : i32 to index
        %parallel_loop3A_217 = arith.constant 16 : index
        %parallel_loop3A_218 = tpu.vector_load %arg10[%parallel_loop3A_216, %parallel_loop3A_217] {strides = array<i32>} : memref<64x128xf32, #tpu.memory_space<vmem>>, vector<1x16xf32>,
        %parallel_loop3A_219 = vector.shape_cast %parallel_loop3A_218 : vector<1x16xf32> to vector<16xf32>
        %parallel_loop3A_220 = arith.addf %parallel_loop3A_213, %parallel_loop3A_219 : vector<16xf32>
        %parallel_loop3A_221 = arith.constant 4 : i32
        %parallel_loop3A_222 = arith.addi %parallel_loop3A_133, %parallel_loop3A_221 : i32
        %parallel_loop3A_223 = arith.index_cast %parallel_loop3A_222 : i32 to index
        %parallel_loop3A_224 = arith.constant 16 : index
        %parallel_loop3A_225 = tpu.vector_load %arg10[%parallel_loop3A_223, %parallel_loop3A_224] {strides = array<i32>} : memref<64x128xf32, #tpu.memory_space<vmem>>, vector<1x16xf32>,
        %parallel_loop3A_226 = vector.shape_cast %parallel_loop3A_225 : vector<1x16xf32> to vector<16xf32>
        %parallel_loop3A_227 = arith.constant 5 : i32
        %parallel_loop3A_228 = arith.addi %parallel_loop3A_133, %parallel_loop3A_227 : i32
        %parallel_loop3A_229 = arith.index_cast %parallel_loop3A_228 : i32 to index
        %parallel_loop3A_230 = arith.constant 16 : index
        %parallel_loop3A_231 = tpu.vector_load %arg10[%parallel_loop3A_229, %parallel_loop3A_230] {strides = array<i32>} : memref<64x128xf32, #tpu.memory_space<vmem>>, vector<1x16xf32>,
        %parallel_loop3A_232 = vector.shape_cast %parallel_loop3A_231 : vector<1x16xf32> to vector<16xf32>
        %parallel_loop3A_233 = arith.addf %parallel_loop3A_226, %parallel_loop3A_232 : vector<16xf32>
        %parallel_loop3A_234 = arith.constant 6 : i32
        %parallel_loop3A_235 = arith.addi %parallel_loop3A_133, %parallel_loop3A_234 : i32
        %parallel_loop3A_236 = arith.index_cast %parallel_loop3A_235 : i32 to index
        %parallel_loop3A_237 = arith.constant 16 : index
        %parallel_loop3A_238 = tpu.vector_load %arg10[%parallel_loop3A_236, %parallel_loop3A_237] {strides = array<i32>} : memref<64x128xf32, #tpu.memory_space<vmem>>, vector<1x16xf32>,
        %parallel_loop3A_239 = vector.shape_cast %parallel_loop3A_238 : vector<1x16xf32> to vector<16xf32>
        %parallel_loop3A_240 = arith.constant 7 : i32
        %parallel_loop3A_241 = arith.addi %parallel_loop3A_133, %parallel_loop3A_240 : i32
        %parallel_loop3A_242 = arith.index_cast %parallel_loop3A_241 : i32 to index
        %parallel_loop3A_243 = arith.constant 16 : index
        %parallel_loop3A_244 = tpu.vector_load %arg10[%parallel_loop3A_242, %parallel_loop3A_243] {strides = array<i32>} : memref<64x128xf32, #tpu.memory_space<vmem>>, vector<1x16xf32>,
        %parallel_loop3A_245 = vector.shape_cast %parallel_loop3A_244 : vector<1x16xf32> to vector<16xf32>
        %parallel_loop3A_246 = arith.addf %parallel_loop3A_239, %parallel_loop3A_245 : vector<16xf32>
        %parallel_loop3A_247 = arith.addf %parallel_loop3A_207, %parallel_loop3A_220 : vector<16xf32>
        %parallel_loop3A_248 = arith.addf %parallel_loop3A_233, %parallel_loop3A_246 : vector<16xf32>
        %parallel_loop3A_249 = arith.addf %parallel_loop3A_247, %parallel_loop3A_248 : vector<16xf32>
        %parallel_loop3A_250 = arith.addi %mul3A_103, %parallel_loop3A_131 : i32
        %parallel_loop3A_251 = arith.index_cast %parallel_loop3A_250 : i32 to index
        %parallel_loop3A_252 = arith.constant 16 : index
        %parallel_loop3A_253 = tpu.vector_load %arg12[%parallel_loop3A_251, %parallel_loop3A_252] {strides = array<i32>} : memref<176x128xf32, #tpu.memory_space<vmem>>, vector<1x16xf32>,
        %parallel_loop3A_254 = vector.shape_cast %parallel_loop3A_253 : vector<1x16xf32> to vector<16xf32>
        %parallel_loop3A_255 = vector.shape_cast %parallel_loop3A_249 : vector<16xf32> to vector<1x16xf32>
        tpu.vector_store %arg12[%parallel_loop3A_251, %parallel_loop3A_252], %parallel_loop3A_255 {strides = array<i32>} : memref<176x128xf32, #tpu.memory_space<vmem>>, vector<1x16xf32>,
        %parallel_loop3A_256 = arith.constant 0 : i32
        %parallel_loop3A_257 = arith.addi %parallel_loop3A_133, %parallel_loop3A_256 : i32
        %parallel_loop3A_258 = arith.index_cast %parallel_loop3A_257 : i32 to index
        %parallel_loop3A_259 = arith.constant 32 : index
        %parallel_loop3A_260 = tpu.vector_load %arg10[%parallel_loop3A_258, %parallel_loop3A_259] {strides = array<i32>} : memref<64x128xf32, #tpu.memory_space<vmem>>, vector<1x16xf32>,
        %parallel_loop3A_261 = vector.shape_cast %parallel_loop3A_260 : vector<1x16xf32> to vector<16xf32>
        %parallel_loop3A_262 = arith.constant 1 : i32
        %parallel_loop3A_263 = arith.addi %parallel_loop3A_133, %parallel_loop3A_262 : i32
        %parallel_loop3A_264 = arith.index_cast %parallel_loop3A_263 : i32 to index
        %parallel_loop3A_265 = arith.constant 32 : index
        %parallel_loop3A_266 = tpu.vector_load %arg10[%parallel_loop3A_264, %parallel_loop3A_265] {strides = array<i32>} : memref<64x128xf32, #tpu.memory_space<vmem>>, vector<1x16xf32>,
        %parallel_loop3A_267 = vector.shape_cast %parallel_loop3A_266 : vector<1x16xf32> to vector<16xf32>
        %parallel_loop3A_268 = arith.addf %parallel_loop3A_261, %parallel_loop3A_267 : vector<16xf32>
        %parallel_loop3A_269 = arith.constant 2 : i32
        %parallel_loop3A_270 = arith.addi %parallel_loop3A_133, %parallel_loop3A_269 : i32
        %parallel_loop3A_271 = arith.index_cast %parallel_loop3A_270 : i32 to index
        %parallel_loop3A_272 = arith.constant 32 : index
        %parallel_loop3A_273 = tpu.vector_load %arg10[%parallel_loop3A_271, %parallel_loop3A_272] {strides = array<i32>} : memref<64x128xf32, #tpu.memory_space<vmem>>, vector<1x16xf32>,
        %parallel_loop3A_274 = vector.shape_cast %parallel_loop3A_273 : vector<1x16xf32> to vector<16xf32>
        %parallel_loop3A_275 = arith.constant 3 : i32
        %parallel_loop3A_276 = arith.addi %parallel_loop3A_133, %parallel_loop3A_275 : i32
        %parallel_loop3A_277 = arith.index_cast %parallel_loop3A_276 : i32 to index
        %parallel_loop3A_278 = arith.constant 32 : index
        %parallel_loop3A_279 = tpu.vector_load %arg10[%parallel_loop3A_277, %parallel_loop3A_278] {strides = array<i32>} : memref<64x128xf32, #tpu.memory_space<vmem>>, vector<1x16xf32>,
        %parallel_loop3A_280 = vector.shape_cast %parallel_loop3A_279 : vector<1x16xf32> to vector<16xf32>
        %parallel_loop3A_281 = arith.addf %parallel_loop3A_274, %parallel_loop3A_280 : vector<16xf32>
        %parallel_loop3A_282 = arith.constant 4 : i32
        %parallel_loop3A_283 = arith.addi %parallel_loop3A_133, %parallel_loop3A_282 : i32
        %parallel_loop3A_284 = arith.index_cast %parallel_loop3A_283 : i32 to index
        %parallel_loop3A_285 = arith.constant 32 : index
        %parallel_loop3A_286 = tpu.vector_load %arg10[%parallel_loop3A_284, %parallel_loop3A_285] {strides = array<i32>} : memref<64x128xf32, #tpu.memory_space<vmem>>, vector<1x16xf32>,
        %parallel_loop3A_287 = vector.shape_cast %parallel_loop3A_286 : vector<1x16xf32> to vector<16xf32>
        %parallel_loop3A_288 = arith.constant 5 : i32
        %parallel_loop3A_289 = arith.addi %parallel_loop3A_133, %parallel_loop3A_288 : i32
        %parallel_loop3A_290 = arith.index_cast %parallel_loop3A_289 : i32 to index
        %parallel_loop3A_291 = arith.constant 32 : index
        %parallel_loop3A_292 = tpu.vector_load %arg10[%parallel_loop3A_290, %parallel_loop3A_291] {strides = array<i32>} : memref<64x128xf32, #tpu.memory_space<vmem>>, vector<1x16xf32>,
        %parallel_loop3A_293 = vector.shape_cast %parallel_loop3A_292 : vector<1x16xf32> to vector<16xf32>
        %parallel_loop3A_294 = arith.addf %parallel_loop3A_287, %parallel_loop3A_293 : vector<16xf32>
        %parallel_loop3A_295 = arith.constant 6 : i32
        %parallel_loop3A_296 = arith.addi %parallel_loop3A_133, %parallel_loop3A_295 : i32
        %parallel_loop3A_297 = arith.index_cast %parallel_loop3A_296 : i32 to index
        %parallel_loop3A_298 = arith.constant 32 : index
        %parallel_loop3A_299 = tpu.vector_load %arg10[%parallel_loop3A_297, %parallel_loop3A_298] {strides = array<i32>} : memref<64x128xf32, #tpu.memory_space<vmem>>, vector<1x16xf32>,
        %parallel_loop3A_300 = vector.shape_cast %parallel_loop3A_299 : vector<1x16xf32> to vector<16xf32>
        %parallel_loop3A_301 = arith.constant 7 : i32
        %parallel_loop3A_302 = arith.addi %parallel_loop3A_133, %parallel_loop3A_301 : i32
        %parallel_loop3A_303 = arith.index_cast %parallel_loop3A_302 : i32 to index
        %parallel_loop3A_304 = arith.constant 32 : index
        %parallel_loop3A_305 = tpu.vector_load %arg10[%parallel_loop3A_303, %parallel_loop3A_304] {strides = array<i32>} : memref<64x128xf32, #tpu.memory_space<vmem>>, vector<1x16xf32>,
        %parallel_loop3A_306 = vector.shape_cast %parallel_loop3A_305 : vector<1x16xf32> to vector<16xf32>
        %parallel_loop3A_307 = arith.addf %parallel_loop3A_300, %parallel_loop3A_306 : vector<16xf32>
        %parallel_loop3A_308 = arith.addf %parallel_loop3A_268, %parallel_loop3A_281 : vector<16xf32>
        %parallel_loop3A_309 = arith.addf %parallel_loop3A_294, %parallel_loop3A_307 : vector<16xf32>
        %parallel_loop3A_310 = arith.addf %parallel_loop3A_308, %parallel_loop3A_309 : vector<16xf32>
        %parallel_loop3A_311 = arith.addi %mul3A_103, %parallel_loop3A_131 : i32
        %parallel_loop3A_312 = arith.index_cast %parallel_loop3A_311 : i32 to index
        %parallel_loop3A_313 = arith.constant 32 : index
        %parallel_loop3A_314 = tpu.vector_load %arg12[%parallel_loop3A_312, %parallel_loop3A_313] {strides = array<i32>} : memref<176x128xf32, #tpu.memory_space<vmem>>, vector<1x16xf32>,
        %parallel_loop3A_315 = vector.shape_cast %parallel_loop3A_314 : vector<1x16xf32> to vector<16xf32>
        %parallel_loop3A_316 = vector.shape_cast %parallel_loop3A_310 : vector<16xf32> to vector<1x16xf32>
        tpu.vector_store %arg12[%parallel_loop3A_312, %parallel_loop3A_313], %parallel_loop3A_316 {strides = array<i32>} : memref<176x128xf32, #tpu.memory_space<vmem>>, vector<1x16xf32>,
        %parallel_loop3A_317 = arith.constant 0 : i32
        %parallel_loop3A_318 = arith.addi %parallel_loop3A_133, %parallel_loop3A_317 : i32
        %parallel_loop3A_319 = arith.index_cast %parallel_loop3A_318 : i32 to index
        %parallel_loop3A_320 = arith.constant 48 : index
        %parallel_loop3A_321 = tpu.vector_load %arg10[%parallel_loop3A_319, %parallel_loop3A_320] {strides = array<i32>} : memref<64x128xf32, #tpu.memory_space<vmem>>, vector<1x16xf32>,
        %parallel_loop3A_322 = vector.shape_cast %parallel_loop3A_321 : vector<1x16xf32> to vector<16xf32>
        %parallel_loop3A_323 = arith.constant 1 : i32
        %parallel_loop3A_324 = arith.addi %parallel_loop3A_133, %parallel_loop3A_323 : i32
        %parallel_loop3A_325 = arith.index_cast %parallel_loop3A_324 : i32 to index
        %parallel_loop3A_326 = arith.constant 48 : index
        %parallel_loop3A_327 = tpu.vector_load %arg10[%parallel_loop3A_325, %parallel_loop3A_326] {strides = array<i32>} : memref<64x128xf32, #tpu.memory_space<vmem>>, vector<1x16xf32>,
        %parallel_loop3A_328 = vector.shape_cast %parallel_loop3A_327 : vector<1x16xf32> to vector<16xf32>
        %parallel_loop3A_329 = arith.addf %parallel_loop3A_322, %parallel_loop3A_328 : vector<16xf32>
        %parallel_loop3A_330 = arith.constant 2 : i32
        %parallel_loop3A_331 = arith.addi %parallel_loop3A_133, %parallel_loop3A_330 : i32
        %parallel_loop3A_332 = arith.index_cast %parallel_loop3A_331 : i32 to index
        %parallel_loop3A_333 = arith.constant 48 : index
        %parallel_loop3A_334 = tpu.vector_load %arg10[%parallel_loop3A_332, %parallel_loop3A_333] {strides = array<i32>} : memref<64x128xf32, #tpu.memory_space<vmem>>, vector<1x16xf32>,
        %parallel_loop3A_335 = vector.shape_cast %parallel_loop3A_334 : vector<1x16xf32> to vector<16xf32>
        %parallel_loop3A_336 = arith.constant 3 : i32
        %parallel_loop3A_337 = arith.addi %parallel_loop3A_133, %parallel_loop3A_336 : i32
        %parallel_loop3A_338 = arith.index_cast %parallel_loop3A_337 : i32 to index
        %parallel_loop3A_339 = arith.constant 48 : index
        %parallel_loop3A_340 = tpu.vector_load %arg10[%parallel_loop3A_338, %parallel_loop3A_339] {strides = array<i32>} : memref<64x128xf32, #tpu.memory_space<vmem>>, vector<1x16xf32>,
        %parallel_loop3A_341 = vector.shape_cast %parallel_loop3A_340 : vector<1x16xf32> to vector<16xf32>
        %parallel_loop3A_342 = arith.addf %parallel_loop3A_335, %parallel_loop3A_341 : vector<16xf32>
        %parallel_loop3A_343 = arith.constant 4 : i32
        %parallel_loop3A_344 = arith.addi %parallel_loop3A_133, %parallel_loop3A_343 : i32
        %parallel_loop3A_345 = arith.index_cast %parallel_loop3A_344 : i32 to index
        %parallel_loop3A_346 = arith.constant 48 : index
        %parallel_loop3A_347 = tpu.vector_load %arg10[%parallel_loop3A_345, %parallel_loop3A_346] {strides = array<i32>} : memref<64x128xf32, #tpu.memory_space<vmem>>, vector<1x16xf32>,
        %parallel_loop3A_348 = vector.shape_cast %parallel_loop3A_347 : vector<1x16xf32> to vector<16xf32>
        %parallel_loop3A_349 = arith.constant 5 : i32
        %parallel_loop3A_350 = arith.addi %parallel_loop3A_133, %parallel_loop3A_349 : i32
        %parallel_loop3A_351 = arith.index_cast %parallel_loop3A_350 : i32 to index
        %parallel_loop3A_352 = arith.constant 48 : index
        %parallel_loop3A_353 = tpu.vector_load %arg10[%parallel_loop3A_351, %parallel_loop3A_352] {strides = array<i32>} : memref<64x128xf32, #tpu.memory_space<vmem>>, vector<1x16xf32>,
        %parallel_loop3A_354 = vector.shape_cast %parallel_loop3A_353 : vector<1x16xf32> to vector<16xf32>
        %parallel_loop3A_355 = arith.addf %parallel_loop3A_348, %parallel_loop3A_354 : vector<16xf32>
        %parallel_loop3A_356 = arith.constant 6 : i32
        %parallel_loop3A_357 = arith.addi %parallel_loop3A_133, %parallel_loop3A_356 : i32
        %parallel_loop3A_358 = arith.index_cast %parallel_loop3A_357 : i32 to index
        %parallel_loop3A_359 = arith.constant 48 : index
        %parallel_loop3A_360 = tpu.vector_load %arg10[%parallel_loop3A_358, %parallel_loop3A_359] {strides = array<i32>} : memref<64x128xf32, #tpu.memory_space<vmem>>, vector<1x16xf32>,
        %parallel_loop3A_361 = vector.shape_cast %parallel_loop3A_360 : vector<1x16xf32> to vector<16xf32>
        %parallel_loop3A_362 = arith.constant 7 : i32
        %parallel_loop3A_363 = arith.addi %parallel_loop3A_133, %parallel_loop3A_362 : i32
        %parallel_loop3A_364 = arith.index_cast %parallel_loop3A_363 : i32 to index
        %parallel_loop3A_365 = arith.constant 48 : index
        %parallel_loop3A_366 = tpu.vector_load %arg10[%parallel_loop3A_364, %parallel_loop3A_365] {strides = array<i32>} : memref<64x128xf32, #tpu.memory_space<vmem>>, vector<1x16xf32>,
        %parallel_loop3A_367 = vector.shape_cast %parallel_loop3A_366 : vector<1x16xf32> to vector<16xf32>
        %parallel_loop3A_368 = arith.addf %parallel_loop3A_361, %parallel_loop3A_367 : vector<16xf32>
        %parallel_loop3A_369 = arith.addf %parallel_loop3A_329, %parallel_loop3A_342 : vector<16xf32>
        %parallel_loop3A_370 = arith.addf %parallel_loop3A_355, %parallel_loop3A_368 : vector<16xf32>
        %parallel_loop3A_371 = arith.addf %parallel_loop3A_369, %parallel_loop3A_370 : vector<16xf32>
        %parallel_loop3A_372 = arith.addi %mul3A_103, %parallel_loop3A_131 : i32
        %parallel_loop3A_373 = arith.index_cast %parallel_loop3A_372 : i32 to index
        %parallel_loop3A_374 = arith.constant 48 : index
        %parallel_loop3A_375 = tpu.vector_load %arg12[%parallel_loop3A_373, %parallel_loop3A_374] {strides = array<i32>} : memref<176x128xf32, #tpu.memory_space<vmem>>, vector<1x16xf32>,
        %parallel_loop3A_376 = vector.shape_cast %parallel_loop3A_375 : vector<1x16xf32> to vector<16xf32>
        %parallel_loop3A_377 = vector.shape_cast %parallel_loop3A_371 : vector<16xf32> to vector<1x16xf32>
        tpu.vector_store %arg12[%parallel_loop3A_373, %parallel_loop3A_374], %parallel_loop3A_377 {strides = array<i32>} : memref<176x128xf32, #tpu.memory_space<vmem>>, vector<1x16xf32>,
        %parallel_loop3A_378 = arith.constant 0 : i32
        %parallel_loop3A_379 = arith.addi %parallel_loop3A_133, %parallel_loop3A_378 : i32
        %parallel_loop3A_380 = arith.index_cast %parallel_loop3A_379 : i32 to index
        %parallel_loop3A_381 = arith.constant 64 : index
        %parallel_loop3A_382 = tpu.vector_load %arg10[%parallel_loop3A_380, %parallel_loop3A_381] {strides = array<i32>} : memref<64x128xf32, #tpu.memory_space<vmem>>, vector<1x16xf32>,
        %parallel_loop3A_383 = vector.shape_cast %parallel_loop3A_382 : vector<1x16xf32> to vector<16xf32>
        %parallel_loop3A_384 = arith.constant 1 : i32
        %parallel_loop3A_385 = arith.addi %parallel_loop3A_133, %parallel_loop3A_384 : i32
        %parallel_loop3A_386 = arith.index_cast %parallel_loop3A_385 : i32 to index
        %parallel_loop3A_387 = arith.constant 64 : index
        %parallel_loop3A_388 = tpu.vector_load %arg10[%parallel_loop3A_386, %parallel_loop3A_387] {strides = array<i32>} : memref<64x128xf32, #tpu.memory_space<vmem>>, vector<1x16xf32>,
        %parallel_loop3A_389 = vector.shape_cast %parallel_loop3A_388 : vector<1x16xf32> to vector<16xf32>
        %parallel_loop3A_390 = arith.addf %parallel_loop3A_383, %parallel_loop3A_389 : vector<16xf32>
        %parallel_loop3A_391 = arith.constant 2 : i32
        %parallel_loop3A_392 = arith.addi %parallel_loop3A_133, %parallel_loop3A_391 : i32
        %parallel_loop3A_393 = arith.index_cast %parallel_loop3A_392 : i32 to index
        %parallel_loop3A_394 = arith.constant 64 : index
        %parallel_loop3A_395 = tpu.vector_load %arg10[%parallel_loop3A_393, %parallel_loop3A_394] {strides = array<i32>} : memref<64x128xf32, #tpu.memory_space<vmem>>, vector<1x16xf32>,
        %parallel_loop3A_396 = vector.shape_cast %parallel_loop3A_395 : vector<1x16xf32> to vector<16xf32>
        %parallel_loop3A_397 = arith.constant 3 : i32
        %parallel_loop3A_398 = arith.addi %parallel_loop3A_133, %parallel_loop3A_397 : i32
        %parallel_loop3A_399 = arith.index_cast %parallel_loop3A_398 : i32 to index
        %parallel_loop3A_400 = arith.constant 64 : index
        %parallel_loop3A_401 = tpu.vector_load %arg10[%parallel_loop3A_399, %parallel_loop3A_400] {strides = array<i32>} : memref<64x128xf32, #tpu.memory_space<vmem>>, vector<1x16xf32>,
        %parallel_loop3A_402 = vector.shape_cast %parallel_loop3A_401 : vector<1x16xf32> to vector<16xf32>
        %parallel_loop3A_403 = arith.addf %parallel_loop3A_396, %parallel_loop3A_402 : vector<16xf32>
        %parallel_loop3A_404 = arith.constant 4 : i32
        %parallel_loop3A_405 = arith.addi %parallel_loop3A_133, %parallel_loop3A_404 : i32
        %parallel_loop3A_406 = arith.index_cast %parallel_loop3A_405 : i32 to index
        %parallel_loop3A_407 = arith.constant 64 : index
        %parallel_loop3A_408 = tpu.vector_load %arg10[%parallel_loop3A_406, %parallel_loop3A_407] {strides = array<i32>} : memref<64x128xf32, #tpu.memory_space<vmem>>, vector<1x16xf32>,
        %parallel_loop3A_409 = vector.shape_cast %parallel_loop3A_408 : vector<1x16xf32> to vector<16xf32>
        %parallel_loop3A_410 = arith.constant 5 : i32
        %parallel_loop3A_411 = arith.addi %parallel_loop3A_133, %parallel_loop3A_410 : i32
        %parallel_loop3A_412 = arith.index_cast %parallel_loop3A_411 : i32 to index
        %parallel_loop3A_413 = arith.constant 64 : index
        %parallel_loop3A_414 = tpu.vector_load %arg10[%parallel_loop3A_412, %parallel_loop3A_413] {strides = array<i32>} : memref<64x128xf32, #tpu.memory_space<vmem>>, vector<1x16xf32>,
        %parallel_loop3A_415 = vector.shape_cast %parallel_loop3A_414 : vector<1x16xf32> to vector<16xf32>
        %parallel_loop3A_416 = arith.addf %parallel_loop3A_409, %parallel_loop3A_415 : vector<16xf32>
        %parallel_loop3A_417 = arith.constant 6 : i32
        %parallel_loop3A_418 = arith.addi %parallel_loop3A_133, %parallel_loop3A_417 : i32
        %parallel_loop3A_419 = arith.index_cast %parallel_loop3A_418 : i32 to index
        %parallel_loop3A_420 = arith.constant 64 : index
        %parallel_loop3A_421 = tpu.vector_load %arg10[%parallel_loop3A_419, %parallel_loop3A_420] {strides = array<i32>} : memref<64x128xf32, #tpu.memory_space<vmem>>, vector<1x16xf32>,
        %parallel_loop3A_422 = vector.shape_cast %parallel_loop3A_421 : vector<1x16xf32> to vector<16xf32>
        %parallel_loop3A_423 = arith.constant 7 : i32
        %parallel_loop3A_424 = arith.addi %parallel_loop3A_133, %parallel_loop3A_423 : i32
        %parallel_loop3A_425 = arith.index_cast %parallel_loop3A_424 : i32 to index
        %parallel_loop3A_426 = arith.constant 64 : index
        %parallel_loop3A_427 = tpu.vector_load %arg10[%parallel_loop3A_425, %parallel_loop3A_426] {strides = array<i32>} : memref<64x128xf32, #tpu.memory_space<vmem>>, vector<1x16xf32>,
        %parallel_loop3A_428 = vector.shape_cast %parallel_loop3A_427 : vector<1x16xf32> to vector<16xf32>
        %parallel_loop3A_429 = arith.addf %parallel_loop3A_422, %parallel_loop3A_428 : vector<16xf32>
        %parallel_loop3A_430 = arith.addf %parallel_loop3A_390, %parallel_loop3A_403 : vector<16xf32>
        %parallel_loop3A_431 = arith.addf %parallel_loop3A_416, %parallel_loop3A_429 : vector<16xf32>
        %parallel_loop3A_432 = arith.addf %parallel_loop3A_430, %parallel_loop3A_431 : vector<16xf32>
        %parallel_loop3A_433 = arith.addi %mul3A_103, %parallel_loop3A_131 : i32
        %parallel_loop3A_434 = arith.index_cast %parallel_loop3A_433 : i32 to index
        %parallel_loop3A_435 = arith.constant 64 : index
        %parallel_loop3A_436 = tpu.vector_load %arg12[%parallel_loop3A_434, %parallel_loop3A_435] {strides = array<i32>} : memref<176x128xf32, #tpu.memory_space<vmem>>, vector<1x16xf32>,
        %parallel_loop3A_437 = vector.shape_cast %parallel_loop3A_436 : vector<1x16xf32> to vector<16xf32>
        %parallel_loop3A_438 = vector.shape_cast %parallel_loop3A_432 : vector<16xf32> to vector<1x16xf32>
        tpu.vector_store %arg12[%parallel_loop3A_434, %parallel_loop3A_435], %parallel_loop3A_438 {strides = array<i32>} : memref<176x128xf32, #tpu.memory_space<vmem>>, vector<1x16xf32>,
        %parallel_loop3A_439 = arith.constant 0 : i32
        %parallel_loop3A_440 = arith.addi %parallel_loop3A_133, %parallel_loop3A_439 : i32
        %parallel_loop3A_441 = arith.index_cast %parallel_loop3A_440 : i32 to index
        %parallel_loop3A_442 = arith.constant 80 : index
        %parallel_loop3A_443 = tpu.vector_load %arg10[%parallel_loop3A_441, %parallel_loop3A_442] {strides = array<i32>} : memref<64x128xf32, #tpu.memory_space<vmem>>, vector<1x16xf32>,
        %parallel_loop3A_444 = vector.shape_cast %parallel_loop3A_443 : vector<1x16xf32> to vector<16xf32>
        %parallel_loop3A_445 = arith.constant 1 : i32
        %parallel_loop3A_446 = arith.addi %parallel_loop3A_133, %parallel_loop3A_445 : i32
        %parallel_loop3A_447 = arith.index_cast %parallel_loop3A_446 : i32 to index
        %parallel_loop3A_448 = arith.constant 80 : index
        %parallel_loop3A_449 = tpu.vector_load %arg10[%parallel_loop3A_447, %parallel_loop3A_448] {strides = array<i32>} : memref<64x128xf32, #tpu.memory_space<vmem>>, vector<1x16xf32>,
        %parallel_loop3A_450 = vector.shape_cast %parallel_loop3A_449 : vector<1x16xf32> to vector<16xf32>
        %parallel_loop3A_451 = arith.addf %parallel_loop3A_444, %parallel_loop3A_450 : vector<16xf32>
        %parallel_loop3A_452 = arith.constant 2 : i32
        %parallel_loop3A_453 = arith.addi %parallel_loop3A_133, %parallel_loop3A_452 : i32
        %parallel_loop3A_454 = arith.index_cast %parallel_loop3A_453 : i32 to index
        %parallel_loop3A_455 = arith.constant 80 : index
        %parallel_loop3A_456 = tpu.vector_load %arg10[%parallel_loop3A_454, %parallel_loop3A_455] {strides = array<i32>} : memref<64x128xf32, #tpu.memory_space<vmem>>, vector<1x16xf32>,
        %parallel_loop3A_457 = vector.shape_cast %parallel_loop3A_456 : vector<1x16xf32> to vector<16xf32>
        %parallel_loop3A_458 = arith.constant 3 : i32
        %parallel_loop3A_459 = arith.addi %parallel_loop3A_133, %parallel_loop3A_458 : i32
        %parallel_loop3A_460 = arith.index_cast %parallel_loop3A_459 : i32 to index
        %parallel_loop3A_461 = arith.constant 80 : index
        %parallel_loop3A_462 = tpu.vector_load %arg10[%parallel_loop3A_460, %parallel_loop3A_461] {strides = array<i32>} : memref<64x128xf32, #tpu.memory_space<vmem>>, vector<1x16xf32>,
        %parallel_loop3A_463 = vector.shape_cast %parallel_loop3A_462 : vector<1x16xf32> to vector<16xf32>
        %parallel_loop3A_464 = arith.addf %parallel_loop3A_457, %parallel_loop3A_463 : vector<16xf32>
        %parallel_loop3A_465 = arith.constant 4 : i32
        %parallel_loop3A_466 = arith.addi %parallel_loop3A_133, %parallel_loop3A_465 : i32
        %parallel_loop3A_467 = arith.index_cast %parallel_loop3A_466 : i32 to index
        %parallel_loop3A_468 = arith.constant 80 : index
        %parallel_loop3A_469 = tpu.vector_load %arg10[%parallel_loop3A_467, %parallel_loop3A_468] {strides = array<i32>} : memref<64x128xf32, #tpu.memory_space<vmem>>, vector<1x16xf32>,
        %parallel_loop3A_470 = vector.shape_cast %parallel_loop3A_469 : vector<1x16xf32> to vector<16xf32>
        %parallel_loop3A_471 = arith.constant 5 : i32
        %parallel_loop3A_472 = arith.addi %parallel_loop3A_133, %parallel_loop3A_471 : i32
        %parallel_loop3A_473 = arith.index_cast %parallel_loop3A_472 : i32 to index
        %parallel_loop3A_474 = arith.constant 80 : index
        %parallel_loop3A_475 = tpu.vector_load %arg10[%parallel_loop3A_473, %parallel_loop3A_474] {strides = array<i32>} : memref<64x128xf32, #tpu.memory_space<vmem>>, vector<1x16xf32>,
        %parallel_loop3A_476 = vector.shape_cast %parallel_loop3A_475 : vector<1x16xf32> to vector<16xf32>
        %parallel_loop3A_477 = arith.addf %parallel_loop3A_470, %parallel_loop3A_476 : vector<16xf32>
        %parallel_loop3A_478 = arith.constant 6 : i32
        %parallel_loop3A_479 = arith.addi %parallel_loop3A_133, %parallel_loop3A_478 : i32
        %parallel_loop3A_480 = arith.index_cast %parallel_loop3A_479 : i32 to index
        %parallel_loop3A_481 = arith.constant 80 : index
        %parallel_loop3A_482 = tpu.vector_load %arg10[%parallel_loop3A_480, %parallel_loop3A_481] {strides = array<i32>} : memref<64x128xf32, #tpu.memory_space<vmem>>, vector<1x16xf32>,
        %parallel_loop3A_483 = vector.shape_cast %parallel_loop3A_482 : vector<1x16xf32> to vector<16xf32>
        %parallel_loop3A_484 = arith.constant 7 : i32
        %parallel_loop3A_485 = arith.addi %parallel_loop3A_133, %parallel_loop3A_484 : i32
        %parallel_loop3A_486 = arith.index_cast %parallel_loop3A_485 : i32 to index
        %parallel_loop3A_487 = arith.constant 80 : index
        %parallel_loop3A_488 = tpu.vector_load %arg10[%parallel_loop3A_486, %parallel_loop3A_487] {strides = array<i32>} : memref<64x128xf32, #tpu.memory_space<vmem>>, vector<1x16xf32>,
        %parallel_loop3A_489 = vector.shape_cast %parallel_loop3A_488 : vector<1x16xf32> to vector<16xf32>
        %parallel_loop3A_490 = arith.addf %parallel_loop3A_483, %parallel_loop3A_489 : vector<16xf32>
        %parallel_loop3A_491 = arith.addf %parallel_loop3A_451, %parallel_loop3A_464 : vector<16xf32>
        %parallel_loop3A_492 = arith.addf %parallel_loop3A_477, %parallel_loop3A_490 : vector<16xf32>
        %parallel_loop3A_493 = arith.addf %parallel_loop3A_491, %parallel_loop3A_492 : vector<16xf32>
        %parallel_loop3A_494 = arith.addi %mul3A_103, %parallel_loop3A_131 : i32
        %parallel_loop3A_495 = arith.index_cast %parallel_loop3A_494 : i32 to index
        %parallel_loop3A_496 = arith.constant 80 : index
        %parallel_loop3A_497 = tpu.vector_load %arg12[%parallel_loop3A_495, %parallel_loop3A_496] {strides = array<i32>} : memref<176x128xf32, #tpu.memory_space<vmem>>, vector<1x16xf32>,
        %parallel_loop3A_498 = vector.shape_cast %parallel_loop3A_497 : vector<1x16xf32> to vector<16xf32>
        %parallel_loop3A_499 = vector.shape_cast %parallel_loop3A_493 : vector<16xf32> to vector<1x16xf32>
        tpu.vector_store %arg12[%parallel_loop3A_495, %parallel_loop3A_496], %parallel_loop3A_499 {strides = array<i32>} : memref<176x128xf32, #tpu.memory_space<vmem>>, vector<1x16xf32>,
        %parallel_loop3A_500 = arith.constant 0 : i32
        %parallel_loop3A_501 = arith.addi %parallel_loop3A_133, %parallel_loop3A_500 : i32
        %parallel_loop3A_502 = arith.index_cast %parallel_loop3A_501 : i32 to index
        %parallel_loop3A_503 = arith.constant 96 : index
        %parallel_loop3A_504 = tpu.vector_load %arg10[%parallel_loop3A_502, %parallel_loop3A_503] {strides = array<i32>} : memref<64x128xf32, #tpu.memory_space<vmem>>, vector<1x16xf32>,
        %parallel_loop3A_505 = vector.shape_cast %parallel_loop3A_504 : vector<1x16xf32> to vector<16xf32>
        %parallel_loop3A_506 = arith.constant 1 : i32
        %parallel_loop3A_507 = arith.addi %parallel_loop3A_133, %parallel_loop3A_506 : i32
        %parallel_loop3A_508 = arith.index_cast %parallel_loop3A_507 : i32 to index
        %parallel_loop3A_509 = arith.constant 96 : index
        %parallel_loop3A_510 = tpu.vector_load %arg10[%parallel_loop3A_508, %parallel_loop3A_509] {strides = array<i32>} : memref<64x128xf32, #tpu.memory_space<vmem>>, vector<1x16xf32>,
        %parallel_loop3A_511 = vector.shape_cast %parallel_loop3A_510 : vector<1x16xf32> to vector<16xf32>
        %parallel_loop3A_512 = arith.addf %parallel_loop3A_505, %parallel_loop3A_511 : vector<16xf32>
        %parallel_loop3A_513 = arith.constant 2 : i32
        %parallel_loop3A_514 = arith.addi %parallel_loop3A_133, %parallel_loop3A_513 : i32
        %parallel_loop3A_515 = arith.index_cast %parallel_loop3A_514 : i32 to index
        %parallel_loop3A_516 = arith.constant 96 : index
        %parallel_loop3A_517 = tpu.vector_load %arg10[%parallel_loop3A_515, %parallel_loop3A_516] {strides = array<i32>} : memref<64x128xf32, #tpu.memory_space<vmem>>, vector<1x16xf32>,
        %parallel_loop3A_518 = vector.shape_cast %parallel_loop3A_517 : vector<1x16xf32> to vector<16xf32>
        %parallel_loop3A_519 = arith.constant 3 : i32
        %parallel_loop3A_520 = arith.addi %parallel_loop3A_133, %parallel_loop3A_519 : i32
        %parallel_loop3A_521 = arith.index_cast %parallel_loop3A_520 : i32 to index
        %parallel_loop3A_522 = arith.constant 96 : index
        %parallel_loop3A_523 = tpu.vector_load %arg10[%parallel_loop3A_521, %parallel_loop3A_522] {strides = array<i32>} : memref<64x128xf32, #tpu.memory_space<vmem>>, vector<1x16xf32>,
        %parallel_loop3A_524 = vector.shape_cast %parallel_loop3A_523 : vector<1x16xf32> to vector<16xf32>
        %parallel_loop3A_525 = arith.addf %parallel_loop3A_518, %parallel_loop3A_524 : vector<16xf32>
        %parallel_loop3A_526 = arith.constant 4 : i32
        %parallel_loop3A_527 = arith.addi %parallel_loop3A_133, %parallel_loop3A_526 : i32
        %parallel_loop3A_528 = arith.index_cast %parallel_loop3A_527 : i32 to index
        %parallel_loop3A_529 = arith.constant 96 : index
        %parallel_loop3A_530 = tpu.vector_load %arg10[%parallel_loop3A_528, %parallel_loop3A_529] {strides = array<i32>} : memref<64x128xf32, #tpu.memory_space<vmem>>, vector<1x16xf32>,
        %parallel_loop3A_531 = vector.shape_cast %parallel_loop3A_530 : vector<1x16xf32> to vector<16xf32>
        %parallel_loop3A_532 = arith.constant 5 : i32
        %parallel_loop3A_533 = arith.addi %parallel_loop3A_133, %parallel_loop3A_532 : i32
        %parallel_loop3A_534 = arith.index_cast %parallel_loop3A_533 : i32 to index
        %parallel_loop3A_535 = arith.constant 96 : index
        %parallel_loop3A_536 = tpu.vector_load %arg10[%parallel_loop3A_534, %parallel_loop3A_535] {strides = array<i32>} : memref<64x128xf32, #tpu.memory_space<vmem>>, vector<1x16xf32>,
        %parallel_loop3A_537 = vector.shape_cast %parallel_loop3A_536 : vector<1x16xf32> to vector<16xf32>
        %parallel_loop3A_538 = arith.addf %parallel_loop3A_531, %parallel_loop3A_537 : vector<16xf32>
        %parallel_loop3A_539 = arith.constant 6 : i32
        %parallel_loop3A_540 = arith.addi %parallel_loop3A_133, %parallel_loop3A_539 : i32
        %parallel_loop3A_541 = arith.index_cast %parallel_loop3A_540 : i32 to index
        %parallel_loop3A_542 = arith.constant 96 : index
        %parallel_loop3A_543 = tpu.vector_load %arg10[%parallel_loop3A_541, %parallel_loop3A_542] {strides = array<i32>} : memref<64x128xf32, #tpu.memory_space<vmem>>, vector<1x16xf32>,
        %parallel_loop3A_544 = vector.shape_cast %parallel_loop3A_543 : vector<1x16xf32> to vector<16xf32>
        %parallel_loop3A_545 = arith.constant 7 : i32
        %parallel_loop3A_546 = arith.addi %parallel_loop3A_133, %parallel_loop3A_545 : i32
        %parallel_loop3A_547 = arith.index_cast %parallel_loop3A_546 : i32 to index
        %parallel_loop3A_548 = arith.constant 96 : index
        %parallel_loop3A_549 = tpu.vector_load %arg10[%parallel_loop3A_547, %parallel_loop3A_548] {strides = array<i32>} : memref<64x128xf32, #tpu.memory_space<vmem>>, vector<1x16xf32>,
        %parallel_loop3A_550 = vector.shape_cast %parallel_loop3A_549 : vector<1x16xf32> to vector<16xf32>
        %parallel_loop3A_551 = arith.addf %parallel_loop3A_544, %parallel_loop3A_550 : vector<16xf32>
        %parallel_loop3A_552 = arith.addf %parallel_loop3A_512, %parallel_loop3A_525 : vector<16xf32>
        %parallel_loop3A_553 = arith.addf %parallel_loop3A_538, %parallel_loop3A_551 : vector<16xf32>
        %parallel_loop3A_554 = arith.addf %parallel_loop3A_552, %parallel_loop3A_553 : vector<16xf32>
        %parallel_loop3A_555 = arith.addi %mul3A_103, %parallel_loop3A_131 : i32
        %parallel_loop3A_556 = arith.index_cast %parallel_loop3A_555 : i32 to index
        %parallel_loop3A_557 = arith.constant 96 : index
        %parallel_loop3A_558 = tpu.vector_load %arg12[%parallel_loop3A_556, %parallel_loop3A_557] {strides = array<i32>} : memref<176x128xf32, #tpu.memory_space<vmem>>, vector<1x16xf32>,
        %parallel_loop3A_559 = vector.shape_cast %parallel_loop3A_558 : vector<1x16xf32> to vector<16xf32>
        %parallel_loop3A_560 = vector.shape_cast %parallel_loop3A_554 : vector<16xf32> to vector<1x16xf32>
        tpu.vector_store %arg12[%parallel_loop3A_556, %parallel_loop3A_557], %parallel_loop3A_560 {strides = array<i32>} : memref<176x128xf32, #tpu.memory_space<vmem>>, vector<1x16xf32>,
        %parallel_loop3A_561 = arith.constant 0 : i32
        %parallel_loop3A_562 = arith.addi %parallel_loop3A_133, %parallel_loop3A_561 : i32
        %parallel_loop3A_563 = arith.index_cast %parallel_loop3A_562 : i32 to index
        %parallel_loop3A_564 = arith.constant 112 : index
        %parallel_loop3A_565 = tpu.vector_load %arg10[%parallel_loop3A_563, %parallel_loop3A_564] {strides = array<i32>} : memref<64x128xf32, #tpu.memory_space<vmem>>, vector<1x16xf32>,
        %parallel_loop3A_566 = vector.shape_cast %parallel_loop3A_565 : vector<1x16xf32> to vector<16xf32>
        %parallel_loop3A_567 = arith.constant 1 : i32
        %parallel_loop3A_568 = arith.addi %parallel_loop3A_133, %parallel_loop3A_567 : i32
        %parallel_loop3A_569 = arith.index_cast %parallel_loop3A_568 : i32 to index
        %parallel_loop3A_570 = arith.constant 112 : index
        %parallel_loop3A_571 = tpu.vector_load %arg10[%parallel_loop3A_569, %parallel_loop3A_570] {strides = array<i32>} : memref<64x128xf32, #tpu.memory_space<vmem>>, vector<1x16xf32>,
        %parallel_loop3A_572 = vector.shape_cast %parallel_loop3A_571 : vector<1x16xf32> to vector<16xf32>
        %parallel_loop3A_573 = arith.addf %parallel_loop3A_566, %parallel_loop3A_572 : vector<16xf32>
        %parallel_loop3A_574 = arith.constant 2 : i32
        %parallel_loop3A_575 = arith.addi %parallel_loop3A_133, %parallel_loop3A_574 : i32
        %parallel_loop3A_576 = arith.index_cast %parallel_loop3A_575 : i32 to index
        %parallel_loop3A_577 = arith.constant 112 : index
        %parallel_loop3A_578 = tpu.vector_load %arg10[%parallel_loop3A_576, %parallel_loop3A_577] {strides = array<i32>} : memref<64x128xf32, #tpu.memory_space<vmem>>, vector<1x16xf32>,
        %parallel_loop3A_579 = vector.shape_cast %parallel_loop3A_578 : vector<1x16xf32> to vector<16xf32>
        %parallel_loop3A_580 = arith.constant 3 : i32
        %parallel_loop3A_581 = arith.addi %parallel_loop3A_133, %parallel_loop3A_580 : i32
        %parallel_loop3A_582 = arith.index_cast %parallel_loop3A_581 : i32 to index
        %parallel_loop3A_583 = arith.constant 112 : index
        %parallel_loop3A_584 = tpu.vector_load %arg10[%parallel_loop3A_582, %parallel_loop3A_583] {strides = array<i32>} : memref<64x128xf32, #tpu.memory_space<vmem>>, vector<1x16xf32>,
        %parallel_loop3A_585 = vector.shape_cast %parallel_loop3A_584 : vector<1x16xf32> to vector<16xf32>
        %parallel_loop3A_586 = arith.addf %parallel_loop3A_579, %parallel_loop3A_585 : vector<16xf32>
        %parallel_loop3A_587 = arith.constant 4 : i32
        %parallel_loop3A_588 = arith.addi %parallel_loop3A_133, %parallel_loop3A_587 : i32
        %parallel_loop3A_589 = arith.index_cast %parallel_loop3A_588 : i32 to index
        %parallel_loop3A_590 = arith.constant 112 : index
        %parallel_loop3A_591 = tpu.vector_load %arg10[%parallel_loop3A_589, %parallel_loop3A_590] {strides = array<i32>} : memref<64x128xf32, #tpu.memory_space<vmem>>, vector<1x16xf32>,
        %parallel_loop3A_592 = vector.shape_cast %parallel_loop3A_591 : vector<1x16xf32> to vector<16xf32>
        %parallel_loop3A_593 = arith.constant 5 : i32
        %parallel_loop3A_594 = arith.addi %parallel_loop3A_133, %parallel_loop3A_593 : i32
        %parallel_loop3A_595 = arith.index_cast %parallel_loop3A_594 : i32 to index
        %parallel_loop3A_596 = arith.constant 112 : index
        %parallel_loop3A_597 = tpu.vector_load %arg10[%parallel_loop3A_595, %parallel_loop3A_596] {strides = array<i32>} : memref<64x128xf32, #tpu.memory_space<vmem>>, vector<1x16xf32>,
        %parallel_loop3A_598 = vector.shape_cast %parallel_loop3A_597 : vector<1x16xf32> to vector<16xf32>
        %parallel_loop3A_599 = arith.addf %parallel_loop3A_592, %parallel_loop3A_598 : vector<16xf32>
        %parallel_loop3A_600 = arith.constant 6 : i32
        %parallel_loop3A_601 = arith.addi %parallel_loop3A_133, %parallel_loop3A_600 : i32
        %parallel_loop3A_602 = arith.index_cast %parallel_loop3A_601 : i32 to index
        %parallel_loop3A_603 = arith.constant 112 : index
        %parallel_loop3A_604 = tpu.vector_load %arg10[%parallel_loop3A_602, %parallel_loop3A_603] {strides = array<i32>} : memref<64x128xf32, #tpu.memory_space<vmem>>, vector<1x16xf32>,
        %parallel_loop3A_605 = vector.shape_cast %parallel_loop3A_604 : vector<1x16xf32> to vector<16xf32>
        %parallel_loop3A_606 = arith.constant 7 : i32
        %parallel_loop3A_607 = arith.addi %parallel_loop3A_133, %parallel_loop3A_606 : i32
        %parallel_loop3A_608 = arith.index_cast %parallel_loop3A_607 : i32 to index
        %parallel_loop3A_609 = arith.constant 112 : index
        %parallel_loop3A_610 = tpu.vector_load %arg10[%parallel_loop3A_608, %parallel_loop3A_609] {strides = array<i32>} : memref<64x128xf32, #tpu.memory_space<vmem>>, vector<1x16xf32>,
        %parallel_loop3A_611 = vector.shape_cast %parallel_loop3A_610 : vector<1x16xf32> to vector<16xf32>
        %parallel_loop3A_612 = arith.addf %parallel_loop3A_605, %parallel_loop3A_611 : vector<16xf32>
        %parallel_loop3A_613 = arith.addf %parallel_loop3A_573, %parallel_loop3A_586 : vector<16xf32>
        %parallel_loop3A_614 = arith.addf %parallel_loop3A_599, %parallel_loop3A_612 : vector<16xf32>
        %parallel_loop3A_615 = arith.addf %parallel_loop3A_613, %parallel_loop3A_614 : vector<16xf32>
        %parallel_loop3A_616 = arith.addi %mul3A_103, %parallel_loop3A_131 : i32
        %parallel_loop3A_617 = arith.index_cast %parallel_loop3A_616 : i32 to index
        %parallel_loop3A_618 = arith.constant 112 : index
        %parallel_loop3A_619 = tpu.vector_load %arg12[%parallel_loop3A_617, %parallel_loop3A_618] {strides = array<i32>} : memref<176x128xf32, #tpu.memory_space<vmem>>, vector<1x16xf32>,
        %parallel_loop3A_620 = vector.shape_cast %parallel_loop3A_619 : vector<1x16xf32> to vector<16xf32>
        %parallel_loop3A_621 = vector.shape_cast %parallel_loop3A_615 : vector<16xf32> to vector<1x16xf32>
        tpu.vector_store %arg12[%parallel_loop3A_617, %parallel_loop3A_618], %parallel_loop3A_621 {strides = array<i32>} : memref<176x128xf32, #tpu.memory_space<vmem>>, vector<1x16xf32>,
      } {sc.loop_unroll_factor = 2 : i64, sc.parallel_access}
      %add3A_106 = arith.constant 2 : i32
      %add3A_107 = arith.addi %add3A_96, %add3A_106 : i32
      %lt3A = arith.constant 22 : i32
      %lt3A_108 = arith.cmpi slt, %add3A_107, %lt3A : i32
      %convert_element_type3A_109 = arith.extui %lt3A_108 : i1 to i32
      %cond3A_110 = arith.constant 0 : i32
      %cond3A_111 = arith.cmpi ne, %convert_element_type3A_109, %cond3A_110 : i32
      scf.if %cond3A_111 {
        %add3A_131 = arith.constant 2 : i32
        %add3A_132 = arith.addi %add3A_96, %add3A_131 : i32
        %mul3A_133 = arith.constant 64 : i32
        %mul3A_134 = arith.muli %add3A_132, %mul3A_133 : i32
        %multiple_of3A = tpu.assume_multiple %mul3A_134, 8 : i32
        %dma_start3A_135 = tpu.memref_slice %arg8[%multiple_of3A] : memref<1408xi32, #tpu.memory_space<vmem>> -> memref<64xi32, #tpu.memory_space<vmem>>
        %dma_start3A_136 = arith.constant 0 : i32
        %dma_start3A_137 = arith.constant 0 : i32
        %dma_start3A_138 = tpu.memref_slice %arg7[%dma_start3A_136, %dma_start3A_137] : memref<10000x128xf32, #tpu.memory_space<vmem_shared>> -> memref<10000x128xf32, #tpu.memory_space<vmem_shared>>
        tpu.enqueue_indirect_dma source(%dma_start3A_138 : memref<10000x128xf32, #tpu.memory_space<vmem_shared>>) target(%arg10 : memref<64x128xf32, #tpu.memory_space<vmem>>) offsets(%dma_start3A_135 : memref<64xi32, #tpu.memory_space<vmem>>) semaphore(%arg13 : memref<!tpu.dma_semaphore, #tpu.memory_space<semaphore_mem>>)
      } else {
      }
      %add3A_112 = arith.constant 1 : i32
      %add3A_113 = arith.addi %mul3A_94, %add3A_112 : i32
      %dma_wait3A_114 = arith.constant 0 : i32
      %dma_wait3A_115 = tpu.memref_slice %arg8[%dma_wait3A_114] : memref<1408xi32, #tpu.memory_space<vmem>> -> memref<64xi32, #tpu.memory_space<vmem>>
      %dma_wait3A_116 = arith.constant 0 : i32
      %dma_wait3A_117 = arith.constant 0 : i32
      %dma_wait3A_118 = tpu.memref_slice %arg7[%dma_wait3A_116, %dma_wait3A_117] : memref<10000x128xf32, #tpu.memory_space<vmem_shared>> -> memref<10000x128xf32, #tpu.memory_space<vmem_shared>>
      tpu.wait_indirect_dma semaphore(%arg14 : memref<!tpu.dma_semaphore, #tpu.memory_space<semaphore_mem>>) src(%dma_wait3A_118 : memref<10000x128xf32, #tpu.memory_space<vmem_shared>>) dst(%arg11 : memref<64x128xf32, #tpu.memory_space<vmem>>)
      %mul3A_119 = arith.constant 8 : i32
      %mul3A_120 = arith.muli %add3A_113, %mul3A_119 : i32
      %parallel_loop3A_121 = arith.constant 0 : i32
      %parallel_loop3A_122 = arith.constant 8 : i32
      %parallel_loop3A_123 = arith.constant 1 : i32
      scf.for %parallel_loop3A_131 = %parallel_loop3A_121 to %parallel_loop3A_122 step %parallel_loop3A_123  : i32 {
        %parallel_loop3A_132 = arith.constant 8 : i32
        %parallel_loop3A_133 = arith.muli %parallel_loop3A_131, %parallel_loop3A_132 : i32
        %parallel_loop3A_134 = arith.constant 0 : i32
        %parallel_loop3A_135 = arith.addi %parallel_loop3A_133, %parallel_loop3A_134 : i32
        %parallel_loop3A_136 = arith.index_cast %parallel_loop3A_135 : i32 to index
        %parallel_loop3A_137 = arith.constant 0 : index
        %parallel_loop3A_138 = tpu.vector_load %arg11[%parallel_loop3A_136, %parallel_loop3A_137] {strides = array<i32>} : memref<64x128xf32, #tpu.memory_space<vmem>>, vector<1x16xf32>,
        %parallel_loop3A_139 = vector.shape_cast %parallel_loop3A_138 : vector<1x16xf32> to vector<16xf32>
        %parallel_loop3A_140 = arith.constant 1 : i32
        %parallel_loop3A_141 = arith.addi %parallel_loop3A_133, %parallel_loop3A_140 : i32
        %parallel_loop3A_142 = arith.index_cast %parallel_loop3A_141 : i32 to index
        %parallel_loop3A_143 = arith.constant 0 : index
        %parallel_loop3A_144 = tpu.vector_load %arg11[%parallel_loop3A_142, %parallel_loop3A_143] {strides = array<i32>} : memref<64x128xf32, #tpu.memory_space<vmem>>, vector<1x16xf32>,
        %parallel_loop3A_145 = vector.shape_cast %parallel_loop3A_144 : vector<1x16xf32> to vector<16xf32>
        %parallel_loop3A_146 = arith.addf %parallel_loop3A_139, %parallel_loop3A_145 : vector<16xf32>
        %parallel_loop3A_147 = arith.constant 2 : i32
        %parallel_loop3A_148 = arith.addi %parallel_loop3A_133, %parallel_loop3A_147 : i32
        %parallel_loop3A_149 = arith.index_cast %parallel_loop3A_148 : i32 to index
        %parallel_loop3A_150 = arith.constant 0 : index
        %parallel_loop3A_151 = tpu.vector_load %arg11[%parallel_loop3A_149, %parallel_loop3A_150] {strides = array<i32>} : memref<64x128xf32, #tpu.memory_space<vmem>>, vector<1x16xf32>,
        %parallel_loop3A_152 = vector.shape_cast %parallel_loop3A_151 : vector<1x16xf32> to vector<16xf32>
        %parallel_loop3A_153 = arith.constant 3 : i32
        %parallel_loop3A_154 = arith.addi %parallel_loop3A_133, %parallel_loop3A_153 : i32
        %parallel_loop3A_155 = arith.index_cast %parallel_loop3A_154 : i32 to index
        %parallel_loop3A_156 = arith.constant 0 : index
        %parallel_loop3A_157 = tpu.vector_load %arg11[%parallel_loop3A_155, %parallel_loop3A_156] {strides = array<i32>} : memref<64x128xf32, #tpu.memory_space<vmem>>, vector<1x16xf32>,
        %parallel_loop3A_158 = vector.shape_cast %parallel_loop3A_157 : vector<1x16xf32> to vector<16xf32>
        %parallel_loop3A_159 = arith.addf %parallel_loop3A_152, %parallel_loop3A_158 : vector<16xf32>
        %parallel_loop3A_160 = arith.constant 4 : i32
        %parallel_loop3A_161 = arith.addi %parallel_loop3A_133, %parallel_loop3A_160 : i32
        %parallel_loop3A_162 = arith.index_cast %parallel_loop3A_161 : i32 to index
        %parallel_loop3A_163 = arith.constant 0 : index
        %parallel_loop3A_164 = tpu.vector_load %arg11[%parallel_loop3A_162, %parallel_loop3A_163] {strides = array<i32>} : memref<64x128xf32, #tpu.memory_space<vmem>>, vector<1x16xf32>,
        %parallel_loop3A_165 = vector.shape_cast %parallel_loop3A_164 : vector<1x16xf32> to vector<16xf32>
        %parallel_loop3A_166 = arith.constant 5 : i32
        %parallel_loop3A_167 = arith.addi %parallel_loop3A_133, %parallel_loop3A_166 : i32
        %parallel_loop3A_168 = arith.index_cast %parallel_loop3A_167 : i32 to index
        %parallel_loop3A_169 = arith.constant 0 : index
        %parallel_loop3A_170 = tpu.vector_load %arg11[%parallel_loop3A_168, %parallel_loop3A_169] {strides = array<i32>} : memref<64x128xf32, #tpu.memory_space<vmem>>, vector<1x16xf32>,
        %parallel_loop3A_171 = vector.shape_cast %parallel_loop3A_170 : vector<1x16xf32> to vector<16xf32>
        %parallel_loop3A_172 = arith.addf %parallel_loop3A_165, %parallel_loop3A_171 : vector<16xf32>
        %parallel_loop3A_173 = arith.constant 6 : i32
        %parallel_loop3A_174 = arith.addi %parallel_loop3A_133, %parallel_loop3A_173 : i32
        %parallel_loop3A_175 = arith.index_cast %parallel_loop3A_174 : i32 to index
        %parallel_loop3A_176 = arith.constant 0 : index
        %parallel_loop3A_177 = tpu.vector_load %arg11[%parallel_loop3A_175, %parallel_loop3A_176] {strides = array<i32>} : memref<64x128xf32, #tpu.memory_space<vmem>>, vector<1x16xf32>,
        %parallel_loop3A_178 = vector.shape_cast %parallel_loop3A_177 : vector<1x16xf32> to vector<16xf32>
        %parallel_loop3A_179 = arith.constant 7 : i32
        %parallel_loop3A_180 = arith.addi %parallel_loop3A_133, %parallel_loop3A_179 : i32
        %parallel_loop3A_181 = arith.index_cast %parallel_loop3A_180 : i32 to index
        %parallel_loop3A_182 = arith.constant 0 : index
        %parallel_loop3A_183 = tpu.vector_load %arg11[%parallel_loop3A_181, %parallel_loop3A_182] {strides = array<i32>} : memref<64x128xf32, #tpu.memory_space<vmem>>, vector<1x16xf32>,
        %parallel_loop3A_184 = vector.shape_cast %parallel_loop3A_183 : vector<1x16xf32> to vector<16xf32>
        %parallel_loop3A_185 = arith.addf %parallel_loop3A_178, %parallel_loop3A_184 : vector<16xf32>
        %parallel_loop3A_186 = arith.addf %parallel_loop3A_146, %parallel_loop3A_159 : vector<16xf32>
        %parallel_loop3A_187 = arith.addf %parallel_loop3A_172, %parallel_loop3A_185 : vector<16xf32>
        %parallel_loop3A_188 = arith.addf %parallel_loop3A_186, %parallel_loop3A_187 : vector<16xf32>
        %parallel_loop3A_189 = arith.addi %mul3A_120, %parallel_loop3A_131 : i32
        %parallel_loop3A_190 = arith.index_cast %parallel_loop3A_189 : i32 to index
        %parallel_loop3A_191 = arith.constant 0 : index
        %parallel_loop3A_192 = tpu.vector_load %arg12[%parallel_loop3A_190, %parallel_loop3A_191] {strides = array<i32>} : memref<176x128xf32, #tpu.memory_space<vmem>>, vector<1x16xf32>,
        %parallel_loop3A_193 = vector.shape_cast %parallel_loop3A_192 : vector<1x16xf32> to vector<16xf32>
        %parallel_loop3A_194 = vector.shape_cast %parallel_loop3A_188 : vector<16xf32> to vector<1x16xf32>
        tpu.vector_store %arg12[%parallel_loop3A_190, %parallel_loop3A_191], %parallel_loop3A_194 {strides = array<i32>} : memref<176x128xf32, #tpu.memory_space<vmem>>, vector<1x16xf32>,
        %parallel_loop3A_195 = arith.constant 0 : i32
        %parallel_loop3A_196 = arith.addi %parallel_loop3A_133, %parallel_loop3A_195 : i32
        %parallel_loop3A_197 = arith.index_cast %parallel_loop3A_196 : i32 to index
        %parallel_loop3A_198 = arith.constant 16 : index
        %parallel_loop3A_199 = tpu.vector_load %arg11[%parallel_loop3A_197, %parallel_loop3A_198] {strides = array<i32>} : memref<64x128xf32, #tpu.memory_space<vmem>>, vector<1x16xf32>,
        %parallel_loop3A_200 = vector.shape_cast %parallel_loop3A_199 : vector<1x16xf32> to vector<16xf32>
        %parallel_loop3A_201 = arith.constant 1 : i32
        %parallel_loop3A_202 = arith.addi %parallel_loop3A_133, %parallel_loop3A_201 : i32
        %parallel_loop3A_203 = arith.index_cast %parallel_loop3A_202 : i32 to index
        %parallel_loop3A_204 = arith.constant 16 : index
        %parallel_loop3A_205 = tpu.vector_load %arg11[%parallel_loop3A_203, %parallel_loop3A_204] {strides = array<i32>} : memref<64x128xf32, #tpu.memory_space<vmem>>, vector<1x16xf32>,
        %parallel_loop3A_206 = vector.shape_cast %parallel_loop3A_205 : vector<1x16xf32> to vector<16xf32>
        %parallel_loop3A_207 = arith.addf %parallel_loop3A_200, %parallel_loop3A_206 : vector<16xf32>
        %parallel_loop3A_208 = arith.constant 2 : i32
        %parallel_loop3A_209 = arith.addi %parallel_loop3A_133, %parallel_loop3A_208 : i32
        %parallel_loop3A_210 = arith.index_cast %parallel_loop3A_209 : i32 to index
        %parallel_loop3A_211 = arith.constant 16 : index
        %parallel_loop3A_212 = tpu.vector_load %arg11[%parallel_loop3A_210, %parallel_loop3A_211] {strides = array<i32>} : memref<64x128xf32, #tpu.memory_space<vmem>>, vector<1x16xf32>,
        %parallel_loop3A_213 = vector.shape_cast %parallel_loop3A_212 : vector<1x16xf32> to vector<16xf32>
        %parallel_loop3A_214 = arith.constant 3 : i32
        %parallel_loop3A_215 = arith.addi %parallel_loop3A_133, %parallel_loop3A_214 : i32
        %parallel_loop3A_216 = arith.index_cast %parallel_loop3A_215 : i32 to index
        %parallel_loop3A_217 = arith.constant 16 : index
        %parallel_loop3A_218 = tpu.vector_load %arg11[%parallel_loop3A_216, %parallel_loop3A_217] {strides = array<i32>} : memref<64x128xf32, #tpu.memory_space<vmem>>, vector<1x16xf32>,
        %parallel_loop3A_219 = vector.shape_cast %parallel_loop3A_218 : vector<1x16xf32> to vector<16xf32>
        %parallel_loop3A_220 = arith.addf %parallel_loop3A_213, %parallel_loop3A_219 : vector<16xf32>
        %parallel_loop3A_221 = arith.constant 4 : i32
        %parallel_loop3A_222 = arith.addi %parallel_loop3A_133, %parallel_loop3A_221 : i32
        %parallel_loop3A_223 = arith.index_cast %parallel_loop3A_222 : i32 to index
        %parallel_loop3A_224 = arith.constant 16 : index
        %parallel_loop3A_225 = tpu.vector_load %arg11[%parallel_loop3A_223, %parallel_loop3A_224] {strides = array<i32>} : memref<64x128xf32, #tpu.memory_space<vmem>>, vector<1x16xf32>,
        %parallel_loop3A_226 = vector.shape_cast %parallel_loop3A_225 : vector<1x16xf32> to vector<16xf32>
        %parallel_loop3A_227 = arith.constant 5 : i32
        %parallel_loop3A_228 = arith.addi %parallel_loop3A_133, %parallel_loop3A_227 : i32
        %parallel_loop3A_229 = arith.index_cast %parallel_loop3A_228 : i32 to index
        %parallel_loop3A_230 = arith.constant 16 : index
        %parallel_loop3A_231 = tpu.vector_load %arg11[%parallel_loop3A_229, %parallel_loop3A_230] {strides = array<i32>} : memref<64x128xf32, #tpu.memory_space<vmem>>, vector<1x16xf32>,
        %parallel_loop3A_232 = vector.shape_cast %parallel_loop3A_231 : vector<1x16xf32> to vector<16xf32>
        %parallel_loop3A_233 = arith.addf %parallel_loop3A_226, %parallel_loop3A_232 : vector<16xf32>
        %parallel_loop3A_234 = arith.constant 6 : i32
        %parallel_loop3A_235 = arith.addi %parallel_loop3A_133, %parallel_loop3A_234 : i32
        %parallel_loop3A_236 = arith.index_cast %parallel_loop3A_235 : i32 to index
        %parallel_loop3A_237 = arith.constant 16 : index
        %parallel_loop3A_238 = tpu.vector_load %arg11[%parallel_loop3A_236, %parallel_loop3A_237] {strides = array<i32>} : memref<64x128xf32, #tpu.memory_space<vmem>>, vector<1x16xf32>,
        %parallel_loop3A_239 = vector.shape_cast %parallel_loop3A_238 : vector<1x16xf32> to vector<16xf32>
        %parallel_loop3A_240 = arith.constant 7 : i32
        %parallel_loop3A_241 = arith.addi %parallel_loop3A_133, %parallel_loop3A_240 : i32
        %parallel_loop3A_242 = arith.index_cast %parallel_loop3A_241 : i32 to index
        %parallel_loop3A_243 = arith.constant 16 : index
        %parallel_loop3A_244 = tpu.vector_load %arg11[%parallel_loop3A_242, %parallel_loop3A_243] {strides = array<i32>} : memref<64x128xf32, #tpu.memory_space<vmem>>, vector<1x16xf32>,
        %parallel_loop3A_245 = vector.shape_cast %parallel_loop3A_244 : vector<1x16xf32> to vector<16xf32>
        %parallel_loop3A_246 = arith.addf %parallel_loop3A_239, %parallel_loop3A_245 : vector<16xf32>
        %parallel_loop3A_247 = arith.addf %parallel_loop3A_207, %parallel_loop3A_220 : vector<16xf32>
        %parallel_loop3A_248 = arith.addf %parallel_loop3A_233, %parallel_loop3A_246 : vector<16xf32>
        %parallel_loop3A_249 = arith.addf %parallel_loop3A_247, %parallel_loop3A_248 : vector<16xf32>
        %parallel_loop3A_250 = arith.addi %mul3A_120, %parallel_loop3A_131 : i32
        %parallel_loop3A_251 = arith.index_cast %parallel_loop3A_250 : i32 to index
        %parallel_loop3A_252 = arith.constant 16 : index
        %parallel_loop3A_253 = tpu.vector_load %arg12[%parallel_loop3A_251, %parallel_loop3A_252] {strides = array<i32>} : memref<176x128xf32, #tpu.memory_space<vmem>>, vector<1x16xf32>,
        %parallel_loop3A_254 = vector.shape_cast %parallel_loop3A_253 : vector<1x16xf32> to vector<16xf32>
        %parallel_loop3A_255 = vector.shape_cast %parallel_loop3A_249 : vector<16xf32> to vector<1x16xf32>
        tpu.vector_store %arg12[%parallel_loop3A_251, %parallel_loop3A_252], %parallel_loop3A_255 {strides = array<i32>} : memref<176x128xf32, #tpu.memory_space<vmem>>, vector<1x16xf32>,
        %parallel_loop3A_256 = arith.constant 0 : i32
        %parallel_loop3A_257 = arith.addi %parallel_loop3A_133, %parallel_loop3A_256 : i32
        %parallel_loop3A_258 = arith.index_cast %parallel_loop3A_257 : i32 to index
        %parallel_loop3A_259 = arith.constant 32 : index
        %parallel_loop3A_260 = tpu.vector_load %arg11[%parallel_loop3A_258, %parallel_loop3A_259] {strides = array<i32>} : memref<64x128xf32, #tpu.memory_space<vmem>>, vector<1x16xf32>,
        %parallel_loop3A_261 = vector.shape_cast %parallel_loop3A_260 : vector<1x16xf32> to vector<16xf32>
        %parallel_loop3A_262 = arith.constant 1 : i32
        %parallel_loop3A_263 = arith.addi %parallel_loop3A_133, %parallel_loop3A_262 : i32
        %parallel_loop3A_264 = arith.index_cast %parallel_loop3A_263 : i32 to index
        %parallel_loop3A_265 = arith.constant 32 : index
        %parallel_loop3A_266 = tpu.vector_load %arg11[%parallel_loop3A_264, %parallel_loop3A_265] {strides = array<i32>} : memref<64x128xf32, #tpu.memory_space<vmem>>, vector<1x16xf32>,
        %parallel_loop3A_267 = vector.shape_cast %parallel_loop3A_266 : vector<1x16xf32> to vector<16xf32>
        %parallel_loop3A_268 = arith.addf %parallel_loop3A_261, %parallel_loop3A_267 : vector<16xf32>
        %parallel_loop3A_269 = arith.constant 2 : i32
        %parallel_loop3A_270 = arith.addi %parallel_loop3A_133, %parallel_loop3A_269 : i32
        %parallel_loop3A_271 = arith.index_cast %parallel_loop3A_270 : i32 to index
        %parallel_loop3A_272 = arith.constant 32 : index
        %parallel_loop3A_273 = tpu.vector_load %arg11[%parallel_loop3A_271, %parallel_loop3A_272] {strides = array<i32>} : memref<64x128xf32, #tpu.memory_space<vmem>>, vector<1x16xf32>,
        %parallel_loop3A_274 = vector.shape_cast %parallel_loop3A_273 : vector<1x16xf32> to vector<16xf32>
        %parallel_loop3A_275 = arith.constant 3 : i32
        %parallel_loop3A_276 = arith.addi %parallel_loop3A_133, %parallel_loop3A_275 : i32
        %parallel_loop3A_277 = arith.index_cast %parallel_loop3A_276 : i32 to index
        %parallel_loop3A_278 = arith.constant 32 : index
        %parallel_loop3A_279 = tpu.vector_load %arg11[%parallel_loop3A_277, %parallel_loop3A_278] {strides = array<i32>} : memref<64x128xf32, #tpu.memory_space<vmem>>, vector<1x16xf32>,
        %parallel_loop3A_280 = vector.shape_cast %parallel_loop3A_279 : vector<1x16xf32> to vector<16xf32>
        %parallel_loop3A_281 = arith.addf %parallel_loop3A_274, %parallel_loop3A_280 : vector<16xf32>
        %parallel_loop3A_282 = arith.constant 4 : i32
        %parallel_loop3A_283 = arith.addi %parallel_loop3A_133, %parallel_loop3A_282 : i32
        %parallel_loop3A_284 = arith.index_cast %parallel_loop3A_283 : i32 to index
        %parallel_loop3A_285 = arith.constant 32 : index
        %parallel_loop3A_286 = tpu.vector_load %arg11[%parallel_loop3A_284, %parallel_loop3A_285] {strides = array<i32>} : memref<64x128xf32, #tpu.memory_space<vmem>>, vector<1x16xf32>,
        %parallel_loop3A_287 = vector.shape_cast %parallel_loop3A_286 : vector<1x16xf32> to vector<16xf32>
        %parallel_loop3A_288 = arith.constant 5 : i32
        %parallel_loop3A_289 = arith.addi %parallel_loop3A_133, %parallel_loop3A_288 : i32
        %parallel_loop3A_290 = arith.index_cast %parallel_loop3A_289 : i32 to index
        %parallel_loop3A_291 = arith.constant 32 : index
        %parallel_loop3A_292 = tpu.vector_load %arg11[%parallel_loop3A_290, %parallel_loop3A_291] {strides = array<i32>} : memref<64x128xf32, #tpu.memory_space<vmem>>, vector<1x16xf32>,
        %parallel_loop3A_293 = vector.shape_cast %parallel_loop3A_292 : vector<1x16xf32> to vector<16xf32>
        %parallel_loop3A_294 = arith.addf %parallel_loop3A_287, %parallel_loop3A_293 : vector<16xf32>
        %parallel_loop3A_295 = arith.constant 6 : i32
        %parallel_loop3A_296 = arith.addi %parallel_loop3A_133, %parallel_loop3A_295 : i32
        %parallel_loop3A_297 = arith.index_cast %parallel_loop3A_296 : i32 to index
        %parallel_loop3A_298 = arith.constant 32 : index
        %parallel_loop3A_299 = tpu.vector_load %arg11[%parallel_loop3A_297, %parallel_loop3A_298] {strides = array<i32>} : memref<64x128xf32, #tpu.memory_space<vmem>>, vector<1x16xf32>,
        %parallel_loop3A_300 = vector.shape_cast %parallel_loop3A_299 : vector<1x16xf32> to vector<16xf32>
        %parallel_loop3A_301 = arith.constant 7 : i32
        %parallel_loop3A_302 = arith.addi %parallel_loop3A_133, %parallel_loop3A_301 : i32
        %parallel_loop3A_303 = arith.index_cast %parallel_loop3A_302 : i32 to index
        %parallel_loop3A_304 = arith.constant 32 : index
        %parallel_loop3A_305 = tpu.vector_load %arg11[%parallel_loop3A_303, %parallel_loop3A_304] {strides = array<i32>} : memref<64x128xf32, #tpu.memory_space<vmem>>, vector<1x16xf32>,
        %parallel_loop3A_306 = vector.shape_cast %parallel_loop3A_305 : vector<1x16xf32> to vector<16xf32>
        %parallel_loop3A_307 = arith.addf %parallel_loop3A_300, %parallel_loop3A_306 : vector<16xf32>
        %parallel_loop3A_308 = arith.addf %parallel_loop3A_268, %parallel_loop3A_281 : vector<16xf32>
        %parallel_loop3A_309 = arith.addf %parallel_loop3A_294, %parallel_loop3A_307 : vector<16xf32>
        %parallel_loop3A_310 = arith.addf %parallel_loop3A_308, %parallel_loop3A_309 : vector<16xf32>
        %parallel_loop3A_311 = arith.addi %mul3A_120, %parallel_loop3A_131 : i32
        %parallel_loop3A_312 = arith.index_cast %parallel_loop3A_311 : i32 to index
        %parallel_loop3A_313 = arith.constant 32 : index
        %parallel_loop3A_314 = tpu.vector_load %arg12[%parallel_loop3A_312, %parallel_loop3A_313] {strides = array<i32>} : memref<176x128xf32, #tpu.memory_space<vmem>>, vector<1x16xf32>,
        %parallel_loop3A_315 = vector.shape_cast %parallel_loop3A_314 : vector<1x16xf32> to vector<16xf32>
        %parallel_loop3A_316 = vector.shape_cast %parallel_loop3A_310 : vector<16xf32> to vector<1x16xf32>
        tpu.vector_store %arg12[%parallel_loop3A_312, %parallel_loop3A_313], %parallel_loop3A_316 {strides = array<i32>} : memref<176x128xf32, #tpu.memory_space<vmem>>, vector<1x16xf32>,
        %parallel_loop3A_317 = arith.constant 0 : i32
        %parallel_loop3A_318 = arith.addi %parallel_loop3A_133, %parallel_loop3A_317 : i32
        %parallel_loop3A_319 = arith.index_cast %parallel_loop3A_318 : i32 to index
        %parallel_loop3A_320 = arith.constant 48 : index
        %parallel_loop3A_321 = tpu.vector_load %arg11[%parallel_loop3A_319, %parallel_loop3A_320] {strides = array<i32>} : memref<64x128xf32, #tpu.memory_space<vmem>>, vector<1x16xf32>,
        %parallel_loop3A_322 = vector.shape_cast %parallel_loop3A_321 : vector<1x16xf32> to vector<16xf32>
        %parallel_loop3A_323 = arith.constant 1 : i32
        %parallel_loop3A_324 = arith.addi %parallel_loop3A_133, %parallel_loop3A_323 : i32
        %parallel_loop3A_325 = arith.index_cast %parallel_loop3A_324 : i32 to index
        %parallel_loop3A_326 = arith.constant 48 : index
        %parallel_loop3A_327 = tpu.vector_load %arg11[%parallel_loop3A_325, %parallel_loop3A_326] {strides = array<i32>} : memref<64x128xf32, #tpu.memory_space<vmem>>, vector<1x16xf32>,
        %parallel_loop3A_328 = vector.shape_cast %parallel_loop3A_327 : vector<1x16xf32> to vector<16xf32>
        %parallel_loop3A_329 = arith.addf %parallel_loop3A_322, %parallel_loop3A_328 : vector<16xf32>
        %parallel_loop3A_330 = arith.constant 2 : i32
        %parallel_loop3A_331 = arith.addi %parallel_loop3A_133, %parallel_loop3A_330 : i32
        %parallel_loop3A_332 = arith.index_cast %parallel_loop3A_331 : i32 to index
        %parallel_loop3A_333 = arith.constant 48 : index
        %parallel_loop3A_334 = tpu.vector_load %arg11[%parallel_loop3A_332, %parallel_loop3A_333] {strides = array<i32>} : memref<64x128xf32, #tpu.memory_space<vmem>>, vector<1x16xf32>,
        %parallel_loop3A_335 = vector.shape_cast %parallel_loop3A_334 : vector<1x16xf32> to vector<16xf32>
        %parallel_loop3A_336 = arith.constant 3 : i32
        %parallel_loop3A_337 = arith.addi %parallel_loop3A_133, %parallel_loop3A_336 : i32
        %parallel_loop3A_338 = arith.index_cast %parallel_loop3A_337 : i32 to index
        %parallel_loop3A_339 = arith.constant 48 : index
        %parallel_loop3A_340 = tpu.vector_load %arg11[%parallel_loop3A_338, %parallel_loop3A_339] {strides = array<i32>} : memref<64x128xf32, #tpu.memory_space<vmem>>, vector<1x16xf32>,
        %parallel_loop3A_341 = vector.shape_cast %parallel_loop3A_340 : vector<1x16xf32> to vector<16xf32>
        %parallel_loop3A_342 = arith.addf %parallel_loop3A_335, %parallel_loop3A_341 : vector<16xf32>
        %parallel_loop3A_343 = arith.constant 4 : i32
        %parallel_loop3A_344 = arith.addi %parallel_loop3A_133, %parallel_loop3A_343 : i32
        %parallel_loop3A_345 = arith.index_cast %parallel_loop3A_344 : i32 to index
        %parallel_loop3A_346 = arith.constant 48 : index
        %parallel_loop3A_347 = tpu.vector_load %arg11[%parallel_loop3A_345, %parallel_loop3A_346] {strides = array<i32>} : memref<64x128xf32, #tpu.memory_space<vmem>>, vector<1x16xf32>,
        %parallel_loop3A_348 = vector.shape_cast %parallel_loop3A_347 : vector<1x16xf32> to vector<16xf32>
        %parallel_loop3A_349 = arith.constant 5 : i32
        %parallel_loop3A_350 = arith.addi %parallel_loop3A_133, %parallel_loop3A_349 : i32
        %parallel_loop3A_351 = arith.index_cast %parallel_loop3A_350 : i32 to index
        %parallel_loop3A_352 = arith.constant 48 : index
        %parallel_loop3A_353 = tpu.vector_load %arg11[%parallel_loop3A_351, %parallel_loop3A_352] {strides = array<i32>} : memref<64x128xf32, #tpu.memory_space<vmem>>, vector<1x16xf32>,
        %parallel_loop3A_354 = vector.shape_cast %parallel_loop3A_353 : vector<1x16xf32> to vector<16xf32>
        %parallel_loop3A_355 = arith.addf %parallel_loop3A_348, %parallel_loop3A_354 : vector<16xf32>
        %parallel_loop3A_356 = arith.constant 6 : i32
        %parallel_loop3A_357 = arith.addi %parallel_loop3A_133, %parallel_loop3A_356 : i32
        %parallel_loop3A_358 = arith.index_cast %parallel_loop3A_357 : i32 to index
        %parallel_loop3A_359 = arith.constant 48 : index
        %parallel_loop3A_360 = tpu.vector_load %arg11[%parallel_loop3A_358, %parallel_loop3A_359] {strides = array<i32>} : memref<64x128xf32, #tpu.memory_space<vmem>>, vector<1x16xf32>,
        %parallel_loop3A_361 = vector.shape_cast %parallel_loop3A_360 : vector<1x16xf32> to vector<16xf32>
        %parallel_loop3A_362 = arith.constant 7 : i32
        %parallel_loop3A_363 = arith.addi %parallel_loop3A_133, %parallel_loop3A_362 : i32
        %parallel_loop3A_364 = arith.index_cast %parallel_loop3A_363 : i32 to index
        %parallel_loop3A_365 = arith.constant 48 : index
        %parallel_loop3A_366 = tpu.vector_load %arg11[%parallel_loop3A_364, %parallel_loop3A_365] {strides = array<i32>} : memref<64x128xf32, #tpu.memory_space<vmem>>, vector<1x16xf32>,
        %parallel_loop3A_367 = vector.shape_cast %parallel_loop3A_366 : vector<1x16xf32> to vector<16xf32>
        %parallel_loop3A_368 = arith.addf %parallel_loop3A_361, %parallel_loop3A_367 : vector<16xf32>
        %parallel_loop3A_369 = arith.addf %parallel_loop3A_329, %parallel_loop3A_342 : vector<16xf32>
        %parallel_loop3A_370 = arith.addf %parallel_loop3A_355, %parallel_loop3A_368 : vector<16xf32>
        %parallel_loop3A_371 = arith.addf %parallel_loop3A_369, %parallel_loop3A_370 : vector<16xf32>
        %parallel_loop3A_372 = arith.addi %mul3A_120, %parallel_loop3A_131 : i32
        %parallel_loop3A_373 = arith.index_cast %parallel_loop3A_372 : i32 to index
        %parallel_loop3A_374 = arith.constant 48 : index
        %parallel_loop3A_375 = tpu.vector_load %arg12[%parallel_loop3A_373, %parallel_loop3A_374] {strides = array<i32>} : memref<176x128xf32, #tpu.memory_space<vmem>>, vector<1x16xf32>,
        %parallel_loop3A_376 = vector.shape_cast %parallel_loop3A_375 : vector<1x16xf32> to vector<16xf32>
        %parallel_loop3A_377 = vector.shape_cast %parallel_loop3A_371 : vector<16xf32> to vector<1x16xf32>
        tpu.vector_store %arg12[%parallel_loop3A_373, %parallel_loop3A_374], %parallel_loop3A_377 {strides = array<i32>} : memref<176x128xf32, #tpu.memory_space<vmem>>, vector<1x16xf32>,
        %parallel_loop3A_378 = arith.constant 0 : i32
        %parallel_loop3A_379 = arith.addi %parallel_loop3A_133, %parallel_loop3A_378 : i32
        %parallel_loop3A_380 = arith.index_cast %parallel_loop3A_379 : i32 to index
        %parallel_loop3A_381 = arith.constant 64 : index
        %parallel_loop3A_382 = tpu.vector_load %arg11[%parallel_loop3A_380, %parallel_loop3A_381] {strides = array<i32>} : memref<64x128xf32, #tpu.memory_space<vmem>>, vector<1x16xf32>,
        %parallel_loop3A_383 = vector.shape_cast %parallel_loop3A_382 : vector<1x16xf32> to vector<16xf32>
        %parallel_loop3A_384 = arith.constant 1 : i32
        %parallel_loop3A_385 = arith.addi %parallel_loop3A_133, %parallel_loop3A_384 : i32
        %parallel_loop3A_386 = arith.index_cast %parallel_loop3A_385 : i32 to index
        %parallel_loop3A_387 = arith.constant 64 : index
        %parallel_loop3A_388 = tpu.vector_load %arg11[%parallel_loop3A_386, %parallel_loop3A_387] {strides = array<i32>} : memref<64x128xf32, #tpu.memory_space<vmem>>, vector<1x16xf32>,
        %parallel_loop3A_389 = vector.shape_cast %parallel_loop3A_388 : vector<1x16xf32> to vector<16xf32>
        %parallel_loop3A_390 = arith.addf %parallel_loop3A_383, %parallel_loop3A_389 : vector<16xf32>
        %parallel_loop3A_391 = arith.constant 2 : i32
        %parallel_loop3A_392 = arith.addi %parallel_loop3A_133, %parallel_loop3A_391 : i32
        %parallel_loop3A_393 = arith.index_cast %parallel_loop3A_392 : i32 to index
        %parallel_loop3A_394 = arith.constant 64 : index
        %parallel_loop3A_395 = tpu.vector_load %arg11[%parallel_loop3A_393, %parallel_loop3A_394] {strides = array<i32>} : memref<64x128xf32, #tpu.memory_space<vmem>>, vector<1x16xf32>,
        %parallel_loop3A_396 = vector.shape_cast %parallel_loop3A_395 : vector<1x16xf32> to vector<16xf32>
        %parallel_loop3A_397 = arith.constant 3 : i32
        %parallel_loop3A_398 = arith.addi %parallel_loop3A_133, %parallel_loop3A_397 : i32
        %parallel_loop3A_399 = arith.index_cast %parallel_loop3A_398 : i32 to index
        %parallel_loop3A_400 = arith.constant 64 : index
        %parallel_loop3A_401 = tpu.vector_load %arg11[%parallel_loop3A_399, %parallel_loop3A_400] {strides = array<i32>} : memref<64x128xf32, #tpu.memory_space<vmem>>, vector<1x16xf32>,
        %parallel_loop3A_402 = vector.shape_cast %parallel_loop3A_401 : vector<1x16xf32> to vector<16xf32>
        %parallel_loop3A_403 = arith.addf %parallel_loop3A_396, %parallel_loop3A_402 : vector<16xf32>
        %parallel_loop3A_404 = arith.constant 4 : i32
        %parallel_loop3A_405 = arith.addi %parallel_loop3A_133, %parallel_loop3A_404 : i32
        %parallel_loop3A_406 = arith.index_cast %parallel_loop3A_405 : i32 to index
        %parallel_loop3A_407 = arith.constant 64 : index
        %parallel_loop3A_408 = tpu.vector_load %arg11[%parallel_loop3A_406, %parallel_loop3A_407] {strides = array<i32>} : memref<64x128xf32, #tpu.memory_space<vmem>>, vector<1x16xf32>,
        %parallel_loop3A_409 = vector.shape_cast %parallel_loop3A_408 : vector<1x16xf32> to vector<16xf32>
        %parallel_loop3A_410 = arith.constant 5 : i32
        %parallel_loop3A_411 = arith.addi %parallel_loop3A_133, %parallel_loop3A_410 : i32
        %parallel_loop3A_412 = arith.index_cast %parallel_loop3A_411 : i32 to index
        %parallel_loop3A_413 = arith.constant 64 : index
        %parallel_loop3A_414 = tpu.vector_load %arg11[%parallel_loop3A_412, %parallel_loop3A_413] {strides = array<i32>} : memref<64x128xf32, #tpu.memory_space<vmem>>, vector<1x16xf32>,
        %parallel_loop3A_415 = vector.shape_cast %parallel_loop3A_414 : vector<1x16xf32> to vector<16xf32>
        %parallel_loop3A_416 = arith.addf %parallel_loop3A_409, %parallel_loop3A_415 : vector<16xf32>
        %parallel_loop3A_417 = arith.constant 6 : i32
        %parallel_loop3A_418 = arith.addi %parallel_loop3A_133, %parallel_loop3A_417 : i32
        %parallel_loop3A_419 = arith.index_cast %parallel_loop3A_418 : i32 to index
        %parallel_loop3A_420 = arith.constant 64 : index
        %parallel_loop3A_421 = tpu.vector_load %arg11[%parallel_loop3A_419, %parallel_loop3A_420] {strides = array<i32>} : memref<64x128xf32, #tpu.memory_space<vmem>>, vector<1x16xf32>,
        %parallel_loop3A_422 = vector.shape_cast %parallel_loop3A_421 : vector<1x16xf32> to vector<16xf32>
        %parallel_loop3A_423 = arith.constant 7 : i32
        %parallel_loop3A_424 = arith.addi %parallel_loop3A_133, %parallel_loop3A_423 : i32
        %parallel_loop3A_425 = arith.index_cast %parallel_loop3A_424 : i32 to index
        %parallel_loop3A_426 = arith.constant 64 : index
        %parallel_loop3A_427 = tpu.vector_load %arg11[%parallel_loop3A_425, %parallel_loop3A_426] {strides = array<i32>} : memref<64x128xf32, #tpu.memory_space<vmem>>, vector<1x16xf32>,
        %parallel_loop3A_428 = vector.shape_cast %parallel_loop3A_427 : vector<1x16xf32> to vector<16xf32>
        %parallel_loop3A_429 = arith.addf %parallel_loop3A_422, %parallel_loop3A_428 : vector<16xf32>
        %parallel_loop3A_430 = arith.addf %parallel_loop3A_390, %parallel_loop3A_403 : vector<16xf32>
        %parallel_loop3A_431 = arith.addf %parallel_loop3A_416, %parallel_loop3A_429 : vector<16xf32>
        %parallel_loop3A_432 = arith.addf %parallel_loop3A_430, %parallel_loop3A_431 : vector<16xf32>
        %parallel_loop3A_433 = arith.addi %mul3A_120, %parallel_loop3A_131 : i32
        %parallel_loop3A_434 = arith.index_cast %parallel_loop3A_433 : i32 to index
        %parallel_loop3A_435 = arith.constant 64 : index
        %parallel_loop3A_436 = tpu.vector_load %arg12[%parallel_loop3A_434, %parallel_loop3A_435] {strides = array<i32>} : memref<176x128xf32, #tpu.memory_space<vmem>>, vector<1x16xf32>,
        %parallel_loop3A_437 = vector.shape_cast %parallel_loop3A_436 : vector<1x16xf32> to vector<16xf32>
        %parallel_loop3A_438 = vector.shape_cast %parallel_loop3A_432 : vector<16xf32> to vector<1x16xf32>
        tpu.vector_store %arg12[%parallel_loop3A_434, %parallel_loop3A_435], %parallel_loop3A_438 {strides = array<i32>} : memref<176x128xf32, #tpu.memory_space<vmem>>, vector<1x16xf32>,
        %parallel_loop3A_439 = arith.constant 0 : i32
        %parallel_loop3A_440 = arith.addi %parallel_loop3A_133, %parallel_loop3A_439 : i32
        %parallel_loop3A_441 = arith.index_cast %parallel_loop3A_440 : i32 to index
        %parallel_loop3A_442 = arith.constant 80 : index
        %parallel_loop3A_443 = tpu.vector_load %arg11[%parallel_loop3A_441, %parallel_loop3A_442] {strides = array<i32>} : memref<64x128xf32, #tpu.memory_space<vmem>>, vector<1x16xf32>,
        %parallel_loop3A_444 = vector.shape_cast %parallel_loop3A_443 : vector<1x16xf32> to vector<16xf32>
        %parallel_loop3A_445 = arith.constant 1 : i32
        %parallel_loop3A_446 = arith.addi %parallel_loop3A_133, %parallel_loop3A_445 : i32
        %parallel_loop3A_447 = arith.index_cast %parallel_loop3A_446 : i32 to index
        %parallel_loop3A_448 = arith.constant 80 : index
        %parallel_loop3A_449 = tpu.vector_load %arg11[%parallel_loop3A_447, %parallel_loop3A_448] {strides = array<i32>} : memref<64x128xf32, #tpu.memory_space<vmem>>, vector<1x16xf32>,
        %parallel_loop3A_450 = vector.shape_cast %parallel_loop3A_449 : vector<1x16xf32> to vector<16xf32>
        %parallel_loop3A_451 = arith.addf %parallel_loop3A_444, %parallel_loop3A_450 : vector<16xf32>
        %parallel_loop3A_452 = arith.constant 2 : i32
        %parallel_loop3A_453 = arith.addi %parallel_loop3A_133, %parallel_loop3A_452 : i32
        %parallel_loop3A_454 = arith.index_cast %parallel_loop3A_453 : i32 to index
        %parallel_loop3A_455 = arith.constant 80 : index
        %parallel_loop3A_456 = tpu.vector_load %arg11[%parallel_loop3A_454, %parallel_loop3A_455] {strides = array<i32>} : memref<64x128xf32, #tpu.memory_space<vmem>>, vector<1x16xf32>,
        %parallel_loop3A_457 = vector.shape_cast %parallel_loop3A_456 : vector<1x16xf32> to vector<16xf32>
        %parallel_loop3A_458 = arith.constant 3 : i32
        %parallel_loop3A_459 = arith.addi %parallel_loop3A_133, %parallel_loop3A_458 : i32
        %parallel_loop3A_460 = arith.index_cast %parallel_loop3A_459 : i32 to index
        %parallel_loop3A_461 = arith.constant 80 : index
        %parallel_loop3A_462 = tpu.vector_load %arg11[%parallel_loop3A_460, %parallel_loop3A_461] {strides = array<i32>} : memref<64x128xf32, #tpu.memory_space<vmem>>, vector<1x16xf32>,
        %parallel_loop3A_463 = vector.shape_cast %parallel_loop3A_462 : vector<1x16xf32> to vector<16xf32>
        %parallel_loop3A_464 = arith.addf %parallel_loop3A_457, %parallel_loop3A_463 : vector<16xf32>
        %parallel_loop3A_465 = arith.constant 4 : i32
        %parallel_loop3A_466 = arith.addi %parallel_loop3A_133, %parallel_loop3A_465 : i32
        %parallel_loop3A_467 = arith.index_cast %parallel_loop3A_466 : i32 to index
        %parallel_loop3A_468 = arith.constant 80 : index
        %parallel_loop3A_469 = tpu.vector_load %arg11[%parallel_loop3A_467, %parallel_loop3A_468] {strides = array<i32>} : memref<64x128xf32, #tpu.memory_space<vmem>>, vector<1x16xf32>,
        %parallel_loop3A_470 = vector.shape_cast %parallel_loop3A_469 : vector<1x16xf32> to vector<16xf32>
        %parallel_loop3A_471 = arith.constant 5 : i32
        %parallel_loop3A_472 = arith.addi %parallel_loop3A_133, %parallel_loop3A_471 : i32
        %parallel_loop3A_473 = arith.index_cast %parallel_loop3A_472 : i32 to index
        %parallel_loop3A_474 = arith.constant 80 : index
        %parallel_loop3A_475 = tpu.vector_load %arg11[%parallel_loop3A_473, %parallel_loop3A_474] {strides = array<i32>} : memref<64x128xf32, #tpu.memory_space<vmem>>, vector<1x16xf32>,
        %parallel_loop3A_476 = vector.shape_cast %parallel_loop3A_475 : vector<1x16xf32> to vector<16xf32>
        %parallel_loop3A_477 = arith.addf %parallel_loop3A_470, %parallel_loop3A_476 : vector<16xf32>
        %parallel_loop3A_478 = arith.constant 6 : i32
        %parallel_loop3A_479 = arith.addi %parallel_loop3A_133, %parallel_loop3A_478 : i32
        %parallel_loop3A_480 = arith.index_cast %parallel_loop3A_479 : i32 to index
        %parallel_loop3A_481 = arith.constant 80 : index
        %parallel_loop3A_482 = tpu.vector_load %arg11[%parallel_loop3A_480, %parallel_loop3A_481] {strides = array<i32>} : memref<64x128xf32, #tpu.memory_space<vmem>>, vector<1x16xf32>,
        %parallel_loop3A_483 = vector.shape_cast %parallel_loop3A_482 : vector<1x16xf32> to vector<16xf32>
        %parallel_loop3A_484 = arith.constant 7 : i32
        %parallel_loop3A_485 = arith.addi %parallel_loop3A_133, %parallel_loop3A_484 : i32
        %parallel_loop3A_486 = arith.index_cast %parallel_loop3A_485 : i32 to index
        %parallel_loop3A_487 = arith.constant 80 : index
        %parallel_loop3A_488 = tpu.vector_load %arg11[%parallel_loop3A_486, %parallel_loop3A_487] {strides = array<i32>} : memref<64x128xf32, #tpu.memory_space<vmem>>, vector<1x16xf32>,
        %parallel_loop3A_489 = vector.shape_cast %parallel_loop3A_488 : vector<1x16xf32> to vector<16xf32>
        %parallel_loop3A_490 = arith.addf %parallel_loop3A_483, %parallel_loop3A_489 : vector<16xf32>
        %parallel_loop3A_491 = arith.addf %parallel_loop3A_451, %parallel_loop3A_464 : vector<16xf32>
        %parallel_loop3A_492 = arith.addf %parallel_loop3A_477, %parallel_loop3A_490 : vector<16xf32>
        %parallel_loop3A_493 = arith.addf %parallel_loop3A_491, %parallel_loop3A_492 : vector<16xf32>
        %parallel_loop3A_494 = arith.addi %mul3A_120, %parallel_loop3A_131 : i32
        %parallel_loop3A_495 = arith.index_cast %parallel_loop3A_494 : i32 to index
        %parallel_loop3A_496 = arith.constant 80 : index
        %parallel_loop3A_497 = tpu.vector_load %arg12[%parallel_loop3A_495, %parallel_loop3A_496] {strides = array<i32>} : memref<176x128xf32, #tpu.memory_space<vmem>>, vector<1x16xf32>,
        %parallel_loop3A_498 = vector.shape_cast %parallel_loop3A_497 : vector<1x16xf32> to vector<16xf32>
        %parallel_loop3A_499 = vector.shape_cast %parallel_loop3A_493 : vector<16xf32> to vector<1x16xf32>
        tpu.vector_store %arg12[%parallel_loop3A_495, %parallel_loop3A_496], %parallel_loop3A_499 {strides = array<i32>} : memref<176x128xf32, #tpu.memory_space<vmem>>, vector<1x16xf32>,
        %parallel_loop3A_500 = arith.constant 0 : i32
        %parallel_loop3A_501 = arith.addi %parallel_loop3A_133, %parallel_loop3A_500 : i32
        %parallel_loop3A_502 = arith.index_cast %parallel_loop3A_501 : i32 to index
        %parallel_loop3A_503 = arith.constant 96 : index
        %parallel_loop3A_504 = tpu.vector_load %arg11[%parallel_loop3A_502, %parallel_loop3A_503] {strides = array<i32>} : memref<64x128xf32, #tpu.memory_space<vmem>>, vector<1x16xf32>,
        %parallel_loop3A_505 = vector.shape_cast %parallel_loop3A_504 : vector<1x16xf32> to vector<16xf32>
        %parallel_loop3A_506 = arith.constant 1 : i32
        %parallel_loop3A_507 = arith.addi %parallel_loop3A_133, %parallel_loop3A_506 : i32
        %parallel_loop3A_508 = arith.index_cast %parallel_loop3A_507 : i32 to index
        %parallel_loop3A_509 = arith.constant 96 : index
        %parallel_loop3A_510 = tpu.vector_load %arg11[%parallel_loop3A_508, %parallel_loop3A_509] {strides = array<i32>} : memref<64x128xf32, #tpu.memory_space<vmem>>, vector<1x16xf32>,
        %parallel_loop3A_511 = vector.shape_cast %parallel_loop3A_510 : vector<1x16xf32> to vector<16xf32>
        %parallel_loop3A_512 = arith.addf %parallel_loop3A_505, %parallel_loop3A_511 : vector<16xf32>
        %parallel_loop3A_513 = arith.constant 2 : i32
        %parallel_loop3A_514 = arith.addi %parallel_loop3A_133, %parallel_loop3A_513 : i32
        %parallel_loop3A_515 = arith.index_cast %parallel_loop3A_514 : i32 to index
        %parallel_loop3A_516 = arith.constant 96 : index
        %parallel_loop3A_517 = tpu.vector_load %arg11[%parallel_loop3A_515, %parallel_loop3A_516] {strides = array<i32>} : memref<64x128xf32, #tpu.memory_space<vmem>>, vector<1x16xf32>,
        %parallel_loop3A_518 = vector.shape_cast %parallel_loop3A_517 : vector<1x16xf32> to vector<16xf32>
        %parallel_loop3A_519 = arith.constant 3 : i32
        %parallel_loop3A_520 = arith.addi %parallel_loop3A_133, %parallel_loop3A_519 : i32
        %parallel_loop3A_521 = arith.index_cast %parallel_loop3A_520 : i32 to index
        %parallel_loop3A_522 = arith.constant 96 : index
        %parallel_loop3A_523 = tpu.vector_load %arg11[%parallel_loop3A_521, %parallel_loop3A_522] {strides = array<i32>} : memref<64x128xf32, #tpu.memory_space<vmem>>, vector<1x16xf32>,
        %parallel_loop3A_524 = vector.shape_cast %parallel_loop3A_523 : vector<1x16xf32> to vector<16xf32>
        %parallel_loop3A_525 = arith.addf %parallel_loop3A_518, %parallel_loop3A_524 : vector<16xf32>
        %parallel_loop3A_526 = arith.constant 4 : i32
        %parallel_loop3A_527 = arith.addi %parallel_loop3A_133, %parallel_loop3A_526 : i32
        %parallel_loop3A_528 = arith.index_cast %parallel_loop3A_527 : i32 to index
        %parallel_loop3A_529 = arith.constant 96 : index
        %parallel_loop3A_530 = tpu.vector_load %arg11[%parallel_loop3A_528, %parallel_loop3A_529] {strides = array<i32>} : memref<64x128xf32, #tpu.memory_space<vmem>>, vector<1x16xf32>,
        %parallel_loop3A_531 = vector.shape_cast %parallel_loop3A_530 : vector<1x16xf32> to vector<16xf32>
        %parallel_loop3A_532 = arith.constant 5 : i32
        %parallel_loop3A_533 = arith.addi %parallel_loop3A_133, %parallel_loop3A_532 : i32
        %parallel_loop3A_534 = arith.index_cast %parallel_loop3A_533 : i32 to index
        %parallel_loop3A_535 = arith.constant 96 : index
        %parallel_loop3A_536 = tpu.vector_load %arg11[%parallel_loop3A_534, %parallel_loop3A_535] {strides = array<i32>} : memref<64x128xf32, #tpu.memory_space<vmem>>, vector<1x16xf32>,
        %parallel_loop3A_537 = vector.shape_cast %parallel_loop3A_536 : vector<1x16xf32> to vector<16xf32>
        %parallel_loop3A_538 = arith.addf %parallel_loop3A_531, %parallel_loop3A_537 : vector<16xf32>
        %parallel_loop3A_539 = arith.constant 6 : i32
        %parallel_loop3A_540 = arith.addi %parallel_loop3A_133, %parallel_loop3A_539 : i32
        %parallel_loop3A_541 = arith.index_cast %parallel_loop3A_540 : i32 to index
        %parallel_loop3A_542 = arith.constant 96 : index
        %parallel_loop3A_543 = tpu.vector_load %arg11[%parallel_loop3A_541, %parallel_loop3A_542] {strides = array<i32>} : memref<64x128xf32, #tpu.memory_space<vmem>>, vector<1x16xf32>,
        %parallel_loop3A_544 = vector.shape_cast %parallel_loop3A_543 : vector<1x16xf32> to vector<16xf32>
        %parallel_loop3A_545 = arith.constant 7 : i32
        %parallel_loop3A_546 = arith.addi %parallel_loop3A_133, %parallel_loop3A_545 : i32
        %parallel_loop3A_547 = arith.index_cast %parallel_loop3A_546 : i32 to index
        %parallel_loop3A_548 = arith.constant 96 : index
        %parallel_loop3A_549 = tpu.vector_load %arg11[%parallel_loop3A_547, %parallel_loop3A_548] {strides = array<i32>} : memref<64x128xf32, #tpu.memory_space<vmem>>, vector<1x16xf32>,
        %parallel_loop3A_550 = vector.shape_cast %parallel_loop3A_549 : vector<1x16xf32> to vector<16xf32>
        %parallel_loop3A_551 = arith.addf %parallel_loop3A_544, %parallel_loop3A_550 : vector<16xf32>
        %parallel_loop3A_552 = arith.addf %parallel_loop3A_512, %parallel_loop3A_525 : vector<16xf32>
        %parallel_loop3A_553 = arith.addf %parallel_loop3A_538, %parallel_loop3A_551 : vector<16xf32>
        %parallel_loop3A_554 = arith.addf %parallel_loop3A_552, %parallel_loop3A_553 : vector<16xf32>
        %parallel_loop3A_555 = arith.addi %mul3A_120, %parallel_loop3A_131 : i32
        %parallel_loop3A_556 = arith.index_cast %parallel_loop3A_555 : i32 to index
        %parallel_loop3A_557 = arith.constant 96 : index
        %parallel_loop3A_558 = tpu.vector_load %arg12[%parallel_loop3A_556, %parallel_loop3A_557] {strides = array<i32>} : memref<176x128xf32, #tpu.memory_space<vmem>>, vector<1x16xf32>,
        %parallel_loop3A_559 = vector.shape_cast %parallel_loop3A_558 : vector<1x16xf32> to vector<16xf32>
        %parallel_loop3A_560 = vector.shape_cast %parallel_loop3A_554 : vector<16xf32> to vector<1x16xf32>
        tpu.vector_store %arg12[%parallel_loop3A_556, %parallel_loop3A_557], %parallel_loop3A_560 {strides = array<i32>} : memref<176x128xf32, #tpu.memory_space<vmem>>, vector<1x16xf32>,
        %parallel_loop3A_561 = arith.constant 0 : i32
        %parallel_loop3A_562 = arith.addi %parallel_loop3A_133, %parallel_loop3A_561 : i32
        %parallel_loop3A_563 = arith.index_cast %parallel_loop3A_562 : i32 to index
        %parallel_loop3A_564 = arith.constant 112 : index
        %parallel_loop3A_565 = tpu.vector_load %arg11[%parallel_loop3A_563, %parallel_loop3A_564] {strides = array<i32>} : memref<64x128xf32, #tpu.memory_space<vmem>>, vector<1x16xf32>,
        %parallel_loop3A_566 = vector.shape_cast %parallel_loop3A_565 : vector<1x16xf32> to vector<16xf32>
        %parallel_loop3A_567 = arith.constant 1 : i32
        %parallel_loop3A_568 = arith.addi %parallel_loop3A_133, %parallel_loop3A_567 : i32
        %parallel_loop3A_569 = arith.index_cast %parallel_loop3A_568 : i32 to index
        %parallel_loop3A_570 = arith.constant 112 : index
        %parallel_loop3A_571 = tpu.vector_load %arg11[%parallel_loop3A_569, %parallel_loop3A_570] {strides = array<i32>} : memref<64x128xf32, #tpu.memory_space<vmem>>, vector<1x16xf32>,
        %parallel_loop3A_572 = vector.shape_cast %parallel_loop3A_571 : vector<1x16xf32> to vector<16xf32>
        %parallel_loop3A_573 = arith.addf %parallel_loop3A_566, %parallel_loop3A_572 : vector<16xf32>
        %parallel_loop3A_574 = arith.constant 2 : i32
        %parallel_loop3A_575 = arith.addi %parallel_loop3A_133, %parallel_loop3A_574 : i32
        %parallel_loop3A_576 = arith.index_cast %parallel_loop3A_575 : i32 to index
        %parallel_loop3A_577 = arith.constant 112 : index
        %parallel_loop3A_578 = tpu.vector_load %arg11[%parallel_loop3A_576, %parallel_loop3A_577] {strides = array<i32>} : memref<64x128xf32, #tpu.memory_space<vmem>>, vector<1x16xf32>,
        %parallel_loop3A_579 = vector.shape_cast %parallel_loop3A_578 : vector<1x16xf32> to vector<16xf32>
        %parallel_loop3A_580 = arith.constant 3 : i32
        %parallel_loop3A_581 = arith.addi %parallel_loop3A_133, %parallel_loop3A_580 : i32
        %parallel_loop3A_582 = arith.index_cast %parallel_loop3A_581 : i32 to index
        %parallel_loop3A_583 = arith.constant 112 : index
        %parallel_loop3A_584 = tpu.vector_load %arg11[%parallel_loop3A_582, %parallel_loop3A_583] {strides = array<i32>} : memref<64x128xf32, #tpu.memory_space<vmem>>, vector<1x16xf32>,
        %parallel_loop3A_585 = vector.shape_cast %parallel_loop3A_584 : vector<1x16xf32> to vector<16xf32>
        %parallel_loop3A_586 = arith.addf %parallel_loop3A_579, %parallel_loop3A_585 : vector<16xf32>
        %parallel_loop3A_587 = arith.constant 4 : i32
        %parallel_loop3A_588 = arith.addi %parallel_loop3A_133, %parallel_loop3A_587 : i32
        %parallel_loop3A_589 = arith.index_cast %parallel_loop3A_588 : i32 to index
        %parallel_loop3A_590 = arith.constant 112 : index
        %parallel_loop3A_591 = tpu.vector_load %arg11[%parallel_loop3A_589, %parallel_loop3A_590] {strides = array<i32>} : memref<64x128xf32, #tpu.memory_space<vmem>>, vector<1x16xf32>,
        %parallel_loop3A_592 = vector.shape_cast %parallel_loop3A_591 : vector<1x16xf32> to vector<16xf32>
        %parallel_loop3A_593 = arith.constant 5 : i32
        %parallel_loop3A_594 = arith.addi %parallel_loop3A_133, %parallel_loop3A_593 : i32
        %parallel_loop3A_595 = arith.index_cast %parallel_loop3A_594 : i32 to index
        %parallel_loop3A_596 = arith.constant 112 : index
        %parallel_loop3A_597 = tpu.vector_load %arg11[%parallel_loop3A_595, %parallel_loop3A_596] {strides = array<i32>} : memref<64x128xf32, #tpu.memory_space<vmem>>, vector<1x16xf32>,
        %parallel_loop3A_598 = vector.shape_cast %parallel_loop3A_597 : vector<1x16xf32> to vector<16xf32>
        %parallel_loop3A_599 = arith.addf %parallel_loop3A_592, %parallel_loop3A_598 : vector<16xf32>
        %parallel_loop3A_600 = arith.constant 6 : i32
        %parallel_loop3A_601 = arith.addi %parallel_loop3A_133, %parallel_loop3A_600 : i32
        %parallel_loop3A_602 = arith.index_cast %parallel_loop3A_601 : i32 to index
        %parallel_loop3A_603 = arith.constant 112 : index
        %parallel_loop3A_604 = tpu.vector_load %arg11[%parallel_loop3A_602, %parallel_loop3A_603] {strides = array<i32>} : memref<64x128xf32, #tpu.memory_space<vmem>>, vector<1x16xf32>,
        %parallel_loop3A_605 = vector.shape_cast %parallel_loop3A_604 : vector<1x16xf32> to vector<16xf32>
        %parallel_loop3A_606 = arith.constant 7 : i32
        %parallel_loop3A_607 = arith.addi %parallel_loop3A_133, %parallel_loop3A_606 : i32
        %parallel_loop3A_608 = arith.index_cast %parallel_loop3A_607 : i32 to index
        %parallel_loop3A_609 = arith.constant 112 : index
        %parallel_loop3A_610 = tpu.vector_load %arg11[%parallel_loop3A_608, %parallel_loop3A_609] {strides = array<i32>} : memref<64x128xf32, #tpu.memory_space<vmem>>, vector<1x16xf32>,
        %parallel_loop3A_611 = vector.shape_cast %parallel_loop3A_610 : vector<1x16xf32> to vector<16xf32>
        %parallel_loop3A_612 = arith.addf %parallel_loop3A_605, %parallel_loop3A_611 : vector<16xf32>
        %parallel_loop3A_613 = arith.addf %parallel_loop3A_573, %parallel_loop3A_586 : vector<16xf32>
        %parallel_loop3A_614 = arith.addf %parallel_loop3A_599, %parallel_loop3A_612 : vector<16xf32>
        %parallel_loop3A_615 = arith.addf %parallel_loop3A_613, %parallel_loop3A_614 : vector<16xf32>
        %parallel_loop3A_616 = arith.addi %mul3A_120, %parallel_loop3A_131 : i32
        %parallel_loop3A_617 = arith.index_cast %parallel_loop3A_616 : i32 to index
        %parallel_loop3A_618 = arith.constant 112 : index
        %parallel_loop3A_619 = tpu.vector_load %arg12[%parallel_loop3A_617, %parallel_loop3A_618] {strides = array<i32>} : memref<176x128xf32, #tpu.memory_space<vmem>>, vector<1x16xf32>,
        %parallel_loop3A_620 = vector.shape_cast %parallel_loop3A_619 : vector<1x16xf32> to vector<16xf32>
        %parallel_loop3A_621 = vector.shape_cast %parallel_loop3A_615 : vector<16xf32> to vector<1x16xf32>
        tpu.vector_store %arg12[%parallel_loop3A_617, %parallel_loop3A_618], %parallel_loop3A_621 {strides = array<i32>} : memref<176x128xf32, #tpu.memory_space<vmem>>, vector<1x16xf32>,
      } {sc.loop_unroll_factor = 2 : i64, sc.parallel_access}
      %add3A_124 = arith.constant 2 : i32
      %add3A_125 = arith.addi %add3A_113, %add3A_124 : i32
      %lt3A_126 = arith.constant 22 : i32
      %lt3A_127 = arith.cmpi slt, %add3A_125, %lt3A_126 : i32
      %convert_element_type3A_128 = arith.extui %lt3A_127 : i1 to i32
      %cond3A_129 = arith.constant 0 : i32
      %cond3A_130 = arith.cmpi ne, %convert_element_type3A_128, %cond3A_129 : i32
      scf.if %cond3A_130 {
        %add3A_131 = arith.constant 2 : i32
        %add3A_132 = arith.addi %add3A_113, %add3A_131 : i32
        %mul3A_133 = arith.constant 64 : i32
        %mul3A_134 = arith.muli %add3A_132, %mul3A_133 : i32
        %multiple_of3A = tpu.assume_multiple %mul3A_134, 8 : i32
        %dma_start3A_135 = tpu.memref_slice %arg8[%multiple_of3A] : memref<1408xi32, #tpu.memory_space<vmem>> -> memref<64xi32, #tpu.memory_space<vmem>>
        %dma_start3A_136 = arith.constant 0 : i32
        %dma_start3A_137 = arith.constant 0 : i32
        %dma_start3A_138 = tpu.memref_slice %arg7[%dma_start3A_136, %dma_start3A_137] : memref<10000x128xf32, #tpu.memory_space<vmem_shared>> -> memref<10000x128xf32, #tpu.memory_space<vmem_shared>>
        tpu.enqueue_indirect_dma source(%dma_start3A_138 : memref<10000x128xf32, #tpu.memory_space<vmem_shared>>) target(%arg11 : memref<64x128xf32, #tpu.memory_space<vmem>>) offsets(%dma_start3A_135 : memref<64xi32, #tpu.memory_space<vmem>>) semaphore(%arg14 : memref<!tpu.dma_semaphore, #tpu.memory_space<semaphore_mem>>)
      } else {
      }
    }
    %scan3A_30 = arith.constant 11 : i32
    %dma_start3A_31 = arith.constant 0 : i32
    %dma_start3A_32 = tpu.memref_slice %arg5[%mul3A_2, %dma_start3A_31] : memref<5632x128xf32, #tpu.memory_space<hbm>> -> memref<176x128xf32, #tpu.memory_space<hbm>>
    %dma_start3A_33 = arith.constant 0 : i32
    %dma_start3A_34 = tpu.memref_slice %arg5[%mul3A_2, %dma_start3A_33] : memref<5632x128xf32, #tpu.memory_space<hbm>> -> memref<176x128xf32, #tpu.memory_space<hbm>>
    tpu.enqueue_dma source(%arg12 : memref<176x128xf32, #tpu.memory_space<vmem>>) target(%dma_start3A_34 : memref<176x128xf32, #tpu.memory_space<hbm>>) target_semaphore(%arg15 : memref<!tpu.dma_semaphore, #tpu.memory_space<semaphore_mem>>)
    %dma_start3A_35 = arith.constant 0 : i32
    %dma_start3A_36 = arith.constant 0 : i32
    %dma_start3A_37 = tpu.memref_slice %arg10[%dma_start3A_35, %dma_start3A_36] : memref<64x128xf32, #tpu.memory_space<vmem>> -> memref<64x128xf32, #tpu.memory_space<vmem>>
    %dma_start3A_38 = arith.constant 0 : i32
    %dma_start3A_39 = tpu.memref_slice %arg9[%dma_start3A_38] : memref<176xi32, #tpu.memory_space<vmem>> -> memref<64xi32, #tpu.memory_space<vmem>>
    %dma_start3A_40 = arith.constant 0 : i32
    %dma_start3A_41 = arith.constant 0 : i32
    %dma_start3A_42 = tpu.memref_slice %arg7[%dma_start3A_40, %dma_start3A_41] : memref<10000x128xf32, #tpu.memory_space<vmem_shared>> -> memref<10000x128xf32, #tpu.memory_space<vmem_shared>>
    tpu.enqueue_indirect_dma source(%dma_start3A_42 : memref<10000x128xf32, #tpu.memory_space<vmem_shared>>) target(%dma_start3A_37 : memref<64x128xf32, #tpu.memory_space<vmem>>) offsets(%dma_start3A_39 : memref<64xi32, #tpu.memory_space<vmem>>) semaphore(%arg13 : memref<!tpu.dma_semaphore, #tpu.memory_space<semaphore_mem>>)
    %dma_start3A_43 = arith.constant 0 : i32
    %dma_start3A_44 = arith.constant 0 : i32
    %dma_start3A_45 = tpu.memref_slice %arg11[%dma_start3A_43, %dma_start3A_44] : memref<64x128xf32, #tpu.memory_space<vmem>> -> memref<64x128xf32, #tpu.memory_space<vmem>>
    %dma_start3A_46 = arith.constant 64 : i32
    %dma_start3A_47 = tpu.memref_slice %arg9[%dma_start3A_46] : memref<176xi32, #tpu.memory_space<vmem>> -> memref<64xi32, #tpu.memory_space<vmem>>
    %dma_start3A_48 = arith.constant 0 : i32
    %dma_start3A_49 = arith.constant 0 : i32
    %dma_start3A_50 = tpu.memref_slice %arg7[%dma_start3A_48, %dma_start3A_49] : memref<10000x128xf32, #tpu.memory_space<vmem_shared>> -> memref<10000x128xf32, #tpu.memory_space<vmem_shared>>
    tpu.enqueue_indirect_dma source(%dma_start3A_50 : memref<10000x128xf32, #tpu.memory_space<vmem_shared>>) target(%dma_start3A_45 : memref<64x128xf32, #tpu.memory_space<vmem>>) offsets(%dma_start3A_47 : memref<64xi32, #tpu.memory_space<vmem>>) semaphore(%arg14 : memref<!tpu.dma_semaphore, #tpu.memory_space<semaphore_mem>>)
    %dma_wait3A = arith.constant 0 : i32
    %dma_wait3A_51 = arith.constant 0 : i32
    %dma_wait3A_52 = tpu.memref_slice %arg10[%dma_wait3A, %dma_wait3A_51] : memref<64x128xf32, #tpu.memory_space<vmem>> -> memref<64x128xf32, #tpu.memory_space<vmem>>
    %dma_wait3A_53 = arith.constant 0 : i32
    %dma_wait3A_54 = tpu.memref_slice %arg9[%dma_wait3A_53] : memref<176xi32, #tpu.memory_space<vmem>> -> memref<64xi32, #tpu.memory_space<vmem>>
    %dma_wait3A_55 = arith.constant 0 : i32
    %dma_wait3A_56 = arith.constant 0 : i32
    %dma_wait3A_57 = tpu.memref_slice %arg7[%dma_wait3A_55, %dma_wait3A_56] : memref<10000x128xf32, #tpu.memory_space<vmem_shared>> -> memref<10000x128xf32, #tpu.memory_space<vmem_shared>>
    tpu.wait_indirect_dma semaphore(%arg13 : memref<!tpu.dma_semaphore, #tpu.memory_space<semaphore_mem>>) src(%dma_wait3A_57 : memref<10000x128xf32, #tpu.memory_space<vmem_shared>>) dst(%dma_wait3A_52 : memref<64x128xf32, #tpu.memory_space<vmem>>)
    %add3A_58 = arith.constant 0 : i32
    %add3A_59 = arith.addi %mul3A_2, %add3A_58 : i32
    "tpu.region"() ({
      %run_scoped3A = tpu.sem_alloc : memref<!tpu.dma_semaphore, #tpu.memory_space<semaphore_mem>>
      %dma_start3A_92 = arith.constant 0 : i32
      %dma_start3A_93 = arith.constant 0 : i32
      %dma_start3A_94 = tpu.memref_slice %arg10[%dma_start3A_92, %dma_start3A_93] : memref<64x128xf32, #tpu.memory_space<vmem>> -> memref<64x128xf32, #tpu.memory_space<vmem>>
      %dma_start3A_95 = arith.constant 0 : i32
      %dma_start3A_96 = tpu.memref_slice %arg6[%add3A_59, %dma_start3A_95] : memref<5632x128xf32, #tpu.memory_space<hbm>> -> memref<64x128xf32, #tpu.memory_space<hbm>>
      %dma_start3A_97 = arith.constant 0 : i32
      %dma_start3A_98 = tpu.memref_slice %arg6[%add3A_59, %dma_start3A_97] : memref<5632x128xf32, #tpu.memory_space<hbm>> -> memref<64x128xf32, #tpu.memory_space<hbm>>
      %dma_start3A_99 = arith.constant 0 : i32
      %dma_start3A_100 = arith.constant 0 : i32
      %dma_start3A_101 = tpu.memref_slice %arg10[%dma_start3A_99, %dma_start3A_100] : memref<64x128xf32, #tpu.memory_space<vmem>> -> memref<64x128xf32, #tpu.memory_space<vmem>>
      tpu.enqueue_dma source(%dma_start3A_101 : memref<64x128xf32, #tpu.memory_space<vmem>>) target(%dma_start3A_98 : memref<64x128xf32, #tpu.memory_space<hbm>>) target_semaphore(%run_scoped3A : memref<!tpu.dma_semaphore, #tpu.memory_space<semaphore_mem>>)
      %dma_wait3A_102 = arith.constant 0 : i32
      %dma_wait3A_103 = arith.constant 0 : i32
      %dma_wait3A_104 = tpu.memref_slice %arg10[%dma_wait3A_102, %dma_wait3A_103] : memref<64x128xf32, #tpu.memory_space<vmem>> -> memref<64x128xf32, #tpu.memory_space<vmem>>
      %dma_wait3A_105 = arith.constant 0 : i32
      %dma_wait3A_106 = tpu.memref_slice %arg6[%add3A_59, %dma_wait3A_105] : memref<5632x128xf32, #tpu.memory_space<hbm>> -> memref<64x128xf32, #tpu.memory_space<hbm>>
      %dma_wait3A_107 = arith.constant 0 : i32
      %dma_wait3A_108 = tpu.memref_slice %arg6[%add3A_59, %dma_wait3A_107] : memref<5632x128xf32, #tpu.memory_space<hbm>> -> memref<64x128xf32, #tpu.memory_space<hbm>>
      %dma_wait3A_109 = arith.constant 0 : i32
      %dma_wait3A_110 = arith.constant 0 : i32
      %dma_wait3A_111 = tpu.memref_slice %arg10[%dma_wait3A_109, %dma_wait3A_110] : memref<64x128xf32, #tpu.memory_space<vmem>> -> memref<64x128xf32, #tpu.memory_space<vmem>>
      tpu.wait_dma2 semaphore(%run_scoped3A : memref<!tpu.dma_semaphore, #tpu.memory_space<semaphore_mem>>) src(%dma_wait3A_111 : memref<64x128xf32, #tpu.memory_space<vmem>>) dst(%dma_wait3A_108 : memref<64x128xf32, #tpu.memory_space<hbm>>)
      tpu.yield
    }) : () -> ()
    %dma_start3A_60 = arith.constant 0 : i32
    %dma_start3A_61 = arith.constant 0 : i32
    %dma_start3A_62 = tpu.memref_slice %arg10[%dma_start3A_60, %dma_start3A_61] : memref<64x128xf32, #tpu.memory_space<vmem>> -> memref<48x128xf32, #tpu.memory_space<vmem>>
    %dma_start3A_63 = arith.constant 128 : i32
    %dma_start3A_64 = tpu.memref_slice %arg9[%dma_start3A_63] : memref<176xi32, #tpu.memory_space<vmem>> -> memref<48xi32, #tpu.memory_space<vmem>>
    %dma_start3A_65 = arith.constant 0 : i32
    %dma_start3A_66 = arith.constant 0 : i32
    %dma_start3A_67 = tpu.memref_slice %arg7[%dma_start3A_65, %dma_start3A_66] : memref<10000x128xf32, #tpu.memory_space<vmem_shared>> -> memref<10000x128xf32, #tpu.memory_space<vmem_shared>>
    tpu.enqueue_indirect_dma source(%dma_start3A_67 : memref<10000x128xf32, #tpu.memory_space<vmem_shared>>) target(%dma_start3A_62 : memref<48x128xf32, #tpu.memory_space<vmem>>) offsets(%dma_start3A_64 : memref<48xi32, #tpu.memory_space<vmem>>) semaphore(%arg13 : memref<!tpu.dma_semaphore, #tpu.memory_space<semaphore_mem>>)
    %dma_wait3A_68 = arith.constant 0 : i32
    %dma_wait3A_69 = arith.constant 0 : i32
    %dma_wait3A_70 = tpu.memref_slice %arg10[%dma_wait3A_68, %dma_wait3A_69] : memref<64x128xf32, #tpu.memory_space<vmem>> -> memref<48x128xf32, #tpu.memory_space<vmem>>
    %dma_wait3A_71 = arith.constant 128 : i32
    %dma_wait3A_72 = tpu.memref_slice %arg9[%dma_wait3A_71] : memref<176xi32, #tpu.memory_space<vmem>> -> memref<48xi32, #tpu.memory_space<vmem>>
    %dma_wait3A_73 = arith.constant 0 : i32
    %dma_wait3A_74 = arith.constant 0 : i32
    %dma_wait3A_75 = tpu.memref_slice %arg7[%dma_wait3A_73, %dma_wait3A_74] : memref<10000x128xf32, #tpu.memory_space<vmem_shared>> -> memref<10000x128xf32, #tpu.memory_space<vmem_shared>>
    tpu.wait_indirect_dma semaphore(%arg13 : memref<!tpu.dma_semaphore, #tpu.memory_space<semaphore_mem>>) src(%dma_wait3A_75 : memref<10000x128xf32, #tpu.memory_space<vmem_shared>>) dst(%dma_wait3A_70 : memref<48x128xf32, #tpu.memory_space<vmem>>)
    %add3A_76 = arith.constant 128 : i32
    %add3A_77 = arith.addi %mul3A_2, %add3A_76 : i32
    "tpu.region"() ({
      %run_scoped3A = tpu.sem_alloc : memref<!tpu.dma_semaphore, #tpu.memory_space<semaphore_mem>>
      %dma_start3A_92 = arith.constant 0 : i32
      %dma_start3A_93 = arith.constant 0 : i32
      %dma_start3A_94 = tpu.memref_slice %arg10[%dma_start3A_92, %dma_start3A_93] : memref<64x128xf32, #tpu.memory_space<vmem>> -> memref<48x128xf32, #tpu.memory_space<vmem>>
      %dma_start3A_95 = arith.constant 0 : i32
      %dma_start3A_96 = tpu.memref_slice %arg6[%add3A_77, %dma_start3A_95] : memref<5632x128xf32, #tpu.memory_space<hbm>> -> memref<48x128xf32, #tpu.memory_space<hbm>>
      %dma_start3A_97 = arith.constant 0 : i32
      %dma_start3A_98 = tpu.memref_slice %arg6[%add3A_77, %dma_start3A_97] : memref<5632x128xf32, #tpu.memory_space<hbm>> -> memref<48x128xf32, #tpu.memory_space<hbm>>
      %dma_start3A_99 = arith.constant 0 : i32
      %dma_start3A_100 = arith.constant 0 : i32
      %dma_start3A_101 = tpu.memref_slice %arg10[%dma_start3A_99, %dma_start3A_100] : memref<64x128xf32, #tpu.memory_space<vmem>> -> memref<48x128xf32, #tpu.memory_space<vmem>>
      tpu.enqueue_dma source(%dma_start3A_101 : memref<48x128xf32, #tpu.memory_space<vmem>>) target(%dma_start3A_98 : memref<48x128xf32, #tpu.memory_space<hbm>>) target_semaphore(%run_scoped3A : memref<!tpu.dma_semaphore, #tpu.memory_space<semaphore_mem>>)
      %dma_wait3A_102 = arith.constant 0 : i32
      %dma_wait3A_103 = arith.constant 0 : i32
      %dma_wait3A_104 = tpu.memref_slice %arg10[%dma_wait3A_102, %dma_wait3A_103] : memref<64x128xf32, #tpu.memory_space<vmem>> -> memref<48x128xf32, #tpu.memory_space<vmem>>
      %dma_wait3A_105 = arith.constant 0 : i32
      %dma_wait3A_106 = tpu.memref_slice %arg6[%add3A_77, %dma_wait3A_105] : memref<5632x128xf32, #tpu.memory_space<hbm>> -> memref<48x128xf32, #tpu.memory_space<hbm>>
      %dma_wait3A_107 = arith.constant 0 : i32
      %dma_wait3A_108 = tpu.memref_slice %arg6[%add3A_77, %dma_wait3A_107] : memref<5632x128xf32, #tpu.memory_space<hbm>> -> memref<48x128xf32, #tpu.memory_space<hbm>>
      %dma_wait3A_109 = arith.constant 0 : i32
      %dma_wait3A_110 = arith.constant 0 : i32
      %dma_wait3A_111 = tpu.memref_slice %arg10[%dma_wait3A_109, %dma_wait3A_110] : memref<64x128xf32, #tpu.memory_space<vmem>> -> memref<48x128xf32, #tpu.memory_space<vmem>>
      tpu.wait_dma2 semaphore(%run_scoped3A : memref<!tpu.dma_semaphore, #tpu.memory_space<semaphore_mem>>) src(%dma_wait3A_111 : memref<48x128xf32, #tpu.memory_space<vmem>>) dst(%dma_wait3A_108 : memref<48x128xf32, #tpu.memory_space<hbm>>)
      tpu.yield
    }) : () -> ()
    %dma_wait3A_78 = arith.constant 0 : i32
    %dma_wait3A_79 = arith.constant 0 : i32
    %dma_wait3A_80 = tpu.memref_slice %arg11[%dma_wait3A_78, %dma_wait3A_79] : memref<64x128xf32, #tpu.memory_space<vmem>> -> memref<64x128xf32, #tpu.memory_space<vmem>>
    %dma_wait3A_81 = arith.constant 64 : i32
    %dma_wait3A_82 = tpu.memref_slice %arg9[%dma_wait3A_81] : memref<176xi32, #tpu.memory_space<vmem>> -> memref<64xi32, #tpu.memory_space<vmem>>
    %dma_wait3A_83 = arith.constant 0 : i32
    %dma_wait3A_84 = arith.constant 0 : i32
    %dma_wait3A_85 = tpu.memref_slice %arg7[%dma_wait3A_83, %dma_wait3A_84] : memref<10000x128xf32, #tpu.memory_space<vmem_shared>> -> memref<10000x128xf32, #tpu.memory_space<vmem_shared>>
    tpu.wait_indirect_dma semaphore(%arg14 : memref<!tpu.dma_semaphore, #tpu.memory_space<semaphore_mem>>) src(%dma_wait3A_85 : memref<10000x128xf32, #tpu.memory_space<vmem_shared>>) dst(%dma_wait3A_80 : memref<64x128xf32, #tpu.memory_space<vmem>>)
    %add3A_86 = arith.constant 64 : i32
    %add3A_87 = arith.addi %mul3A_2, %add3A_86 : i32
    "tpu.region"() ({
      %run_scoped3A = tpu.sem_alloc : memref<!tpu.dma_semaphore, #tpu.memory_space<semaphore_mem>>
      %dma_start3A_92 = arith.constant 0 : i32
      %dma_start3A_93 = arith.constant 0 : i32
      %dma_start3A_94 = tpu.memref_slice %arg11[%dma_start3A_92, %dma_start3A_93] : memref<64x128xf32, #tpu.memory_space<vmem>> -> memref<64x128xf32, #tpu.memory_space<vmem>>
      %dma_start3A_95 = arith.constant 0 : i32
      %dma_start3A_96 = tpu.memref_slice %arg6[%add3A_87, %dma_start3A_95] : memref<5632x128xf32, #tpu.memory_space<hbm>> -> memref<64x128xf32, #tpu.memory_space<hbm>>
      %dma_start3A_97 = arith.constant 0 : i32
      %dma_start3A_98 = tpu.memref_slice %arg6[%add3A_87, %dma_start3A_97] : memref<5632x128xf32, #tpu.memory_space<hbm>> -> memref<64x128xf32, #tpu.memory_space<hbm>>
      %dma_start3A_99 = arith.constant 0 : i32
      %dma_start3A_100 = arith.constant 0 : i32
      %dma_start3A_101 = tpu.memref_slice %arg11[%dma_start3A_99, %dma_start3A_100] : memref<64x128xf32, #tpu.memory_space<vmem>> -> memref<64x128xf32, #tpu.memory_space<vmem>>
      tpu.enqueue_dma source(%dma_start3A_101 : memref<64x128xf32, #tpu.memory_space<vmem>>) target(%dma_start3A_98 : memref<64x128xf32, #tpu.memory_space<hbm>>) target_semaphore(%run_scoped3A : memref<!tpu.dma_semaphore, #tpu.memory_space<semaphore_mem>>)
      %dma_wait3A_102 = arith.constant 0 : i32
      %dma_wait3A_103 = arith.constant 0 : i32
      %dma_wait3A_104 = tpu.memref_slice %arg11[%dma_wait3A_102, %dma_wait3A_103] : memref<64x128xf32, #tpu.memory_space<vmem>> -> memref<64x128xf32, #tpu.memory_space<vmem>>
      %dma_wait3A_105 = arith.constant 0 : i32
      %dma_wait3A_106 = tpu.memref_slice %arg6[%add3A_87, %dma_wait3A_105] : memref<5632x128xf32, #tpu.memory_space<hbm>> -> memref<64x128xf32, #tpu.memory_space<hbm>>
      %dma_wait3A_107 = arith.constant 0 : i32
      %dma_wait3A_108 = tpu.memref_slice %arg6[%add3A_87, %dma_wait3A_107] : memref<5632x128xf32, #tpu.memory_space<hbm>> -> memref<64x128xf32, #tpu.memory_space<hbm>>
      %dma_wait3A_109 = arith.constant 0 : i32
      %dma_wait3A_110 = arith.constant 0 : i32
      %dma_wait3A_111 = tpu.memref_slice %arg11[%dma_wait3A_109, %dma_wait3A_110] : memref<64x128xf32, #tpu.memory_space<vmem>> -> memref<64x128xf32, #tpu.memory_space<vmem>>
      tpu.wait_dma2 semaphore(%run_scoped3A : memref<!tpu.dma_semaphore, #tpu.memory_space<semaphore_mem>>) src(%dma_wait3A_111 : memref<64x128xf32, #tpu.memory_space<vmem>>) dst(%dma_wait3A_108 : memref<64x128xf32, #tpu.memory_space<hbm>>)
      tpu.yield
    }) : () -> ()
    %dma_wait3A_88 = arith.constant 0 : i32
    %dma_wait3A_89 = tpu.memref_slice %arg5[%mul3A_2, %dma_wait3A_88] : memref<5632x128xf32, #tpu.memory_space<hbm>> -> memref<176x128xf32, #tpu.memory_space<hbm>>
    %dma_wait3A_90 = arith.constant 0 : i32
    %dma_wait3A_91 = tpu.memref_slice %arg5[%mul3A_2, %dma_wait3A_90] : memref<5632x128xf32, #tpu.memory_space<hbm>> -> memref<176x128xf32, #tpu.memory_space<hbm>>
    tpu.wait_dma2 semaphore(%arg15 : memref<!tpu.dma_semaphore, #tpu.memory_space<semaphore_mem>>) src(%arg12 : memref<176x128xf32, #tpu.memory_space<vmem>>) dst(%dma_wait3A_91 : memref<176x128xf32, #tpu.memory_space<hbm>>)
    return
  }
}

module attributes {stable_mosaic.version = 14 : i64} {
  func.func @_agg_matmul_kernel(%arg0: i32, %arg1: memref<512x128xf32, #tpu.memory_space<vmem>>, %arg2: memref<512x128xf32, #tpu.memory_space<vmem>>, %arg3: memref<128x256xf32, #tpu.memory_space<vmem>>, %arg4: memref<128x256xf32, #tpu.memory_space<vmem>>, %arg5: memref<512x256xf32, #tpu.memory_space<vmem>>) attributes {dimension_semantics = [#tpu.dimension_semantics<arbitrary>], iteration_bounds = array<i64: 11>, scalar_prefetch = 0 : i64, scratch_operands = 0 : i64, tpu.core_type = #tpu.core_type<tc>, window_params = [{transform_indices = @transform_0, window_bounds = array<i64: 512, 128>}, {transform_indices = @transform_1, window_bounds = array<i64: 512, 128>}, {pipeline_mode = #tpu.pipeline_mode<synchronous>, transform_indices = @transform_2, window_bounds = array<i64: 128, 256>}, {pipeline_mode = #tpu.pipeline_mode<synchronous>, transform_indices = @transform_3, window_bounds = array<i64: 128, 256>}, {transform_indices = @transform_4, window_bounds = array<i64: 512, 256>}]} {
    %get3A = arith.constant 0 : index
    %get3A_0 = arith.constant 0 : index
    %get3A_1 = vector.load %arg1[%get3A, %get3A_0] : memref<512x128xf32, #tpu.memory_space<vmem>>, vector<512x128xf32>
    %get3A_2 = arith.constant 0 : index
    %get3A_3 = arith.constant 0 : index
    %get3A_4 = vector.load %arg3[%get3A_2, %get3A_3] : memref<128x256xf32, #tpu.memory_space<vmem>>, vector<128x256xf32>
    %dot_general3A = arith.constant dense<0.000000e+00> : vector<512x256xf32>
    %dot_general3A_5 = tpu.matmul %get3A_1, %get3A_4, %dot_general3A {dimension_numbers = #tpu.dot_dimension_numbers<[1], [0], [0], [1], [0, 0, 1, 1], [], []>, transpose_lhs_hint = false} : vector<512x128xf32>, vector<128x256xf32>, vector<512x256xf32> -> vector<512x256xf32>
    %get3A_6 = arith.constant 0 : index
    %get3A_7 = arith.constant 0 : index
    %get3A_8 = vector.load %arg2[%get3A_6, %get3A_7] : memref<512x128xf32, #tpu.memory_space<vmem>>, vector<512x128xf32>
    %mul3A = arith.constant 1.250000e-01 : f32
    %mul3A_9 = vector.broadcast %mul3A : f32 to vector<512x128xf32>
    %mul3A_10 = arith.mulf %get3A_8, %mul3A_9 : vector<512x128xf32>
    %get3A_11 = arith.constant 0 : index
    %get3A_12 = arith.constant 0 : index
    %get3A_13 = vector.load %arg4[%get3A_11, %get3A_12] : memref<128x256xf32, #tpu.memory_space<vmem>>, vector<128x256xf32>
    %dot_general3A_14 = arith.constant dense<0.000000e+00> : vector<512x256xf32>
    %dot_general3A_15 = tpu.matmul %mul3A_10, %get3A_13, %dot_general3A_14 {dimension_numbers = #tpu.dot_dimension_numbers<[1], [0], [0], [1], [0, 0, 1, 1], [], []>, transpose_lhs_hint = false} : vector<512x128xf32>, vector<128x256xf32>, vector<512x256xf32> -> vector<512x256xf32>
    %add3A = arith.addf %dot_general3A_5, %dot_general3A_15 : vector<512x256xf32>
    %max3A = arith.constant 0.000000e+00 : f32
    %max3A_16 = vector.broadcast %max3A : f32 to vector<512x256xf32>
    %max3A_17 = arith.maximumf %add3A, %max3A_16 : vector<512x256xf32>
    %swap3A = arith.constant 0 : index
    %swap3A_18 = arith.constant 0 : index
    %swap3A_19 = vector.load %arg5[%swap3A, %swap3A_18] : memref<512x256xf32, #tpu.memory_space<vmem>>, vector<512x256xf32>
    tpu.vector_store %arg5[%swap3A, %swap3A_18], %max3A_17 {strides = array<i32>} : memref<512x256xf32, #tpu.memory_space<vmem>>, vector<512x256xf32>,
    return
  }
  func.func @transform_0(%arg0: i32) -> (i32, i32) {
    %c0_i32 = arith.constant 0 : i32
    %c0_i32_0 = arith.constant 0 : i32
    return %arg0, %c0_i32 : i32, i32
  }
  func.func @transform_1(%arg0: i32) -> (i32, i32) {
    %c0_i32 = arith.constant 0 : i32
    %c0_i32_0 = arith.constant 0 : i32
    return %arg0, %c0_i32 : i32, i32
  }
  func.func @transform_2(%arg0: i32) -> (i32, i32) {
    %c0_i32 = arith.constant 0 : i32
    %c0_i32_0 = arith.constant 0 : i32
    %c0_i32_1 = arith.constant 0 : i32
    return %c0_i32, %c0_i32_0 : i32, i32
  }
  func.func @transform_3(%arg0: i32) -> (i32, i32) {
    %c0_i32 = arith.constant 0 : i32
    %c0_i32_0 = arith.constant 0 : i32
    %c0_i32_1 = arith.constant 0 : i32
    return %c0_i32, %c0_i32_0 : i32, i32
  }
  func.func @transform_4(%arg0: i32) -> (i32, i32) {
    %c0_i32 = arith.constant 0 : i32
    %c0_i32_0 = arith.constant 0 : i32
    return %arg0, %c0_i32 : i32, i32
  }
}

module attributes {stable_mosaic.version = 14 : i64} {
  func.func @_final_kernel(%arg0: memref<1024x128xf32, #tpu.memory_space<vmem>>, %arg1: memref<1024x256xf32, #tpu.memory_space<vmem>>, %arg2: memref<128x256xf32, #tpu.memory_space<vmem>>, %arg3: memref<256x256xf32, #tpu.memory_space<vmem>>, %arg4: memref<256x128xf32, #tpu.memory_space<vmem>>, %arg5: memref<1x128xf32, #tpu.memory_space<vmem>>, %arg6: memref<1024x128xf32, #tpu.memory_space<vmem>>) attributes {dimension_semantics = [], scalar_prefetch = 0 : i64, scratch_operands = 0 : i64, tpu.core_type = #tpu.core_type<tc>} {
    %get3A = arith.constant 0 : index
    %get3A_0 = arith.constant 0 : index
    %get3A_1 = vector.load %arg0[%get3A, %get3A_0] : memref<1024x128xf32, #tpu.memory_space<vmem>>, vector<1024x128xf32>
    %get3A_2 = arith.constant 0 : index
    %get3A_3 = arith.constant 0 : index
    %get3A_4 = vector.load %arg2[%get3A_2, %get3A_3] : memref<128x256xf32, #tpu.memory_space<vmem>>, vector<128x256xf32>
    %dot_general3A = arith.constant dense<0.000000e+00> : vector<1024x256xf32>
    %dot_general3A_5 = tpu.matmul %get3A_1, %get3A_4, %dot_general3A {dimension_numbers = #tpu.dot_dimension_numbers<[1], [0], [0], [1], [0, 0, 1, 1], [], []>, transpose_lhs_hint = false} : vector<1024x128xf32>, vector<128x256xf32>, vector<1024x256xf32> -> vector<1024x256xf32>
    %get3A_6 = arith.constant 0 : index
    %get3A_7 = arith.constant 0 : index
    %get3A_8 = vector.load %arg1[%get3A_6, %get3A_7] : memref<1024x256xf32, #tpu.memory_space<vmem>>, vector<1024x256xf32>
    %mul3A = arith.constant 1.250000e-01 : f32
    %mul3A_9 = vector.broadcast %mul3A : f32 to vector<1024x256xf32>
    %mul3A_10 = arith.mulf %get3A_8, %mul3A_9 : vector<1024x256xf32>
    %get3A_11 = arith.constant 0 : index
    %get3A_12 = arith.constant 0 : index
    %get3A_13 = vector.load %arg3[%get3A_11, %get3A_12] : memref<256x256xf32, #tpu.memory_space<vmem>>, vector<256x256xf32>
    %dot_general3A_14 = arith.constant dense<0.000000e+00> : vector<1024x256xf32>
    %dot_general3A_15 = tpu.matmul %mul3A_10, %get3A_13, %dot_general3A_14 {dimension_numbers = #tpu.dot_dimension_numbers<[1], [0], [0], [1], [0, 0, 1, 1], [], []>, transpose_lhs_hint = false} : vector<1024x256xf32>, vector<256x256xf32>, vector<1024x256xf32> -> vector<1024x256xf32>
    %add3A = arith.addf %dot_general3A_5, %dot_general3A_15 : vector<1024x256xf32>
    %max3A = arith.constant 0.000000e+00 : f32
    %max3A_16 = vector.broadcast %max3A : f32 to vector<1024x256xf32>
    %max3A_17 = arith.maximumf %add3A, %max3A_16 : vector<1024x256xf32>
    %get3A_18 = arith.constant 0 : index
    %get3A_19 = arith.constant 0 : index
    %get3A_20 = vector.load %arg4[%get3A_18, %get3A_19] : memref<256x128xf32, #tpu.memory_space<vmem>>, vector<256x128xf32>
    %dot_general3A_21 = arith.constant dense<0.000000e+00> : vector<1024x128xf32>
    %dot_general3A_22 = tpu.matmul %max3A_17, %get3A_20, %dot_general3A_21 {dimension_numbers = #tpu.dot_dimension_numbers<[1], [0], [0], [1], [0, 0, 1, 1], [], []>, transpose_lhs_hint = false} : vector<1024x256xf32>, vector<256x128xf32>, vector<1024x128xf32> -> vector<1024x128xf32>
    %get3A_23 = arith.constant 0 : index
    %get3A_24 = arith.constant 0 : index
    %get3A_25 = vector.load %arg5[%get3A_23, %get3A_24] : memref<1x128xf32, #tpu.memory_space<vmem>>, vector<1x128xf32>
    %add3A_26 = vector.broadcast %get3A_25 : vector<1x128xf32> to vector<1024x128xf32>
    %add3A_27 = arith.addf %dot_general3A_22, %add3A_26 : vector<1024x128xf32>
    %swap3A = arith.constant 0 : index
    %swap3A_28 = arith.constant 0 : index
    %swap3A_29 = vector.load %arg6[%swap3A, %swap3A_28] : memref<1024x128xf32, #tpu.memory_space<vmem>>, vector<1024x128xf32>
    tpu.vector_store %arg6[%swap3A, %swap3A_28], %add3A_27 {strides = array<i32>} : memref<1024x128xf32, #tpu.memory_space<vmem>>, vector<1024x128xf32>,
    return
  }
}

</mosaic_0001>

<sc_bundles>
// kernel: kernel.6.cloned.1.call-start
scs
__scs_entry_jumppad:
0x0: {  	(pc) =	sbr.rel $0x88, $3  }
0x1: {  	(tag) =	ssettag $0x0;
	lr =	simm.s32 $0x1  }
0x2: {  	[smem:$0x3F96] =	sst lr;
	_ =	strace $0xD0000000  }
0x3: {  	_ = 	snop  }
0x4: {  	_ = 	snop  }
0x5: {  	_ = 	snop  }
0x6: {  	_ = 	snop  }
0x7: {  	_ = 	snop  }
__scs_overlays_trampoline_lowered:
0x8: {  	[smem:$0x3FA5] =	sst s0  }
0x9: {  	[smem:$0x3FA6] =	sst s1  }
0xa: {  	[smem:$0x3FA7] =	sst s2  }
0xb: {  	[smem:$0x3FA8] =	sst s3  }
0xc: {  	[smem:$0x3FA9] =	sst s4  }
0xd: {  	[smem:$0x3FAA] =	sst s5  }
0xe: {  	[smem:$0x3FAB] =	sst s6  }
0xf: {  	[smem:$0x3FAC] =	sst s7  }
0x10: {  	[smem:$0x3FAD] =	sst s8  }
0x11: {  	[smem:$0x3FAE] =	sst s9;
	s0 =	simm.s32 @!p0 $0x0  }
0x12: {  	s1 =	sld [smem:$0x3F94];
	s0 =	simm.s32 @p0 $0x1  }
0x13: {  	[smem:$0x3FAF] =	sst s0;
	s0 =	simm.s32 @!p1 $0x0  }
0x14: {  	s2 =	sld [smem:$0x3F93];
	s0 =	simm.s32 @p1 $0x1  }
0x15: {  	[smem:$0x3FB0] =	sst s0;
	s0 =	simm.s32 @!p2 $0x0  }
0x16: {  	s3 =	sld [smem:$0x3FDB];
	s0 =	simm.s32 @p2 $0x1  }
0x17: {  	s4 =	simm.s32 $0x1BF5;
	[smem:$0x3FB2] =	sst s0  }
0x18: {  	s0 =	sld [smem:$0x3F95];
	_ =	swait.ge [sflag:s4], $0x0  }
0x19: {  	s7 =	sld [smem:$0x3F96]  }
0x1a: {  	s8 =	sadd.s32 $0xFFFFE003, lr  }
0x1b: {  	s9 =	sadd.s32 $0xFFFFFEF7, lr;
	s5 =	simm.s32 $0xFFFFFFFF;
	p2 =	slt.u32 s8, $0xFFFFF086  }
0x1c: {  	p1 =	slt.u32 s9, $0xF7A;
	s5 =	simm.s32 @!p2 $0x0  }
0x1d: {  	s5 =	simm.s32 @p1 $0x1;
	p0 =	seq.s32 s7, s2  }
0x1e: {  	s7 =	smul.u32 @!p0 $0xF7A, s2;
	p2 =	seq.s32 @!p0 s5, $0x0  }
0x1f: {  	s9 =	smul.u32 $0xF7A, s1;
	s8 =	simm.s32 @!p0 $0x1BF5;
	p2 =	por !p2, p0  }
0x20: {  	[sflag:s8] =	ssyncset.s32 @!p0 $0xFFFFF086;
	s6 =	sadd.s32 @!p0 s3, s7;
	s7 =	simm.s32 @!p0 $0x108  }
0x21: {  	s3 =	sadd.s32 s3, s9;
	s6 =	sadd.s32 @!p0 $0x88, s6;
	s7 =	simm.s32 @p2 $0x1082  }
0x22: {  	[simem:s7], [sflag:s8] =	dma.local @!p0 [hbm:s6], $0xF7A  }
0x23: {  	s9 =	sor.u32 $0xD0000000, s2;
	s6 =	simm.s32 $0x108;
	_ =	swait.ge @!p0 [sflag:s8], $0x0  }
0x24: {  	s3 =	sadd.s32 $0x88, s3;
	s6 =	simm.s32 @!p1 $0x1082;
	[sflag:s4] =	ssyncset.s32 $0xFFFFF086  }
0x25: {  	[simem:s6], [sflag:s4] =	dma.local [hbm:s3], $0xF7A  }
0x26: {  	[smem:$0x3F96] =	sst s1;
	(tag) =	ssettag s2;
	_ =	strace s9  }
0x27: {  	s1 =	sld [smem:$0x3FA6]  }
0x28: {  	s2 =	sld [smem:$0x3FA7]  }
0x29: {  	s4 =	sld [smem:$0x3FA9]  }
0x2a: {  	p0 =	seq.s32 s5, $0x0;
	s5 =	sld [smem:$0x3FAA]  }
0x2b: {  	s6 =	sld [smem:$0x3FAB]  }
0x2c: {  	s7 =	sld [smem:$0x3FAC]  }
0x2d: {  	s3 =	simm.s32 $0x108;
	s8 =	sld [smem:$0x3FAD]  }
0x2e: {  	s3 =	simm.s32 @!p0 $0x1082;
	s9 =	sld [smem:$0x3FAE]  }
0x2f: {  	lr =	sadd.s32 s0, s3;
	s0 =	sld [smem:$0x3FA5]  }
0x30: {  	s3 =	sld [smem:$0x3FA8]  }
0x31: {  	[smem:$0x3FB1] =	sst s10  }
0x32: {  	s10 =	sld [smem:$0x3FAF];
	_ =	sdelay $0x3  }
0x33: {  	p0 =	seq.s32 s10, $0x1;
	s10 =	sld [smem:$0x3FB1];
	_ =	sdelay $0x3  }
0x34: {  	[smem:$0x3FB1] =	sst s10  }
0x35: {  	s10 =	sld [smem:$0x3FB0];
	_ =	sdelay $0x3  }
0x36: {  	p1 =	seq.s32 s10, $0x1;
	s10 =	sld [smem:$0x3FB1];
	_ =	sdelay $0x3  }
0x37: {  	[smem:$0x3FB1] =	sst s10  }
0x38: {  	s10 =	sld [smem:$0x3FB2]  }
0x39: {  	_ = 	snop;
	(pc) =	sbr.ind lr, $3  }
0x3a: {  	_ = 	snop  }
0x3b: {  	_ = 	snop  }
0x3c: {  	p2 =	seq.s32 s10, $0x1;
	s10 =	sld [smem:$0x3FB1]  }
0x3d: {  	_ =	shalt  }
0x3e: {  	_ =	shalt  }
0x3f: {  	_ =	shalt  }
0x40: {  	_ =	shalt  }
0x41: {  	_ =	shalt  }
0x42: {  	_ =	shalt  }
0x43: {  	_ =	shalt  }
0x44: {  	_ =	shalt  }
0x45: {  	_ =	shalt  }
0x46: {  	_ =	shalt  }
0x47: {  	_ =	shalt  }
0x48: {  	_ =	shalt  }
0x49: {  	_ =	shalt  }
0x4a: {  	_ =	shalt  }
0x4b: {  	_ =	shalt  }
0x4c: {  	_ =	shalt  }
0x4d: {  	_ =	shalt  }
0x4e: {  	_ =	shalt  }
0x4f: {  	_ =	shalt  }
0x50: {  	_ =	shalt  }
0x51: {  	_ =	shalt  }
0x52: {  	_ =	shalt  }
0x53: {  	_ =	shalt  }
0x54: {  	_ =	shalt  }
0x55: {  	_ =	shalt  }
0x56: {  	_ =	shalt  }
0x57: {  	_ =	shalt  }
0x58: {  	_ =	shalt  }
0x59: {  	_ =	shalt  }
0x5a: {  	_ =	shalt  }
0x5b: {  	_ =	shalt  }
0x5c: {  	_ =	shalt  }
0x5d: {  	_ =	shalt  }
0x5e: {  	_ =	shalt  }
0x5f: {  	_ =	shalt  }
0x60: {  	_ =	shalt  }
0x61: {  	_ =	shalt  }
0x62: {  	_ =	shalt  }
0x63: {  	_ =	shalt  }
0x64: {  	_ =	shalt  }
0x65: {  	_ =	shalt  }
0x66: {  	_ =	shalt  }
0x67: {  	_ =	shalt  }
0x68: {  	_ =	shalt  }
0x69: {  	_ =	shalt  }
0x6a: {  	_ =	shalt  }
0x6b: {  	_ =	shalt  }
0x6c: {  	_ =	shalt  }
0x6d: {  	_ =	shalt  }
0x6e: {  	_ =	shalt  }
0x6f: {  	_ =	shalt  }
0x70: {  	_ =	shalt  }
0x71: {  	_ =	shalt  }
0x72: {  	_ =	shalt  }
0x73: {  	_ =	shalt  }
0x74: {  	_ =	shalt  }
0x75: {  	_ =	shalt  }
0x76: {  	_ =	shalt  }
0x77: {  	_ =	shalt  }
0x78: {  	_ =	shalt  }
0x79: {  	_ =	shalt  }
0x7a: {  	_ =	shalt  }
0x7b: {  	_ =	shalt  }
0x7c: {  	_ =	shalt  }
0x7d: {  	_ =	shalt  }
0x7e: {  	_ =	shalt  }
0x7f: {  	_ =	shalt  }
0x80: {  	_ =	shalt  }
0x81: {  	_ =	shalt  }
0x82: {  	_ =	shalt  }
0x83: {  	_ =	shalt  }
0x84: {  	_ =	shalt  }
0x85: {  	_ =	shalt  }
0x86: {  	_ =	shalt  }
0x87: {  	_ =	shalt  }
.Lfunc_end0:
.L_simem_size_0:
called_computation_lowered:
.L_overlay_start_0:
0x88: {  	s2 =	sld [smem:$0x3FD9]  }
0x89: {  	s3 =	sld [smem:$0x3FFE];
	_ =	sdelay $0x1  }
0x8a: {  	s1 =	srdreg.scid  }
0x8b: {  	s0 =	sand.u32 $0x1, s1  }
0x8c: {  	s17 =	sshll.u32 s0, $0xA;
	s2 =	sadd.s32 s3, s2  }
0x8d: {  	s2 =	sadd.s32 s2, s17  }
0x8e: {  	[smem:$0x3FBD] =	sst s2  }
0x8f: {  	_ = 	snop  }
0x90: {  	s2 =	sld [smem:$0x3FC9]  }
0x91: {  	s18 =	sld [smem:$0x3FD0];
	(tm) =	ssettm $0x1  }
0x92: {  	s4 =	sld [smem:$0x3FFB];
	_ =	sdelay $0x3  }
0x93: {  	_ =	strace s4  }
0x94: {  	s4 =	sld [smem:$0x3FFC];
	_ =	sdelay $0x3  }
0x95: {  	_ =	strace s4  }
0x96: {  	s4 =	sld [smem:$0x3FFD];
	_ =	sdelay $0x3  }
0x97: {  	_ =	strace s4  }
0x98: {  	_ =	strace $0x8FFFFFFF  }
0x99: {  	s19 =	sld [smem:$0x3FDB];
	_ =	sdelay $0x1  }
0x9a: {  	s5 =	simm.s32 $_scs_section_size  }
0x9b: {  	s6 =	simm.s32 $_size__tile_overlayer_lowered;
	s7 =	simm.s32 $_tile_overlayer_lowered  }
0x9c: {  	s22 =	simm.s32 $0x1BFF;
	s21 =	sshll.u32 s7, $0x1;
	s4 =	sadd.s32 s5, s19  }
0x9d: {  	s8 =	simm.s32 $0x0;
	s20 =	sshll.u32 s6, $0x1;
	s6 =	sadd.s32 s21, s4  }
0x9e: {  	[timem:s8], [sflag:s22] =	dma.local [hbm:s6], s20  }
0x9f: {  	_ =	swait.ge [sflag:s22], s20  }
0xa0: {  	s5 =	ssub.s32 $0x0, s20;
	[sflag:s22] =	ssyncset.done $0x0  }
0xa1: {  	[sflag:s22] =	ssyncadd.s32 s5;
	_ =	sdelay $0x1  }
0xa2: {  	s23 =	simm.s32 $0x1B8B  }
0xa3: {  	_ =	swait.ge [sflag:s23], $0x1  }
0xa4: {  	[sflag:s23] =	ssyncset.done $0x0  }
0xa5: {  	s25 =	simm.s32 $0x1B8E;
	s24 =	sld [smem:$0x3FFE];
	[sflag:s23] =	ssyncadd.s32 $0xFFFFFFFF  }
0xa6: {  	s26 =	simm.s32 $execute0_lowered;
	[smem:$0x3FD2] =	sst s25  }
0xa7: {  	s6 =	sshll.u32 s26, $0x1;
	_ =	strace $0x80000046;
	[dreg:$0x1] =	wrdreg $0xFFFFFFFF  }
0xa8: {  	s28 =	simm.s32 $_size_execute0_lowered;
	s4 =	sadd.s32 s4, s6;
	[dreg:$0x0] =	wrdreg $0x0  }
0xa9: {  	s6 =	sshll.u32 s28, $0x1;
	[dreg:$0x2] =	wrdreg s4  }
0xaa: {  	[dreg:$0x3] =	wrdreg s6  }
0xab: {  	[dreg:$0x4] =	wrdreg $0xC0  }
0xac: {  	_ =	task [dreg:s8], $0x5FFFF  }
0xad: {  	[dreg:$0x1] =	wrdreg $0xFFFFFFFF  }
0xae: {  	[dreg:$0x0] =	wrdreg $0x60  }
0xaf: {  	[dreg:$0x2] =	wrdreg s2  }
0xb0: {  	[dreg:$0x3] =	wrdreg s18  }
0xb1: {  	[dreg:$0x4] =	wrdreg s24  }
0xb2: {  	[dreg:$0x5] =	wrdreg $0x0  }
0xb3: {  	[dreg:$0x6] =	wrdreg $0x9  }
0xb4: {  	_ =	task.clear_ibuf [dreg:s8], $0x7FFFF;
	_ =	strace $0x90000046  }
0xb5: {  	s29 =	simm.s32 $0x9;
	_ =	strace $0x80000048  }
0xb6: {  	_ =	swait.ge [sflag:s29], $0x1  }
0xb7: {  	[sflag:s29] =	ssyncadd.s32 $0xFFFFFFFF  }
0xb8: {  	_ =	strace $0x90000048  }
0xb9: {  	_ =	sfence  }
0xba: {  	s30 =	sld [smem:$0x0];
	_ =	sdelay $0x2  }
0xbb: {  	s31 =	sshll.u32 s1, $0xD;
	s1 =	sshrl.u32 s1, $0x2  }
0xbc: {  	s3 =	sand.u32 $0x4000, s31;
	s1 =	sadd.s32 s1, s30  }
0xbd: {  	s0 =	sor.u32 s3, s0;
	s1 =	sshll.u32 s1, $0x11  }
0xbe: {  	s0 =	sor.u32 s1, s0  }
0xbf: {  	s0 =	sadd.s32 $0x8F2B, s0  }
0xc0: {  	[sflag:s0] =	ssyncadd.remote.s32 $0x1  }
0xc1: {  	_ =	sfence.sel $0xFFFF  }
0xc2: {  	[dreg:$0x0] =	wrdreg $0xFFFFFFFF;
	(pc) =	sbr.abs _section_cstart, $3  }
0xc3: {  	[dreg:$0x1] =	wrdreg $0xFFFFFFFF  }
0xc4: {  	_ =	task.clear_ibuf [dreg:s8], $0x2FFFF;
	_ =	strace $0x9FFFFFFF  }
0xc5: {  	(tm) =	ssettm $0x7FFFFFFF  }
tec
execute0_lowered:
.L_overlay_start_1:
0x0: {  	(tag) =	ssettag $0x1  }
0x1: {  	s0 =	rddreg [dreg:$0x0]  }
0x2: {  	s1 =	rddreg [dreg:$0x1]  }
0x3: {  	s2 =	srdreg.scid;
	s15 =	stileid.u32  }
0x4: {  	s4 =	rddreg [dreg:$0x2];
	s19 =	simm.s32 $0x40;
	s20 =	simm.s32 $0x13F00  }
0x5: {  	s22 =	simm.s32 $0x15F00;
	s23 =	simm.s32 $0x1;
	s30 =	simm.s32 $0x3  }
0x6: {  	s31 =	simm.s32 $0x0;
	s5 =	sand.u32 $0x1, s2;
	s24 =	smul.u32 $0x4E000, s15  }
0x7: {  	s3 =	sshll.u32 s15, $0x1;
	s2 =	rddreg [dreg:$0x3];
	s12 =	smul.u32 $0x2700, s15  }
0x8: {  	s28 =	sshll.u32 s15, $0x6;
	p0 =	sne.s32 s15, $0xF;
	s6 =	sor.u32 s5, s3  }
0x9: {  	s15 =	simm.s32 $0x4;
	s3 =	simm.s32 $0x0;
	s7 =	smul.u32 $0x16, s6  }
0xa: {  	s5 =	ssub.s32 $0x2, s5;
	s16 =	sadd.s32 $0x138000, s2;
	s10 =	smul.u32 $0xB00, s6  }
0xb: {  	[smem:$0x7FF] =	sst s3;
	s11 =	sshrl.u32 s5, $0x1;
	s25 =	smul.u32 $0xB0, s6  }
0xc: {  	s26 =	sadd.s32 s0, s12;
	s6 =	smul.u32 $0x5800, s6;
	s0 =	sadd.s32 $0x27000, s0  }
0xd: {  	s16 =	sshrl.u32 @!p0 s16, $0x3;
	_ =	strace $0x80000047;
	[dreg:$0x5] =	wrdreg s26  }
0xe: {  	s13 =	ssub.s32 s5, s11;
	s5 =	sor.u32 $0x1C04, s28;
	[dreg:$0x6] =	wrdreg s0  }
0xf: {  	s8 =	sadd.s32 s7, s4;
	s9 =	sadd.s32 s10, s4;
	s4 =	sadd.s32 $0x18E00, s4  }
.Ltmp0:
0x10: {  	s7 =	sshrl.u32 s24, $0x2;
	s29 =	sshrl.u32 s6, $0x3;
	(pc) =	sbr.rel .LBB2_1-.Ltmp0, $4  }
0x11: {  	s13 =	smax.u32 s13, $0x1;
	s24 =	simm.s32 $0x2;
	s14 =	sadd.s32 s7, s2  }
0x12: {  	s7 =	sadd.s32 s1, s25;
	s8 =	sadd.s32 $0x2A00, s8;
	s9 =	sadd.s32 $0x2E00, s9  }
0x13: {  	s10 =	sadd.s32 s4, s10;
	s0 =	sadd.s32 s4, s29;
	s1 =	simm.s32 $0x13E00  }
0x14: {  	s11 =	sadd.s32 $0x800, s0;
	s12 =	sadd.s32 $0x400, s0;
	s14 =	sshrl.u32 s14, $0x3  }
.LBB2_8:
0x15: {  	s0 =	simm.s32 $0x17F00  }
0x16: {  	[hbm4b:s9+s3] =	stream.linear.scatter [tilespmem:s0], [sflag:$0x3], $0x5800, $0x38;
	[tilespmem:$0x1D700] =	vst v63  }
0x17: {  	s1 =	simm.s32 $0x13E00  }
0x18: {  	[tilespmem:s20], [sflag:$0x1] =	stream.indirect.gather [spmem:s2], $0x80, s1, s19, $0xb8;
	[tilespmem:$0x1D700] =	vst v63  }
0x19: {  	s28 =	simm.s32 $0x13E40  }
0x1a: {  	[tilespmem:s22], [sflag:$0x2] =	stream.indirect.gather [spmem:s2], $0x80, s28, s19, $0xb8;
	[tilespmem:$0x1D700] =	vst v63  }
0x1b: {  	_ =	swait.ge [sflag:s23], $0x2000  }
0x1c: {  	[sflag:s23] =	ssyncset.done $0x0  }
0x1d: {  	[sflag:s23] =	ssyncadd.s32 $0xFFFFE000  }
0x1e: {  	[hbm4b:s10+s3] =	stream.linear.scatter [tilespmem:s20], [sflag:$0x4], $0x2000, $0x38;
	[tilespmem:$0x1D700] =	vst v63  }
0x1f: {  	_ =	swait.ge [sflag:s15], $0x2000  }
0x20: {  	[sflag:s15] =	ssyncset.done $0x0  }
0x21: {  	s29 =	simm.s32 $0x30;
	s4 =	simm.s32 $0x13E80;
	[sflag:s15] =	ssyncadd.s32 $0xFFFFE000  }
0x22: {  	[tilespmem:s20], [sflag:$0x1] =	stream.indirect.gather [spmem:s2], $0x80, s4, s29, $0xb8;
	[tilespmem:$0x1D700] =	vst v63  }
0x23: {  	_ =	swait.ge [sflag:s23], $0x1800  }
0x24: {  	[sflag:s23] =	ssyncset.done $0x0  }
0x25: {  	[sflag:s23] =	ssyncadd.s32 $0xFFFFE800  }
0x26: {  	[hbm4b:s11+s3] =	stream.linear.scatter [tilespmem:s20], [sflag:$0x4], $0x1800, $0x38;
	[tilespmem:$0x1D700] =	vst v63  }
0x27: {  	_ =	swait.ge [sflag:s15], $0x1800  }
0x28: {  	[sflag:s15] =	ssyncset.done $0x0  }
0x29: {  	[sflag:s15] =	ssyncadd.s32 $0xFFFFE800  }
0x2a: {  	_ =	swait.ge [sflag:s24], $0x2000  }
0x2b: {  	[sflag:s24] =	ssyncset.done $0x0  }
0x2c: {  	s31 =	sadd.s32 $0x1, s31;
	[sflag:s24] =	ssyncadd.s32 $0xFFFFE000  }
0x2d: {  	[hbm4b:s12+s3] =	stream.linear.scatter [tilespmem:s22], [sflag:$0x4], $0x2000, $0x38;
	[tilespmem:$0x1D700] =	vst v63  }
0x2e: {  	p1 =	sne.s32 s31, s13;
	_ =	swait.ge [sflag:s15], $0x2000  }
.Ltmp1:
0x2f: {  	[sflag:s15] =	ssyncset.done $0x0;
	(pc) =	sbr.rel @!p1 .LBB2_9-.Ltmp1, $4  }
0x30: {  	[sflag:s15] =	ssyncadd.s32 $0xFFFFE000  }
0x31: {  	_ =	swait.ge [sflag:s30], $0x5800  }
0x32: {  	[sflag:s30] =	ssyncset.done $0x0  }
0x33: {  	[sflag:s30] =	ssyncadd.s32 $0xFFFFA800  }
.LBB2_1:
0x34: {  	s0 =	rddreg [dreg:$0x5]  }
0x35: {  	[spmem:s14], [sflag:s5] =	dma.local [hbm:s0], $0x2700  }
0x36: {  	_ =	swait.ge [sflag:s15], $0x2700  }
0x37: {  	[sflag:s15] =	ssyncset.done $0x0  }
0x38: {  	s0 =	rddreg [dreg:$0x6];
	[sflag:s15] =	ssyncadd.s32 $0xFFFFD900  }
0x39: {  	[spmem:s16], [sflag:s5] =	dma.local @!p0 [hbm:s0], $0x100  }
0x3a: {  	s0 =	simm.s32 @!p0 $0x4  }
0x3b: {  	_ =	swait.ge @!p0 [sflag:s0], $0x100  }
0x3c: {  	[sflag:s0] =	ssyncset.done @!p0 $0x0  }
0x3d: {  	s28 =	simm.s32 $0x13880;
	[sflag:s0] =	ssyncadd.s32 @!p0 $0xFFFFFF00  }
0x3e: {  	[tilespmem:s28], [sflag:$0x4] =	stream.linear.gather [hbm4b:s7+s3], $0x580, $0x38;
	[tilespmem:$0x1D700] =	vst v63  }
0x3f: {  	_ =	swait.ge [sflag:s15], $0x580  }
0x40: {  	[sflag:s15] =	ssyncset.done $0x0  }
0x41: {  	[sflag:s15] =	ssyncadd.s32 $0xFFFFFA80  }
0x42: {  	[tilespmem:s1], [sflag:$0x4] =	stream.linear.gather [hbm4b:s8+s3], $0xB0, $0x38;
	[tilespmem:$0x1D700] =	vst v63  }
0x43: {  	_ =	swait.ge [sflag:s15], $0xB0  }
0x44: {  	[sflag:s15] =	ssyncset.done $0x0  }
0x45: {  	[sflag:s15] =	ssyncadd.s32 $0xFFFFFF50  }
0x46: {  	s29 =	simm.s32 $0x138C0;
	[bflag:$0x0] =	sbarrier.arrive $0xFFFF  }
0x47: {  	[tilespmem:s20], [sflag:$0x1] =	stream.indirect.gather [spmem:s2], $0x80, s28, s19, $0xb8;
	[tilespmem:$0x1D700] =	vst v63  }
0x48: {  	s17 =	simm.s32 $0x17F80;
	s18 =	simm.s32 $0x183F0;
	s21 =	simm.s32 $0x0  }
0x49: {  	[tilespmem:s22], [sflag:$0x2] =	stream.indirect.gather [spmem:s2], $0x80, s29, s19, $0xb8;
	[tilespmem:$0x1D700] =	vst v63  }
.LBB2_2:
0x4a: {  	_ =	swait.ge [sflag:s23], $0x2000  }
0x4b: {  	[sflag:s23] =	ssyncset.done $0x0  }
0x4c: {  	s25 =	simm.s32 $0x14300;
	[sflag:s23] =	ssyncadd.s32 $0xFFFFE000  }
0x4d: {  	v0 =	vld [tilespmem:s25+$0x0]  }
0x4e: {  	v1 =	vld [tilespmem:s25+$0x80]  }
0x4f: {  	v2 =	vld [tilespmem:s25+$0x100]  }
0x50: {  	v3 =	vld [tilespmem:s25+$0x180]  }
0x51: {  	v4 =	vld [tilespmem:s25+$0x200]  }
0x52: {  	v5 =	vld [tilespmem:s25+$0x280]  }
0x53: {  	v6 =	vld [tilespmem:s25+$0x300]  }
0x54: {  	v7 =	vld [tilespmem:s25+$0x380];
	_ =	sdelay $0x3  }
0x55: {  	v0 =	vadd.f32 v1, v0;
	v1 =	vadd.f32 v3, v2  }
0x56: {  	v2 =	vadd.f32 v5, v4;
	v3 =	vadd.f32 v7, v6;
	_ =	sdelay $0x1  }
0x57: {  	v0 =	vadd.f32 v1, v0;
	v1 =	vadd.f32 v3, v2;
	_ =	sdelay $0x1  }
0x58: {  	v0 =	vadd.f32 v1, v0;
	_ =	sdelay $0x1  }
0x59: {  	[tilespmem:s17+$0x0] =	vst v0  }
0x5a: {  	v0 =	vld [tilespmem:s25+$0x10]  }
0x5b: {  	v1 =	vld [tilespmem:s25+$0x90]  }
0x5c: {  	v2 =	vld [tilespmem:s25+$0x110]  }
0x5d: {  	v3 =	vld [tilespmem:s25+$0x190]  }
0x5e: {  	v4 =	vld [tilespmem:s25+$0x210]  }
0x5f: {  	v5 =	vld [tilespmem:s25+$0x290]  }
0x60: {  	v6 =	vld [tilespmem:s25+$0x310]  }
0x61: {  	v7 =	vld [tilespmem:s25+$0x390]  }
0x62: {  	v8 =	vld [tilespmem:s25+$0xFFFFFC80]  }
0x63: {  	v9 =	vld [tilespmem:s25+$0xFFFFFD00]  }
0x64: {  	v10 =	vld [tilespmem:s25+$0xFFFFFD80]  }
0x65: {  	v11 =	vld [tilespmem:s25+$0xFFFFFE00];
	v0 =	vadd.f32 v1, v0;
	v1 =	vadd.f32 v3, v2  }
0x66: {  	v2 =	vld [tilespmem:s25+$0xFFFFFE80];
	v3 =	vadd.f32 v5, v4;
	v4 =	vadd.f32 v7, v6  }
0x67: {  	v5 =	vld [tilespmem:s25+$0xFFFFFF00]  }
0x68: {  	v6 =	vld [tilespmem:s25+$0xFFFFFF80];
	v0 =	vadd.f32 v1, v0;
	v1 =	vadd.f32 v4, v3  }
0x69: {  	v3 =	vld [tilespmem:s25+$0xFFFFFC00]  }
0x6a: {  	v0 =	vadd.f32 v1, v0;
	_ =	sdelay $0x1  }
0x6b: {  	[tilespmem:s17+$0x10] =	vst v0  }
0x6c: {  	v1 =	vadd.f32 v2, v11;
	v4 =	vadd.f32 v6, v5;
	v2 =	vld [tilespmem:s25+$0x20]  }
0x6d: {  	v0 =	vadd.f32 v10, v9;
	v3 =	vadd.f32 v8, v3;
	v5 =	vld [tilespmem:s25+$0xA0]  }
0x6e: {  	v6 =	vld [tilespmem:s25+$0x120]  }
0x6f: {  	v1 =	vadd.f32 v4, v1;
	v4 =	vld [tilespmem:s25+$0x220];
	v0 =	vadd.f32 v0, v3  }
0x70: {  	v7 =	vld [tilespmem:s25+$0x320]  }
0x71: {  	v3 =	vld [tilespmem:s25+$0x1A0];
	v0 =	vadd.f32 v1, v0  }
0x72: {  	v1 =	vld [tilespmem:s25+$0x2A0]  }
0x73: {  	[tilespmem:s17+$0xFFFFFF80] =	vst v0;
	v0 =	vld [tilespmem:s25+$0x3A0]  }
0x74: {  	v8 =	vld [tilespmem:s25+$0xFFFFFC10]  }
0x75: {  	v9 =	vld [tilespmem:s25+$0xFFFFFC90]  }
0x76: {  	v10 =	vld [tilespmem:s25+$0xFFFFFD10]  }
0x77: {  	v2 =	vadd.f32 v5, v2;
	v11 =	vld [tilespmem:s25+$0xFFFFFD90];
	v3 =	vadd.f32 v3, v6  }
0x78: {  	v5 =	vld [tilespmem:s25+$0xFFFFFE10];
	v1 =	vadd.f32 v1, v4;
	v0 =	vadd.f32 v0, v7  }
0x79: {  	v6 =	vld [tilespmem:s25+$0xFFFFFF10]  }
0x7a: {  	v4 =	vld [tilespmem:s25+$0xFFFFFE90];
	v2 =	vadd.f32 v3, v2;
	v0 =	vadd.f32 v0, v1  }
0x7b: {  	v1 =	vld [tilespmem:s25+$0xFFFFFF90]  }
0x7c: {  	v0 =	vadd.f32 v0, v2;
	_ =	sdelay $0x1  }
0x7d: {  	[tilespmem:s17+$0x20] =	vst v0  }
0x7e: {  	v4 =	vadd.f32 v4, v5;
	v2 =	vadd.f32 v11, v10;
	v3 =	vld [tilespmem:s25+$0x30]  }
0x7f: {  	v0 =	vadd.f32 v9, v8;
	v1 =	vadd.f32 v1, v6;
	v5 =	vld [tilespmem:s25+$0xB0]  }
0x80: {  	v6 =	vld [tilespmem:s25+$0x130]  }
0x81: {  	v7 =	vld [tilespmem:s25+$0x330];
	v0 =	vadd.f32 v2, v0;
	v1 =	vadd.f32 v1, v4  }
0x82: {  	v2 =	vld [tilespmem:s25+$0x1B0]  }
0x83: {  	v4 =	vld [tilespmem:s25+$0x230];
	v0 =	vadd.f32 v1, v0  }
0x84: {  	v1 =	vld [tilespmem:s25+$0x2B0]  }
0x85: {  	[tilespmem:s17+$0xFFFFFF90] =	vst v0;
	v0 =	vld [tilespmem:s25+$0x3B0]  }
0x86: {  	v8 =	vld [tilespmem:s25+$0xFFFFFC20]  }
0x87: {  	v9 =	vld [tilespmem:s25+$0xFFFFFCA0]  }
0x88: {  	v10 =	vld [tilespmem:s25+$0xFFFFFD20]  }
0x89: {  	v3 =	vadd.f32 v5, v3;
	v2 =	vadd.f32 v2, v6;
	v11 =	vld [tilespmem:s25+$0xFFFFFDA0]  }
0x8a: {  	v5 =	vld [tilespmem:s25+$0xFFFFFE20];
	v1 =	vadd.f32 v1, v4;
	v0 =	vadd.f32 v0, v7  }
0x8b: {  	v6 =	vld [tilespmem:s25+$0xFFFFFF20]  }
0x8c: {  	v2 =	vadd.f32 v2, v3;
	v4 =	vld [tilespmem:s25+$0xFFFFFEA0];
	v0 =	vadd.f32 v0, v1  }
0x8d: {  	v1 =	vld [tilespmem:s25+$0xFFFFFFA0]  }
0x8e: {  	v0 =	vadd.f32 v0, v2;
	_ =	sdelay $0x1  }
0x8f: {  	[tilespmem:s17+$0x30] =	vst v0  }
0x90: {  	v4 =	vadd.f32 v4, v5;
	v2 =	vadd.f32 v11, v10;
	v3 =	vld [tilespmem:s25+$0x40]  }
0x91: {  	v0 =	vadd.f32 v9, v8;
	v1 =	vadd.f32 v1, v6;
	v5 =	vld [tilespmem:s25+$0xC0]  }
0x92: {  	v6 =	vld [tilespmem:s25+$0x140]  }
0x93: {  	v7 =	vld [tilespmem:s25+$0x340];
	v0 =	vadd.f32 v2, v0;
	v1 =	vadd.f32 v1, v4  }
0x94: {  	v2 =	vld [tilespmem:s25+$0x1C0]  }
0x95: {  	v4 =	vld [tilespmem:s25+$0x240];
	v0 =	vadd.f32 v1, v0  }
0x96: {  	v1 =	vld [tilespmem:s25+$0x2C0]  }
0x97: {  	[tilespmem:s17+$0xFFFFFFA0] =	vst v0;
	v0 =	vld [tilespmem:s25+$0x3C0]  }
0x98: {  	v8 =	vld [tilespmem:s25+$0xFFFFFC30]  }
0x99: {  	v9 =	vld [tilespmem:s25+$0xFFFFFCB0]  }
0x9a: {  	v10 =	vld [tilespmem:s25+$0xFFFFFD30]  }
0x9b: {  	v3 =	vadd.f32 v5, v3;
	v2 =	vadd.f32 v2, v6;
	v11 =	vld [tilespmem:s25+$0xFFFFFDB0]  }
0x9c: {  	v5 =	vld [tilespmem:s25+$0xFFFFFE30];
	v1 =	vadd.f32 v1, v4;
	v0 =	vadd.f32 v0, v7  }
0x9d: {  	v6 =	vld [tilespmem:s25+$0xFFFFFF30]  }
0x9e: {  	v2 =	vadd.f32 v2, v3;
	v4 =	vld [tilespmem:s25+$0xFFFFFEB0];
	v0 =	vadd.f32 v0, v1  }
0x9f: {  	v1 =	vld [tilespmem:s25+$0xFFFFFFB0]  }
0xa0: {  	v0 =	vadd.f32 v0, v2;
	_ =	sdelay $0x1  }
0xa1: {  	[tilespmem:s17+$0x40] =	vst v0  }
0xa2: {  	v4 =	vadd.f32 v4, v5;
	v2 =	vadd.f32 v11, v10;
	v3 =	vld [tilespmem:s25+$0x50]  }
0xa3: {  	v0 =	vadd.f32 v9, v8;
	v1 =	vadd.f32 v1, v6;
	v5 =	vld [tilespmem:s25+$0xD0]  }
0xa4: {  	v6 =	vld [tilespmem:s25+$0x150]  }
0xa5: {  	v7 =	vld [tilespmem:s25+$0x350];
	v0 =	vadd.f32 v2, v0;
	v1 =	vadd.f32 v1, v4  }
0xa6: {  	v2 =	vld [tilespmem:s25+$0x1D0]  }
0xa7: {  	v4 =	vld [tilespmem:s25+$0x250];
	v0 =	vadd.f32 v1, v0  }
0xa8: {  	v1 =	vld [tilespmem:s25+$0x2D0]  }
0xa9: {  	[tilespmem:s17+$0xFFFFFFB0] =	vst v0;
	v0 =	vld [tilespmem:s25+$0x3D0]  }
0xaa: {  	v8 =	vld [tilespmem:s25+$0xFFFFFC40]  }
0xab: {  	v9 =	vld [tilespmem:s25+$0xFFFFFCC0]  }
0xac: {  	v10 =	vld [tilespmem:s25+$0xFFFFFD40]  }
0xad: {  	v3 =	vadd.f32 v5, v3;
	v2 =	vadd.f32 v2, v6;
	v11 =	vld [tilespmem:s25+$0xFFFFFDC0]  }
0xae: {  	v5 =	vld [tilespmem:s25+$0xFFFFFE40];
	v1 =	vadd.f32 v1, v4;
	v0 =	vadd.f32 v0, v7  }
0xaf: {  	v6 =	vld [tilespmem:s25+$0xFFFFFF40]  }
0xb0: {  	v2 =	vadd.f32 v2, v3;
	v4 =	vld [tilespmem:s25+$0xFFFFFEC0];
	v0 =	vadd.f32 v0, v1  }
0xb1: {  	s26 =	simm.s32 $0x14B00;
	v1 =	vld [tilespmem:s25+$0xFFFFFFC0]  }
0xb2: {  	v20 =	vld [tilespmem:s26+$0xFFFFFD80];
	v0 =	vadd.f32 v0, v2  }
0xb3: {  	v2 =	vadd.f32 v11, v10;
	v10 =	vld [tilespmem:s26+$0x80]  }
0xb4: {  	v11 =	vld [tilespmem:s26+$0x380];
	[tilespmem:s17+$0x50] =	vst v0  }
0xb5: {  	v4 =	vadd.f32 v4, v5;
	v3 =	vld [tilespmem:s25+$0x60]  }
0xb6: {  	v0 =	vadd.f32 v9, v8;
	v1 =	vadd.f32 v1, v6;
	v5 =	vld [tilespmem:s25+$0xE0]  }
0xb7: {  	v6 =	vld [tilespmem:s25+$0x160]  }
0xb8: {  	v7 =	vld [tilespmem:s25+$0x360];
	v0 =	vadd.f32 v2, v0;
	v1 =	vadd.f32 v1, v4  }
0xb9: {  	v2 =	vld [tilespmem:s25+$0x1E0]  }
0xba: {  	v4 =	vld [tilespmem:s25+$0x260];
	v0 =	vadd.f32 v1, v0  }
0xbb: {  	v1 =	vld [tilespmem:s25+$0x2E0]  }
0xbc: {  	[tilespmem:s17+$0xFFFFFFC0] =	vst v0;
	v0 =	vld [tilespmem:s25+$0x3E0]  }
0xbd: {  	v9 =	vld [tilespmem:s26+$0x0]  }
0xbe: {  	v3 =	vadd.f32 v5, v3;
	v5 =	vld [tilespmem:s26+$0x100];
	v2 =	vadd.f32 v2, v6  }
0xbf: {  	v6 =	vld [tilespmem:s26+$0x200]  }
0xc0: {  	v2 =	vadd.f32 v2, v3;
	v3 =	vld [tilespmem:s26+$0x280]  }
0xc1: {  	v1 =	vadd.f32 v1, v4;
	v4 =	vld [tilespmem:s26+$0x180];
	v0 =	vadd.f32 v0, v7  }
0xc2: {  	v7 =	vld [tilespmem:s26+$0x300]  }
0xc3: {  	v21 =	vld [tilespmem:s26+$0xFFFFFE00];
	v0 =	vadd.f32 v0, v1  }
0xc4: {  	v22 =	vld [tilespmem:s26+$0xFFFFFE80]  }
0xc5: {  	v23 =	vld [tilespmem:s26+$0xFFFFFF00];
	v0 =	vadd.f32 v0, v2  }
0xc6: {  	v60 =	vld [tilespmem:s26+$0xFFFFFC00];
	v6 =	vadd.f32 v3, v6;
	v5 =	vadd.f32 v4, v5  }
0xc7: {  	v8 =	vld [tilespmem:s25+$0xFFFFFC50];
	[tilespmem:s17+$0x60] =	vst v0;
	v0 =	vadd.f32 v10, v9;
	v9 =	vadd.f32 v11, v7  }
0xc8: {  	v12 =	vld [tilespmem:s25+$0xFFFFFCD0]  }
0xc9: {  	v13 =	vld [tilespmem:s25+$0xFFFFFD50];
	v0 =	vadd.f32 v5, v0;
	v9 =	vadd.f32 v9, v6  }
0xca: {  	v61 =	vld [tilespmem:s25+$0xFFFFFDD0]  }
0xcb: {  	v62 =	vld [tilespmem:s25+$0xFFFFFED0];
	v0 =	vadd.f32 v9, v0  }
0xcc: {  	s28 =	sadd.s32 $0x100, s17;
	v63 =	vld [tilespmem:s25+$0xFFFFFFD0]  }
0xcd: {  	v10 =	vld [tilespmem:s26+$0xFFFFFD00];
	[tilespmem:s28+$0x0] =	vst v0  }
0xce: {  	v0 =	vld [tilespmem:s26+$0x10]  }
0xcf: {  	v11 =	vld [tilespmem:s26+$0x90]  }
0xd0: {  	v14 =	vld [tilespmem:s26+$0x110]  }
0xd1: {  	v15 =	vld [tilespmem:s26+$0x190]  }
0xd2: {  	v16 =	vld [tilespmem:s26+$0x210]  }
0xd3: {  	v17 =	vld [tilespmem:s26+$0x290]  }
0xd4: {  	v18 =	vld [tilespmem:s26+$0x310]  }
0xd5: {  	v19 =	vld [tilespmem:s26+$0x390]  }
0xd6: {  	v1 =	vld [tilespmem:s25+$0x70]  }
0xd7: {  	v2 =	vld [tilespmem:s25+$0xF0]  }
0xd8: {  	v4 =	vld [tilespmem:s25+$0x170]  }
0xd9: {  	v7 =	vld [tilespmem:s25+$0x1F0];
	v0 =	vadd.f32 v11, v0;
	v11 =	vadd.f32 v15, v14  }
0xda: {  	v3 =	vld [tilespmem:s25+$0x270];
	v15 =	vadd.f32 v17, v16;
	v59 =	vadd.f32 v19, v18  }
0xdb: {  	v9 =	vld [tilespmem:s26+$0xFFFFFC80]  }
0xdc: {  	v14 =	vld [tilespmem:s26+$0xFFFFFF80];
	v0 =	vadd.f32 v11, v0;
	v11 =	vadd.f32 v59, v15  }
0xdd: {  	v5 =	vld [tilespmem:s25+$0x2F0]  }
0xde: {  	v6 =	vld [tilespmem:s25+$0x370];
	v0 =	vadd.f32 v11, v0  }
0xdf: {  	v15 =	vld [tilespmem:s25+$0xFFFFFE50]  }
0xe0: {  	v11 =	vld [tilespmem:s25+$0xFFFFFF50];
	[tilespmem:s28+$0x10] =	vst v0  }
0xe1: {  	v9 =	vadd.f32 v9, v60;
	v14 =	vadd.f32 v14, v23;
	v24 =	vld [tilespmem:s26+$0x20]  }
0xe2: {  	v0 =	vadd.f32 v20, v10;
	v10 =	vadd.f32 v22, v21;
	v25 =	vld [tilespmem:s26+$0xA0]  }
0xe3: {  	v26 =	vld [tilespmem:s26+$0x120]  }
0xe4: {  	v27 =	vld [tilespmem:s26+$0x320];
	v10 =	vadd.f32 v14, v10;
	v0 =	vadd.f32 v0, v9  }
0xe5: {  	v9 =	vld [tilespmem:s26+$0x1A0]  }
0xe6: {  	v14 =	vld [tilespmem:s26+$0x220];
	v0 =	vadd.f32 v10, v0  }
0xe7: {  	v10 =	vld [tilespmem:s26+$0x2A0]  }
0xe8: {  	v8 =	vadd.f32 v12, v8;
	v12 =	vadd.f32 v61, v13;
	[tilespmem:s28+$0xFFFFFF80] =	vst v0;
	v0 =	vld [tilespmem:s26+$0x3A0]  }
0xe9: {  	v13 =	vadd.f32 v62, v15;
	v11 =	vadd.f32 v63, v11;
	v15 =	vld [tilespmem:s26+$0xFFFFFC10]  }
0xea: {  	v28 =	vld [tilespmem:s26+$0xFFFFFC90]  }
0xeb: {  	v8 =	vadd.f32 v12, v8;
	v11 =	vadd.f32 v11, v13;
	v12 =	vld [tilespmem:s26+$0xFFFFFD10]  }
0xec: {  	v17 =	vadd.f32 v25, v24;
	v13 =	vld [tilespmem:s26+$0xFFFFFD90];
	v9 =	vadd.f32 v9, v26  }
0xed: {  	v29 =	vld [tilespmem:s26+$0xFFFFFE10];
	v10 =	vadd.f32 v10, v14;
	v0 =	vadd.f32 v0, v27  }
0xee: {  	v11 =	vadd.f32 v11, v8;
	v30 =	vld [tilespmem:s26+$0xFFFFFF10]  }
0xef: {  	v14 =	vld [tilespmem:s26+$0xFFFFFE90];
	v9 =	vadd.f32 v9, v17;
	v0 =	vadd.f32 v0, v10  }
0xf0: {  	v10 =	vld [tilespmem:s26+$0xFFFFFF90]  }
0xf1: {  	v8 =	vld [tilespmem:s25+$0x3F0];
	[tilespmem:s17+$0xFFFFFFD0] =	vst v11;
	v0 =	vadd.f32 v0, v9  }
0xf2: {  	v11 =	vld [tilespmem:s25+$0xFFFFFCE0]  }
0xf3: {  	v38 =	vld [tilespmem:s25+$0xFFFFFE60];
	[tilespmem:s28+$0x20] =	vst v0  }
0xf4: {  	v12 =	vadd.f32 v13, v12;
	v14 =	vadd.f32 v14, v29;
	v13 =	vld [tilespmem:s26+$0x30]  }
0xf5: {  	v0 =	vadd.f32 v28, v15;
	v10 =	vadd.f32 v10, v30;
	v15 =	vld [tilespmem:s26+$0xB0]  }
0xf6: {  	v31 =	vld [tilespmem:s26+$0x130]  }
0xf7: {  	v32 =	vld [tilespmem:s26+$0x330];
	v0 =	vadd.f32 v12, v0;
	v10 =	vadd.f32 v10, v14  }
0xf8: {  	v12 =	vld [tilespmem:s26+$0x1B0]  }
0xf9: {  	v14 =	vld [tilespmem:s26+$0x230];
	v0 =	vadd.f32 v10, v0  }
0xfa: {  	v10 =	vld [tilespmem:s26+$0x2B0]  }
0xfb: {  	[tilespmem:s28+$0xFFFFFF90] =	vst v0;
	v0 =	vld [tilespmem:s26+$0x3B0]  }
0xfc: {  	v33 =	vld [tilespmem:s26+$0xFFFFFC20]  }
0xfd: {  	v34 =	vld [tilespmem:s26+$0xFFFFFCA0]  }
0xfe: {  	v35 =	vld [tilespmem:s26+$0xFFFFFD20]  }
0xff: {  	v13 =	vadd.f32 v15, v13;
	v12 =	vadd.f32 v12, v31;
	v36 =	vld [tilespmem:s26+$0xFFFFFDA0]  }
0x100: {  	v15 =	vld [tilespmem:s26+$0xFFFFFE20];
	v10 =	vadd.f32 v10, v14;
	v0 =	vadd.f32 v0, v32  }
0x101: {  	v37 =	vld [tilespmem:s26+$0xFFFFFF20]  }
0x102: {  	v12 =	vadd.f32 v12, v13;
	v14 =	vld [tilespmem:s26+$0xFFFFFEA0];
	v0 =	vadd.f32 v0, v10  }
0x103: {  	v10 =	vld [tilespmem:s26+$0xFFFFFFA0]  }
0x104: {  	v9 =	vld [tilespmem:s25+$0xFFFFFC60];
	v0 =	vadd.f32 v0, v12  }
0x105: {  	v13 =	vld [tilespmem:s25+$0xFFFFFD60]  }
0x106: {  	v12 =	vld [tilespmem:s25+$0xFFFFFDE0];
	[tilespmem:s28+$0x30] =	vst v0  }
0x107: {  	v39 =	vadd.f32 v36, v35;
	v14 =	vadd.f32 v14, v15;
	v40 =	vld [tilespmem:s26+$0x40]  }
0x108: {  	v0 =	vadd.f32 v34, v33;
	v10 =	vadd.f32 v10, v37;
	v15 =	vld [tilespmem:s26+$0xC0]  }
0x109: {  	v41 =	vld [tilespmem:s26+$0x140]  }
0x10a: {  	v42 =	vld [tilespmem:s26+$0x240];
	v0 =	vadd.f32 v39, v0;
	v10 =	vadd.f32 v10, v14  }
0x10b: {  	v43 =	vld [tilespmem:s26+$0x340]  }
0x10c: {  	v14 =	vld [tilespmem:s26+$0x1C0];
	v0 =	vadd.f32 v10, v0  }
0x10d: {  	v10 =	vld [tilespmem:s26+$0x2C0]  }
0x10e: {  	[tilespmem:s28+$0xFFFFFFA0] =	vst v0;
	v0 =	vld [tilespmem:s26+$0x3C0]  }
0x10f: {  	v44 =	vld [tilespmem:s26+$0xFFFFFC30]  }
0x110: {  	v45 =	vld [tilespmem:s26+$0xFFFFFCB0]  }
0x111: {  	v46 =	vld [tilespmem:s26+$0xFFFFFD30]  }
0x112: {  	v15 =	vadd.f32 v15, v40;
	v47 =	vld [tilespmem:s26+$0xFFFFFDB0];
	v14 =	vadd.f32 v14, v41  }
0x113: {  	v48 =	vld [tilespmem:s26+$0xFFFFFE30];
	v10 =	vadd.f32 v10, v42;
	v0 =	vadd.f32 v0, v43  }
0x114: {  	v49 =	vld [tilespmem:s26+$0xFFFFFEB0]  }
0x115: {  	v50 =	vld [tilespmem:s26+$0xFFFFFF30];
	v14 =	vadd.f32 v14, v15;
	v0 =	vadd.f32 v0, v10  }
0x116: {  	v10 =	vld [tilespmem:s26+$0xFFFFFFB0]  }
0x117: {  	v15 =	vld [tilespmem:s25+$0xFFFFFEE0];
	v0 =	vadd.f32 v0, v14  }
0x118: {  	v14 =	vld [tilespmem:s25+$0xFFFFFF60]  }
0x119: {  	[tilespmem:s28+$0x40] =	vst v0;
	v0 =	vld [tilespmem:s25+$0xFFFFFFE0]  }
0x11a: {  	v21 =	vadd.f32 v45, v44;
	v19 =	vadd.f32 v47, v46;
	v51 =	vld [tilespmem:s26+$0x50]  }
0x11b: {  	v16 =	vadd.f32 v49, v48;
	v10 =	vadd.f32 v10, v50;
	v52 =	vld [tilespmem:s26+$0xD0]  }
0x11c: {  	v53 =	vld [tilespmem:s26+$0x150]  }
0x11d: {  	v19 =	vadd.f32 v19, v21;
	v54 =	vld [tilespmem:s26+$0x1D0];
	v10 =	vadd.f32 v10, v16  }
0x11e: {  	v55 =	vld [tilespmem:s26+$0x250]  }
0x11f: {  	v56 =	vld [tilespmem:s26+$0x2D0];
	v10 =	vadd.f32 v10, v19  }
0x120: {  	v57 =	vld [tilespmem:s26+$0x350]  }
0x121: {  	[tilespmem:s28+$0xFFFFFFB0] =	vst v10;
	v10 =	vld [tilespmem:s26+$0x3D0]  }
0x122: {  	v9 =	vadd.f32 v11, v9;
	v11 =	vadd.f32 v12, v13;
	v13 =	vld [tilespmem:s26+$0xFFFFFC40]  }
0x123: {  	v12 =	vadd.f32 v15, v38;
	v0 =	vadd.f32 v0, v14;
	v14 =	vld [tilespmem:s26+$0xFFFFFCC0]  }
0x124: {  	v9 =	vadd.f32 v11, v9;
	v15 =	vadd.f32 v54, v53;
	v11 =	vld [tilespmem:s26+$0xFFFFFD40]  }
0x125: {  	v59 =	vadd.f32 v56, v55;
	v0 =	vadd.f32 v0, v12;
	v58 =	vld [tilespmem:s26+$0xFFFFFDC0]  }
0x126: {  	v12 =	vadd.f32 v52, v51;
	v60 =	vld [tilespmem:s26+$0xFFFFFE40];
	v10 =	vadd.f32 v10, v57  }
0x127: {  	v61 =	vld [tilespmem:s26+$0xFFFFFEC0];
	v0 =	vadd.f32 v0, v9  }
0x128: {  	v9 =	vadd.f32 v15, v12;
	v12 =	vld [tilespmem:s26+$0xFFFFFF40];
	v10 =	vadd.f32 v10, v59  }
0x129: {  	v15 =	vld [tilespmem:s26+$0xFFFFFFC0];
	[tilespmem:s17+$0xFFFFFFE0] =	vst v0  }
0x12a: {  	v62 =	vld [tilespmem:s25+$0xFFFFFC70];
	v0 =	vadd.f32 v10, v9  }
0x12b: {  	v63 =	vld [tilespmem:s25+$0xFFFFFCF0]  }
0x12c: {  	[tilespmem:s28+$0x50] =	vst v0;
	v0 =	vld [tilespmem:s25+$0xFFFFFD70]  }
0x12d: {  	v13 =	vadd.f32 v14, v13;
	v11 =	vadd.f32 v58, v11;
	v9 =	vld [tilespmem:s26+$0x60]  }
0x12e: {  	v14 =	vadd.f32 v61, v60;
	v12 =	vadd.f32 v15, v12;
	v10 =	vld [tilespmem:s26+$0xE0]  }
0x12f: {  	v1 =	vadd.f32 v2, v1;
	v2 =	vadd.f32 v7, v4;
	v4 =	vld [tilespmem:s26+$0x160]  }
0x130: {  	v11 =	vadd.f32 v11, v13;
	v12 =	vadd.f32 v12, v14;
	v7 =	vld [tilespmem:s26+$0x1E0]  }
0x131: {  	v6 =	vadd.f32 v8, v6;
	v13 =	vadd.f32 v5, v3;
	v3 =	vld [tilespmem:s26+$0x260]  }
0x132: {  	v11 =	vadd.f32 v12, v11;
	v5 =	vld [tilespmem:s26+$0x2E0]  }
0x133: {  	v1 =	vadd.f32 v2, v1;
	v2 =	vadd.f32 v6, v13;
	v8 =	vld [tilespmem:s26+$0x360]  }
0x134: {  	v12 =	vld [tilespmem:s26+$0x3E0];
	[tilespmem:s28+$0xFFFFFFC0] =	vst v11  }
0x135: {  	v1 =	vadd.f32 v2, v1;
	v6 =	vld [tilespmem:s26+$0xFFFFFC50]  }
0x136: {  	s0 =	simm.s32 $0x2;
	v11 =	vld [tilespmem:s26+$0xFFFFFCD0]  }
0x137: {  	s4 =	simm.s32 $0x15300;
	s1 =	smov.u32 s17;
	s29 =	smov.u32 s28;
	[tilespmem:s17+$0x70] =	vst v1;
	v1 =	vadd.f32 v63, v62;
	v2 =	vld [tilespmem:s26+$0xFFFFFD50]  }
.LBB2_3:
0x138: {  	v13 =	vld [tilespmem:s4+$0x0];
	v9 =	vadd.f32 v10, v9;
	v4 =	vadd.f32 v7, v4  }
0x139: {  	v3 =	vadd.f32 v5, v3;
	v7 =	vld [tilespmem:s4+$0x80];
	v5 =	vadd.f32 v12, v8  }
0x13a: {  	v8 =	vld [tilespmem:s4+$0x100]  }
0x13b: {  	v4 =	vadd.f32 v4, v9;
	v10 =	vld [tilespmem:s4+$0x180];
	v3 =	vadd.f32 v5, v3  }
0x13c: {  	v6 =	vadd.f32 v11, v6;
	v5 =	vld [tilespmem:s4+$0x200]  }
0x13d: {  	v9 =	vld [tilespmem:s4+$0x280];
	v3 =	vadd.f32 v3, v4  }
0x13e: {  	v4 =	vld [tilespmem:s4+$0x300]  }
0x13f: {  	v11 =	vld [tilespmem:s4+$0x380];
	[tilespmem:s28+$0x60] =	vst v3  }
0x140: {  	v3 =	vld [tilespmem:s26+$0x70]  }
0x141: {  	v12 =	vld [tilespmem:s26+$0xF0]  }
0x142: {  	v14 =	vld [tilespmem:s26+$0x170]  }
0x143: {  	v15 =	vld [tilespmem:s26+$0x1F0]  }
0x144: {  	v16 =	vld [tilespmem:s26+$0x270]  }
0x145: {  	v7 =	vadd.f32 v7, v13;
	v8 =	vadd.f32 v10, v8;
	v10 =	vld [tilespmem:s26+$0x2F0]  }
0x146: {  	v5 =	vadd.f32 v9, v5;
	v4 =	vadd.f32 v11, v4;
	v9 =	vld [tilespmem:s26+$0x370]  }
0x147: {  	v11 =	vld [tilespmem:s26+$0x3F0]  }
0x148: {  	v7 =	vadd.f32 v8, v7;
	v4 =	vadd.f32 v4, v5;
	v13 =	vld [tilespmem:s4+$0xFFFFFC80]  }
0x149: {  	v5 =	vld [tilespmem:s4+$0xFFFFFD00]  }
0x14a: {  	v4 =	vadd.f32 v4, v7;
	v8 =	vld [tilespmem:s4+$0xFFFFFD80]  }
0x14b: {  	v3 =	vadd.f32 v12, v3;
	v12 =	vadd.f32 v15, v14;
	v7 =	vld [tilespmem:s4+$0xFFFFFE00]  }
0x14c: {  	s28 =	sadd.s32 $0x100, s28;
	v10 =	vadd.f32 v10, v16;
	v14 =	vld [tilespmem:s4+$0xFFFFFE80];
	v9 =	vadd.f32 v11, v9  }
0x14d: {  	v11 =	vld [tilespmem:s4+$0xFFFFFF00];
	[tilespmem:s28+$0x0] =	vst v4  }
0x14e: {  	v3 =	vadd.f32 v12, v3;
	v4 =	vld [tilespmem:s4+$0x10];
	v9 =	vadd.f32 v9, v10  }
0x14f: {  	v5 =	vadd.f32 v8, v5;
	v8 =	vld [tilespmem:s4+$0x90]  }
0x150: {  	v10 =	vld [tilespmem:s4+$0x110];
	v3 =	vadd.f32 v9, v3  }
0x151: {  	v7 =	vadd.f32 v14, v7;
	v9 =	vld [tilespmem:s4+$0x190]  }
0x152: {  	v12 =	vld [tilespmem:s4+$0x210];
	[tilespmem:s29+$0x70] =	vst v3  }
0x153: {  	v3 =	vld [tilespmem:s4+$0x290]  }
0x154: {  	v14 =	vld [tilespmem:s4+$0x310]  }
0x155: {  	v15 =	vld [tilespmem:s4+$0x390]  }
0x156: {  	v16 =	vld [tilespmem:s4+$0xFFFFFF80]  }
0x157: {  	v17 =	vld [tilespmem:s4+$0xFFFFFC00]  }
0x158: {  	v18 =	vld [tilespmem:s26+$0xFFFFFDD0]  }
0x159: {  	v4 =	vadd.f32 v8, v4;
	v8 =	vadd.f32 v9, v10;
	v9 =	vld [tilespmem:s26+$0xFFFFFE50]  }
0x15a: {  	v3 =	vadd.f32 v3, v12;
	v10 =	vadd.f32 v15, v14;
	v12 =	vld [tilespmem:s26+$0xFFFFFED0]  }
0x15b: {  	v11 =	vadd.f32 v16, v11;
	v14 =	vld [tilespmem:s26+$0xFFFFFF50]  }
0x15c: {  	v4 =	vadd.f32 v8, v4;
	v3 =	vadd.f32 v10, v3;
	v8 =	vld [tilespmem:s26+$0xFFFFFFD0]  }
0x15d: {  	v10 =	vadd.f32 v13, v17;
	v7 =	vadd.f32 v11, v7;
	v11 =	vld [tilespmem:s25+$0xFFFFFDF0]  }
0x15e: {  	v2 =	vadd.f32 v18, v2;
	v3 =	vadd.f32 v3, v4;
	v4 =	vld [tilespmem:s25+$0xFFFFFE70]  }
0x15f: {  	v5 =	vadd.f32 v5, v10;
	v9 =	vadd.f32 v12, v9;
	v10 =	vld [tilespmem:s25+$0xFFFFFEF0]  }
0x160: {  	v6 =	vadd.f32 v2, v6;
	[tilespmem:s28+$0x10] =	vst v3;
	v2 =	vld [tilespmem:s25+$0xFFFFFF70]  }
0x161: {  	v3 =	vadd.f32 v7, v5;
	v5 =	vld [tilespmem:s4+$0x20];
	v7 =	vadd.f32 v8, v14  }
0x162: {  	v8 =	vld [tilespmem:s4+$0xA0];
	v0 =	vadd.f32 v11, v0  }
0x163: {  	[tilespmem:s28+$0xFFFFFF80] =	vst v3;
	v11 =	vld [tilespmem:s4+$0x120];
	v7 =	vadd.f32 v7, v9  }
0x164: {  	v9 =	vld [tilespmem:s4+$0x1A0];
	v3 =	vadd.f32 v10, v4;
	v0 =	vadd.f32 v0, v1  }
0x165: {  	v1 =	vld [tilespmem:s4+$0x220];
	v4 =	vadd.f32 v7, v6  }
0x166: {  	v6 =	vld [tilespmem:s4+$0x2A0]  }
0x167: {  	v7 =	vld [tilespmem:s4+$0x320];
	[tilespmem:s29+$0xFFFFFFD0] =	vst v4  }
0x168: {  	v4 =	vld [tilespmem:s4+$0x3A0]  }
0x169: {  	v10 =	vld [tilespmem:s4+$0xFFFFFC10]  }
0x16a: {  	v12 =	vld [tilespmem:s4+$0xFFFFFC90]  }
0x16b: {  	v13 =	vld [tilespmem:s4+$0xFFFFFD10]  }
0x16c: {  	v5 =	vadd.f32 v8, v5;
	v8 =	vadd.f32 v9, v11;
	v14 =	vld [tilespmem:s4+$0xFFFFFD90]  }
0x16d: {  	v1 =	vadd.f32 v6, v1;
	v9 =	vld [tilespmem:s4+$0xFFFFFE10];
	v4 =	vadd.f32 v4, v7  }
0x16e: {  	v6 =	vld [tilespmem:s4+$0xFFFFFE90]  }
0x16f: {  	v5 =	vadd.f32 v8, v5;
	v7 =	vld [tilespmem:s4+$0xFFFFFF10];
	v1 =	vadd.f32 v4, v1  }
0x170: {  	v4 =	vadd.f32 v12, v10;
	v8 =	vld [tilespmem:s4+$0xFFFFFF90]  }
0x171: {  	v10 =	vadd.f32 v14, v13;
	v1 =	vadd.f32 v1, v5;
	v5 =	vld [tilespmem:s26+$0xFFFFFC60]  }
0x172: {  	v11 =	vld [tilespmem:s26+$0xFFFFFCE0]  }
0x173: {  	s0 =	sadd.s32 $0x2, s0;
	v6 =	vadd.f32 v6, v9;
	v4 =	vadd.f32 v10, v4;
	[tilespmem:s28+$0x20] =	vst v1;
	v1 =	vld [tilespmem:s26+$0xFFFFFD60]  }
0x174: {  	p1 =	slt.u32 s0, $0x6;
	v9 =	vld [tilespmem:s4+$0x30]  }
0x175: {  	v7 =	vadd.f32 v8, v7;
	v8 =	vld [tilespmem:s4+$0xB0]  }
0x176: {  	v10 =	vld [tilespmem:s4+$0x130]  }
0x177: {  	v6 =	vadd.f32 v7, v6;
	v7 =	vld [tilespmem:s4+$0x1B0];
	v5 =	vadd.f32 v11, v5  }
0x178: {  	v11 =	vld [tilespmem:s4+$0x230]  }
0x179: {  	v4 =	vadd.f32 v6, v4;
	v6 =	vld [tilespmem:s4+$0x2B0]  }
0x17a: {  	v12 =	vld [tilespmem:s4+$0x330]  }
0x17b: {  	[tilespmem:s28+$0xFFFFFF90] =	vst v4;
	v4 =	vld [tilespmem:s4+$0x3B0]  }
0x17c: {  	v13 =	vld [tilespmem:s4+$0xFFFFFC20]  }
0x17d: {  	v14 =	vld [tilespmem:s4+$0xFFFFFCA0]  }
0x17e: {  	v15 =	vld [tilespmem:s4+$0xFFFFFD20]  }
0x17f: {  	v8 =	vadd.f32 v8, v9;
	v7 =	vadd.f32 v7, v10;
	v16 =	vld [tilespmem:s4+$0xFFFFFDA0]  }
0x180: {  	v6 =	vadd.f32 v6, v11;
	v9 =	vld [tilespmem:s4+$0xFFFFFE20];
	v4 =	vadd.f32 v4, v12  }
0x181: {  	v10 =	vld [tilespmem:s4+$0xFFFFFEA0]  }
0x182: {  	v7 =	vadd.f32 v7, v8;
	v11 =	vld [tilespmem:s4+$0xFFFFFF20];
	v4 =	vadd.f32 v4, v6  }
0x183: {  	v6 =	vadd.f32 v14, v13;
	v8 =	vld [tilespmem:s4+$0xFFFFFFA0]  }
0x184: {  	v12 =	vadd.f32 v16, v15;
	v4 =	vadd.f32 v4, v7;
	v7 =	vld [tilespmem:s26+$0xFFFFFDE0]  }
0x185: {  	v13 =	vld [tilespmem:s26+$0xFFFFFE60]  }
0x186: {  	v9 =	vadd.f32 v10, v9;
	v6 =	vadd.f32 v12, v6;
	[tilespmem:s28+$0x30] =	vst v4;
	v4 =	vld [tilespmem:s26+$0xFFFFFEE0]  }
0x187: {  	v10 =	vld [tilespmem:s4+$0x40]  }
0x188: {  	v8 =	vadd.f32 v8, v11;
	v11 =	vld [tilespmem:s4+$0xC0]  }
0x189: {  	v12 =	vld [tilespmem:s4+$0x140];
	v1 =	vadd.f32 v7, v1  }
0x18a: {  	v7 =	vadd.f32 v8, v9;
	v8 =	vld [tilespmem:s4+$0x1C0]  }
0x18b: {  	v9 =	vld [tilespmem:s4+$0x240];
	v4 =	vadd.f32 v4, v13;
	v1 =	vadd.f32 v1, v5  }
0x18c: {  	v5 =	vadd.f32 v7, v6;
	v6 =	vld [tilespmem:s4+$0x2C0]  }
0x18d: {  	v7 =	vld [tilespmem:s4+$0x340]  }
0x18e: {  	[tilespmem:s28+$0xFFFFFFA0] =	vst v5;
	v5 =	vld [tilespmem:s4+$0x3C0]  }
0x18f: {  	v13 =	vld [tilespmem:s4+$0xFFFFFC30]  }
0x190: {  	v14 =	vld [tilespmem:s4+$0xFFFFFCB0]  }
0x191: {  	v15 =	vld [tilespmem:s4+$0xFFFFFD30]  }
0x192: {  	v10 =	vadd.f32 v11, v10;
	v8 =	vadd.f32 v8, v12;
	v16 =	vld [tilespmem:s4+$0xFFFFFDB0]  }
0x193: {  	v6 =	vadd.f32 v6, v9;
	v11 =	vld [tilespmem:s4+$0xFFFFFE30];
	v5 =	vadd.f32 v5, v7  }
0x194: {  	v7 =	vld [tilespmem:s4+$0xFFFFFEB0]  }
0x195: {  	v8 =	vadd.f32 v8, v10;
	v9 =	vld [tilespmem:s4+$0xFFFFFF30];
	v5 =	vadd.f32 v5, v6  }
0x196: {  	v6 =	vadd.f32 v14, v13;
	v10 =	vld [tilespmem:s4+$0xFFFFFFB0]  }
0x197: {  	v12 =	vadd.f32 v16, v15;
	v5 =	vadd.f32 v5, v8;
	v8 =	vld [tilespmem:s26+$0xFFFFFF60]  }
0x198: {  	v13 =	vld [tilespmem:s26+$0xFFFFFFE0]  }
0x199: {  	v7 =	vadd.f32 v7, v11;
	v6 =	vadd.f32 v12, v6;
	[tilespmem:s28+$0x40] =	vst v5;
	v5 =	vld [tilespmem:s25+$0xFFFFFFF0];
	s25 =	smov.u32 s26;
	s26 =	smov.u32 s4  }
0x19a: {  	v11 =	vld [tilespmem:s4+$0x50]  }
0x19b: {  	v9 =	vadd.f32 v10, v9;
	v10 =	vld [tilespmem:s4+$0xD0]  }
0x19c: {  	v12 =	vld [tilespmem:s4+$0x150]  }
0x19d: {  	v7 =	vadd.f32 v9, v7;
	v9 =	vld [tilespmem:s4+$0x1D0];
	v8 =	vadd.f32 v13, v8  }
0x19e: {  	v13 =	vld [tilespmem:s4+$0x250];
	v2 =	vadd.f32 v5, v2  }
0x19f: {  	v5 =	vadd.f32 v7, v6;
	v6 =	vld [tilespmem:s4+$0x2D0];
	v4 =	vadd.f32 v8, v4  }
0x1a0: {  	v7 =	vld [tilespmem:s4+$0x350];
	v2 =	vadd.f32 v2, v3  }
0x1a1: {  	[tilespmem:s28+$0xFFFFFFB0] =	vst v5;
	v3 =	vld [tilespmem:s4+$0x3D0];
	v1 =	vadd.f32 v4, v1  }
0x1a2: {  	v4 =	vld [tilespmem:s4+$0xFFFFFC40];
	v0 =	vadd.f32 v2, v0  }
0x1a3: {  	v2 =	vld [tilespmem:s4+$0xFFFFFCC0];
	[tilespmem:s29+$0xFFFFFFE0] =	vst v1  }
0x1a4: {  	v1 =	vld [tilespmem:s4+$0xFFFFFD40];
	[tilespmem:s1+$0xFFFFFFF0] =	vst v0;
	s1 =	smov.u32 s29;
	s29 =	smov.u32 s28  }
0x1a5: {  	v5 =	vadd.f32 v10, v11;
	v8 =	vadd.f32 v9, v12;
	v0 =	vld [tilespmem:s4+$0xFFFFFDC0]  }
0x1a6: {  	v6 =	vadd.f32 v6, v13;
	v9 =	vld [tilespmem:s4+$0xFFFFFE40];
	v3 =	vadd.f32 v3, v7  }
0x1a7: {  	v7 =	vld [tilespmem:s4+$0xFFFFFEC0]  }
0x1a8: {  	v5 =	vadd.f32 v8, v5;
	v10 =	vld [tilespmem:s4+$0xFFFFFF40];
	v3 =	vadd.f32 v3, v6  }
0x1a9: {  	v2 =	vadd.f32 v2, v4;
	v4 =	vld [tilespmem:s4+$0xFFFFFFC0]  }
0x1aa: {  	v0 =	vadd.f32 v0, v1;
	v1 =	vadd.f32 v3, v5;
	v3 =	vld [tilespmem:s25+$0xFFFFFC70]  }
0x1ab: {  	v5 =	vld [tilespmem:s25+$0xFFFFFCF0]  }
0x1ac: {  	v6 =	vadd.f32 v7, v9;
	v2 =	vadd.f32 v0, v2;
	[tilespmem:s28+$0x50] =	vst v1;
	v0 =	vld [tilespmem:s25+$0xFFFFFD70]  }
0x1ad: {  	v9 =	vld [tilespmem:s4+$0x60]  }
0x1ae: {  	v1 =	vadd.f32 v4, v10;
	v10 =	vld [tilespmem:s4+$0xE0]  }
0x1af: {  	v4 =	vld [tilespmem:s4+$0x160]  }
0x1b0: {  	v6 =	vadd.f32 v1, v6;
	v7 =	vld [tilespmem:s4+$0x1E0];
	v1 =	vadd.f32 v5, v3  }
0x1b1: {  	v3 =	vld [tilespmem:s4+$0x260]  }
0x1b2: {  	v2 =	vadd.f32 v6, v2;
	v5 =	vld [tilespmem:s4+$0x2E0]  }
.Ltmp2:
0x1b3: {  	v8 =	vld [tilespmem:s4+$0x360];
	(pc) =	sbr.rel @p1 .LBB2_3-.Ltmp2, $4  }
0x1b4: {  	[tilespmem:s28+$0xFFFFFFC0] =	vst v2;
	v12 =	vld [tilespmem:s4+$0x3E0]  }
0x1b5: {  	v6 =	vld [tilespmem:s4+$0xFFFFFC50]  }
0x1b6: {  	v11 =	vld [tilespmem:s4+$0xFFFFFCD0]  }
0x1b7: {  	s4 =	sadd.s32 $0x800, s4;
	v2 =	vld [tilespmem:s26+$0xFFFFFD50]  }
0x1b8: {  	v13 =	vld [tilespmem:s26+$0xFFFFFDD0]  }
0x1b9: {  	v14 =	vld [tilespmem:s26+$0xFFFFFE50]  }
0x1ba: {  	v15 =	vld [tilespmem:s26+$0xFFFFFED0]  }
0x1bb: {  	v16 =	vld [tilespmem:s26+$0xFFFFFF50]  }
0x1bc: {  	v9 =	vadd.f32 v10, v9;
	v4 =	vadd.f32 v7, v4;
	v7 =	vld [tilespmem:s26+$0xFFFFFFD0]  }
0x1bd: {  	v3 =	vadd.f32 v5, v3;
	v5 =	vadd.f32 v12, v8;
	_ =	sdelay $0x1  }
0x1be: {  	v4 =	vadd.f32 v4, v9;
	v3 =	vadd.f32 v5, v3  }
0x1bf: {  	v5 =	vadd.f32 v11, v6;
	v2 =	vadd.f32 v13, v2  }
0x1c0: {  	v6 =	vadd.f32 v15, v14;
	v7 =	vadd.f32 v7, v16  }
0x1c1: {  	v3 =	vadd.f32 v3, v4  }
0x1c2: {  	v2 =	vadd.f32 v2, v5;
	v4 =	vadd.f32 v7, v6;
	_ =	sdelay $0x1  }
0x1c3: {  	[tilespmem:s28+$0x60] =	vst v3;
	v2 =	vadd.f32 v4, v2  }
0x1c4: {  	v3 =	vld [tilespmem:s26+$0x70]  }
0x1c5: {  	v12 =	vld [tilespmem:s26+$0x170];
	[tilespmem:s29+$0xFFFFFFD0] =	vst v2  }
0x1c6: {  	v2 =	vld [tilespmem:s26+$0xFFFFFC60]  }
0x1c7: {  	v5 =	vld [tilespmem:s26+$0xFFFFFCE0]  }
0x1c8: {  	v6 =	vld [tilespmem:s26+$0xFFFFFD60]  }
0x1c9: {  	v7 =	vld [tilespmem:s26+$0xFFFFFDE0]  }
0x1ca: {  	v8 =	vld [tilespmem:s26+$0xFFFFFE60]  }
0x1cb: {  	v9 =	vld [tilespmem:s26+$0xFFFFFEE0]  }
0x1cc: {  	v10 =	vld [tilespmem:s26+$0xFFFFFF60]  }
0x1cd: {  	v11 =	vld [tilespmem:s26+$0xFFFFFFE0]  }
0x1ce: {  	v13 =	vld [tilespmem:s26+$0x1F0]  }
0x1cf: {  	v14 =	vld [tilespmem:s26+$0x270]  }
0x1d0: {  	v15 =	vld [tilespmem:s26+$0x2F0]  }
0x1d1: {  	v4 =	vld [tilespmem:s26+$0xF0];
	v2 =	vadd.f32 v5, v2;
	v5 =	vadd.f32 v7, v6  }
0x1d2: {  	v6 =	vld [tilespmem:s26+$0x370];
	v7 =	vadd.f32 v9, v8;
	v8 =	vadd.f32 v11, v10  }
0x1d3: {  	v9 =	vld [tilespmem:s26+$0x3F0]  }
0x1d4: {  	v10 =	vld [tilespmem:s25+$0xFFFFFDF0];
	v2 =	vadd.f32 v5, v2;
	v5 =	vadd.f32 v8, v7  }
0x1d5: {  	v11 =	vld [tilespmem:s25+$0xFFFFFFF0]  }
0x1d6: {  	v7 =	vld [tilespmem:s25+$0xFFFFFE70];
	v2 =	vadd.f32 v5, v2  }
0x1d7: {  	v8 =	vld [tilespmem:s25+$0xFFFFFEF0]  }
0x1d8: {  	v5 =	vld [tilespmem:s25+$0xFFFFFF70];
	[tilespmem:s29+$0xFFFFFFE0] =	vst v2  }
0x1d9: {  	v2 =	vld [tilespmem:s26+$0xFFFFFC70]  }
0x1da: {  	v55 =	vld [tilespmem:s26+$0xFFFFFCF0]  }
0x1db: {  	v17 =	vld [tilespmem:s26+$0xFFFFFD70]  }
0x1dc: {  	v18 =	vld [tilespmem:s26+$0xFFFFFDF0]  }
0x1dd: {  	v3 =	vadd.f32 v4, v3;
	v4 =	vadd.f32 v13, v12;
	v12 =	vld [tilespmem:s26+$0xFFFFFE70]  }
0x1de: {  	v13 =	vadd.f32 v15, v14;
	v6 =	vadd.f32 v9, v6;
	v9 =	vld [tilespmem:s26+$0xFFFFFEF0]  }
0x1df: {  	v14 =	vld [tilespmem:s26+$0xFFFFFF70]  }
0x1e0: {  	v3 =	vadd.f32 v4, v3;
	v4 =	vadd.f32 v6, v13;
	v6 =	vld [tilespmem:s26+$0xFFFFFFF0];
	_ =	sdelay $0x1  }
0x1e1: {  	v0 =	vadd.f32 v10, v0;
	v3 =	vadd.f32 v4, v3  }
0x1e2: {  	v4 =	vadd.f32 v8, v7;
	v5 =	vadd.f32 v11, v5  }
0x1e3: {  	v2 =	vadd.f32 v55, v2;
	v7 =	vadd.f32 v18, v17  }
0x1e4: {  	v8 =	vadd.f32 v9, v12;
	v6 =	vadd.f32 v6, v14  }
0x1e5: {  	v0 =	vadd.f32 v0, v1;
	v1 =	vadd.f32 v5, v4  }
0x1e6: {  	v2 =	vadd.f32 v7, v2;
	v4 =	vadd.f32 v6, v8  }
0x1e7: {  	v0 =	vadd.f32 v1, v0  }
0x1e8: {  	p1 =	seq.s32 s21, $0xA;
	s25 =	sshll.u32 s21, $0x9;
	[tilespmem:s29+$0x70] =	vst v3;
	v1 =	vadd.f32 v4, v2  }
0x1e9: {  	s0 =	sshrl.u32 @!p1 s25, $0x2;
	[tilespmem:s1+$0xFFFFFFF0] =	vst v0  }
0x1ea: {  	s4 =	simm.s32 @!p1 $0x13F00;
	s0 =	sadd.s32 @!p1 $0x13900, s0;
	s1 =	simm.s32 @!p1 $0x40;
	[tilespmem:s29+$0xFFFFFFF0] =	vst v1  }
0x1eb: {  	[tilespmem:s4], [sflag:$0x1] =	stream.indirect.gather @!p1 [spmem:s2], $0x80, s0, s1, $0xb8;
	[tilespmem:$0x1D700] =	vst v63  }
0x1ec: {  	_ =	swait.ge [sflag:s24], $0x2000  }
0x1ed: {  	[sflag:s24] =	ssyncset.done $0x0  }
0x1ee: {  	s26 =	simm.s32 $0x16300;
	[sflag:s24] =	ssyncadd.s32 $0xFFFFE000  }
0x1ef: {  	v0 =	vld [tilespmem:s26+$0x0]  }
0x1f0: {  	v1 =	vld [tilespmem:s26+$0x80]  }
0x1f1: {  	v2 =	vld [tilespmem:s26+$0x100]  }
0x1f2: {  	v3 =	vld [tilespmem:s26+$0x180]  }
0x1f3: {  	v4 =	vld [tilespmem:s26+$0x200]  }
0x1f4: {  	v5 =	vld [tilespmem:s26+$0x280]  }
0x1f5: {  	v6 =	vld [tilespmem:s26+$0x300]  }
0x1f6: {  	v7 =	vld [tilespmem:s26+$0x380];
	_ =	sdelay $0x3  }
0x1f7: {  	v0 =	vadd.f32 v1, v0;
	v1 =	vadd.f32 v3, v2  }
0x1f8: {  	v2 =	vadd.f32 v5, v4;
	v3 =	vadd.f32 v7, v6;
	_ =	sdelay $0x1  }
0x1f9: {  	v0 =	vadd.f32 v1, v0;
	v1 =	vadd.f32 v3, v2;
	_ =	sdelay $0x1  }
0x1fa: {  	v0 =	vadd.f32 v1, v0;
	_ =	sdelay $0x1  }
0x1fb: {  	[tilespmem:s18+$0xFFFFFF90] =	vst v0  }
0x1fc: {  	v0 =	vld [tilespmem:s26+$0x10]  }
0x1fd: {  	v1 =	vld [tilespmem:s26+$0x90]  }
0x1fe: {  	v2 =	vld [tilespmem:s26+$0x110]  }
0x1ff: {  	v3 =	vld [tilespmem:s26+$0x190]  }
0x200: {  	v4 =	vld [tilespmem:s26+$0x210]  }
0x201: {  	v5 =	vld [tilespmem:s26+$0x290]  }
0x202: {  	v6 =	vld [tilespmem:s26+$0x310]  }
0x203: {  	v7 =	vld [tilespmem:s26+$0x390]  }
0x204: {  	v8 =	vld [tilespmem:s26+$0xFFFFFC80]  }
0x205: {  	v9 =	vld [tilespmem:s26+$0xFFFFFD00]  }
0x206: {  	v10 =	vld [tilespmem:s26+$0xFFFFFD80]  }
0x207: {  	v11 =	vld [tilespmem:s26+$0xFFFFFE00];
	v0 =	vadd.f32 v1, v0;
	v1 =	vadd.f32 v3, v2  }
0x208: {  	v2 =	vld [tilespmem:s26+$0xFFFFFE80];
	v3 =	vadd.f32 v5, v4;
	v4 =	vadd.f32 v7, v6  }
0x209: {  	v5 =	vld [tilespmem:s26+$0xFFFFFF00]  }
0x20a: {  	v6 =	vld [tilespmem:s26+$0xFFFFFF80];
	v0 =	vadd.f32 v1, v0;
	v1 =	vadd.f32 v4, v3  }
0x20b: {  	v3 =	vld [tilespmem:s26+$0xFFFFFC00]  }
0x20c: {  	v0 =	vadd.f32 v1, v0;
	_ =	sdelay $0x1  }
0x20d: {  	[tilespmem:s18+$0xFFFFFFA0] =	vst v0  }
0x20e: {  	v1 =	vadd.f32 v2, v11;
	v4 =	vadd.f32 v6, v5;
	v2 =	vld [tilespmem:s26+$0x20]  }
0x20f: {  	v0 =	vadd.f32 v10, v9;
	v3 =	vadd.f32 v8, v3;
	v5 =	vld [tilespmem:s26+$0xA0]  }
0x210: {  	v6 =	vld [tilespmem:s26+$0x120]  }
0x211: {  	v1 =	vadd.f32 v4, v1;
	v4 =	vld [tilespmem:s26+$0x220];
	v0 =	vadd.f32 v0, v3  }
0x212: {  	v7 =	vld [tilespmem:s26+$0x320]  }
0x213: {  	v3 =	vld [tilespmem:s26+$0x1A0];
	v0 =	vadd.f32 v1, v0  }
0x214: {  	v1 =	vld [tilespmem:s26+$0x2A0]  }
0x215: {  	[tilespmem:s18+$0xFFFFFF10] =	vst v0;
	v0 =	vld [tilespmem:s26+$0x3A0]  }
0x216: {  	v8 =	vld [tilespmem:s26+$0xFFFFFC10]  }
0x217: {  	v9 =	vld [tilespmem:s26+$0xFFFFFC90]  }
0x218: {  	v10 =	vld [tilespmem:s26+$0xFFFFFD10]  }
0x219: {  	v2 =	vadd.f32 v5, v2;
	v11 =	vld [tilespmem:s26+$0xFFFFFD90];
	v3 =	vadd.f32 v3, v6  }
0x21a: {  	v5 =	vld [tilespmem:s26+$0xFFFFFE10];
	v1 =	vadd.f32 v1, v4;
	v0 =	vadd.f32 v0, v7  }
0x21b: {  	v6 =	vld [tilespmem:s26+$0xFFFFFF10]  }
0x21c: {  	v4 =	vld [tilespmem:s26+$0xFFFFFE90];
	v2 =	vadd.f32 v3, v2;
	v0 =	vadd.f32 v0, v1  }
0x21d: {  	v1 =	vld [tilespmem:s26+$0xFFFFFF90]  }
0x21e: {  	v0 =	vadd.f32 v0, v2;
	_ =	sdelay $0x1  }
0x21f: {  	[tilespmem:s18+$0xFFFFFFB0] =	vst v0  }
0x220: {  	v4 =	vadd.f32 v4, v5;
	v2 =	vadd.f32 v11, v10;
	v3 =	vld [tilespmem:s26+$0x30]  }
0x221: {  	v0 =	vadd.f32 v9, v8;
	v1 =	vadd.f32 v1, v6;
	v5 =	vld [tilespmem:s26+$0xB0]  }
0x222: {  	v6 =	vld [tilespmem:s26+$0x130]  }
0x223: {  	v7 =	vld [tilespmem:s26+$0x330];
	v0 =	vadd.f32 v2, v0;
	v1 =	vadd.f32 v1, v4  }
0x224: {  	v2 =	vld [tilespmem:s26+$0x1B0]  }
0x225: {  	v4 =	vld [tilespmem:s26+$0x230];
	v0 =	vadd.f32 v1, v0  }
0x226: {  	v1 =	vld [tilespmem:s26+$0x2B0]  }
0x227: {  	[tilespmem:s18+$0xFFFFFF20] =	vst v0;
	v0 =	vld [tilespmem:s26+$0x3B0]  }
0x228: {  	v8 =	vld [tilespmem:s26+$0xFFFFFC20]  }
0x229: {  	v9 =	vld [tilespmem:s26+$0xFFFFFCA0]  }
0x22a: {  	v10 =	vld [tilespmem:s26+$0xFFFFFD20]  }
0x22b: {  	v3 =	vadd.f32 v5, v3;
	v2 =	vadd.f32 v2, v6;
	v11 =	vld [tilespmem:s26+$0xFFFFFDA0]  }
0x22c: {  	v5 =	vld [tilespmem:s26+$0xFFFFFE20];
	v1 =	vadd.f32 v1, v4;
	v0 =	vadd.f32 v0, v7  }
0x22d: {  	v6 =	vld [tilespmem:s26+$0xFFFFFF20]  }
0x22e: {  	v2 =	vadd.f32 v2, v3;
	v4 =	vld [tilespmem:s26+$0xFFFFFEA0];
	v0 =	vadd.f32 v0, v1  }
0x22f: {  	v1 =	vld [tilespmem:s26+$0xFFFFFFA0]  }
0x230: {  	v0 =	vadd.f32 v0, v2;
	_ =	sdelay $0x1  }
0x231: {  	[tilespmem:s18+$0xFFFFFFC0] =	vst v0  }
0x232: {  	v4 =	vadd.f32 v4, v5;
	v2 =	vadd.f32 v11, v10;
	v3 =	vld [tilespmem:s26+$0x40]  }
0x233: {  	v0 =	vadd.f32 v9, v8;
	v1 =	vadd.f32 v1, v6;
	v5 =	vld [tilespmem:s26+$0xC0]  }
0x234: {  	v6 =	vld [tilespmem:s26+$0x140]  }
0x235: {  	v7 =	vld [tilespmem:s26+$0x340];
	v0 =	vadd.f32 v2, v0;
	v1 =	vadd.f32 v1, v4  }
0x236: {  	v2 =	vld [tilespmem:s26+$0x1C0]  }
0x237: {  	v4 =	vld [tilespmem:s26+$0x240];
	v0 =	vadd.f32 v1, v0  }
0x238: {  	v1 =	vld [tilespmem:s26+$0x2C0]  }
0x239: {  	[tilespmem:s18+$0xFFFFFF30] =	vst v0;
	v0 =	vld [tilespmem:s26+$0x3C0]  }
0x23a: {  	v8 =	vld [tilespmem:s26+$0xFFFFFC30]  }
0x23b: {  	v9 =	vld [tilespmem:s26+$0xFFFFFCB0]  }
0x23c: {  	v10 =	vld [tilespmem:s26+$0xFFFFFD30]  }
0x23d: {  	v3 =	vadd.f32 v5, v3;
	v2 =	vadd.f32 v2, v6;
	v11 =	vld [tilespmem:s26+$0xFFFFFDB0]  }
0x23e: {  	v5 =	vld [tilespmem:s26+$0xFFFFFE30];
	v1 =	vadd.f32 v1, v4;
	v0 =	vadd.f32 v0, v7  }
0x23f: {  	v6 =	vld [tilespmem:s26+$0xFFFFFF30]  }
0x240: {  	v2 =	vadd.f32 v2, v3;
	v4 =	vld [tilespmem:s26+$0xFFFFFEB0];
	v0 =	vadd.f32 v0, v1  }
0x241: {  	v1 =	vld [tilespmem:s26+$0xFFFFFFB0]  }
0x242: {  	v0 =	vadd.f32 v0, v2;
	_ =	sdelay $0x1  }
0x243: {  	[tilespmem:s18+$0xFFFFFFD0] =	vst v0  }
0x244: {  	v4 =	vadd.f32 v4, v5;
	v2 =	vadd.f32 v11, v10;
	v3 =	vld [tilespmem:s26+$0x50]  }
0x245: {  	v0 =	vadd.f32 v9, v8;
	v1 =	vadd.f32 v1, v6;
	v5 =	vld [tilespmem:s26+$0xD0]  }
0x246: {  	v6 =	vld [tilespmem:s26+$0x150]  }
0x247: {  	v7 =	vld [tilespmem:s26+$0x350];
	v0 =	vadd.f32 v2, v0;
	v1 =	vadd.f32 v1, v4  }
0x248: {  	v2 =	vld [tilespmem:s26+$0x1D0]  }
0x249: {  	v4 =	vld [tilespmem:s26+$0x250];
	v0 =	vadd.f32 v1, v0  }
0x24a: {  	v1 =	vld [tilespmem:s26+$0x2D0]  }
0x24b: {  	[tilespmem:s18+$0xFFFFFF40] =	vst v0;
	v0 =	vld [tilespmem:s26+$0x3D0]  }
0x24c: {  	v8 =	vld [tilespmem:s26+$0xFFFFFC40]  }
0x24d: {  	v9 =	vld [tilespmem:s26+$0xFFFFFCC0]  }
0x24e: {  	v10 =	vld [tilespmem:s26+$0xFFFFFD40]  }
0x24f: {  	v3 =	vadd.f32 v5, v3;
	v2 =	vadd.f32 v2, v6;
	v11 =	vld [tilespmem:s26+$0xFFFFFDC0]  }
0x250: {  	v5 =	vld [tilespmem:s26+$0xFFFFFE40];
	v1 =	vadd.f32 v1, v4;
	v0 =	vadd.f32 v0, v7  }
0x251: {  	v6 =	vld [tilespmem:s26+$0xFFFFFF40]  }
0x252: {  	v2 =	vadd.f32 v2, v3;
	v4 =	vld [tilespmem:s26+$0xFFFFFEC0];
	v0 =	vadd.f32 v0, v1  }
0x253: {  	s28 =	simm.s32 $0x16B00;
	v1 =	vld [tilespmem:s26+$0xFFFFFFC0]  }
0x254: {  	v20 =	vld [tilespmem:s28+$0xFFFFFD80];
	v0 =	vadd.f32 v0, v2  }
0x255: {  	v2 =	vadd.f32 v11, v10;
	v10 =	vld [tilespmem:s28+$0x80]  }
0x256: {  	v11 =	vld [tilespmem:s28+$0x380];
	[tilespmem:s18+$0xFFFFFFE0] =	vst v0  }
0x257: {  	v4 =	vadd.f32 v4, v5;
	v3 =	vld [tilespmem:s26+$0x60]  }
0x258: {  	v0 =	vadd.f32 v9, v8;
	v1 =	vadd.f32 v1, v6;
	v5 =	vld [tilespmem:s26+$0xE0]  }
0x259: {  	v6 =	vld [tilespmem:s26+$0x160]  }
0x25a: {  	v7 =	vld [tilespmem:s26+$0x360];
	v0 =	vadd.f32 v2, v0;
	v1 =	vadd.f32 v1, v4  }
0x25b: {  	v2 =	vld [tilespmem:s26+$0x1E0]  }
0x25c: {  	v4 =	vld [tilespmem:s26+$0x260];
	v0 =	vadd.f32 v1, v0  }
0x25d: {  	v1 =	vld [tilespmem:s26+$0x2E0]  }
0x25e: {  	[tilespmem:s18+$0xFFFFFF50] =	vst v0;
	v0 =	vld [tilespmem:s26+$0x3E0]  }
0x25f: {  	v9 =	vld [tilespmem:s28+$0x0]  }
0x260: {  	v3 =	vadd.f32 v5, v3;
	v5 =	vld [tilespmem:s28+$0x100];
	v2 =	vadd.f32 v2, v6  }
0x261: {  	v6 =	vld [tilespmem:s28+$0x200]  }
0x262: {  	v2 =	vadd.f32 v2, v3;
	v3 =	vld [tilespmem:s28+$0x280]  }
0x263: {  	v1 =	vadd.f32 v1, v4;
	v4 =	vld [tilespmem:s28+$0x180];
	v0 =	vadd.f32 v0, v7  }
0x264: {  	v7 =	vld [tilespmem:s28+$0x300]  }
0x265: {  	v21 =	vld [tilespmem:s28+$0xFFFFFE00];
	v0 =	vadd.f32 v0, v1  }
0x266: {  	v22 =	vld [tilespmem:s28+$0xFFFFFE80]  }
0x267: {  	v23 =	vld [tilespmem:s28+$0xFFFFFF00];
	v0 =	vadd.f32 v0, v2  }
0x268: {  	v60 =	vld [tilespmem:s28+$0xFFFFFC00];
	v6 =	vadd.f32 v3, v6;
	v5 =	vadd.f32 v4, v5  }
0x269: {  	v8 =	vld [tilespmem:s26+$0xFFFFFC50];
	[tilespmem:s18+$0xFFFFFFF0] =	vst v0;
	v0 =	vadd.f32 v10, v9;
	v9 =	vadd.f32 v11, v7  }
0x26a: {  	v12 =	vld [tilespmem:s26+$0xFFFFFCD0]  }
0x26b: {  	v13 =	vld [tilespmem:s26+$0xFFFFFD50];
	v0 =	vadd.f32 v5, v0;
	v9 =	vadd.f32 v9, v6  }
0x26c: {  	v61 =	vld [tilespmem:s26+$0xFFFFFDD0]  }
0x26d: {  	v62 =	vld [tilespmem:s26+$0xFFFFFED0];
	v0 =	vadd.f32 v9, v0  }
0x26e: {  	s29 =	sadd.s32 $0x100, s18;
	v63 =	vld [tilespmem:s26+$0xFFFFFFD0]  }
0x26f: {  	v10 =	vld [tilespmem:s28+$0xFFFFFD00];
	[tilespmem:s29+$0xFFFFFF90] =	vst v0  }
0x270: {  	v0 =	vld [tilespmem:s28+$0x10]  }
0x271: {  	v11 =	vld [tilespmem:s28+$0x90]  }
0x272: {  	v14 =	vld [tilespmem:s28+$0x110]  }
0x273: {  	v15 =	vld [tilespmem:s28+$0x190]  }
0x274: {  	v56 =	vld [tilespmem:s28+$0x210]  }
0x275: {  	v57 =	vld [tilespmem:s28+$0x290]  }
0x276: {  	v58 =	vld [tilespmem:s28+$0x310]  }
0x277: {  	v19 =	vld [tilespmem:s28+$0x390]  }
0x278: {  	v1 =	vld [tilespmem:s26+$0x70]  }
0x279: {  	v2 =	vld [tilespmem:s26+$0xF0]  }
0x27a: {  	v4 =	vld [tilespmem:s26+$0x170]  }
0x27b: {  	v7 =	vld [tilespmem:s26+$0x1F0];
	v0 =	vadd.f32 v11, v0;
	v11 =	vadd.f32 v15, v14  }
0x27c: {  	v3 =	vld [tilespmem:s26+$0x270];
	v15 =	vadd.f32 v57, v56;
	v59 =	vadd.f32 v19, v58  }
0x27d: {  	v9 =	vld [tilespmem:s28+$0xFFFFFC80]  }
0x27e: {  	v14 =	vld [tilespmem:s28+$0xFFFFFF80];
	v0 =	vadd.f32 v11, v0;
	v11 =	vadd.f32 v59, v15  }
0x27f: {  	v5 =	vld [tilespmem:s26+$0x2F0]  }
0x280: {  	v6 =	vld [tilespmem:s26+$0x370];
	v0 =	vadd.f32 v11, v0  }
0x281: {  	v15 =	vld [tilespmem:s26+$0xFFFFFE50]  }
0x282: {  	v11 =	vld [tilespmem:s26+$0xFFFFFF50];
	[tilespmem:s29+$0xFFFFFFA0] =	vst v0  }
0x283: {  	v9 =	vadd.f32 v9, v60;
	v14 =	vadd.f32 v14, v23;
	v24 =	vld [tilespmem:s28+$0x20]  }
0x284: {  	v0 =	vadd.f32 v20, v10;
	v10 =	vadd.f32 v22, v21;
	v25 =	vld [tilespmem:s28+$0xA0]  }
0x285: {  	v26 =	vld [tilespmem:s28+$0x120]  }
0x286: {  	v27 =	vld [tilespmem:s28+$0x320];
	v10 =	vadd.f32 v14, v10;
	v0 =	vadd.f32 v0, v9  }
0x287: {  	v9 =	vld [tilespmem:s28+$0x1A0]  }
0x288: {  	v14 =	vld [tilespmem:s28+$0x220];
	v0 =	vadd.f32 v10, v0  }
0x289: {  	v10 =	vld [tilespmem:s28+$0x2A0]  }
0x28a: {  	v8 =	vadd.f32 v12, v8;
	v12 =	vadd.f32 v61, v13;
	[tilespmem:s29+$0xFFFFFF10] =	vst v0;
	v0 =	vld [tilespmem:s28+$0x3A0]  }
0x28b: {  	v13 =	vadd.f32 v62, v15;
	v11 =	vadd.f32 v63, v11;
	v15 =	vld [tilespmem:s28+$0xFFFFFC10]  }
0x28c: {  	v28 =	vld [tilespmem:s28+$0xFFFFFC90]  }
0x28d: {  	v8 =	vadd.f32 v12, v8;
	v11 =	vadd.f32 v11, v13;
	v12 =	vld [tilespmem:s28+$0xFFFFFD10]  }
0x28e: {  	v17 =	vadd.f32 v25, v24;
	v13 =	vld [tilespmem:s28+$0xFFFFFD90];
	v9 =	vadd.f32 v9, v26  }
0x28f: {  	v29 =	vld [tilespmem:s28+$0xFFFFFE10];
	v10 =	vadd.f32 v10, v14;
	v0 =	vadd.f32 v0, v27  }
0x290: {  	v11 =	vadd.f32 v11, v8;
	v30 =	vld [tilespmem:s28+$0xFFFFFF10]  }
0x291: {  	v14 =	vld [tilespmem:s28+$0xFFFFFE90];
	v9 =	vadd.f32 v9, v17;
	v0 =	vadd.f32 v0, v10  }
0x292: {  	v10 =	vld [tilespmem:s28+$0xFFFFFF90]  }
0x293: {  	v8 =	vld [tilespmem:s26+$0x3F0];
	[tilespmem:s18+$0xFFFFFF60] =	vst v11;
	v0 =	vadd.f32 v0, v9  }
0x294: {  	v11 =	vld [tilespmem:s26+$0xFFFFFCE0]  }
0x295: {  	v38 =	vld [tilespmem:s26+$0xFFFFFE60];
	[tilespmem:s29+$0xFFFFFFB0] =	vst v0  }
0x296: {  	v12 =	vadd.f32 v13, v12;
	v14 =	vadd.f32 v14, v29;
	v13 =	vld [tilespmem:s28+$0x30]  }
0x297: {  	v0 =	vadd.f32 v28, v15;
	v10 =	vadd.f32 v10, v30;
	v15 =	vld [tilespmem:s28+$0xB0]  }
0x298: {  	v31 =	vld [tilespmem:s28+$0x130]  }
0x299: {  	v32 =	vld [tilespmem:s28+$0x330];
	v0 =	vadd.f32 v12, v0;
	v10 =	vadd.f32 v10, v14  }
0x29a: {  	v12 =	vld [tilespmem:s28+$0x1B0]  }
0x29b: {  	v14 =	vld [tilespmem:s28+$0x230];
	v0 =	vadd.f32 v10, v0  }
0x29c: {  	v10 =	vld [tilespmem:s28+$0x2B0]  }
0x29d: {  	[tilespmem:s29+$0xFFFFFF20] =	vst v0;
	v0 =	vld [tilespmem:s28+$0x3B0]  }
0x29e: {  	v33 =	vld [tilespmem:s28+$0xFFFFFC20]  }
0x29f: {  	v34 =	vld [tilespmem:s28+$0xFFFFFCA0]  }
0x2a0: {  	v35 =	vld [tilespmem:s28+$0xFFFFFD20]  }
0x2a1: {  	v13 =	vadd.f32 v15, v13;
	v12 =	vadd.f32 v12, v31;
	v36 =	vld [tilespmem:s28+$0xFFFFFDA0]  }
0x2a2: {  	v15 =	vld [tilespmem:s28+$0xFFFFFE20];
	v10 =	vadd.f32 v10, v14;
	v0 =	vadd.f32 v0, v32  }
0x2a3: {  	v37 =	vld [tilespmem:s28+$0xFFFFFF20]  }
0x2a4: {  	v12 =	vadd.f32 v12, v13;
	v14 =	vld [tilespmem:s28+$0xFFFFFEA0];
	v0 =	vadd.f32 v0, v10  }
0x2a5: {  	v10 =	vld [tilespmem:s28+$0xFFFFFFA0]  }
0x2a6: {  	v9 =	vld [tilespmem:s26+$0xFFFFFC60];
	v0 =	vadd.f32 v0, v12  }
0x2a7: {  	v13 =	vld [tilespmem:s26+$0xFFFFFD60]  }
0x2a8: {  	v12 =	vld [tilespmem:s26+$0xFFFFFDE0];
	[tilespmem:s29+$0xFFFFFFC0] =	vst v0  }
0x2a9: {  	v39 =	vadd.f32 v36, v35;
	v14 =	vadd.f32 v14, v15;
	v40 =	vld [tilespmem:s28+$0x40]  }
0x2aa: {  	v0 =	vadd.f32 v34, v33;
	v10 =	vadd.f32 v10, v37;
	v15 =	vld [tilespmem:s28+$0xC0]  }
0x2ab: {  	v41 =	vld [tilespmem:s28+$0x140]  }
0x2ac: {  	v42 =	vld [tilespmem:s28+$0x240];
	v0 =	vadd.f32 v39, v0;
	v10 =	vadd.f32 v10, v14  }
0x2ad: {  	v43 =	vld [tilespmem:s28+$0x340]  }
0x2ae: {  	v14 =	vld [tilespmem:s28+$0x1C0];
	v0 =	vadd.f32 v10, v0  }
0x2af: {  	v10 =	vld [tilespmem:s28+$0x2C0]  }
0x2b0: {  	[tilespmem:s29+$0xFFFFFF30] =	vst v0;
	v0 =	vld [tilespmem:s28+$0x3C0]  }
0x2b1: {  	v44 =	vld [tilespmem:s28+$0xFFFFFC30]  }
0x2b2: {  	v45 =	vld [tilespmem:s28+$0xFFFFFCB0]  }
0x2b3: {  	v46 =	vld [tilespmem:s28+$0xFFFFFD30]  }
0x2b4: {  	v15 =	vadd.f32 v15, v40;
	v47 =	vld [tilespmem:s28+$0xFFFFFDB0];
	v14 =	vadd.f32 v14, v41  }
0x2b5: {  	v48 =	vld [tilespmem:s28+$0xFFFFFE30];
	v10 =	vadd.f32 v10, v42;
	v0 =	vadd.f32 v0, v43  }
0x2b6: {  	v49 =	vld [tilespmem:s28+$0xFFFFFEB0]  }
0x2b7: {  	v50 =	vld [tilespmem:s28+$0xFFFFFF30];
	v14 =	vadd.f32 v14, v15;
	v0 =	vadd.f32 v0, v10  }
0x2b8: {  	v10 =	vld [tilespmem:s28+$0xFFFFFFB0]  }
0x2b9: {  	v15 =	vld [tilespmem:s26+$0xFFFFFEE0];
	v0 =	vadd.f32 v0, v14  }
0x2ba: {  	v14 =	vld [tilespmem:s26+$0xFFFFFF60]  }
0x2bb: {  	[tilespmem:s29+$0xFFFFFFD0] =	vst v0;
	v0 =	vld [tilespmem:s26+$0xFFFFFFE0]  }
0x2bc: {  	v21 =	vadd.f32 v45, v44;
	v19 =	vadd.f32 v47, v46;
	v51 =	vld [tilespmem:s28+$0x50]  }
0x2bd: {  	v16 =	vadd.f32 v49, v48;
	v10 =	vadd.f32 v10, v50;
	v52 =	vld [tilespmem:s28+$0xD0]  }
0x2be: {  	v53 =	vld [tilespmem:s28+$0x150]  }
0x2bf: {  	v19 =	vadd.f32 v19, v21;
	v54 =	vld [tilespmem:s28+$0x1D0];
	v10 =	vadd.f32 v10, v16  }
0x2c0: {  	v55 =	vld [tilespmem:s28+$0x250]  }
0x2c1: {  	v56 =	vld [tilespmem:s28+$0x2D0];
	v10 =	vadd.f32 v10, v19  }
0x2c2: {  	v57 =	vld [tilespmem:s28+$0x350]  }
0x2c3: {  	[tilespmem:s29+$0xFFFFFF40] =	vst v10;
	v10 =	vld [tilespmem:s28+$0x3D0]  }
0x2c4: {  	v9 =	vadd.f32 v11, v9;
	v11 =	vadd.f32 v12, v13;
	v13 =	vld [tilespmem:s28+$0xFFFFFC40]  }
0x2c5: {  	v12 =	vadd.f32 v15, v38;
	v0 =	vadd.f32 v0, v14;
	v14 =	vld [tilespmem:s28+$0xFFFFFCC0]  }
0x2c6: {  	v9 =	vadd.f32 v11, v9;
	v15 =	vadd.f32 v54, v53;
	v11 =	vld [tilespmem:s28+$0xFFFFFD40]  }
0x2c7: {  	v59 =	vadd.f32 v56, v55;
	v0 =	vadd.f32 v0, v12;
	v58 =	vld [tilespmem:s28+$0xFFFFFDC0]  }
0x2c8: {  	v12 =	vadd.f32 v52, v51;
	v60 =	vld [tilespmem:s28+$0xFFFFFE40];
	v10 =	vadd.f32 v10, v57  }
0x2c9: {  	v61 =	vld [tilespmem:s28+$0xFFFFFEC0];
	v0 =	vadd.f32 v0, v9  }
0x2ca: {  	v9 =	vadd.f32 v15, v12;
	v12 =	vld [tilespmem:s28+$0xFFFFFF40];
	v10 =	vadd.f32 v10, v59  }
0x2cb: {  	v15 =	vld [tilespmem:s28+$0xFFFFFFC0];
	[tilespmem:s18+$0xFFFFFF70] =	vst v0  }
0x2cc: {  	v62 =	vld [tilespmem:s26+$0xFFFFFC70];
	v0 =	vadd.f32 v10, v9  }
0x2cd: {  	v63 =	vld [tilespmem:s26+$0xFFFFFCF0]  }
0x2ce: {  	[tilespmem:s29+$0xFFFFFFE0] =	vst v0;
	v0 =	vld [tilespmem:s26+$0xFFFFFD70]  }
0x2cf: {  	v13 =	vadd.f32 v14, v13;
	v11 =	vadd.f32 v58, v11;
	v9 =	vld [tilespmem:s28+$0x60]  }
0x2d0: {  	v14 =	vadd.f32 v61, v60;
	v12 =	vadd.f32 v15, v12;
	v10 =	vld [tilespmem:s28+$0xE0]  }
0x2d1: {  	v1 =	vadd.f32 v2, v1;
	v2 =	vadd.f32 v7, v4;
	v4 =	vld [tilespmem:s28+$0x160]  }
0x2d2: {  	v11 =	vadd.f32 v11, v13;
	v12 =	vadd.f32 v12, v14;
	v7 =	vld [tilespmem:s28+$0x1E0]  }
0x2d3: {  	v6 =	vadd.f32 v8, v6;
	v13 =	vadd.f32 v5, v3;
	v3 =	vld [tilespmem:s28+$0x260]  }
0x2d4: {  	v11 =	vadd.f32 v12, v11;
	v5 =	vld [tilespmem:s28+$0x2E0]  }
0x2d5: {  	v1 =	vadd.f32 v2, v1;
	v2 =	vadd.f32 v6, v13;
	v8 =	vld [tilespmem:s28+$0x360]  }
0x2d6: {  	v12 =	vld [tilespmem:s28+$0x3E0];
	[tilespmem:s29+$0xFFFFFF50] =	vst v11  }
0x2d7: {  	v1 =	vadd.f32 v2, v1;
	v6 =	vld [tilespmem:s28+$0xFFFFFC50]  }
0x2d8: {  	s6 =	simm.s32 $0x17300;
	v11 =	vld [tilespmem:s28+$0xFFFFFCD0]  }
0x2d9: {  	s4 =	simm.s32 $0x2;
	s1 =	smov.u32 s29;
	s0 =	smov.u32 s18;
	[tilespmem:s18+$0x0] =	vst v1;
	v1 =	vadd.f32 v63, v62;
	v2 =	vld [tilespmem:s28+$0xFFFFFD50]  }
.LBB2_5:
0x2da: {  	v13 =	vld [tilespmem:s6+$0x0];
	v9 =	vadd.f32 v10, v9;
	v4 =	vadd.f32 v7, v4  }
0x2db: {  	v3 =	vadd.f32 v5, v3;
	v7 =	vld [tilespmem:s6+$0x80];
	v5 =	vadd.f32 v12, v8  }
0x2dc: {  	v8 =	vld [tilespmem:s6+$0x100]  }
0x2dd: {  	v4 =	vadd.f32 v4, v9;
	v10 =	vld [tilespmem:s6+$0x180];
	v3 =	vadd.f32 v5, v3  }
0x2de: {  	v6 =	vadd.f32 v11, v6;
	v5 =	vld [tilespmem:s6+$0x200]  }
0x2df: {  	v9 =	vld [tilespmem:s6+$0x280];
	v3 =	vadd.f32 v3, v4  }
0x2e0: {  	v4 =	vld [tilespmem:s6+$0x300]  }
0x2e1: {  	v11 =	vld [tilespmem:s6+$0x380];
	[tilespmem:s29+$0xFFFFFFF0] =	vst v3  }
0x2e2: {  	v3 =	vld [tilespmem:s28+$0x70]  }
0x2e3: {  	v12 =	vld [tilespmem:s28+$0xF0]  }
0x2e4: {  	v14 =	vld [tilespmem:s28+$0x170]  }
0x2e5: {  	v15 =	vld [tilespmem:s28+$0x1F0]  }
0x2e6: {  	v16 =	vld [tilespmem:s28+$0x270]  }
0x2e7: {  	v7 =	vadd.f32 v7, v13;
	v8 =	vadd.f32 v10, v8;
	v10 =	vld [tilespmem:s28+$0x2F0]  }
0x2e8: {  	v5 =	vadd.f32 v9, v5;
	v4 =	vadd.f32 v11, v4;
	v9 =	vld [tilespmem:s28+$0x370]  }
0x2e9: {  	v11 =	vld [tilespmem:s28+$0x3F0]  }
0x2ea: {  	v7 =	vadd.f32 v8, v7;
	v4 =	vadd.f32 v4, v5;
	v13 =	vld [tilespmem:s6+$0xFFFFFC80]  }
0x2eb: {  	v5 =	vld [tilespmem:s6+$0xFFFFFD00]  }
0x2ec: {  	v4 =	vadd.f32 v4, v7;
	v8 =	vld [tilespmem:s6+$0xFFFFFD80]  }
0x2ed: {  	v3 =	vadd.f32 v12, v3;
	v12 =	vadd.f32 v15, v14;
	v7 =	vld [tilespmem:s6+$0xFFFFFE00]  }
0x2ee: {  	s29 =	sadd.s32 $0x100, s29;
	v10 =	vadd.f32 v10, v16;
	v14 =	vld [tilespmem:s6+$0xFFFFFE80];
	v9 =	vadd.f32 v11, v9  }
0x2ef: {  	v11 =	vld [tilespmem:s6+$0xFFFFFF00];
	[tilespmem:s29+$0xFFFFFF90] =	vst v4  }
0x2f0: {  	v3 =	vadd.f32 v12, v3;
	v4 =	vld [tilespmem:s6+$0x10];
	v9 =	vadd.f32 v9, v10  }
0x2f1: {  	v5 =	vadd.f32 v8, v5;
	v8 =	vld [tilespmem:s6+$0x90]  }
0x2f2: {  	v10 =	vld [tilespmem:s6+$0x110];
	v3 =	vadd.f32 v9, v3  }
0x2f3: {  	v7 =	vadd.f32 v14, v7;
	v9 =	vld [tilespmem:s6+$0x190]  }
0x2f4: {  	v12 =	vld [tilespmem:s6+$0x210];
	[tilespmem:s1+$0x0] =	vst v3  }
0x2f5: {  	v3 =	vld [tilespmem:s6+$0x290]  }
0x2f6: {  	v14 =	vld [tilespmem:s6+$0x310]  }
0x2f7: {  	v15 =	vld [tilespmem:s6+$0x390]  }
0x2f8: {  	v16 =	vld [tilespmem:s6+$0xFFFFFF80]  }
0x2f9: {  	v17 =	vld [tilespmem:s6+$0xFFFFFC00]  }
0x2fa: {  	v18 =	vld [tilespmem:s28+$0xFFFFFDD0]  }
0x2fb: {  	v4 =	vadd.f32 v8, v4;
	v8 =	vadd.f32 v9, v10;
	v9 =	vld [tilespmem:s28+$0xFFFFFE50]  }
0x2fc: {  	v3 =	vadd.f32 v3, v12;
	v10 =	vadd.f32 v15, v14;
	v12 =	vld [tilespmem:s28+$0xFFFFFED0]  }
0x2fd: {  	v11 =	vadd.f32 v16, v11;
	v14 =	vld [tilespmem:s28+$0xFFFFFF50]  }
0x2fe: {  	v4 =	vadd.f32 v8, v4;
	v3 =	vadd.f32 v10, v3;
	v8 =	vld [tilespmem:s28+$0xFFFFFFD0]  }
0x2ff: {  	v10 =	vadd.f32 v13, v17;
	v7 =	vadd.f32 v11, v7;
	v11 =	vld [tilespmem:s26+$0xFFFFFDF0]  }
0x300: {  	v2 =	vadd.f32 v18, v2;
	v3 =	vadd.f32 v3, v4;
	v4 =	vld [tilespmem:s26+$0xFFFFFE70]  }
0x301: {  	v5 =	vadd.f32 v5, v10;
	v9 =	vadd.f32 v12, v9;
	v10 =	vld [tilespmem:s26+$0xFFFFFEF0]  }
0x302: {  	v6 =	vadd.f32 v2, v6;
	[tilespmem:s29+$0xFFFFFFA0] =	vst v3;
	v2 =	vld [tilespmem:s26+$0xFFFFFF70]  }
0x303: {  	v3 =	vadd.f32 v7, v5;
	v5 =	vld [tilespmem:s6+$0x20];
	v7 =	vadd.f32 v8, v14  }
0x304: {  	v8 =	vld [tilespmem:s6+$0xA0];
	v0 =	vadd.f32 v11, v0  }
0x305: {  	[tilespmem:s29+$0xFFFFFF10] =	vst v3;
	v11 =	vld [tilespmem:s6+$0x120];
	v7 =	vadd.f32 v7, v9  }
0x306: {  	v9 =	vld [tilespmem:s6+$0x1A0];
	v3 =	vadd.f32 v10, v4;
	v0 =	vadd.f32 v0, v1  }
0x307: {  	v1 =	vld [tilespmem:s6+$0x220];
	v4 =	vadd.f32 v7, v6  }
0x308: {  	v6 =	vld [tilespmem:s6+$0x2A0]  }
0x309: {  	v7 =	vld [tilespmem:s6+$0x320];
	[tilespmem:s1+$0xFFFFFF60] =	vst v4  }
0x30a: {  	v4 =	vld [tilespmem:s6+$0x3A0]  }
0x30b: {  	v10 =	vld [tilespmem:s6+$0xFFFFFC10]  }
0x30c: {  	v12 =	vld [tilespmem:s6+$0xFFFFFC90]  }
0x30d: {  	v13 =	vld [tilespmem:s6+$0xFFFFFD10]  }
0x30e: {  	v5 =	vadd.f32 v8, v5;
	v8 =	vadd.f32 v9, v11;
	v14 =	vld [tilespmem:s6+$0xFFFFFD90]  }
0x30f: {  	v1 =	vadd.f32 v6, v1;
	v9 =	vld [tilespmem:s6+$0xFFFFFE10];
	v4 =	vadd.f32 v4, v7  }
0x310: {  	v6 =	vld [tilespmem:s6+$0xFFFFFE90]  }
0x311: {  	v5 =	vadd.f32 v8, v5;
	v7 =	vld [tilespmem:s6+$0xFFFFFF10];
	v1 =	vadd.f32 v4, v1  }
0x312: {  	v4 =	vadd.f32 v12, v10;
	v8 =	vld [tilespmem:s6+$0xFFFFFF90]  }
0x313: {  	v10 =	vadd.f32 v14, v13;
	v1 =	vadd.f32 v1, v5;
	v5 =	vld [tilespmem:s28+$0xFFFFFC60]  }
0x314: {  	v11 =	vld [tilespmem:s28+$0xFFFFFCE0]  }
0x315: {  	s4 =	sadd.s32 $0x2, s4;
	v6 =	vadd.f32 v6, v9;
	v4 =	vadd.f32 v10, v4;
	[tilespmem:s29+$0xFFFFFFB0] =	vst v1;
	v1 =	vld [tilespmem:s28+$0xFFFFFD60]  }
0x316: {  	p2 =	slt.u32 s4, $0x6;
	v9 =	vld [tilespmem:s6+$0x30]  }
0x317: {  	v7 =	vadd.f32 v8, v7;
	v8 =	vld [tilespmem:s6+$0xB0]  }
0x318: {  	v10 =	vld [tilespmem:s6+$0x130]  }
0x319: {  	v6 =	vadd.f32 v7, v6;
	v7 =	vld [tilespmem:s6+$0x1B0];
	v5 =	vadd.f32 v11, v5  }
0x31a: {  	v11 =	vld [tilespmem:s6+$0x230]  }
0x31b: {  	v4 =	vadd.f32 v6, v4;
	v6 =	vld [tilespmem:s6+$0x2B0]  }
0x31c: {  	v12 =	vld [tilespmem:s6+$0x330]  }
0x31d: {  	[tilespmem:s29+$0xFFFFFF20] =	vst v4;
	v4 =	vld [tilespmem:s6+$0x3B0]  }
0x31e: {  	v13 =	vld [tilespmem:s6+$0xFFFFFC20]  }
0x31f: {  	v14 =	vld [tilespmem:s6+$0xFFFFFCA0]  }
0x320: {  	v15 =	vld [tilespmem:s6+$0xFFFFFD20]  }
0x321: {  	v8 =	vadd.f32 v8, v9;
	v7 =	vadd.f32 v7, v10;
	v16 =	vld [tilespmem:s6+$0xFFFFFDA0]  }
0x322: {  	v6 =	vadd.f32 v6, v11;
	v9 =	vld [tilespmem:s6+$0xFFFFFE20];
	v4 =	vadd.f32 v4, v12  }
0x323: {  	v10 =	vld [tilespmem:s6+$0xFFFFFEA0]  }
0x324: {  	v7 =	vadd.f32 v7, v8;
	v11 =	vld [tilespmem:s6+$0xFFFFFF20];
	v4 =	vadd.f32 v4, v6  }
0x325: {  	v6 =	vadd.f32 v14, v13;
	v8 =	vld [tilespmem:s6+$0xFFFFFFA0]  }
0x326: {  	v12 =	vadd.f32 v16, v15;
	v4 =	vadd.f32 v4, v7;
	v7 =	vld [tilespmem:s28+$0xFFFFFDE0]  }
0x327: {  	v13 =	vld [tilespmem:s28+$0xFFFFFE60]  }
0x328: {  	v9 =	vadd.f32 v10, v9;
	v6 =	vadd.f32 v12, v6;
	[tilespmem:s29+$0xFFFFFFC0] =	vst v4;
	v4 =	vld [tilespmem:s28+$0xFFFFFEE0]  }
0x329: {  	v10 =	vld [tilespmem:s6+$0x40]  }
0x32a: {  	v8 =	vadd.f32 v8, v11;
	v11 =	vld [tilespmem:s6+$0xC0]  }
0x32b: {  	v12 =	vld [tilespmem:s6+$0x140];
	v1 =	vadd.f32 v7, v1  }
0x32c: {  	v7 =	vadd.f32 v8, v9;
	v8 =	vld [tilespmem:s6+$0x1C0]  }
0x32d: {  	v9 =	vld [tilespmem:s6+$0x240];
	v4 =	vadd.f32 v4, v13;
	v1 =	vadd.f32 v1, v5  }
0x32e: {  	v5 =	vadd.f32 v7, v6;
	v6 =	vld [tilespmem:s6+$0x2C0]  }
0x32f: {  	v7 =	vld [tilespmem:s6+$0x340]  }
0x330: {  	[tilespmem:s29+$0xFFFFFF30] =	vst v5;
	v5 =	vld [tilespmem:s6+$0x3C0]  }
0x331: {  	v13 =	vld [tilespmem:s6+$0xFFFFFC30]  }
0x332: {  	v14 =	vld [tilespmem:s6+$0xFFFFFCB0]  }
0x333: {  	v15 =	vld [tilespmem:s6+$0xFFFFFD30]  }
0x334: {  	v10 =	vadd.f32 v11, v10;
	v8 =	vadd.f32 v8, v12;
	v16 =	vld [tilespmem:s6+$0xFFFFFDB0]  }
0x335: {  	v6 =	vadd.f32 v6, v9;
	v11 =	vld [tilespmem:s6+$0xFFFFFE30];
	v5 =	vadd.f32 v5, v7  }
0x336: {  	v7 =	vld [tilespmem:s6+$0xFFFFFEB0]  }
0x337: {  	v8 =	vadd.f32 v8, v10;
	v9 =	vld [tilespmem:s6+$0xFFFFFF30];
	v5 =	vadd.f32 v5, v6  }
0x338: {  	v6 =	vadd.f32 v14, v13;
	v10 =	vld [tilespmem:s6+$0xFFFFFFB0]  }
0x339: {  	v12 =	vadd.f32 v16, v15;
	v5 =	vadd.f32 v5, v8;
	v8 =	vld [tilespmem:s28+$0xFFFFFF60]  }
0x33a: {  	v13 =	vld [tilespmem:s28+$0xFFFFFFE0]  }
0x33b: {  	v7 =	vadd.f32 v7, v11;
	v6 =	vadd.f32 v12, v6;
	[tilespmem:s29+$0xFFFFFFD0] =	vst v5;
	v5 =	vld [tilespmem:s26+$0xFFFFFFF0];
	s26 =	smov.u32 s28;
	s28 =	smov.u32 s6  }
0x33c: {  	v11 =	vld [tilespmem:s6+$0x50]  }
0x33d: {  	v9 =	vadd.f32 v10, v9;
	v10 =	vld [tilespmem:s6+$0xD0]  }
0x33e: {  	v12 =	vld [tilespmem:s6+$0x150]  }
0x33f: {  	v7 =	vadd.f32 v9, v7;
	v9 =	vld [tilespmem:s6+$0x1D0];
	v8 =	vadd.f32 v13, v8  }
0x340: {  	v13 =	vld [tilespmem:s6+$0x250];
	v2 =	vadd.f32 v5, v2  }
0x341: {  	v5 =	vadd.f32 v7, v6;
	v6 =	vld [tilespmem:s6+$0x2D0];
	v4 =	vadd.f32 v8, v4  }
0x342: {  	v7 =	vld [tilespmem:s6+$0x350];
	v2 =	vadd.f32 v2, v3  }
0x343: {  	[tilespmem:s29+$0xFFFFFF40] =	vst v5;
	v3 =	vld [tilespmem:s6+$0x3D0];
	v1 =	vadd.f32 v4, v1  }
0x344: {  	v4 =	vld [tilespmem:s6+$0xFFFFFC40];
	v0 =	vadd.f32 v2, v0  }
0x345: {  	v2 =	vld [tilespmem:s6+$0xFFFFFCC0];
	[tilespmem:s1+$0xFFFFFF70] =	vst v1  }
0x346: {  	v1 =	vld [tilespmem:s6+$0xFFFFFD40];
	[tilespmem:s0+$0xFFFFFF80] =	vst v0;
	s0 =	smov.u32 s1;
	s1 =	smov.u32 s29  }
0x347: {  	v5 =	vadd.f32 v10, v11;
	v8 =	vadd.f32 v9, v12;
	v0 =	vld [tilespmem:s6+$0xFFFFFDC0]  }
0x348: {  	v6 =	vadd.f32 v6, v13;
	v9 =	vld [tilespmem:s6+$0xFFFFFE40];
	v3 =	vadd.f32 v3, v7  }
0x349: {  	v7 =	vld [tilespmem:s6+$0xFFFFFEC0]  }
0x34a: {  	v5 =	vadd.f32 v8, v5;
	v10 =	vld [tilespmem:s6+$0xFFFFFF40];
	v3 =	vadd.f32 v3, v6  }
0x34b: {  	v2 =	vadd.f32 v2, v4;
	v4 =	vld [tilespmem:s6+$0xFFFFFFC0]  }
0x34c: {  	v0 =	vadd.f32 v0, v1;
	v1 =	vadd.f32 v3, v5;
	v3 =	vld [tilespmem:s26+$0xFFFFFC70]  }
0x34d: {  	v5 =	vld [tilespmem:s26+$0xFFFFFCF0]  }
0x34e: {  	v6 =	vadd.f32 v7, v9;
	v2 =	vadd.f32 v0, v2;
	[tilespmem:s29+$0xFFFFFFE0] =	vst v1;
	v0 =	vld [tilespmem:s26+$0xFFFFFD70]  }
0x34f: {  	v9 =	vld [tilespmem:s6+$0x60]  }
0x350: {  	v1 =	vadd.f32 v4, v10;
	v10 =	vld [tilespmem:s6+$0xE0]  }
0x351: {  	v4 =	vld [tilespmem:s6+$0x160]  }
0x352: {  	v6 =	vadd.f32 v1, v6;
	v7 =	vld [tilespmem:s6+$0x1E0];
	v1 =	vadd.f32 v5, v3  }
0x353: {  	v3 =	vld [tilespmem:s6+$0x260]  }
0x354: {  	v2 =	vadd.f32 v6, v2;
	v5 =	vld [tilespmem:s6+$0x2E0]  }
.Ltmp3:
0x355: {  	v8 =	vld [tilespmem:s6+$0x360];
	(pc) =	sbr.rel @p2 .LBB2_5-.Ltmp3, $4  }
0x356: {  	[tilespmem:s29+$0xFFFFFF50] =	vst v2;
	v12 =	vld [tilespmem:s6+$0x3E0]  }
0x357: {  	v6 =	vld [tilespmem:s6+$0xFFFFFC50]  }
0x358: {  	v11 =	vld [tilespmem:s6+$0xFFFFFCD0]  }
0x359: {  	s6 =	sadd.s32 $0x800, s6;
	v2 =	vld [tilespmem:s28+$0xFFFFFD50]  }
0x35a: {  	v13 =	vld [tilespmem:s28+$0xFFFFFDD0]  }
0x35b: {  	v14 =	vld [tilespmem:s28+$0xFFFFFE50]  }
0x35c: {  	v15 =	vld [tilespmem:s28+$0xFFFFFED0]  }
0x35d: {  	v16 =	vld [tilespmem:s28+$0xFFFFFF50]  }
0x35e: {  	v22 =	vld [tilespmem:s28+$0xFFFFFFD0];
	_ =	sdelay $0x2  }
0x35f: {  	v4 =	vadd.f32 v7, v4  }
0x360: {  	v24 =	vadd.f32 v11, v6;
	v2 =	vadd.f32 v13, v2  }
0x361: {  	v25 =	vadd.f32 v15, v14;
	v7 =	vadd.f32 v22, v16;
	_ =	sdelay $0x1  }
0x362: {  	v2 =	vadd.f32 v2, v24;
	v26 =	vadd.f32 v7, v25;
	_ =	sdelay $0x1  }
0x363: {  	v2 =	vadd.f32 v26, v2  }
0x364: {  	v44 =	vld [tilespmem:s26+$0xFFFFFDF0]  }
0x365: {  	v46 =	vld [tilespmem:s26+$0xFFFFFE70];
	[tilespmem:s1+$0xFFFFFF60] =	vst v2  }
0x366: {  	v2 =	vld [tilespmem:s28+$0xFFFFFC60]  }
0x367: {  	v28 =	vld [tilespmem:s28+$0xFFFFFCE0]  }
0x368: {  	v29 =	vld [tilespmem:s28+$0xFFFFFD60]  }
0x369: {  	v9 =	vadd.f32 v10, v9;
	v30 =	vld [tilespmem:s28+$0xFFFFFDE0]  }
0x36a: {  	v3 =	vadd.f32 v5, v3;
	v23 =	vadd.f32 v12, v8;
	v31 =	vld [tilespmem:s28+$0xFFFFFE60]  }
0x36b: {  	v32 =	vld [tilespmem:s28+$0xFFFFFEE0]  }
0x36c: {  	v4 =	vadd.f32 v4, v9;
	v3 =	vadd.f32 v23, v3;
	v33 =	vld [tilespmem:s28+$0xFFFFFF60]  }
0x36d: {  	v34 =	vld [tilespmem:s28+$0xFFFFFFE0]  }
0x36e: {  	v47 =	vld [tilespmem:s26+$0xFFFFFEF0];
	v3 =	vadd.f32 v3, v4  }
0x36f: {  	v48 =	vld [tilespmem:s26+$0xFFFFFF70]  }
0x370: {  	v49 =	vld [tilespmem:s26+$0xFFFFFFF0];
	[tilespmem:s29+$0xFFFFFFF0] =	vst v3  }
0x371: {  	v3 =	vld [tilespmem:s28+$0x70];
	v2 =	vadd.f32 v28, v2;
	v39 =	vadd.f32 v30, v29  }
0x372: {  	v27 =	vld [tilespmem:s28+$0xF0];
	v41 =	vadd.f32 v32, v31;
	v42 =	vadd.f32 v34, v33  }
0x373: {  	v35 =	vld [tilespmem:s28+$0x170]  }
0x374: {  	v36 =	vld [tilespmem:s28+$0x1F0];
	v2 =	vadd.f32 v39, v2;
	v45 =	vadd.f32 v42, v41  }
0x375: {  	v37 =	vld [tilespmem:s28+$0x270]  }
0x376: {  	v38 =	vld [tilespmem:s28+$0x2F0];
	v2 =	vadd.f32 v45, v2  }
0x377: {  	v40 =	vld [tilespmem:s28+$0x370]  }
0x378: {  	v43 =	vld [tilespmem:s28+$0x3F0];
	[tilespmem:s1+$0xFFFFFF70] =	vst v2  }
0x379: {  	v2 =	vld [tilespmem:s28+$0xFFFFFC70]  }
0x37a: {  	v50 =	vld [tilespmem:s28+$0xFFFFFCF0]  }
0x37b: {  	v17 =	vld [tilespmem:s28+$0xFFFFFD70]  }
0x37c: {  	v18 =	vld [tilespmem:s28+$0xFFFFFDF0]  }
0x37d: {  	v52 =	vld [tilespmem:s28+$0xFFFFFE70]  }
0x37e: {  	v0 =	vadd.f32 v44, v0;
	v54 =	vld [tilespmem:s28+$0xFFFFFEF0]  }
0x37f: {  	v58 =	vadd.f32 v47, v46;
	v55 =	vld [tilespmem:s28+$0xFFFFFF70]  }
0x380: {  	v5 =	vadd.f32 v49, v48;
	v0 =	vadd.f32 v0, v1;
	v57 =	vld [tilespmem:s28+$0xFFFFFFF0]  }
0x381: {  	v53 =	vadd.f32 v38, v37;
	v6 =	vadd.f32 v43, v40  }
0x382: {  	v61 =	vadd.f32 v5, v58;
	v3 =	vadd.f32 v27, v3  }
0x383: {  	v51 =	vadd.f32 v36, v35;
	v56 =	vadd.f32 v6, v53  }
0x384: {  	v2 =	vadd.f32 v50, v2;
	v59 =	vadd.f32 v18, v17  }
0x385: {  	v60 =	vadd.f32 v54, v52;
	v6 =	vadd.f32 v57, v55  }
0x386: {  	v0 =	vadd.f32 v61, v0;
	v3 =	vadd.f32 v51, v3  }
.Ltmp4:
0x387: {  	v2 =	vadd.f32 v59, v2;
	v62 =	vadd.f32 v6, v60;
	(pc) =	sbr.rel @p1 .LBB2_8-.Ltmp4, $4  }
0x388: {  	v3 =	vadd.f32 v56, v3  }
0x389: {  	[tilespmem:s0+$0xFFFFFF80] =	vst v0;
	v63 =	vadd.f32 v62, v2  }
0x38a: {  	[tilespmem:s1+$0x0] =	vst v3  }
0x38b: {  	[tilespmem:s1+$0xFFFFFF80] =	vst v63  }
.Ltmp5:
0x38c: {  	(pc) =	sbr.rel .LBB2_2-.Ltmp5, $4  }
0x38d: {  	_ = 	snop  }
0x38e: {  	s0 =	sshrl.u32 s25, $0x2;
	s21 =	sadd.s32 $0x1, s21  }
0x38f: {  	s17 =	sadd.s32 $0x800, s17;
	s18 =	sadd.s32 $0x800, s18;
	s0 =	sadd.s32 $0x13940, s0  }
0x390: {  	[tilespmem:s22], [sflag:$0x2] =	stream.indirect.gather [spmem:s2], $0x80, s0, s19, $0xb8;
	[tilespmem:$0x1D700] =	vst v63  }
.LBB2_9:
0x391: {  	_ =	sfence.sel $0x180000  }
0x392: {  	[bflag:$0x0] =	sbarrier.arrive $0xFFFF  }
0x393: {  	_ =	strace $0x90000047  }
0x394: {  	s0 =	stileid.u32;
	[bflag:$0x2] =	sbarrier.arrive $0xFFFF  }
0x395: {  	p0 =	sne.s32 s0, $0x0;
	s0 =	rddreg [dreg:$0x4]  }
0x396: {  	s0 =	sadd.s32 @!p0 $0x100000, s0  }
0x397: {  	[sflag:s0] =	ssyncadd.tile.s32 @!p0 $0x1;
	_ =	shalt  }
.Lfunc_end2:
_tile_overlayer_lowered:
.L_overlay_start_2:
0x398: {  	(tag) =	ssettag $0x2  }
0x399: {  	s0 =	rddreg [dreg:$0x0];
	s2 =	stileid.u32  }
0x39a: {  	s1 =	rddreg [dreg:$0x1];
	p0 =	sne.s32 s2, $0x0  }
0x39b: {  	s3 =	rddreg [dreg:$0x2];
	[bflag:$0x3] =	sbarrier.arrive $0xFFFF;
	s2 =	simm.s32 @!p0 $0x1C04  }
0x39c: {  	[timem:s3], [sflag:s2] =	dma.local @!p0 [hbm:s0], s1  }
0x39d: {  	s0 =	simm.s32 @!p0 $0x4  }
0x39e: {  	_ =	swait.ge @!p0 [sflag:s0], s1  }
0x39f: {  	s1 =	ssub.s32 @!p0 $0x0, s1;
	[sflag:s0] =	ssyncset.done @!p0 $0x0  }
0x3a0: {  	[sflag:s0] =	ssyncadd.s32 @!p0 s1  }
0x3a1: {  	[bflag:$0x3] =	sbarrier.arrive $0xFFFF  }
0x3a2: {  	_ =	shalt  }

// kernel: kernel.9.cloned.1.call-start
scs
__scs_entry_jumppad:
0x0: {  	(pc) =	sbr.rel $0x88, $3  }
0x1: {  	(tag) =	ssettag $0x0;
	lr =	simm.s32 $0x1  }
0x2: {  	[smem:$0x3F96] =	sst lr;
	_ =	strace $0xD0000000  }
0x3: {  	_ = 	snop  }
0x4: {  	_ = 	snop  }
0x5: {  	_ = 	snop  }
0x6: {  	_ = 	snop  }
0x7: {  	_ = 	snop  }
__scs_overlays_trampoline_lowered:
0x8: {  	[smem:$0x3FA5] =	sst s0  }
0x9: {  	[smem:$0x3FA6] =	sst s1  }
0xa: {  	[smem:$0x3FA7] =	sst s2  }
0xb: {  	[smem:$0x3FA8] =	sst s3  }
0xc: {  	[smem:$0x3FA9] =	sst s4  }
0xd: {  	[smem:$0x3FAA] =	sst s5  }
0xe: {  	[smem:$0x3FAB] =	sst s6  }
0xf: {  	[smem:$0x3FAC] =	sst s7  }
0x10: {  	[smem:$0x3FAD] =	sst s8  }
0x11: {  	[smem:$0x3FAE] =	sst s9;
	s0 =	simm.s32 @!p0 $0x0  }
0x12: {  	s1 =	sld [smem:$0x3F94];
	s0 =	simm.s32 @p0 $0x1  }
0x13: {  	[smem:$0x3FAF] =	sst s0;
	s0 =	simm.s32 @!p1 $0x0  }
0x14: {  	s2 =	sld [smem:$0x3F93];
	s0 =	simm.s32 @p1 $0x1  }
0x15: {  	[smem:$0x3FB0] =	sst s0;
	s0 =	simm.s32 @!p2 $0x0  }
0x16: {  	s3 =	sld [smem:$0x3FDB];
	s0 =	simm.s32 @p2 $0x1  }
0x17: {  	s4 =	simm.s32 $0x1BF5;
	[smem:$0x3FB2] =	sst s0  }
0x18: {  	s0 =	sld [smem:$0x3F95];
	_ =	swait.ge [sflag:s4], $0x0  }
0x19: {  	s7 =	sld [smem:$0x3F96]  }
0x1a: {  	s8 =	sadd.s32 $0xFFFFE003, lr  }
0x1b: {  	s9 =	sadd.s32 $0xFFFFFEF7, lr;
	s5 =	simm.s32 $0xFFFFFFFF;
	p2 =	slt.u32 s8, $0xFFFFF086  }
0x1c: {  	p1 =	slt.u32 s9, $0xF7A;
	s5 =	simm.s32 @!p2 $0x0  }
0x1d: {  	s5 =	simm.s32 @p1 $0x1;
	p0 =	seq.s32 s7, s2  }
0x1e: {  	s7 =	smul.u32 @!p0 $0xF7A, s2;
	p2 =	seq.s32 @!p0 s5, $0x0  }
0x1f: {  	s9 =	smul.u32 $0xF7A, s1;
	s8 =	simm.s32 @!p0 $0x1BF5;
	p2 =	por !p2, p0  }
0x20: {  	[sflag:s8] =	ssyncset.s32 @!p0 $0xFFFFF086;
	s6 =	sadd.s32 @!p0 s3, s7;
	s7 =	simm.s32 @!p0 $0x108  }
0x21: {  	s3 =	sadd.s32 s3, s9;
	s6 =	sadd.s32 @!p0 $0x88, s6;
	s7 =	simm.s32 @p2 $0x1082  }
0x22: {  	[simem:s7], [sflag:s8] =	dma.local @!p0 [hbm:s6], $0xF7A  }
0x23: {  	s9 =	sor.u32 $0xD0000000, s2;
	s6 =	simm.s32 $0x108;
	_ =	swait.ge @!p0 [sflag:s8], $0x0  }
0x24: {  	s3 =	sadd.s32 $0x88, s3;
	s6 =	simm.s32 @!p1 $0x1082;
	[sflag:s4] =	ssyncset.s32 $0xFFFFF086  }
0x25: {  	[simem:s6], [sflag:s4] =	dma.local [hbm:s3], $0xF7A  }
0x26: {  	[smem:$0x3F96] =	sst s1;
	(tag) =	ssettag s2;
	_ =	strace s9  }
0x27: {  	s1 =	sld [smem:$0x3FA6]  }
0x28: {  	s2 =	sld [smem:$0x3FA7]  }
0x29: {  	s4 =	sld [smem:$0x3FA9]  }
0x2a: {  	p0 =	seq.s32 s5, $0x0;
	s5 =	sld [smem:$0x3FAA]  }
0x2b: {  	s6 =	sld [smem:$0x3FAB]  }
0x2c: {  	s7 =	sld [smem:$0x3FAC]  }
0x2d: {  	s3 =	simm.s32 $0x108;
	s8 =	sld [smem:$0x3FAD]  }
0x2e: {  	s3 =	simm.s32 @!p0 $0x1082;
	s9 =	sld [smem:$0x3FAE]  }
0x2f: {  	lr =	sadd.s32 s0, s3;
	s0 =	sld [smem:$0x3FA5]  }
0x30: {  	s3 =	sld [smem:$0x3FA8]  }
0x31: {  	[smem:$0x3FB1] =	sst s10  }
0x32: {  	s10 =	sld [smem:$0x3FAF];
	_ =	sdelay $0x3  }
0x33: {  	p0 =	seq.s32 s10, $0x1;
	s10 =	sld [smem:$0x3FB1];
	_ =	sdelay $0x3  }
0x34: {  	[smem:$0x3FB1] =	sst s10  }
0x35: {  	s10 =	sld [smem:$0x3FB0];
	_ =	sdelay $0x3  }
0x36: {  	p1 =	seq.s32 s10, $0x1;
	s10 =	sld [smem:$0x3FB1];
	_ =	sdelay $0x3  }
0x37: {  	[smem:$0x3FB1] =	sst s10  }
0x38: {  	s10 =	sld [smem:$0x3FB2]  }
0x39: {  	_ = 	snop;
	(pc) =	sbr.ind lr, $3  }
0x3a: {  	_ = 	snop  }
0x3b: {  	_ = 	snop  }
0x3c: {  	p2 =	seq.s32 s10, $0x1;
	s10 =	sld [smem:$0x3FB1]  }
0x3d: {  	_ =	shalt  }
0x3e: {  	_ =	shalt  }
0x3f: {  	_ =	shalt  }
0x40: {  	_ =	shalt  }
0x41: {  	_ =	shalt  }
0x42: {  	_ =	shalt  }
0x43: {  	_ =	shalt  }
0x44: {  	_ =	shalt  }
0x45: {  	_ =	shalt  }
0x46: {  	_ =	shalt  }
0x47: {  	_ =	shalt  }
0x48: {  	_ =	shalt  }
0x49: {  	_ =	shalt  }
0x4a: {  	_ =	shalt  }
0x4b: {  	_ =	shalt  }
0x4c: {  	_ =	shalt  }
0x4d: {  	_ =	shalt  }
0x4e: {  	_ =	shalt  }
0x4f: {  	_ =	shalt  }
0x50: {  	_ =	shalt  }
0x51: {  	_ =	shalt  }
0x52: {  	_ =	shalt  }
0x53: {  	_ =	shalt  }
0x54: {  	_ =	shalt  }
0x55: {  	_ =	shalt  }
0x56: {  	_ =	shalt  }
0x57: {  	_ =	shalt  }
0x58: {  	_ =	shalt  }
0x59: {  	_ =	shalt  }
0x5a: {  	_ =	shalt  }
0x5b: {  	_ =	shalt  }
0x5c: {  	_ =	shalt  }
0x5d: {  	_ =	shalt  }
0x5e: {  	_ =	shalt  }
0x5f: {  	_ =	shalt  }
0x60: {  	_ =	shalt  }
0x61: {  	_ =	shalt  }
0x62: {  	_ =	shalt  }
0x63: {  	_ =	shalt  }
0x64: {  	_ =	shalt  }
0x65: {  	_ =	shalt  }
0x66: {  	_ =	shalt  }
0x67: {  	_ =	shalt  }
0x68: {  	_ =	shalt  }
0x69: {  	_ =	shalt  }
0x6a: {  	_ =	shalt  }
0x6b: {  	_ =	shalt  }
0x6c: {  	_ =	shalt  }
0x6d: {  	_ =	shalt  }
0x6e: {  	_ =	shalt  }
0x6f: {  	_ =	shalt  }
0x70: {  	_ =	shalt  }
0x71: {  	_ =	shalt  }
0x72: {  	_ =	shalt  }
0x73: {  	_ =	shalt  }
0x74: {  	_ =	shalt  }
0x75: {  	_ =	shalt  }
0x76: {  	_ =	shalt  }
0x77: {  	_ =	shalt  }
0x78: {  	_ =	shalt  }
0x79: {  	_ =	shalt  }
0x7a: {  	_ =	shalt  }
0x7b: {  	_ =	shalt  }
0x7c: {  	_ =	shalt  }
0x7d: {  	_ =	shalt  }
0x7e: {  	_ =	shalt  }
0x7f: {  	_ =	shalt  }
0x80: {  	_ =	shalt  }
0x81: {  	_ =	shalt  }
0x82: {  	_ =	shalt  }
0x83: {  	_ =	shalt  }
0x84: {  	_ =	shalt  }
0x85: {  	_ =	shalt  }
0x86: {  	_ =	shalt  }
0x87: {  	_ =	shalt  }
.Lfunc_end0:
.L_simem_size_0:
called_computation.1_lowered:
.L_overlay_start_0:
0x88: {  	s2 =	sld [smem:$0x3FD9]  }
0x89: {  	s3 =	sld [smem:$0x3FFE];
	_ =	sdelay $0x1  }
0x8a: {  	s1 =	srdreg.scid  }
0x8b: {  	s0 =	sand.u32 $0x1, s1  }
0x8c: {  	s17 =	sshll.u32 s0, $0xA;
	s2 =	sadd.s32 s3, s2  }
0x8d: {  	s2 =	sadd.s32 s2, s17  }
0x8e: {  	[smem:$0x3FBD] =	sst s2  }
0x8f: {  	_ = 	snop  }
0x90: {  	s2 =	sld [smem:$0x3FC9]  }
0x91: {  	s18 =	sld [smem:$0x3FC8]  }
0x92: {  	s4 =	sld [smem:$0x3FD0];
	(tm) =	ssettm $0x1  }
0x93: {  	s5 =	sld [smem:$0x3FFB];
	_ =	sdelay $0x3  }
0x94: {  	_ =	strace s5  }
0x95: {  	s5 =	sld [smem:$0x3FFC];
	_ =	sdelay $0x3  }
0x96: {  	_ =	strace s5  }
0x97: {  	s5 =	sld [smem:$0x3FFD];
	_ =	sdelay $0x3  }
0x98: {  	_ =	strace s5  }
0x99: {  	_ =	strace $0x8FFFFFFF  }
0x9a: {  	s19 =	sld [smem:$0x3FDB];
	_ =	sdelay $0x1  }
0x9b: {  	s6 =	simm.s32 $_scs_section_size  }
0x9c: {  	s7 =	simm.s32 $_size__tile_overlayer_lowered;
	s8 =	simm.s32 $_tile_overlayer_lowered  }
0x9d: {  	s22 =	simm.s32 $0x1BFF;
	s21 =	sshll.u32 s8, $0x1;
	s5 =	sadd.s32 s6, s19  }
0x9e: {  	s9 =	simm.s32 $0x0;
	s20 =	sshll.u32 s7, $0x1;
	s7 =	sadd.s32 s21, s5  }
0x9f: {  	[timem:s9], [sflag:s22] =	dma.local [hbm:s7], s20  }
0xa0: {  	_ =	swait.ge [sflag:s22], s20  }
0xa1: {  	s6 =	ssub.s32 $0x0, s20;
	[sflag:s22] =	ssyncset.done $0x0  }
0xa2: {  	[sflag:s22] =	ssyncadd.s32 s6;
	_ =	sdelay $0x1  }
0xa3: {  	s23 =	simm.s32 $0x1B8B  }
0xa4: {  	_ =	swait.ge [sflag:s23], $0x1  }
0xa5: {  	[sflag:s23] =	ssyncset.done $0x0  }
0xa6: {  	s25 =	simm.s32 $0x1B8E;
	s24 =	sld [smem:$0x3FFE];
	[sflag:s23] =	ssyncadd.s32 $0xFFFFFFFF  }
0xa7: {  	s26 =	simm.s32 $execute0_lowered;
	[smem:$0x3FD2] =	sst s25  }
0xa8: {  	s7 =	sshll.u32 s26, $0x1;
	_ =	strace $0x80000049;
	[dreg:$0x1] =	wrdreg $0xFFFFFFFF  }
0xa9: {  	s28 =	simm.s32 $_size_execute0_lowered;
	s5 =	sadd.s32 s5, s7;
	[dreg:$0x0] =	wrdreg $0x0  }
0xaa: {  	s7 =	sshll.u32 s28, $0x1;
	[dreg:$0x2] =	wrdreg s5  }
0xab: {  	[dreg:$0x3] =	wrdreg s7  }
0xac: {  	[dreg:$0x4] =	wrdreg $0xC0  }
0xad: {  	_ =	task [dreg:s9], $0x5FFFF  }
0xae: {  	[dreg:$0x1] =	wrdreg $0xFFFFFFFF  }
0xaf: {  	[dreg:$0x0] =	wrdreg $0x60  }
0xb0: {  	[dreg:$0x2] =	wrdreg s24  }
0xb1: {  	[dreg:$0x3] =	wrdreg s18  }
0xb2: {  	[dreg:$0x4] =	wrdreg s2  }
0xb3: {  	[dreg:$0x5] =	wrdreg s4  }
0xb4: {  	[dreg:$0x6] =	wrdreg $0x9  }
0xb5: {  	_ =	task.clear_ibuf [dreg:s9], $0x7FFFF;
	_ =	strace $0x90000049  }
0xb6: {  	s29 =	simm.s32 $0x9;
	_ =	strace $0x8000004B  }
0xb7: {  	_ =	swait.ge [sflag:s29], $0x1  }
0xb8: {  	[sflag:s29] =	ssyncadd.s32 $0xFFFFFFFF  }
0xb9: {  	_ =	strace $0x9000004B  }
0xba: {  	_ =	sfence  }
0xbb: {  	s30 =	sld [smem:$0x0];
	_ =	sdelay $0x2  }
0xbc: {  	s31 =	sshll.u32 s1, $0xD;
	s1 =	sshrl.u32 s1, $0x2  }
0xbd: {  	s3 =	sand.u32 $0x4000, s31;
	s1 =	sadd.s32 s1, s30  }
0xbe: {  	s0 =	sor.u32 s3, s0;
	s1 =	sshll.u32 s1, $0x11  }
0xbf: {  	s0 =	sor.u32 s1, s0  }
0xc0: {  	s0 =	sadd.s32 $0x8F2B, s0  }
0xc1: {  	[sflag:s0] =	ssyncadd.remote.s32 $0x1  }
0xc2: {  	_ =	sfence.sel $0xFFFF  }
0xc3: {  	[dreg:$0x0] =	wrdreg $0xFFFFFFFF;
	(pc) =	sbr.abs _section_cstart, $3  }
0xc4: {  	[dreg:$0x1] =	wrdreg $0xFFFFFFFF  }
0xc5: {  	_ =	task.clear_ibuf [dreg:s9], $0x2FFFF;
	_ =	strace $0x9FFFFFFF  }
0xc6: {  	(tm) =	ssettm $0x7FFFFFFF  }
0xc7: {  	_ =	shalt  }
tec
execute0_lowered:
.L_overlay_start_1:
0x0: {  	(tag) =	ssettag $0x1  }
0x1: {  	s0 =	rddreg [dreg:$0x0]  }
0x2: {  	s1 =	rddreg [dreg:$0x1]  }
0x3: {  	s2 =	rddreg [dreg:$0x3];
	s3 =	simm.s32 $0x0  }
0x4: {  	s4 =	srdreg.scid;
	s6 =	stileid.u32;
	s11 =	simm.s32 $0x6  }
0x5: {  	s12 =	simm.s32 $0x100;
	s14 =	simm.s32 $0x12180;
	s22 =	simm.s32 $0xD980  }
0x6: {  	s28 =	simm.s32 $0x1;
	s29 =	simm.s32 $0x10180;
	s30 =	simm.s32 $0x2  }
0x7: {  	s31 =	simm.s32 $0x11180;
	s13 =	simm.s32 $0x0;
	[smem:$0x7FF] =	sst s3  }
0x8: {  	s5 =	sand.u32 $0x1, s4;
	s23 =	sshll.u32 s6, $0x1;
	s4 =	sadd.s32 $0x2A00, s0  }
0x9: {  	_ =	strace $0x8000004A;
	s7 =	sor.u32 s5, s23;
	s5 =	ssub.s32 $0x2, s5  }
0xa: {  	s23 =	simm.s32 $0xE180;
	s24 =	sshll.u32 s7, $0x5;
	s8 =	sshll.u32 s7, $0xA  }
0xb: {  	s9 =	sshrl.u32 s5, $0x1;
	s25 =	sshll.u32 s7, $0x2;
	s26 =	sshll.u32 s7, $0x9  }
0xc: {  	s6 =	sadd.s32 s24, s0;
	s0 =	sadd.s32 s8, s0;
	s10 =	ssub.s32 s5, s9  }
0xd: {  	s9 =	sadd.s32 s2, s26;
	s24 =	simm.s32 $0xE980;
	s26 =	simm.s32 $0xF980  }
0xe: {  	v2 =	vlaneseq.u32;
	s2 =	simm.s32 $0x3;
	s5 =	sadd.s32 $0x2EE00, s6;
	s6 =	sadd.s32 s1, s25  }
0xf: {  	vm0 =	vmmov $0xffff;
	v1 =	vshrl.u32 v2, $0x3;
	s7 =	sadd.s32 $0x2F200, s0;
	s8 =	sadd.s32 $0x2F400, s0;
	s10 =	smax.u32 s10, $0x1  }
0x10: {  	v0 =	vand.u32 $0x7, v2;
	v2 =	vor.u32 $0x8, v2;
	v1 =	vmul.u32 $0x8, v1;
	s25 =	simm.s32 $0xF180;
	s0 =	simm.s32 $0x5;
	s1 =	simm.s32 $0x4  }
.LBB2_1:
0x11: {  	[tilespmem:s3], [sflag:$0x6] =	stream.linear.gather [hbm4b:s5+s3], $0x100, $0x38;
	[tilespmem:$0x13180] =	vst v63  }
0x12: {  	_ =	swait.ge [sflag:s11], $0x100  }
0x13: {  	[sflag:s11] =	ssyncset.done $0x0  }
0x14: {  	[sflag:s11] =	ssyncadd.s32 $0xFFFFFF00  }
0x15: {  	[tilespmem:s12], [sflag:$0x6] =	stream.linear.gather [hbm4b:s6+s3], $0x20, $0x38;
	[tilespmem:$0x13180] =	vst v63  }
0x16: {  	_ =	swait.ge [sflag:s11], $0x20  }
0x17: {  	[sflag:s11] =	ssyncset.done $0x0  }
0x18: {  	[sflag:s11] =	ssyncadd.s32 $0xFFFFFFE0  }
0x19: {  	s16 =	simm.s32 $0x20;
	s15 =	rddreg [dreg:$0x2]  }
0x1a: {  	[tilespmem:s14], [sflag:$0x5] =	stream.indirect.gather [hbm4b:s15+s16], $0x80, s12, s16, $0xb8;
	[tilespmem:$0x13180] =	vst v63  }
0x1b: {  	v3 =	vld [tilespmem:$0x0];
	_ =	sdelay $0x4  }
0x1c: {  	v4 =	vshll.u32 v3, $0x1  }
0x1d: {  	v3 =	vand.u32 $0x7, v3;
	v4 =	vand.u32 $0xFFFFFFF0, v4  }
0x1e: {  	v3 =	vor.u32 v3, v4  }
0x1f: {  	v4 =	vperm.xlane v3, v0;
	_ =	sdelay $0x1  }
0x20: {  	v3 =	vperm.xlane v3, v2;
	v4 =	vadd.s32 v1, v4;
	_ =	sdelay $0x1  }
0x21: {  	v3 =	vadd.s32 v1, v3;
	_ =	sdelay $0x1  }
0x22: {  	s19 =	simm.s32 $0x180  }
0x23: {  	[tilespmem:s19], [sflag:$0x1] =	stream.indirect_vreg.gather [hbm4b:s4+s3], $0x80, v4, vm0, $0xb8;
	[tilespmem:$0x13180] =	vst v63  }
0x24: {  	s20 =	simm.s32 $0x980  }
0x25: {  	[tilespmem:s20], [sflag:$0x1] =	stream.indirect_vreg.gather [hbm4b:s4+s3], $0x80, v3, vm0, $0xb8;
	[tilespmem:$0x13180] =	vst v63  }
0x26: {  	v3 =	vld [tilespmem:$0x10];
	_ =	sdelay $0x4  }
0x27: {  	v49 =	vshll.u32 v3, $0x1  }
0x28: {  	v3 =	vand.u32 $0x7, v3;
	v4 =	vand.u32 $0xFFFFFFF0, v49  }
0x29: {  	v3 =	vor.u32 v3, v4  }
0x2a: {  	v4 =	vperm.xlane v3, v0;
	_ =	sdelay $0x1  }
0x2b: {  	v3 =	vperm.xlane v3, v2;
	v4 =	vadd.s32 v1, v4;
	_ =	sdelay $0x1  }
0x2c: {  	v3 =	vadd.s32 v1, v3;
	_ =	sdelay $0x1  }
0x2d: {  	s21 =	simm.s32 $0x1180  }
0x2e: {  	[tilespmem:s21], [sflag:$0x1] =	stream.indirect_vreg.gather [hbm4b:s4+s3], $0x80, v4, vm0, $0xb8;
	[tilespmem:$0x13180] =	vst v63  }
0x2f: {  	s16 =	simm.s32 $0x1980  }
0x30: {  	[tilespmem:s16], [sflag:$0x1] =	stream.indirect_vreg.gather [hbm4b:s4+s3], $0x80, v3, vm0, $0xb8;
	[tilespmem:$0x13180] =	vst v63  }
0x31: {  	v3 =	vld [tilespmem:$0x20];
	_ =	sdelay $0x4  }
0x32: {  	v50 =	vshll.u32 v3, $0x1  }
0x33: {  	v3 =	vand.u32 $0x7, v3;
	v4 =	vand.u32 $0xFFFFFFF0, v50  }
0x34: {  	v3 =	vor.u32 v3, v4  }
0x35: {  	v4 =	vperm.xlane v3, v0;
	_ =	sdelay $0x1  }
0x36: {  	v3 =	vperm.xlane v3, v2;
	v4 =	vadd.s32 v1, v4;
	_ =	sdelay $0x1  }
0x37: {  	v3 =	vadd.s32 v1, v3;
	_ =	sdelay $0x1  }
0x38: {  	s17 =	simm.s32 $0x2180  }
0x39: {  	[tilespmem:s17], [sflag:$0x1] =	stream.indirect_vreg.gather [hbm4b:s4+s3], $0x80, v4, vm0, $0xb8;
	[tilespmem:$0x13180] =	vst v63  }
0x3a: {  	s18 =	simm.s32 $0x2980  }
0x3b: {  	[tilespmem:s18], [sflag:$0x1] =	stream.indirect_vreg.gather [hbm4b:s4+s3], $0x80, v3, vm0, $0xb8;
	[tilespmem:$0x13180] =	vst v63  }
0x3c: {  	v3 =	vld [tilespmem:$0x30];
	_ =	sdelay $0x4  }
0x3d: {  	v51 =	vshll.u32 v3, $0x1  }
0x3e: {  	v3 =	vand.u32 $0x7, v3;
	v4 =	vand.u32 $0xFFFFFFF0, v51  }
0x3f: {  	v3 =	vor.u32 v3, v4  }
0x40: {  	v4 =	vperm.xlane v3, v0;
	_ =	sdelay $0x1  }
0x41: {  	v3 =	vperm.xlane v3, v2;
	v4 =	vadd.s32 v1, v4;
	_ =	sdelay $0x1  }
0x42: {  	v3 =	vadd.s32 v1, v3;
	_ =	sdelay $0x1  }
0x43: {  	s19 =	simm.s32 $0x3180  }
0x44: {  	[tilespmem:s19], [sflag:$0x1] =	stream.indirect_vreg.gather [hbm4b:s4+s3], $0x80, v4, vm0, $0xb8;
	[tilespmem:$0x13180] =	vst v63  }
0x45: {  	s20 =	simm.s32 $0x3980  }
0x46: {  	[tilespmem:s20], [sflag:$0x1] =	stream.indirect_vreg.gather [hbm4b:s4+s3], $0x80, v3, vm0, $0xb8;
	[tilespmem:$0x13180] =	vst v63  }
0x47: {  	v3 =	vld [tilespmem:$0x40];
	_ =	sdelay $0x4  }
0x48: {  	v52 =	vshll.u32 v3, $0x1  }
0x49: {  	v3 =	vand.u32 $0x7, v3;
	v4 =	vand.u32 $0xFFFFFFF0, v52  }
0x4a: {  	v3 =	vor.u32 v3, v4  }
0x4b: {  	v4 =	vperm.xlane v3, v0;
	_ =	sdelay $0x1  }
0x4c: {  	v3 =	vperm.xlane v3, v2;
	v4 =	vadd.s32 v1, v4;
	_ =	sdelay $0x1  }
0x4d: {  	v3 =	vadd.s32 v1, v3;
	_ =	sdelay $0x1  }
0x4e: {  	s21 =	simm.s32 $0x4180  }
0x4f: {  	[tilespmem:s21], [sflag:$0x1] =	stream.indirect_vreg.gather [hbm4b:s4+s3], $0x80, v4, vm0, $0xb8;
	[tilespmem:$0x13180] =	vst v63  }
0x50: {  	s16 =	simm.s32 $0x4980  }
0x51: {  	[tilespmem:s16], [sflag:$0x1] =	stream.indirect_vreg.gather [hbm4b:s4+s3], $0x80, v3, vm0, $0xb8;
	[tilespmem:$0x13180] =	vst v63  }
0x52: {  	v3 =	vld [tilespmem:$0x50];
	_ =	sdelay $0x4  }
0x53: {  	v53 =	vshll.u32 v3, $0x1  }
0x54: {  	v3 =	vand.u32 $0x7, v3;
	v4 =	vand.u32 $0xFFFFFFF0, v53  }
0x55: {  	v3 =	vor.u32 v3, v4  }
0x56: {  	v4 =	vperm.xlane v3, v0;
	_ =	sdelay $0x1  }
0x57: {  	v3 =	vperm.xlane v3, v2;
	v4 =	vadd.s32 v1, v4;
	_ =	sdelay $0x1  }
0x58: {  	v3 =	vadd.s32 v1, v3;
	_ =	sdelay $0x1  }
0x59: {  	s17 =	simm.s32 $0x5180  }
0x5a: {  	[tilespmem:s17], [sflag:$0x1] =	stream.indirect_vreg.gather [hbm4b:s4+s3], $0x80, v4, vm0, $0xb8;
	[tilespmem:$0x13180] =	vst v63  }
0x5b: {  	s18 =	simm.s32 $0x5980  }
0x5c: {  	[tilespmem:s18], [sflag:$0x1] =	stream.indirect_vreg.gather [hbm4b:s4+s3], $0x80, v3, vm0, $0xb8;
	[tilespmem:$0x13180] =	vst v63  }
0x5d: {  	v3 =	vld [tilespmem:$0x60];
	_ =	sdelay $0x4  }
0x5e: {  	v54 =	vshll.u32 v3, $0x1  }
0x5f: {  	v3 =	vand.u32 $0x7, v3;
	v4 =	vand.u32 $0xFFFFFFF0, v54  }
0x60: {  	v3 =	vor.u32 v3, v4  }
0x61: {  	v4 =	vperm.xlane v3, v0;
	_ =	sdelay $0x1  }
0x62: {  	v3 =	vperm.xlane v3, v2;
	v4 =	vadd.s32 v1, v4;
	_ =	sdelay $0x1  }
0x63: {  	v3 =	vadd.s32 v1, v3;
	_ =	sdelay $0x1  }
0x64: {  	s19 =	simm.s32 $0x6180  }
0x65: {  	[tilespmem:s19], [sflag:$0x1] =	stream.indirect_vreg.gather [hbm4b:s4+s3], $0x80, v4, vm0, $0xb8;
	[tilespmem:$0x13180] =	vst v63  }
0x66: {  	s20 =	simm.s32 $0x6980  }
0x67: {  	[tilespmem:s20], [sflag:$0x1] =	stream.indirect_vreg.gather [hbm4b:s4+s3], $0x80, v3, vm0, $0xb8;
	[tilespmem:$0x13180] =	vst v63  }
0x68: {  	v3 =	vld [tilespmem:$0x70];
	_ =	sdelay $0x4  }
0x69: {  	v55 =	vshll.u32 v3, $0x1  }
0x6a: {  	v3 =	vand.u32 $0x7, v3;
	v4 =	vand.u32 $0xFFFFFFF0, v55  }
0x6b: {  	v3 =	vor.u32 v3, v4  }
0x6c: {  	v4 =	vperm.xlane v3, v0;
	_ =	sdelay $0x1  }
0x6d: {  	v3 =	vperm.xlane v3, v2;
	v4 =	vadd.s32 v1, v4;
	_ =	sdelay $0x1  }
0x6e: {  	v3 =	vadd.s32 v1, v3;
	_ =	sdelay $0x1  }
0x6f: {  	s21 =	simm.s32 $0x7180  }
0x70: {  	[tilespmem:s21], [sflag:$0x1] =	stream.indirect_vreg.gather [hbm4b:s4+s3], $0x80, v4, vm0, $0xb8;
	[tilespmem:$0x13180] =	vst v63  }
0x71: {  	s16 =	simm.s32 $0x7980  }
0x72: {  	[tilespmem:s16], [sflag:$0x1] =	stream.indirect_vreg.gather [hbm4b:s4+s3], $0x80, v3, vm0, $0xb8;
	[tilespmem:$0x13180] =	vst v63  }
0x73: {  	v3 =	vld [tilespmem:$0x80];
	_ =	sdelay $0x4  }
0x74: {  	v56 =	vshll.u32 v3, $0x1  }
0x75: {  	v3 =	vand.u32 $0x7, v3;
	v4 =	vand.u32 $0xFFFFFFF0, v56  }
0x76: {  	v3 =	vor.u32 v3, v4  }
0x77: {  	v4 =	vperm.xlane v3, v0;
	_ =	sdelay $0x1  }
0x78: {  	v3 =	vperm.xlane v3, v2;
	v4 =	vadd.s32 v1, v4;
	_ =	sdelay $0x1  }
0x79: {  	v3 =	vadd.s32 v1, v3;
	_ =	sdelay $0x1  }
0x7a: {  	s17 =	simm.s32 $0x8180  }
0x7b: {  	[tilespmem:s17], [sflag:$0x2] =	stream.indirect_vreg.gather [hbm4b:s4+s3], $0x80, v4, vm0, $0xb8;
	[tilespmem:$0x13180] =	vst v63  }
0x7c: {  	s18 =	simm.s32 $0x8980  }
0x7d: {  	[tilespmem:s18], [sflag:$0x2] =	stream.indirect_vreg.gather [hbm4b:s4+s3], $0x80, v3, vm0, $0xb8;
	[tilespmem:$0x13180] =	vst v63  }
0x7e: {  	v3 =	vld [tilespmem:$0x90];
	_ =	sdelay $0x4  }
0x7f: {  	v57 =	vshll.u32 v3, $0x1  }
0x80: {  	v3 =	vand.u32 $0x7, v3;
	v4 =	vand.u32 $0xFFFFFFF0, v57  }
0x81: {  	v3 =	vor.u32 v3, v4  }
0x82: {  	v4 =	vperm.xlane v3, v0;
	_ =	sdelay $0x1  }
0x83: {  	v3 =	vperm.xlane v3, v2;
	v4 =	vadd.s32 v1, v4;
	_ =	sdelay $0x1  }
0x84: {  	v3 =	vadd.s32 v1, v3;
	_ =	sdelay $0x1  }
0x85: {  	s19 =	simm.s32 $0x9180  }
0x86: {  	[tilespmem:s19], [sflag:$0x2] =	stream.indirect_vreg.gather [hbm4b:s4+s3], $0x80, v4, vm0, $0xb8;
	[tilespmem:$0x13180] =	vst v63  }
0x87: {  	s20 =	simm.s32 $0x9980  }
0x88: {  	[tilespmem:s20], [sflag:$0x2] =	stream.indirect_vreg.gather [hbm4b:s4+s3], $0x80, v3, vm0, $0xb8;
	[tilespmem:$0x13180] =	vst v63  }
0x89: {  	v3 =	vld [tilespmem:$0xA0];
	_ =	sdelay $0x4  }
0x8a: {  	v58 =	vshll.u32 v3, $0x1  }
0x8b: {  	v3 =	vand.u32 $0x7, v3;
	v4 =	vand.u32 $0xFFFFFFF0, v58  }
0x8c: {  	v3 =	vor.u32 v3, v4  }
0x8d: {  	v4 =	vperm.xlane v3, v0;
	_ =	sdelay $0x1  }
0x8e: {  	v3 =	vperm.xlane v3, v2;
	v4 =	vadd.s32 v1, v4;
	_ =	sdelay $0x1  }
0x8f: {  	v3 =	vadd.s32 v1, v3;
	_ =	sdelay $0x1  }
0x90: {  	s21 =	simm.s32 $0xA180  }
0x91: {  	[tilespmem:s21], [sflag:$0x2] =	stream.indirect_vreg.gather [hbm4b:s4+s3], $0x80, v4, vm0, $0xb8;
	[tilespmem:$0x13180] =	vst v63  }
0x92: {  	s16 =	simm.s32 $0xA980  }
0x93: {  	[tilespmem:s16], [sflag:$0x2] =	stream.indirect_vreg.gather [hbm4b:s4+s3], $0x80, v3, vm0, $0xb8;
	[tilespmem:$0x13180] =	vst v63  }
0x94: {  	v3 =	vld [tilespmem:$0xB0];
	_ =	sdelay $0x4  }
0x95: {  	v59 =	vshll.u32 v3, $0x1  }
0x96: {  	v3 =	vand.u32 $0x7, v3;
	v4 =	vand.u32 $0xFFFFFFF0, v59  }
0x97: {  	v3 =	vor.u32 v3, v4  }
0x98: {  	v4 =	vperm.xlane v3, v0;
	_ =	sdelay $0x1  }
0x99: {  	v3 =	vperm.xlane v3, v2;
	v4 =	vadd.s32 v1, v4;
	_ =	sdelay $0x1  }
0x9a: {  	v3 =	vadd.s32 v1, v3;
	_ =	sdelay $0x1  }
0x9b: {  	s17 =	simm.s32 $0xB180  }
0x9c: {  	[tilespmem:s17], [sflag:$0x2] =	stream.indirect_vreg.gather [hbm4b:s4+s3], $0x80, v4, vm0, $0xb8;
	[tilespmem:$0x13180] =	vst v63  }
0x9d: {  	s18 =	simm.s32 $0xB980  }
0x9e: {  	[tilespmem:s18], [sflag:$0x2] =	stream.indirect_vreg.gather [hbm4b:s4+s3], $0x80, v3, vm0, $0xb8;
	[tilespmem:$0x13180] =	vst v63  }
0x9f: {  	v3 =	vld [tilespmem:$0xC0];
	_ =	sdelay $0x4  }
0xa0: {  	v60 =	vshll.u32 v3, $0x1  }
0xa1: {  	v3 =	vand.u32 $0x7, v3;
	v4 =	vand.u32 $0xFFFFFFF0, v60  }
0xa2: {  	v3 =	vor.u32 v3, v4  }
0xa3: {  	v4 =	vperm.xlane v3, v0;
	_ =	sdelay $0x1  }
0xa4: {  	v3 =	vperm.xlane v3, v2;
	v4 =	vadd.s32 v1, v4;
	_ =	sdelay $0x1  }
0xa5: {  	v3 =	vadd.s32 v1, v3;
	_ =	sdelay $0x1  }
0xa6: {  	s19 =	simm.s32 $0xC180  }
0xa7: {  	[tilespmem:s19], [sflag:$0x2] =	stream.indirect_vreg.gather [hbm4b:s4+s3], $0x80, v4, vm0, $0xb8;
	[tilespmem:$0x13180] =	vst v63  }
0xa8: {  	s20 =	simm.s32 $0xC980  }
0xa9: {  	[tilespmem:s20], [sflag:$0x2] =	stream.indirect_vreg.gather [hbm4b:s4+s3], $0x80, v3, vm0, $0xb8;
	[tilespmem:$0x13180] =	vst v63  }
0xaa: {  	v3 =	vld [tilespmem:$0xD0];
	_ =	sdelay $0x4  }
0xab: {  	v61 =	vshll.u32 v3, $0x1  }
0xac: {  	v3 =	vand.u32 $0x7, v3;
	v4 =	vand.u32 $0xFFFFFFF0, v61  }
0xad: {  	v3 =	vor.u32 v3, v4  }
0xae: {  	v4 =	vperm.xlane v3, v0;
	_ =	sdelay $0x1  }
0xaf: {  	v3 =	vperm.xlane v3, v2;
	v4 =	vadd.s32 v1, v4;
	_ =	sdelay $0x1  }
0xb0: {  	v3 =	vadd.s32 v1, v3;
	_ =	sdelay $0x1  }
0xb1: {  	s21 =	simm.s32 $0xD180  }
0xb2: {  	[tilespmem:s21], [sflag:$0x2] =	stream.indirect_vreg.gather [hbm4b:s4+s3], $0x80, v4, vm0, $0xb8;
	[tilespmem:$0x13180] =	vst v63  }
0xb3: {  	_ = 	snop  }
0xb4: {  	[tilespmem:s22], [sflag:$0x2] =	stream.indirect_vreg.gather [hbm4b:s4+s3], $0x80, v3, vm0, $0xb8;
	[tilespmem:$0x13180] =	vst v63  }
0xb5: {  	v3 =	vld [tilespmem:$0xE0];
	_ =	sdelay $0x4  }
0xb6: {  	v62 =	vshll.u32 v3, $0x1  }
0xb7: {  	v3 =	vand.u32 $0x7, v3;
	v4 =	vand.u32 $0xFFFFFFF0, v62  }
0xb8: {  	v3 =	vor.u32 v3, v4  }
0xb9: {  	v4 =	vperm.xlane v3, v0;
	_ =	sdelay $0x1  }
0xba: {  	v3 =	vperm.xlane v3, v2;
	v4 =	vadd.s32 v1, v4;
	_ =	sdelay $0x1  }
0xbb: {  	v3 =	vadd.s32 v1, v3;
	_ =	sdelay $0x2  }
0xbc: {  	[tilespmem:s23], [sflag:$0x2] =	stream.indirect_vreg.gather [hbm4b:s4+s3], $0x80, v4, vm0, $0xb8;
	[tilespmem:$0x13180] =	vst v63  }
0xbd: {  	_ = 	snop  }
0xbe: {  	[tilespmem:s24], [sflag:$0x2] =	stream.indirect_vreg.gather [hbm4b:s4+s3], $0x80, v3, vm0, $0xb8;
	[tilespmem:$0x13180] =	vst v63  }
0xbf: {  	v3 =	vld [tilespmem:$0xF0];
	_ =	sdelay $0x4  }
0xc0: {  	v63 =	vshll.u32 v3, $0x1  }
0xc1: {  	v3 =	vand.u32 $0x7, v3;
	v4 =	vand.u32 $0xFFFFFFF0, v63  }
0xc2: {  	v3 =	vor.u32 v3, v4  }
0xc3: {  	v4 =	vperm.xlane v3, v0;
	_ =	sdelay $0x1  }
0xc4: {  	v3 =	vperm.xlane v3, v2;
	v4 =	vadd.s32 v1, v4;
	_ =	sdelay $0x1  }
0xc5: {  	v3 =	vadd.s32 v1, v3;
	_ =	sdelay $0x2  }
0xc6: {  	[tilespmem:s25], [sflag:$0x2] =	stream.indirect_vreg.gather [hbm4b:s4+s3], $0x80, v4, vm0, $0xb8;
	[tilespmem:$0x13180] =	vst v63  }
0xc7: {  	_ = 	snop  }
0xc8: {  	[tilespmem:s26], [sflag:$0x2] =	stream.indirect_vreg.gather [hbm4b:s4+s3], $0x80, v3, vm0, $0xb8;
	[tilespmem:$0x13180] =	vst v63  }
0xc9: {  	_ =	swait.ge [sflag:s28], $0x8000  }
0xca: {  	[sflag:s28] =	ssyncset.done $0x0  }
0xcb: {  	s15 =	simm.s32 $0x0;
	[sflag:s28] =	ssyncadd.s32 $0xFFFF8000  }
.LBB2_2:
0xcc: {  	s16 =	sshll.u32 s15, $0xB  }
0xcd: {  	s16 =	sand.u32 $0x3FFFF800, s16  }
0xce: {  	v3 =	vld [tilespmem:s16+$0x180]  }
0xcf: {  	v4 =	vld [tilespmem:s16+$0x200]  }
0xd0: {  	v5 =	vld [tilespmem:s16+$0x280]  }
0xd1: {  	v6 =	vld [tilespmem:s16+$0x300]  }
0xd2: {  	v7 =	vld [tilespmem:s16+$0x380]  }
0xd3: {  	s19 =	sor.u32 $0x1, s15;
	v8 =	vld [tilespmem:s16+$0x400]  }
0xd4: {  	s17 =	sshll.u32 s19, $0xB;
	v9 =	vld [tilespmem:s16+$0x480]  }
0xd5: {  	v10 =	vld [tilespmem:s16+$0x500];
	s17 =	sand.u32 $0x3FFFF800, s17  }
0xd6: {  	v11 =	vld [tilespmem:s17+$0x180]  }
0xd7: {  	v12 =	vld [tilespmem:s17+$0x200]  }
0xd8: {  	v13 =	vld [tilespmem:s17+$0x280]  }
0xd9: {  	v63 =	vld [tilespmem:s17+$0x300];
	v3 =	vadd.f32 v4, v3;
	v62 =	vadd.f32 v6, v5  }
0xda: {  	v16 =	vld [tilespmem:s17+$0x380];
	v14 =	vadd.f32 v8, v7;
	v15 =	vadd.f32 v10, v9  }
0xdb: {  	v17 =	vld [tilespmem:s17+$0x400]  }
0xdc: {  	s18 =	sshll.u32 s15, $0x8;
	v19 =	vld [tilespmem:s17+$0x480];
	v3 =	vadd.f32 v62, v3;
	v18 =	vadd.f32 v15, v14  }
0xdd: {  	s20 =	sshll.u32 s15, $0x7;
	s18 =	sand.u32 $0x800, s18;
	v20 =	vld [tilespmem:s17+$0x500]  }
0xde: {  	s20 =	sand.u32 $0x300, s20;
	s21 =	sor.u32 $0x10180, s18;
	v3 =	vadd.f32 v18, v3  }
0xdf: {  	s18 =	sadd.s32 s20, s21  }
0xe0: {  	[tilespmem:s18+$0x0] =	vst v3  }
0xe1: {  	v21 =	vadd.f32 v12, v11;
	v5 =	vadd.f32 v63, v13;
	v3 =	vld [tilespmem:s16+$0x190]  }
0xe2: {  	v8 =	vadd.f32 v17, v16;
	v6 =	vadd.f32 v20, v19;
	v22 =	vld [tilespmem:s16+$0x210]  }
0xe3: {  	v23 =	vld [tilespmem:s16+$0x290]  }
0xe4: {  	v4 =	vadd.f32 v5, v21;
	v25 =	vadd.f32 v6, v8;
	v24 =	vld [tilespmem:s16+$0x310]  }
0xe5: {  	s19 =	sshll.u32 s19, $0x7;
	v26 =	vld [tilespmem:s16+$0x390]  }
0xe6: {  	s19 =	sand.u32 $0x380, s19;
	v4 =	vadd.f32 v25, v4;
	v27 =	vld [tilespmem:s16+$0x410]  }
0xe7: {  	s19 =	sadd.s32 s19, s21;
	v28 =	vld [tilespmem:s16+$0x490]  }
0xe8: {  	v29 =	vld [tilespmem:s16+$0x510];
	[tilespmem:s19+$0x0] =	vst v4  }
0xe9: {  	v4 =	vld [tilespmem:s17+$0x190]  }
0xea: {  	v30 =	vld [tilespmem:s17+$0x210]  }
0xeb: {  	v31 =	vld [tilespmem:s17+$0x290]  }
0xec: {  	v32 =	vld [tilespmem:s17+$0x310];
	v3 =	vadd.f32 v22, v3;
	v7 =	vadd.f32 v24, v23  }
0xed: {  	v33 =	vld [tilespmem:s17+$0x390];
	v6 =	vadd.f32 v27, v26;
	v5 =	vadd.f32 v29, v28  }
0xee: {  	v34 =	vld [tilespmem:s17+$0x410]  }
0xef: {  	v35 =	vld [tilespmem:s17+$0x490];
	v3 =	vadd.f32 v7, v3;
	v5 =	vadd.f32 v5, v6  }
0xf0: {  	v36 =	vld [tilespmem:s17+$0x510]  }
0xf1: {  	v3 =	vadd.f32 v5, v3;
	_ =	sdelay $0x1  }
0xf2: {  	[tilespmem:s18+$0x10] =	vst v3  }
0xf3: {  	v4 =	vadd.f32 v30, v4;
	v37 =	vadd.f32 v32, v31;
	v3 =	vld [tilespmem:s16+$0x1A0]  }
0xf4: {  	v8 =	vadd.f32 v34, v33;
	v6 =	vadd.f32 v36, v35;
	v38 =	vld [tilespmem:s16+$0x220]  }
0xf5: {  	v39 =	vld [tilespmem:s16+$0x2A0]  }
0xf6: {  	v4 =	vadd.f32 v37, v4;
	v41 =	vadd.f32 v6, v8;
	v40 =	vld [tilespmem:s16+$0x320]  }
0xf7: {  	v42 =	vld [tilespmem:s16+$0x3A0]  }
0xf8: {  	v4 =	vadd.f32 v41, v4;
	v43 =	vld [tilespmem:s16+$0x420]  }
0xf9: {  	v44 =	vld [tilespmem:s16+$0x4A0]  }
0xfa: {  	v45 =	vld [tilespmem:s16+$0x520];
	[tilespmem:s19+$0x10] =	vst v4  }
0xfb: {  	v4 =	vld [tilespmem:s17+$0x1A0]  }
0xfc: {  	v46 =	vld [tilespmem:s17+$0x220]  }
0xfd: {  	v47 =	vld [tilespmem:s17+$0x2A0]  }
0xfe: {  	v48 =	vld [tilespmem:s17+$0x320];
	v3 =	vadd.f32 v38, v3;
	v7 =	vadd.f32 v40, v39  }
0xff: {  	v49 =	vld [tilespmem:s17+$0x3A0];
	v6 =	vadd.f32 v43, v42;
	v5 =	vadd.f32 v45, v44  }
0x100: {  	v50 =	vld [tilespmem:s17+$0x420]  }
0x101: {  	v51 =	vld [tilespmem:s17+$0x4A0];
	v3 =	vadd.f32 v7, v3;
	v5 =	vadd.f32 v5, v6  }
0x102: {  	v52 =	vld [tilespmem:s17+$0x520]  }
0x103: {  	v3 =	vadd.f32 v5, v3;
	_ =	sdelay $0x1  }
0x104: {  	[tilespmem:s18+$0x20] =	vst v3  }
0x105: {  	v4 =	vadd.f32 v46, v4;
	v53 =	vadd.f32 v48, v47;
	v3 =	vld [tilespmem:s16+$0x1B0]  }
0x106: {  	v8 =	vadd.f32 v50, v49;
	v6 =	vadd.f32 v52, v51;
	v54 =	vld [tilespmem:s16+$0x230]  }
0x107: {  	v55 =	vld [tilespmem:s16+$0x2B0]  }
0x108: {  	v4 =	vadd.f32 v53, v4;
	v57 =	vadd.f32 v6, v8;
	v56 =	vld [tilespmem:s16+$0x330]  }
0x109: {  	v58 =	vld [tilespmem:s16+$0x3B0]  }
0x10a: {  	v4 =	vadd.f32 v57, v4;
	v59 =	vld [tilespmem:s16+$0x430]  }
0x10b: {  	v60 =	vld [tilespmem:s16+$0x4B0]  }
0x10c: {  	v61 =	vld [tilespmem:s16+$0x530];
	[tilespmem:s19+$0x20] =	vst v4  }
0x10d: {  	v4 =	vld [tilespmem:s17+$0x1B0]  }
0x10e: {  	v62 =	vld [tilespmem:s17+$0x230]  }
0x10f: {  	v63 =	vld [tilespmem:s17+$0x2B0]  }
0x110: {  	v16 =	vld [tilespmem:s17+$0x330];
	v3 =	vadd.f32 v54, v3;
	v7 =	vadd.f32 v56, v55  }
0x111: {  	v17 =	vld [tilespmem:s17+$0x3B0];
	v6 =	vadd.f32 v59, v58;
	v5 =	vadd.f32 v61, v60  }
0x112: {  	v18 =	vld [tilespmem:s17+$0x430]  }
0x113: {  	v19 =	vld [tilespmem:s17+$0x4B0];
	v3 =	vadd.f32 v7, v3;
	v5 =	vadd.f32 v5, v6  }
0x114: {  	v20 =	vld [tilespmem:s17+$0x530]  }
0x115: {  	v3 =	vadd.f32 v5, v3;
	_ =	sdelay $0x1  }
0x116: {  	[tilespmem:s18+$0x30] =	vst v3  }
0x117: {  	v4 =	vadd.f32 v62, v4;
	v21 =	vadd.f32 v16, v63;
	v3 =	vld [tilespmem:s16+$0x1C0]  }
0x118: {  	v8 =	vadd.f32 v18, v17;
	v6 =	vadd.f32 v20, v19;
	v22 =	vld [tilespmem:s16+$0x240]  }
0x119: {  	v23 =	vld [tilespmem:s16+$0x2C0]  }
0x11a: {  	v4 =	vadd.f32 v21, v4;
	v25 =	vadd.f32 v6, v8;
	v24 =	vld [tilespmem:s16+$0x340]  }
0x11b: {  	v26 =	vld [tilespmem:s16+$0x3C0]  }
0x11c: {  	v4 =	vadd.f32 v25, v4;
	v27 =	vld [tilespmem:s16+$0x440]  }
0x11d: {  	v28 =	vld [tilespmem:s16+$0x4C0]  }
0x11e: {  	v29 =	vld [tilespmem:s16+$0x540];
	[tilespmem:s19+$0x30] =	vst v4  }
0x11f: {  	v4 =	vld [tilespmem:s17+$0x1C0]  }
0x120: {  	v30 =	vld [tilespmem:s17+$0x240]  }
0x121: {  	v31 =	vld [tilespmem:s17+$0x2C0]  }
0x122: {  	v32 =	vld [tilespmem:s17+$0x340];
	v3 =	vadd.f32 v22, v3;
	v7 =	vadd.f32 v24, v23  }
0x123: {  	v33 =	vld [tilespmem:s17+$0x3C0];
	v6 =	vadd.f32 v27, v26;
	v5 =	vadd.f32 v29, v28  }
0x124: {  	v34 =	vld [tilespmem:s17+$0x440]  }
0x125: {  	v35 =	vld [tilespmem:s17+$0x4C0];
	v3 =	vadd.f32 v7, v3;
	v5 =	vadd.f32 v5, v6  }
0x126: {  	v36 =	vld [tilespmem:s17+$0x540]  }
0x127: {  	v3 =	vadd.f32 v5, v3;
	_ =	sdelay $0x1  }
0x128: {  	[tilespmem:s18+$0x40] =	vst v3  }
0x129: {  	v4 =	vadd.f32 v30, v4;
	v37 =	vadd.f32 v32, v31;
	v3 =	vld [tilespmem:s16+$0x1D0]  }
0x12a: {  	v8 =	vadd.f32 v34, v33;
	v6 =	vadd.f32 v36, v35;
	v38 =	vld [tilespmem:s16+$0x250]  }
0x12b: {  	v39 =	vld [tilespmem:s16+$0x2D0]  }
0x12c: {  	v4 =	vadd.f32 v37, v4;
	v41 =	vadd.f32 v6, v8;
	v40 =	vld [tilespmem:s16+$0x350]  }
0x12d: {  	v42 =	vld [tilespmem:s16+$0x3D0]  }
0x12e: {  	v4 =	vadd.f32 v41, v4;
	v43 =	vld [tilespmem:s16+$0x450]  }
0x12f: {  	v44 =	vld [tilespmem:s16+$0x4D0]  }
0x130: {  	v45 =	vld [tilespmem:s16+$0x550];
	[tilespmem:s19+$0x40] =	vst v4  }
0x131: {  	v4 =	vld [tilespmem:s17+$0x1D0]  }
0x132: {  	v46 =	vld [tilespmem:s17+$0x250]  }
0x133: {  	v47 =	vld [tilespmem:s17+$0x2D0]  }
0x134: {  	v48 =	vld [tilespmem:s17+$0x350];
	v3 =	vadd.f32 v38, v3;
	v7 =	vadd.f32 v40, v39  }
0x135: {  	v49 =	vld [tilespmem:s17+$0x3D0];
	v6 =	vadd.f32 v43, v42;
	v5 =	vadd.f32 v45, v44  }
0x136: {  	v50 =	vld [tilespmem:s17+$0x450]  }
0x137: {  	v51 =	vld [tilespmem:s17+$0x4D0];
	v3 =	vadd.f32 v7, v3;
	v5 =	vadd.f32 v5, v6  }
0x138: {  	v52 =	vld [tilespmem:s17+$0x550]  }
0x139: {  	v3 =	vadd.f32 v5, v3;
	_ =	sdelay $0x1  }
0x13a: {  	[tilespmem:s18+$0x50] =	vst v3  }
0x13b: {  	v4 =	vadd.f32 v46, v4;
	v53 =	vadd.f32 v48, v47;
	v3 =	vld [tilespmem:s16+$0x1E0]  }
0x13c: {  	v8 =	vadd.f32 v50, v49;
	v6 =	vadd.f32 v52, v51;
	v54 =	vld [tilespmem:s16+$0x260]  }
0x13d: {  	v55 =	vld [tilespmem:s16+$0x2E0]  }
0x13e: {  	v4 =	vadd.f32 v53, v4;
	v57 =	vadd.f32 v6, v8;
	v56 =	vld [tilespmem:s16+$0x360]  }
0x13f: {  	v58 =	vld [tilespmem:s16+$0x3E0]  }
0x140: {  	v4 =	vadd.f32 v57, v4;
	v59 =	vld [tilespmem:s16+$0x460]  }
0x141: {  	v60 =	vld [tilespmem:s16+$0x4E0]  }
0x142: {  	v61 =	vld [tilespmem:s16+$0x560];
	[tilespmem:s19+$0x50] =	vst v4  }
0x143: {  	v4 =	vld [tilespmem:s17+$0x1E0]  }
0x144: {  	v62 =	vld [tilespmem:s17+$0x260]  }
0x145: {  	v63 =	vld [tilespmem:s17+$0x2E0]  }
0x146: {  	v16 =	vld [tilespmem:s17+$0x360];
	v3 =	vadd.f32 v54, v3;
	v7 =	vadd.f32 v56, v55  }
0x147: {  	v17 =	vld [tilespmem:s17+$0x3E0];
	v6 =	vadd.f32 v59, v58;
	v5 =	vadd.f32 v61, v60  }
0x148: {  	v18 =	vld [tilespmem:s17+$0x460]  }
0x149: {  	v19 =	vld [tilespmem:s17+$0x4E0];
	v3 =	vadd.f32 v7, v3;
	v5 =	vadd.f32 v5, v6  }
0x14a: {  	v20 =	vld [tilespmem:s17+$0x560]  }
0x14b: {  	v3 =	vadd.f32 v5, v3;
	_ =	sdelay $0x1  }
0x14c: {  	[tilespmem:s18+$0x60] =	vst v3  }
0x14d: {  	v4 =	vadd.f32 v62, v4;
	v21 =	vadd.f32 v16, v63;
	v3 =	vld [tilespmem:s16+$0x1F0]  }
0x14e: {  	v8 =	vadd.f32 v18, v17;
	v6 =	vadd.f32 v20, v19;
	v22 =	vld [tilespmem:s16+$0x270]  }
0x14f: {  	v23 =	vld [tilespmem:s16+$0x2F0]  }
0x150: {  	v4 =	vadd.f32 v21, v4;
	v25 =	vadd.f32 v6, v8;
	v24 =	vld [tilespmem:s16+$0x370]  }
0x151: {  	v26 =	vld [tilespmem:s16+$0x3F0]  }
0x152: {  	v4 =	vadd.f32 v25, v4;
	v27 =	vld [tilespmem:s16+$0x470]  }
0x153: {  	v28 =	vld [tilespmem:s16+$0x4F0]  }
0x154: {  	v29 =	vld [tilespmem:s16+$0x570];
	[tilespmem:s19+$0x60] =	vst v4  }
0x155: {  	v4 =	vld [tilespmem:s17+$0x1F0]  }
0x156: {  	v30 =	vld [tilespmem:s17+$0x270]  }
0x157: {  	v31 =	vld [tilespmem:s17+$0x2F0]  }
0x158: {  	v32 =	vld [tilespmem:s17+$0x370];
	v3 =	vadd.f32 v22, v3;
	v7 =	vadd.f32 v24, v23  }
0x159: {  	v33 =	vld [tilespmem:s17+$0x3F0];
	v6 =	vadd.f32 v27, v26;
	v5 =	vadd.f32 v29, v28  }
0x15a: {  	v34 =	vld [tilespmem:s17+$0x470]  }
0x15b: {  	v35 =	vld [tilespmem:s17+$0x4F0];
	v3 =	vadd.f32 v7, v3;
	v5 =	vadd.f32 v5, v6  }
0x15c: {  	v36 =	vld [tilespmem:s17+$0x570]  }
0x15d: {  	v3 =	vadd.f32 v5, v3;
	_ =	sdelay $0x1  }
0x15e: {  	[tilespmem:s18+$0x70] =	vst v3  }
0x15f: {  	v4 =	vadd.f32 v30, v4;
	v37 =	vadd.f32 v32, v31;
	v3 =	vld [tilespmem:s16+$0x580]  }
0x160: {  	v8 =	vadd.f32 v34, v33;
	v6 =	vadd.f32 v36, v35;
	v38 =	vld [tilespmem:s16+$0x600]  }
0x161: {  	v39 =	vld [tilespmem:s16+$0x680]  }
0x162: {  	v4 =	vadd.f32 v37, v4;
	v41 =	vadd.f32 v6, v8;
	v40 =	vld [tilespmem:s16+$0x700]  }
0x163: {  	v42 =	vld [tilespmem:s16+$0x780]  }
0x164: {  	v4 =	vadd.f32 v41, v4;
	v43 =	vld [tilespmem:s16+$0x800]  }
0x165: {  	v44 =	vld [tilespmem:s16+$0x880]  }
0x166: {  	v45 =	vld [tilespmem:s16+$0x900];
	[tilespmem:s19+$0x70] =	vst v4  }
0x167: {  	v4 =	vld [tilespmem:s17+$0x580]  }
0x168: {  	v46 =	vld [tilespmem:s17+$0x600]  }
0x169: {  	v47 =	vld [tilespmem:s17+$0x680]  }
0x16a: {  	v48 =	vld [tilespmem:s17+$0x700];
	v3 =	vadd.f32 v38, v3;
	v7 =	vadd.f32 v40, v39  }
0x16b: {  	v49 =	vld [tilespmem:s17+$0x780];
	v6 =	vadd.f32 v43, v42;
	v5 =	vadd.f32 v45, v44  }
0x16c: {  	v50 =	vld [tilespmem:s17+$0x800]  }
0x16d: {  	v51 =	vld [tilespmem:s17+$0x880];
	v3 =	vadd.f32 v7, v3;
	v5 =	vadd.f32 v5, v6  }
0x16e: {  	v52 =	vld [tilespmem:s17+$0x900]  }
0x16f: {  	v3 =	vadd.f32 v5, v3;
	_ =	sdelay $0x1  }
0x170: {  	[tilespmem:s18+$0x400] =	vst v3  }
0x171: {  	v4 =	vadd.f32 v46, v4;
	v53 =	vadd.f32 v48, v47;
	v3 =	vld [tilespmem:s16+$0x590]  }
0x172: {  	v8 =	vadd.f32 v50, v49;
	v6 =	vadd.f32 v52, v51;
	v54 =	vld [tilespmem:s16+$0x610]  }
0x173: {  	v55 =	vld [tilespmem:s16+$0x690]  }
0x174: {  	v4 =	vadd.f32 v53, v4;
	v57 =	vadd.f32 v6, v8;
	v56 =	vld [tilespmem:s16+$0x710]  }
0x175: {  	v58 =	vld [tilespmem:s16+$0x790]  }
0x176: {  	v4 =	vadd.f32 v57, v4;
	v59 =	vld [tilespmem:s16+$0x810]  }
0x177: {  	v60 =	vld [tilespmem:s16+$0x890]  }
0x178: {  	v61 =	vld [tilespmem:s16+$0x910];
	[tilespmem:s19+$0x400] =	vst v4  }
0x179: {  	v4 =	vld [tilespmem:s17+$0x590]  }
0x17a: {  	v62 =	vld [tilespmem:s17+$0x610]  }
0x17b: {  	v63 =	vld [tilespmem:s17+$0x690]  }
0x17c: {  	v14 =	vld [tilespmem:s17+$0x710];
	v3 =	vadd.f32 v54, v3;
	v7 =	vadd.f32 v56, v55  }
0x17d: {  	v15 =	vld [tilespmem:s17+$0x790];
	v6 =	vadd.f32 v59, v58;
	v5 =	vadd.f32 v61, v60  }
0x17e: {  	v16 =	vld [tilespmem:s17+$0x810]  }
0x17f: {  	v17 =	vld [tilespmem:s17+$0x890];
	v3 =	vadd.f32 v7, v3;
	v5 =	vadd.f32 v5, v6  }
0x180: {  	v18 =	vld [tilespmem:s17+$0x910]  }
0x181: {  	v3 =	vadd.f32 v5, v3;
	_ =	sdelay $0x1  }
0x182: {  	[tilespmem:s18+$0x410] =	vst v3  }
0x183: {  	v4 =	vadd.f32 v62, v4;
	v19 =	vadd.f32 v14, v63;
	v3 =	vld [tilespmem:s16+$0x5A0]  }
0x184: {  	v8 =	vadd.f32 v16, v15;
	v6 =	vadd.f32 v18, v17;
	v20 =	vld [tilespmem:s16+$0x620]  }
0x185: {  	v21 =	vld [tilespmem:s16+$0x6A0]  }
0x186: {  	v4 =	vadd.f32 v19, v4;
	v23 =	vadd.f32 v6, v8;
	v22 =	vld [tilespmem:s16+$0x720]  }
0x187: {  	v24 =	vld [tilespmem:s16+$0x7A0]  }
0x188: {  	v4 =	vadd.f32 v23, v4;
	v25 =	vld [tilespmem:s16+$0x820]  }
0x189: {  	v26 =	vld [tilespmem:s16+$0x8A0]  }
0x18a: {  	v27 =	vld [tilespmem:s16+$0x920];
	[tilespmem:s19+$0x410] =	vst v4  }
0x18b: {  	v4 =	vld [tilespmem:s17+$0x5A0]  }
0x18c: {  	v28 =	vld [tilespmem:s17+$0x620]  }
0x18d: {  	v29 =	vld [tilespmem:s17+$0x6A0]  }
0x18e: {  	v30 =	vld [tilespmem:s17+$0x720];
	v3 =	vadd.f32 v20, v3;
	v7 =	vadd.f32 v22, v21  }
0x18f: {  	v31 =	vld [tilespmem:s17+$0x7A0];
	v6 =	vadd.f32 v25, v24;
	v5 =	vadd.f32 v27, v26  }
0x190: {  	v32 =	vld [tilespmem:s17+$0x820]  }
0x191: {  	v33 =	vld [tilespmem:s17+$0x8A0];
	v3 =	vadd.f32 v7, v3;
	v5 =	vadd.f32 v5, v6  }
0x192: {  	v34 =	vld [tilespmem:s17+$0x920]  }
0x193: {  	v3 =	vadd.f32 v5, v3;
	_ =	sdelay $0x1  }
0x194: {  	[tilespmem:s18+$0x420] =	vst v3  }
0x195: {  	v4 =	vadd.f32 v28, v4;
	v35 =	vadd.f32 v30, v29;
	v3 =	vld [tilespmem:s16+$0x5B0]  }
0x196: {  	v8 =	vadd.f32 v32, v31;
	v6 =	vadd.f32 v34, v33;
	v36 =	vld [tilespmem:s16+$0x630]  }
0x197: {  	v37 =	vld [tilespmem:s16+$0x6B0]  }
0x198: {  	v4 =	vadd.f32 v35, v4;
	v39 =	vadd.f32 v6, v8;
	v38 =	vld [tilespmem:s16+$0x730]  }
0x199: {  	v40 =	vld [tilespmem:s16+$0x7B0]  }
0x19a: {  	v4 =	vadd.f32 v39, v4;
	v41 =	vld [tilespmem:s16+$0x830]  }
0x19b: {  	v42 =	vld [tilespmem:s16+$0x8B0]  }
0x19c: {  	v43 =	vld [tilespmem:s16+$0x930];
	[tilespmem:s19+$0x420] =	vst v4  }
0x19d: {  	v4 =	vld [tilespmem:s17+$0x5B0]  }
0x19e: {  	v44 =	vld [tilespmem:s17+$0x630]  }
0x19f: {  	v45 =	vld [tilespmem:s17+$0x6B0]  }
0x1a0: {  	v46 =	vld [tilespmem:s17+$0x730];
	v3 =	vadd.f32 v36, v3;
	v7 =	vadd.f32 v38, v37  }
0x1a1: {  	v47 =	vld [tilespmem:s17+$0x7B0];
	v6 =	vadd.f32 v41, v40;
	v5 =	vadd.f32 v43, v42  }
0x1a2: {  	v48 =	vld [tilespmem:s17+$0x830]  }
0x1a3: {  	v49 =	vld [tilespmem:s17+$0x8B0];
	v3 =	vadd.f32 v7, v3;
	v5 =	vadd.f32 v5, v6  }
0x1a4: {  	v50 =	vld [tilespmem:s17+$0x930]  }
0x1a5: {  	v3 =	vadd.f32 v5, v3;
	_ =	sdelay $0x1  }
0x1a6: {  	[tilespmem:s18+$0x430] =	vst v3  }
0x1a7: {  	v4 =	vadd.f32 v44, v4;
	v51 =	vadd.f32 v46, v45;
	v3 =	vld [tilespmem:s16+$0x5C0]  }
0x1a8: {  	v8 =	vadd.f32 v48, v47;
	v6 =	vadd.f32 v50, v49;
	v52 =	vld [tilespmem:s16+$0x640]  }
0x1a9: {  	v53 =	vld [tilespmem:s16+$0x6C0]  }
0x1aa: {  	v4 =	vadd.f32 v51, v4;
	v55 =	vadd.f32 v6, v8;
	v54 =	vld [tilespmem:s16+$0x740]  }
0x1ab: {  	v56 =	vld [tilespmem:s16+$0x7C0]  }
0x1ac: {  	v4 =	vadd.f32 v55, v4;
	v57 =	vld [tilespmem:s16+$0x840]  }
0x1ad: {  	v58 =	vld [tilespmem:s16+$0x8C0]  }
0x1ae: {  	v59 =	vld [tilespmem:s16+$0x940];
	[tilespmem:s19+$0x430] =	vst v4  }
0x1af: {  	v4 =	vld [tilespmem:s17+$0x5C0]  }
0x1b0: {  	v60 =	vld [tilespmem:s17+$0x640]  }
0x1b1: {  	v61 =	vld [tilespmem:s17+$0x6C0]  }
0x1b2: {  	v62 =	vld [tilespmem:s17+$0x740];
	v3 =	vadd.f32 v52, v3;
	v7 =	vadd.f32 v54, v53  }
0x1b3: {  	v63 =	vld [tilespmem:s17+$0x7C0];
	v6 =	vadd.f32 v57, v56;
	v5 =	vadd.f32 v59, v58  }
0x1b4: {  	v14 =	vld [tilespmem:s17+$0x840]  }
0x1b5: {  	v15 =	vld [tilespmem:s17+$0x8C0];
	v3 =	vadd.f32 v7, v3;
	v5 =	vadd.f32 v5, v6  }
0x1b6: {  	v16 =	vld [tilespmem:s17+$0x940]  }
0x1b7: {  	v3 =	vadd.f32 v5, v3;
	_ =	sdelay $0x1  }
0x1b8: {  	[tilespmem:s18+$0x440] =	vst v3  }
0x1b9: {  	v4 =	vadd.f32 v60, v4;
	v17 =	vadd.f32 v62, v61;
	v3 =	vld [tilespmem:s16+$0x5D0]  }
0x1ba: {  	v8 =	vadd.f32 v14, v63;
	v6 =	vadd.f32 v16, v15;
	v18 =	vld [tilespmem:s16+$0x650]  }
0x1bb: {  	v19 =	vld [tilespmem:s16+$0x6D0]  }
0x1bc: {  	v4 =	vadd.f32 v17, v4;
	v21 =	vadd.f32 v6, v8;
	v20 =	vld [tilespmem:s16+$0x750]  }
0x1bd: {  	v22 =	vld [tilespmem:s16+$0x7D0]  }
0x1be: {  	v4 =	vadd.f32 v21, v4;
	v23 =	vld [tilespmem:s16+$0x850]  }
0x1bf: {  	v24 =	vld [tilespmem:s16+$0x8D0]  }
0x1c0: {  	v25 =	vld [tilespmem:s16+$0x950];
	[tilespmem:s19+$0x440] =	vst v4  }
0x1c1: {  	v4 =	vld [tilespmem:s17+$0x5D0]  }
0x1c2: {  	v26 =	vld [tilespmem:s17+$0x650]  }
0x1c3: {  	v27 =	vld [tilespmem:s17+$0x6D0]  }
0x1c4: {  	v28 =	vld [tilespmem:s17+$0x750];
	v3 =	vadd.f32 v18, v3;
	v7 =	vadd.f32 v20, v19  }
0x1c5: {  	v29 =	vld [tilespmem:s17+$0x7D0];
	v6 =	vadd.f32 v23, v22;
	v5 =	vadd.f32 v25, v24  }
0x1c6: {  	v30 =	vld [tilespmem:s17+$0x850]  }
0x1c7: {  	v31 =	vld [tilespmem:s17+$0x8D0];
	v3 =	vadd.f32 v7, v3;
	v5 =	vadd.f32 v5, v6  }
0x1c8: {  	v32 =	vld [tilespmem:s17+$0x950]  }
0x1c9: {  	v3 =	vadd.f32 v5, v3;
	_ =	sdelay $0x1  }
0x1ca: {  	[tilespmem:s18+$0x450] =	vst v3  }
0x1cb: {  	v4 =	vadd.f32 v26, v4;
	v33 =	vadd.f32 v28, v27;
	v3 =	vld [tilespmem:s16+$0x5E0]  }
0x1cc: {  	v8 =	vadd.f32 v30, v29;
	v6 =	vadd.f32 v32, v31;
	v34 =	vld [tilespmem:s16+$0x660]  }
0x1cd: {  	v35 =	vld [tilespmem:s16+$0x6E0]  }
0x1ce: {  	v4 =	vadd.f32 v33, v4;
	v37 =	vadd.f32 v6, v8;
	v36 =	vld [tilespmem:s16+$0x760]  }
0x1cf: {  	v38 =	vld [tilespmem:s16+$0x7E0]  }
0x1d0: {  	v4 =	vadd.f32 v37, v4;
	v39 =	vld [tilespmem:s16+$0x860]  }
0x1d1: {  	v40 =	vld [tilespmem:s16+$0x8E0]  }
0x1d2: {  	v41 =	vld [tilespmem:s16+$0x960];
	[tilespmem:s19+$0x450] =	vst v4  }
0x1d3: {  	v4 =	vld [tilespmem:s17+$0x5E0]  }
0x1d4: {  	v42 =	vld [tilespmem:s17+$0x660]  }
0x1d5: {  	v43 =	vld [tilespmem:s17+$0x6E0]  }
0x1d6: {  	v44 =	vld [tilespmem:s17+$0x760];
	v3 =	vadd.f32 v34, v3;
	v7 =	vadd.f32 v36, v35  }
0x1d7: {  	v45 =	vld [tilespmem:s17+$0x7E0];
	v6 =	vadd.f32 v39, v38;
	v5 =	vadd.f32 v41, v40  }
0x1d8: {  	v46 =	vld [tilespmem:s17+$0x860]  }
0x1d9: {  	v47 =	vld [tilespmem:s17+$0x8E0];
	v3 =	vadd.f32 v7, v3;
	v5 =	vadd.f32 v5, v6  }
0x1da: {  	v48 =	vld [tilespmem:s17+$0x960]  }
0x1db: {  	v3 =	vadd.f32 v5, v3;
	_ =	sdelay $0x1  }
0x1dc: {  	[tilespmem:s18+$0x460] =	vst v3  }
0x1dd: {  	v4 =	vadd.f32 v42, v4;
	v49 =	vadd.f32 v44, v43;
	v3 =	vld [tilespmem:s16+$0x5F0]  }
0x1de: {  	v8 =	vadd.f32 v46, v45;
	v6 =	vadd.f32 v48, v47;
	v50 =	vld [tilespmem:s16+$0x670]  }
0x1df: {  	v51 =	vld [tilespmem:s16+$0x6F0]  }
0x1e0: {  	v4 =	vadd.f32 v49, v4;
	v53 =	vadd.f32 v6, v8;
	v52 =	vld [tilespmem:s16+$0x770]  }
0x1e1: {  	v54 =	vld [tilespmem:s16+$0x7F0]  }
0x1e2: {  	v4 =	vadd.f32 v53, v4;
	v55 =	vld [tilespmem:s16+$0x870]  }
0x1e3: {  	v56 =	vld [tilespmem:s16+$0x8F0]  }
0x1e4: {  	v57 =	vld [tilespmem:s16+$0x970];
	[tilespmem:s19+$0x460] =	vst v4  }
0x1e5: {  	v4 =	vld [tilespmem:s17+$0x5F0]  }
0x1e6: {  	v58 =	vld [tilespmem:s17+$0x670]  }
0x1e7: {  	v59 =	vld [tilespmem:s17+$0x6F0]  }
0x1e8: {  	v14 =	vld [tilespmem:s17+$0x770]  }
0x1e9: {  	v15 =	vld [tilespmem:s17+$0x7F0]  }
0x1ea: {  	v16 =	vld [tilespmem:s17+$0x870]  }
0x1eb: {  	v17 =	vld [tilespmem:s17+$0x8F0]  }
0x1ec: {  	v18 =	vld [tilespmem:s17+$0x970];
	_ =	sdelay $0x1  }
0x1ed: {  	v3 =	vadd.f32 v50, v3;
	v7 =	vadd.f32 v52, v51  }
0x1ee: {  	v6 =	vadd.f32 v55, v54;
	v5 =	vadd.f32 v57, v56  }
0x1ef: {  	v4 =	vadd.f32 v58, v4;
	v60 =	vadd.f32 v14, v59  }
0x1f0: {  	v61 =	vadd.f32 v16, v15;
	v62 =	vadd.f32 v18, v17  }
0x1f1: {  	p0 =	slt.u32 s15, $0xE;
	v3 =	vadd.f32 v7, v3;
	v5 =	vadd.f32 v5, v6  }
.Ltmp0:
0x1f2: {  	v4 =	vadd.f32 v60, v4;
	v63 =	vadd.f32 v62, v61;
	(pc) =	sbr.rel @p0 .LBB2_2-.Ltmp0, $4  }
0x1f3: {  	v3 =	vadd.f32 v5, v3  }
0x1f4: {  	v4 =	vadd.f32 v63, v4  }
0x1f5: {  	s21 =	sadd.s32 $0x2, s15;
	[tilespmem:s18+$0x470] =	vst v3  }
0x1f6: {  	s15 =	smov.u32 s21;
	[tilespmem:s19+$0x470] =	vst v4  }
0x1f7: {  	s15 =	simm.s32 $0x0  }
0x1f8: {  	[hbm4b:s7+s15] =	stream.linear.scatter [tilespmem:s29], [sflag:$0x3], $0x1000, $0x38;
	[tilespmem:$0x13180] =	vst v63  }
0x1f9: {  	_ =	swait.ge [sflag:s30], $0x8000  }
0x1fa: {  	[sflag:s30] =	ssyncset.done $0x0  }
0x1fb: {  	[sflag:s30] =	ssyncadd.s32 $0xFFFF8000  }
.LBB2_4:
0x1fc: {  	s16 =	sshll.u32 s15, $0xB  }
0x1fd: {  	s16 =	sand.u32 $0x3FFFF800, s16  }
0x1fe: {  	v3 =	vld [tilespmem:s16+$0x8180]  }
0x1ff: {  	v4 =	vld [tilespmem:s16+$0x8200]  }
0x200: {  	v5 =	vld [tilespmem:s16+$0x8280]  }
0x201: {  	v6 =	vld [tilespmem:s16+$0x8300]  }
0x202: {  	v7 =	vld [tilespmem:s16+$0x8380]  }
0x203: {  	s19 =	sor.u32 $0x1, s15;
	v8 =	vld [tilespmem:s16+$0x8400]  }
0x204: {  	s17 =	sshll.u32 s19, $0xB;
	v9 =	vld [tilespmem:s16+$0x8480]  }
0x205: {  	v10 =	vld [tilespmem:s16+$0x8500];
	s17 =	sand.u32 $0x3FFFF800, s17  }
0x206: {  	v11 =	vld [tilespmem:s17+$0x8180]  }
0x207: {  	v12 =	vld [tilespmem:s17+$0x8200]  }
0x208: {  	v13 =	vld [tilespmem:s17+$0x8280]  }
0x209: {  	v63 =	vld [tilespmem:s17+$0x8300];
	v3 =	vadd.f32 v4, v3;
	v62 =	vadd.f32 v6, v5  }
0x20a: {  	v16 =	vld [tilespmem:s17+$0x8380];
	v14 =	vadd.f32 v8, v7;
	v15 =	vadd.f32 v10, v9  }
0x20b: {  	v17 =	vld [tilespmem:s17+$0x8400]  }
0x20c: {  	s18 =	sshll.u32 s15, $0x8;
	v19 =	vld [tilespmem:s17+$0x8480];
	v3 =	vadd.f32 v62, v3;
	v18 =	vadd.f32 v15, v14  }
0x20d: {  	s20 =	sshll.u32 s15, $0x7;
	s18 =	sand.u32 $0x800, s18;
	v20 =	vld [tilespmem:s17+$0x8500]  }
0x20e: {  	s20 =	sand.u32 $0x300, s20;
	s21 =	sor.u32 $0x11180, s18;
	v3 =	vadd.f32 v18, v3  }
0x20f: {  	s18 =	sadd.s32 s20, s21  }
0x210: {  	[tilespmem:s18+$0x0] =	vst v3  }
0x211: {  	v21 =	vadd.f32 v12, v11;
	v5 =	vadd.f32 v63, v13;
	v3 =	vld [tilespmem:s16+$0x8190]  }
0x212: {  	v8 =	vadd.f32 v17, v16;
	v6 =	vadd.f32 v20, v19;
	v22 =	vld [tilespmem:s16+$0x8210]  }
0x213: {  	v23 =	vld [tilespmem:s16+$0x8290]  }
0x214: {  	v4 =	vadd.f32 v5, v21;
	v25 =	vadd.f32 v6, v8;
	v24 =	vld [tilespmem:s16+$0x8310]  }
0x215: {  	s19 =	sshll.u32 s19, $0x7;
	v26 =	vld [tilespmem:s16+$0x8390]  }
0x216: {  	s19 =	sand.u32 $0x380, s19;
	v4 =	vadd.f32 v25, v4;
	v27 =	vld [tilespmem:s16+$0x8410]  }
0x217: {  	s19 =	sadd.s32 s19, s21;
	v28 =	vld [tilespmem:s16+$0x8490]  }
0x218: {  	v29 =	vld [tilespmem:s16+$0x8510];
	[tilespmem:s19+$0x0] =	vst v4  }
0x219: {  	v4 =	vld [tilespmem:s17+$0x8190]  }
0x21a: {  	v30 =	vld [tilespmem:s17+$0x8210]  }
0x21b: {  	v31 =	vld [tilespmem:s17+$0x8290]  }
0x21c: {  	v32 =	vld [tilespmem:s17+$0x8310];
	v3 =	vadd.f32 v22, v3;
	v7 =	vadd.f32 v24, v23  }
0x21d: {  	v33 =	vld [tilespmem:s17+$0x8390];
	v6 =	vadd.f32 v27, v26;
	v5 =	vadd.f32 v29, v28  }
0x21e: {  	v34 =	vld [tilespmem:s17+$0x8410]  }
0x21f: {  	v35 =	vld [tilespmem:s17+$0x8490];
	v3 =	vadd.f32 v7, v3;
	v5 =	vadd.f32 v5, v6  }
0x220: {  	v36 =	vld [tilespmem:s17+$0x8510]  }
0x221: {  	v3 =	vadd.f32 v5, v3;
	_ =	sdelay $0x1  }
0x222: {  	[tilespmem:s18+$0x10] =	vst v3  }
0x223: {  	v4 =	vadd.f32 v30, v4;
	v37 =	vadd.f32 v32, v31;
	v3 =	vld [tilespmem:s16+$0x81A0]  }
0x224: {  	v8 =	vadd.f32 v34, v33;
	v6 =	vadd.f32 v36, v35;
	v38 =	vld [tilespmem:s16+$0x8220]  }
0x225: {  	v39 =	vld [tilespmem:s16+$0x82A0]  }
0x226: {  	v4 =	vadd.f32 v37, v4;
	v41 =	vadd.f32 v6, v8;
	v40 =	vld [tilespmem:s16+$0x8320]  }
0x227: {  	v42 =	vld [tilespmem:s16+$0x83A0]  }
0x228: {  	v4 =	vadd.f32 v41, v4;
	v43 =	vld [tilespmem:s16+$0x8420]  }
0x229: {  	v44 =	vld [tilespmem:s16+$0x84A0]  }
0x22a: {  	v45 =	vld [tilespmem:s16+$0x8520];
	[tilespmem:s19+$0x10] =	vst v4  }
0x22b: {  	v4 =	vld [tilespmem:s17+$0x81A0]  }
0x22c: {  	v46 =	vld [tilespmem:s17+$0x8220]  }
0x22d: {  	v47 =	vld [tilespmem:s17+$0x82A0]  }
0x22e: {  	v48 =	vld [tilespmem:s17+$0x8320];
	v3 =	vadd.f32 v38, v3;
	v7 =	vadd.f32 v40, v39  }
0x22f: {  	v49 =	vld [tilespmem:s17+$0x83A0];
	v6 =	vadd.f32 v43, v42;
	v5 =	vadd.f32 v45, v44  }
0x230: {  	v50 =	vld [tilespmem:s17+$0x8420]  }
0x231: {  	v51 =	vld [tilespmem:s17+$0x84A0];
	v3 =	vadd.f32 v7, v3;
	v5 =	vadd.f32 v5, v6  }
0x232: {  	v52 =	vld [tilespmem:s17+$0x8520]  }
0x233: {  	v3 =	vadd.f32 v5, v3;
	_ =	sdelay $0x1  }
0x234: {  	[tilespmem:s18+$0x20] =	vst v3  }
0x235: {  	v4 =	vadd.f32 v46, v4;
	v53 =	vadd.f32 v48, v47;
	v3 =	vld [tilespmem:s16+$0x81B0]  }
0x236: {  	v8 =	vadd.f32 v50, v49;
	v6 =	vadd.f32 v52, v51;
	v54 =	vld [tilespmem:s16+$0x8230]  }
0x237: {  	v55 =	vld [tilespmem:s16+$0x82B0]  }
0x238: {  	v4 =	vadd.f32 v53, v4;
	v57 =	vadd.f32 v6, v8;
	v56 =	vld [tilespmem:s16+$0x8330]  }
0x239: {  	v58 =	vld [tilespmem:s16+$0x83B0]  }
0x23a: {  	v4 =	vadd.f32 v57, v4;
	v59 =	vld [tilespmem:s16+$0x8430]  }
0x23b: {  	v60 =	vld [tilespmem:s16+$0x84B0]  }
0x23c: {  	v61 =	vld [tilespmem:s16+$0x8530];
	[tilespmem:s19+$0x20] =	vst v4  }
0x23d: {  	v4 =	vld [tilespmem:s17+$0x81B0]  }
0x23e: {  	v62 =	vld [tilespmem:s17+$0x8230]  }
0x23f: {  	v63 =	vld [tilespmem:s17+$0x82B0]  }
0x240: {  	v16 =	vld [tilespmem:s17+$0x8330];
	v3 =	vadd.f32 v54, v3;
	v7 =	vadd.f32 v56, v55  }
0x241: {  	v17 =	vld [tilespmem:s17+$0x83B0];
	v6 =	vadd.f32 v59, v58;
	v5 =	vadd.f32 v61, v60  }
0x242: {  	v18 =	vld [tilespmem:s17+$0x8430]  }
0x243: {  	v19 =	vld [tilespmem:s17+$0x84B0];
	v3 =	vadd.f32 v7, v3;
	v5 =	vadd.f32 v5, v6  }
0x244: {  	v20 =	vld [tilespmem:s17+$0x8530]  }
0x245: {  	v3 =	vadd.f32 v5, v3;
	_ =	sdelay $0x1  }
0x246: {  	[tilespmem:s18+$0x30] =	vst v3  }
0x247: {  	v4 =	vadd.f32 v62, v4;
	v21 =	vadd.f32 v16, v63;
	v3 =	vld [tilespmem:s16+$0x81C0]  }
0x248: {  	v8 =	vadd.f32 v18, v17;
	v6 =	vadd.f32 v20, v19;
	v22 =	vld [tilespmem:s16+$0x8240]  }
0x249: {  	v23 =	vld [tilespmem:s16+$0x82C0]  }
0x24a: {  	v4 =	vadd.f32 v21, v4;
	v25 =	vadd.f32 v6, v8;
	v24 =	vld [tilespmem:s16+$0x8340]  }
0x24b: {  	v26 =	vld [tilespmem:s16+$0x83C0]  }
0x24c: {  	v4 =	vadd.f32 v25, v4;
	v27 =	vld [tilespmem:s16+$0x8440]  }
0x24d: {  	v28 =	vld [tilespmem:s16+$0x84C0]  }
0x24e: {  	v29 =	vld [tilespmem:s16+$0x8540];
	[tilespmem:s19+$0x30] =	vst v4  }
0x24f: {  	v4 =	vld [tilespmem:s17+$0x81C0]  }
0x250: {  	v30 =	vld [tilespmem:s17+$0x8240]  }
0x251: {  	v31 =	vld [tilespmem:s17+$0x82C0]  }
0x252: {  	v32 =	vld [tilespmem:s17+$0x8340];
	v3 =	vadd.f32 v22, v3;
	v7 =	vadd.f32 v24, v23  }
0x253: {  	v33 =	vld [tilespmem:s17+$0x83C0];
	v6 =	vadd.f32 v27, v26;
	v5 =	vadd.f32 v29, v28  }
0x254: {  	v34 =	vld [tilespmem:s17+$0x8440]  }
0x255: {  	v35 =	vld [tilespmem:s17+$0x84C0];
	v3 =	vadd.f32 v7, v3;
	v5 =	vadd.f32 v5, v6  }
0x256: {  	v36 =	vld [tilespmem:s17+$0x8540]  }
0x257: {  	v3 =	vadd.f32 v5, v3;
	_ =	sdelay $0x1  }
0x258: {  	[tilespmem:s18+$0x40] =	vst v3  }
0x259: {  	v4 =	vadd.f32 v30, v4;
	v37 =	vadd.f32 v32, v31;
	v3 =	vld [tilespmem:s16+$0x81D0]  }
0x25a: {  	v8 =	vadd.f32 v34, v33;
	v6 =	vadd.f32 v36, v35;
	v38 =	vld [tilespmem:s16+$0x8250]  }
0x25b: {  	v39 =	vld [tilespmem:s16+$0x82D0]  }
0x25c: {  	v4 =	vadd.f32 v37, v4;
	v41 =	vadd.f32 v6, v8;
	v40 =	vld [tilespmem:s16+$0x8350]  }
0x25d: {  	v42 =	vld [tilespmem:s16+$0x83D0]  }
0x25e: {  	v4 =	vadd.f32 v41, v4;
	v43 =	vld [tilespmem:s16+$0x8450]  }
0x25f: {  	v44 =	vld [tilespmem:s16+$0x84D0]  }
0x260: {  	v45 =	vld [tilespmem:s16+$0x8550];
	[tilespmem:s19+$0x40] =	vst v4  }
0x261: {  	v4 =	vld [tilespmem:s17+$0x81D0]  }
0x262: {  	v46 =	vld [tilespmem:s17+$0x8250]  }
0x263: {  	v47 =	vld [tilespmem:s17+$0x82D0]  }
0x264: {  	v48 =	vld [tilespmem:s17+$0x8350];
	v3 =	vadd.f32 v38, v3;
	v7 =	vadd.f32 v40, v39  }
0x265: {  	v49 =	vld [tilespmem:s17+$0x83D0];
	v6 =	vadd.f32 v43, v42;
	v5 =	vadd.f32 v45, v44  }
0x266: {  	v50 =	vld [tilespmem:s17+$0x8450]  }
0x267: {  	v51 =	vld [tilespmem:s17+$0x84D0];
	v3 =	vadd.f32 v7, v3;
	v5 =	vadd.f32 v5, v6  }
0x268: {  	v52 =	vld [tilespmem:s17+$0x8550]  }
0x269: {  	v3 =	vadd.f32 v5, v3;
	_ =	sdelay $0x1  }
0x26a: {  	[tilespmem:s18+$0x50] =	vst v3  }
0x26b: {  	v4 =	vadd.f32 v46, v4;
	v53 =	vadd.f32 v48, v47;
	v3 =	vld [tilespmem:s16+$0x81E0]  }
0x26c: {  	v8 =	vadd.f32 v50, v49;
	v6 =	vadd.f32 v52, v51;
	v54 =	vld [tilespmem:s16+$0x8260]  }
0x26d: {  	v55 =	vld [tilespmem:s16+$0x82E0]  }
0x26e: {  	v4 =	vadd.f32 v53, v4;
	v57 =	vadd.f32 v6, v8;
	v56 =	vld [tilespmem:s16+$0x8360]  }
0x26f: {  	v58 =	vld [tilespmem:s16+$0x83E0]  }
0x270: {  	v4 =	vadd.f32 v57, v4;
	v59 =	vld [tilespmem:s16+$0x8460]  }
0x271: {  	v60 =	vld [tilespmem:s16+$0x84E0]  }
0x272: {  	v61 =	vld [tilespmem:s16+$0x8560];
	[tilespmem:s19+$0x50] =	vst v4  }
0x273: {  	v4 =	vld [tilespmem:s17+$0x81E0]  }
0x274: {  	v62 =	vld [tilespmem:s17+$0x8260]  }
0x275: {  	v63 =	vld [tilespmem:s17+$0x82E0]  }
0x276: {  	v16 =	vld [tilespmem:s17+$0x8360];
	v3 =	vadd.f32 v54, v3;
	v7 =	vadd.f32 v56, v55  }
0x277: {  	v17 =	vld [tilespmem:s17+$0x83E0];
	v6 =	vadd.f32 v59, v58;
	v5 =	vadd.f32 v61, v60  }
0x278: {  	v18 =	vld [tilespmem:s17+$0x8460]  }
0x279: {  	v19 =	vld [tilespmem:s17+$0x84E0];
	v3 =	vadd.f32 v7, v3;
	v5 =	vadd.f32 v5, v6  }
0x27a: {  	v20 =	vld [tilespmem:s17+$0x8560]  }
0x27b: {  	v3 =	vadd.f32 v5, v3;
	_ =	sdelay $0x1  }
0x27c: {  	[tilespmem:s18+$0x60] =	vst v3  }
0x27d: {  	v4 =	vadd.f32 v62, v4;
	v21 =	vadd.f32 v16, v63;
	v3 =	vld [tilespmem:s16+$0x81F0]  }
0x27e: {  	v8 =	vadd.f32 v18, v17;
	v6 =	vadd.f32 v20, v19;
	v22 =	vld [tilespmem:s16+$0x8270]  }
0x27f: {  	v23 =	vld [tilespmem:s16+$0x82F0]  }
0x280: {  	v4 =	vadd.f32 v21, v4;
	v25 =	vadd.f32 v6, v8;
	v24 =	vld [tilespmem:s16+$0x8370]  }
0x281: {  	v26 =	vld [tilespmem:s16+$0x83F0]  }
0x282: {  	v4 =	vadd.f32 v25, v4;
	v27 =	vld [tilespmem:s16+$0x8470]  }
0x283: {  	v28 =	vld [tilespmem:s16+$0x84F0]  }
0x284: {  	v29 =	vld [tilespmem:s16+$0x8570];
	[tilespmem:s19+$0x60] =	vst v4  }
0x285: {  	v4 =	vld [tilespmem:s17+$0x81F0]  }
0x286: {  	v30 =	vld [tilespmem:s17+$0x8270]  }
0x287: {  	v31 =	vld [tilespmem:s17+$0x82F0]  }
0x288: {  	v32 =	vld [tilespmem:s17+$0x8370];
	v3 =	vadd.f32 v22, v3;
	v7 =	vadd.f32 v24, v23  }
0x289: {  	v33 =	vld [tilespmem:s17+$0x83F0];
	v6 =	vadd.f32 v27, v26;
	v5 =	vadd.f32 v29, v28  }
0x28a: {  	v34 =	vld [tilespmem:s17+$0x8470]  }
0x28b: {  	v35 =	vld [tilespmem:s17+$0x84F0];
	v3 =	vadd.f32 v7, v3;
	v5 =	vadd.f32 v5, v6  }
0x28c: {  	v36 =	vld [tilespmem:s17+$0x8570]  }
0x28d: {  	v3 =	vadd.f32 v5, v3;
	_ =	sdelay $0x1  }
0x28e: {  	[tilespmem:s18+$0x70] =	vst v3  }
0x28f: {  	v4 =	vadd.f32 v30, v4;
	v37 =	vadd.f32 v32, v31;
	v3 =	vld [tilespmem:s16+$0x8580]  }
0x290: {  	v8 =	vadd.f32 v34, v33;
	v6 =	vadd.f32 v36, v35;
	v38 =	vld [tilespmem:s16+$0x8600]  }
0x291: {  	v39 =	vld [tilespmem:s16+$0x8680]  }
0x292: {  	v4 =	vadd.f32 v37, v4;
	v41 =	vadd.f32 v6, v8;
	v40 =	vld [tilespmem:s16+$0x8700]  }
0x293: {  	v42 =	vld [tilespmem:s16+$0x8780]  }
0x294: {  	v4 =	vadd.f32 v41, v4;
	v43 =	vld [tilespmem:s16+$0x8800]  }
0x295: {  	v44 =	vld [tilespmem:s16+$0x8880]  }
0x296: {  	v45 =	vld [tilespmem:s16+$0x8900];
	[tilespmem:s19+$0x70] =	vst v4  }
0x297: {  	v4 =	vld [tilespmem:s17+$0x8580]  }
0x298: {  	v46 =	vld [tilespmem:s17+$0x8600]  }
0x299: {  	v47 =	vld [tilespmem:s17+$0x8680]  }
0x29a: {  	v48 =	vld [tilespmem:s17+$0x8700];
	v3 =	vadd.f32 v38, v3;
	v7 =	vadd.f32 v40, v39  }
0x29b: {  	v49 =	vld [tilespmem:s17+$0x8780];
	v6 =	vadd.f32 v43, v42;
	v5 =	vadd.f32 v45, v44  }
0x29c: {  	v50 =	vld [tilespmem:s17+$0x8800]  }
0x29d: {  	v51 =	vld [tilespmem:s17+$0x8880];
	v3 =	vadd.f32 v7, v3;
	v5 =	vadd.f32 v5, v6  }
0x29e: {  	v52 =	vld [tilespmem:s17+$0x8900]  }
0x29f: {  	v3 =	vadd.f32 v5, v3;
	_ =	sdelay $0x1  }
0x2a0: {  	[tilespmem:s18+$0x400] =	vst v3  }
0x2a1: {  	v4 =	vadd.f32 v46, v4;
	v53 =	vadd.f32 v48, v47;
	v3 =	vld [tilespmem:s16+$0x8590]  }
0x2a2: {  	v8 =	vadd.f32 v50, v49;
	v6 =	vadd.f32 v52, v51;
	v54 =	vld [tilespmem:s16+$0x8610]  }
0x2a3: {  	v55 =	vld [tilespmem:s16+$0x8690]  }
0x2a4: {  	v4 =	vadd.f32 v53, v4;
	v57 =	vadd.f32 v6, v8;
	v56 =	vld [tilespmem:s16+$0x8710]  }
0x2a5: {  	v58 =	vld [tilespmem:s16+$0x8790]  }
0x2a6: {  	v4 =	vadd.f32 v57, v4;
	v59 =	vld [tilespmem:s16+$0x8810]  }
0x2a7: {  	v60 =	vld [tilespmem:s16+$0x8890]  }
0x2a8: {  	v61 =	vld [tilespmem:s16+$0x8910];
	[tilespmem:s19+$0x400] =	vst v4  }
0x2a9: {  	v4 =	vld [tilespmem:s17+$0x8590]  }
0x2aa: {  	v62 =	vld [tilespmem:s17+$0x8610]  }
0x2ab: {  	v63 =	vld [tilespmem:s17+$0x8690]  }
0x2ac: {  	v14 =	vld [tilespmem:s17+$0x8710];
	v3 =	vadd.f32 v54, v3;
	v7 =	vadd.f32 v56, v55  }
0x2ad: {  	v15 =	vld [tilespmem:s17+$0x8790];
	v6 =	vadd.f32 v59, v58;
	v5 =	vadd.f32 v61, v60  }
0x2ae: {  	v16 =	vld [tilespmem:s17+$0x8810]  }
0x2af: {  	v17 =	vld [tilespmem:s17+$0x8890];
	v3 =	vadd.f32 v7, v3;
	v5 =	vadd.f32 v5, v6  }
0x2b0: {  	v18 =	vld [tilespmem:s17+$0x8910]  }
0x2b1: {  	v3 =	vadd.f32 v5, v3;
	_ =	sdelay $0x1  }
0x2b2: {  	[tilespmem:s18+$0x410] =	vst v3  }
0x2b3: {  	v4 =	vadd.f32 v62, v4;
	v19 =	vadd.f32 v14, v63;
	v3 =	vld [tilespmem:s16+$0x85A0]  }
0x2b4: {  	v8 =	vadd.f32 v16, v15;
	v6 =	vadd.f32 v18, v17;
	v20 =	vld [tilespmem:s16+$0x8620]  }
0x2b5: {  	v21 =	vld [tilespmem:s16+$0x86A0]  }
0x2b6: {  	v4 =	vadd.f32 v19, v4;
	v23 =	vadd.f32 v6, v8;
	v22 =	vld [tilespmem:s16+$0x8720]  }
0x2b7: {  	v24 =	vld [tilespmem:s16+$0x87A0]  }
0x2b8: {  	v4 =	vadd.f32 v23, v4;
	v25 =	vld [tilespmem:s16+$0x8820]  }
0x2b9: {  	v26 =	vld [tilespmem:s16+$0x88A0]  }
0x2ba: {  	v27 =	vld [tilespmem:s16+$0x8920];
	[tilespmem:s19+$0x410] =	vst v4  }
0x2bb: {  	v4 =	vld [tilespmem:s17+$0x85A0]  }
0x2bc: {  	v28 =	vld [tilespmem:s17+$0x8620]  }
0x2bd: {  	v29 =	vld [tilespmem:s17+$0x86A0]  }
0x2be: {  	v30 =	vld [tilespmem:s17+$0x8720];
	v3 =	vadd.f32 v20, v3;
	v7 =	vadd.f32 v22, v21  }
0x2bf: {  	v31 =	vld [tilespmem:s17+$0x87A0];
	v6 =	vadd.f32 v25, v24;
	v5 =	vadd.f32 v27, v26  }
0x2c0: {  	v32 =	vld [tilespmem:s17+$0x8820]  }
0x2c1: {  	v33 =	vld [tilespmem:s17+$0x88A0];
	v3 =	vadd.f32 v7, v3;
	v5 =	vadd.f32 v5, v6  }
0x2c2: {  	v34 =	vld [tilespmem:s17+$0x8920]  }
0x2c3: {  	v3 =	vadd.f32 v5, v3;
	_ =	sdelay $0x1  }
0x2c4: {  	[tilespmem:s18+$0x420] =	vst v3  }
0x2c5: {  	v4 =	vadd.f32 v28, v4;
	v35 =	vadd.f32 v30, v29;
	v3 =	vld [tilespmem:s16+$0x85B0]  }
0x2c6: {  	v8 =	vadd.f32 v32, v31;
	v6 =	vadd.f32 v34, v33;
	v36 =	vld [tilespmem:s16+$0x8630]  }
0x2c7: {  	v37 =	vld [tilespmem:s16+$0x86B0]  }
0x2c8: {  	v4 =	vadd.f32 v35, v4;
	v39 =	vadd.f32 v6, v8;
	v38 =	vld [tilespmem:s16+$0x8730]  }
0x2c9: {  	v40 =	vld [tilespmem:s16+$0x87B0]  }
0x2ca: {  	v4 =	vadd.f32 v39, v4;
	v41 =	vld [tilespmem:s16+$0x8830]  }
0x2cb: {  	v42 =	vld [tilespmem:s16+$0x88B0]  }
0x2cc: {  	v43 =	vld [tilespmem:s16+$0x8930];
	[tilespmem:s19+$0x420] =	vst v4  }
0x2cd: {  	v4 =	vld [tilespmem:s17+$0x85B0]  }
0x2ce: {  	v44 =	vld [tilespmem:s17+$0x8630]  }
0x2cf: {  	v45 =	vld [tilespmem:s17+$0x86B0]  }
0x2d0: {  	v46 =	vld [tilespmem:s17+$0x8730];
	v3 =	vadd.f32 v36, v3;
	v7 =	vadd.f32 v38, v37  }
0x2d1: {  	v47 =	vld [tilespmem:s17+$0x87B0];
	v6 =	vadd.f32 v41, v40;
	v5 =	vadd.f32 v43, v42  }
0x2d2: {  	v48 =	vld [tilespmem:s17+$0x8830]  }
0x2d3: {  	v49 =	vld [tilespmem:s17+$0x88B0];
	v3 =	vadd.f32 v7, v3;
	v5 =	vadd.f32 v5, v6  }
0x2d4: {  	v50 =	vld [tilespmem:s17+$0x8930]  }
0x2d5: {  	v3 =	vadd.f32 v5, v3;
	_ =	sdelay $0x1  }
0x2d6: {  	[tilespmem:s18+$0x430] =	vst v3  }
0x2d7: {  	v4 =	vadd.f32 v44, v4;
	v51 =	vadd.f32 v46, v45;
	v3 =	vld [tilespmem:s16+$0x85C0]  }
0x2d8: {  	v8 =	vadd.f32 v48, v47;
	v6 =	vadd.f32 v50, v49;
	v52 =	vld [tilespmem:s16+$0x8640]  }
0x2d9: {  	v53 =	vld [tilespmem:s16+$0x86C0]  }
0x2da: {  	v4 =	vadd.f32 v51, v4;
	v55 =	vadd.f32 v6, v8;
	v54 =	vld [tilespmem:s16+$0x8740]  }
0x2db: {  	v56 =	vld [tilespmem:s16+$0x87C0]  }
0x2dc: {  	v4 =	vadd.f32 v55, v4;
	v57 =	vld [tilespmem:s16+$0x8840]  }
0x2dd: {  	v58 =	vld [tilespmem:s16+$0x88C0]  }
0x2de: {  	v59 =	vld [tilespmem:s16+$0x8940];
	[tilespmem:s19+$0x430] =	vst v4  }
0x2df: {  	v4 =	vld [tilespmem:s17+$0x85C0]  }
0x2e0: {  	v60 =	vld [tilespmem:s17+$0x8640]  }
0x2e1: {  	v61 =	vld [tilespmem:s17+$0x86C0]  }
0x2e2: {  	v62 =	vld [tilespmem:s17+$0x8740];
	v3 =	vadd.f32 v52, v3;
	v7 =	vadd.f32 v54, v53  }
0x2e3: {  	v63 =	vld [tilespmem:s17+$0x87C0];
	v6 =	vadd.f32 v57, v56;
	v5 =	vadd.f32 v59, v58  }
0x2e4: {  	v14 =	vld [tilespmem:s17+$0x8840]  }
0x2e5: {  	v15 =	vld [tilespmem:s17+$0x88C0];
	v3 =	vadd.f32 v7, v3;
	v5 =	vadd.f32 v5, v6  }
0x2e6: {  	v16 =	vld [tilespmem:s17+$0x8940]  }
0x2e7: {  	v3 =	vadd.f32 v5, v3;
	_ =	sdelay $0x1  }
0x2e8: {  	[tilespmem:s18+$0x440] =	vst v3  }
0x2e9: {  	v4 =	vadd.f32 v60, v4;
	v17 =	vadd.f32 v62, v61;
	v3 =	vld [tilespmem:s16+$0x85D0]  }
0x2ea: {  	v8 =	vadd.f32 v14, v63;
	v6 =	vadd.f32 v16, v15;
	v18 =	vld [tilespmem:s16+$0x8650]  }
0x2eb: {  	v19 =	vld [tilespmem:s16+$0x86D0]  }
0x2ec: {  	v4 =	vadd.f32 v17, v4;
	v21 =	vadd.f32 v6, v8;
	v20 =	vld [tilespmem:s16+$0x8750]  }
0x2ed: {  	v22 =	vld [tilespmem:s16+$0x87D0]  }
0x2ee: {  	v4 =	vadd.f32 v21, v4;
	v23 =	vld [tilespmem:s16+$0x8850]  }
0x2ef: {  	v24 =	vld [tilespmem:s16+$0x88D0]  }
0x2f0: {  	v25 =	vld [tilespmem:s16+$0x8950];
	[tilespmem:s19+$0x440] =	vst v4  }
0x2f1: {  	v4 =	vld [tilespmem:s17+$0x85D0]  }
0x2f2: {  	v26 =	vld [tilespmem:s17+$0x8650]  }
0x2f3: {  	v27 =	vld [tilespmem:s17+$0x86D0]  }
0x2f4: {  	v28 =	vld [tilespmem:s17+$0x8750];
	v3 =	vadd.f32 v18, v3;
	v7 =	vadd.f32 v20, v19  }
0x2f5: {  	v29 =	vld [tilespmem:s17+$0x87D0];
	v6 =	vadd.f32 v23, v22;
	v5 =	vadd.f32 v25, v24  }
0x2f6: {  	v30 =	vld [tilespmem:s17+$0x8850]  }
0x2f7: {  	v31 =	vld [tilespmem:s17+$0x88D0];
	v3 =	vadd.f32 v7, v3;
	v5 =	vadd.f32 v5, v6  }
0x2f8: {  	v32 =	vld [tilespmem:s17+$0x8950]  }
0x2f9: {  	v3 =	vadd.f32 v5, v3;
	_ =	sdelay $0x1  }
0x2fa: {  	[tilespmem:s18+$0x450] =	vst v3  }
0x2fb: {  	v4 =	vadd.f32 v26, v4;
	v33 =	vadd.f32 v28, v27;
	v3 =	vld [tilespmem:s16+$0x85E0]  }
0x2fc: {  	v8 =	vadd.f32 v30, v29;
	v6 =	vadd.f32 v32, v31;
	v34 =	vld [tilespmem:s16+$0x8660]  }
0x2fd: {  	v35 =	vld [tilespmem:s16+$0x86E0]  }
0x2fe: {  	v4 =	vadd.f32 v33, v4;
	v37 =	vadd.f32 v6, v8;
	v36 =	vld [tilespmem:s16+$0x8760]  }
0x2ff: {  	v38 =	vld [tilespmem:s16+$0x87E0]  }
0x300: {  	v4 =	vadd.f32 v37, v4;
	v39 =	vld [tilespmem:s16+$0x8860]  }
0x301: {  	v40 =	vld [tilespmem:s16+$0x88E0]  }
0x302: {  	v41 =	vld [tilespmem:s16+$0x8960];
	[tilespmem:s19+$0x450] =	vst v4  }
0x303: {  	v4 =	vld [tilespmem:s17+$0x85E0]  }
0x304: {  	v42 =	vld [tilespmem:s17+$0x8660]  }
0x305: {  	v43 =	vld [tilespmem:s17+$0x86E0]  }
0x306: {  	v44 =	vld [tilespmem:s17+$0x8760];
	v3 =	vadd.f32 v34, v3;
	v7 =	vadd.f32 v36, v35  }
0x307: {  	v45 =	vld [tilespmem:s17+$0x87E0];
	v6 =	vadd.f32 v39, v38;
	v5 =	vadd.f32 v41, v40  }
0x308: {  	v46 =	vld [tilespmem:s17+$0x8860]  }
0x309: {  	v47 =	vld [tilespmem:s17+$0x88E0];
	v3 =	vadd.f32 v7, v3;
	v5 =	vadd.f32 v5, v6  }
0x30a: {  	v48 =	vld [tilespmem:s17+$0x8960]  }
0x30b: {  	v3 =	vadd.f32 v5, v3;
	_ =	sdelay $0x1  }
0x30c: {  	[tilespmem:s18+$0x460] =	vst v3  }
0x30d: {  	v4 =	vadd.f32 v42, v4;
	v49 =	vadd.f32 v44, v43;
	v3 =	vld [tilespmem:s16+$0x85F0]  }
0x30e: {  	v8 =	vadd.f32 v46, v45;
	v6 =	vadd.f32 v48, v47;
	v50 =	vld [tilespmem:s16+$0x8670]  }
0x30f: {  	v51 =	vld [tilespmem:s16+$0x86F0]  }
0x310: {  	v4 =	vadd.f32 v49, v4;
	v53 =	vadd.f32 v6, v8;
	v52 =	vld [tilespmem:s16+$0x8770]  }
0x311: {  	v54 =	vld [tilespmem:s16+$0x87F0]  }
0x312: {  	v4 =	vadd.f32 v53, v4;
	v55 =	vld [tilespmem:s16+$0x8870]  }
0x313: {  	v56 =	vld [tilespmem:s16+$0x88F0]  }
0x314: {  	v57 =	vld [tilespmem:s16+$0x8970];
	[tilespmem:s19+$0x460] =	vst v4  }
0x315: {  	v4 =	vld [tilespmem:s17+$0x85F0]  }
0x316: {  	v58 =	vld [tilespmem:s17+$0x8670]  }
0x317: {  	v59 =	vld [tilespmem:s17+$0x86F0]  }
0x318: {  	v14 =	vld [tilespmem:s17+$0x8770]  }
0x319: {  	v15 =	vld [tilespmem:s17+$0x87F0]  }
0x31a: {  	v16 =	vld [tilespmem:s17+$0x8870]  }
0x31b: {  	v17 =	vld [tilespmem:s17+$0x88F0]  }
0x31c: {  	v18 =	vld [tilespmem:s17+$0x8970];
	_ =	sdelay $0x1  }
0x31d: {  	v3 =	vadd.f32 v50, v3;
	v7 =	vadd.f32 v52, v51  }
0x31e: {  	v6 =	vadd.f32 v55, v54;
	v5 =	vadd.f32 v57, v56  }
0x31f: {  	v4 =	vadd.f32 v58, v4;
	v60 =	vadd.f32 v14, v59  }
0x320: {  	v61 =	vadd.f32 v16, v15;
	v62 =	vadd.f32 v18, v17  }
0x321: {  	p0 =	slt.u32 s15, $0xE;
	v3 =	vadd.f32 v7, v3;
	v5 =	vadd.f32 v5, v6  }
.Ltmp1:
0x322: {  	v4 =	vadd.f32 v60, v4;
	v63 =	vadd.f32 v62, v61;
	(pc) =	sbr.rel @p0 .LBB2_4-.Ltmp1, $4  }
0x323: {  	v3 =	vadd.f32 v5, v3  }
0x324: {  	v4 =	vadd.f32 v63, v4  }
0x325: {  	s21 =	sadd.s32 $0x2, s15;
	[tilespmem:s18+$0x470] =	vst v3  }
0x326: {  	s15 =	smov.u32 s21;
	[tilespmem:s19+$0x470] =	vst v4  }
0x327: {  	[hbm4b:s8+s3] =	stream.linear.scatter [tilespmem:s31], [sflag:$0x4], $0x1000, $0x38;
	[tilespmem:$0x13180] =	vst v63  }
0x328: {  	_ =	swait.ge [sflag:s0], $0x1000  }
0x329: {  	[sflag:s0] =	ssyncset.done $0x0  }
0x32a: {  	[sflag:s0] =	ssyncadd.s32 $0xFFFFF000  }
0x32b: {  	[hbm4b:s9+s3] =	stream.linear.scatter [tilespmem:s14], [sflag:$0x6], $0x1000, $0x38;
	[tilespmem:$0x13180] =	vst v63  }
0x32c: {  	_ =	swait.ge [sflag:s11], $0x1000  }
0x32d: {  	[sflag:s11] =	ssyncset.done $0x0  }
0x32e: {  	s13 =	sadd.s32 $0x1, s13;
	[sflag:s11] =	ssyncadd.s32 $0xFFFFF000  }
0x32f: {  	p0 =	sne.s32 s13, s10;
	_ =	swait.ge [sflag:s2], $0x1000  }
.Ltmp2:
0x330: {  	[sflag:s2] =	ssyncset.done $0x0;
	(pc) =	sbr.rel @p0 .LBB2_1-.Ltmp2, $4  }
0x331: {  	[sflag:s2] =	ssyncadd.s32 $0xFFFFF000  }
0x332: {  	_ =	swait.ge [sflag:s1], $0x1000  }
0x333: {  	[sflag:s1] =	ssyncset.done $0x0  }
0x334: {  	[sflag:s1] =	ssyncadd.s32 $0xFFFFF000  }
0x335: {  	_ =	sfence.sel $0x180000  }
0x336: {  	[bflag:$0x0] =	sbarrier.arrive $0xFFFF  }
0x337: {  	_ =	strace $0x9000004A  }
0x338: {  	s0 =	stileid.u32;
	[bflag:$0x2] =	sbarrier.arrive $0xFFFF  }
0x339: {  	p0 =	sne.s32 s0, $0x0;
	s0 =	rddreg [dreg:$0x4]  }
0x33a: {  	s0 =	sadd.s32 @!p0 $0x100000, s0  }
0x33b: {  	[sflag:s0] =	ssyncadd.tile.s32 @!p0 $0x1;
	_ =	shalt  }
.Lfunc_end2:
_tile_overlayer_lowered:
.L_overlay_start_2:
0x33c: {  	(tag) =	ssettag $0x2  }
0x33d: {  	s0 =	rddreg [dreg:$0x0];
	s2 =	stileid.u32  }
0x33e: {  	s1 =	rddreg [dreg:$0x1];
	p0 =	sne.s32 s2, $0x0  }
0x33f: {  	s3 =	rddreg [dreg:$0x2];
	[bflag:$0x3] =	sbarrier.arrive $0xFFFF;
	s2 =	simm.s32 @!p0 $0x1C06  }
0x340: {  	[timem:s3], [sflag:s2] =	dma.local @!p0 [hbm:s0], s1  }
0x341: {  	s0 =	simm.s32 @!p0 $0x6  }
0x342: {  	_ =	swait.ge @!p0 [sflag:s0], s1  }
0x343: {  	s1 =	ssub.s32 @!p0 $0x0, s1;
	[sflag:s0] =	ssyncset.done @!p0 $0x0  }
0x344: {  	[sflag:s0] =	ssyncadd.s32 @!p0 s1  }
0x345: {  	[bflag:$0x3] =	sbarrier.arrive $0xFFFF  }
0x346: {  	_ =	shalt  }

</sc_bundles>
